<compile_context>
chip_gen: v7x
topology: tpu7x:2x2x1
jax: 0.10.2.dev20260603
libtpu: 0.0.44.dev20260713+nightly
codegen_flags: <defaults>
</compile_context>

<pallas_src>
import functools

import jax
import jax.numpy as jnp
from jax import lax
from jax.experimental import pallas as pl
from jax.experimental.pallas import tpu as pltpu
from jax.experimental.pallas import tpu_sc as plsc

H, W, C = 720, 1280, 512
NV = 2562
HW = H * W
KCH = 3
NW = 32
PPT = HW // NW
TBL = 4096
VPW = TBL // NW
UNROLL = 8
FULL_TILES = NV // VPW
REM = NV - FULL_TILES * VPW

_MESH = plsc.VectorSubcoreMesh(core_axis_name="c", subcore_axis_name="s")
_PARAMS_B = pltpu.CompilerParams(needs_layout_passes=False,
                                 use_tc_tiling_on_sc=True)


SLAB = 32
ROWS = 24


@functools.partial(
    pl.kernel,
    mesh=_MESH,
    compiler_params=_PARAMS_B,
    out_type=jax.ShapeDtypeStruct((NW * TBL,), jnp.int32),
    scratch_types=[
        pltpu.VMEM((2, SLAB, W), jnp.int32),
        pltpu.VMEM((TBL,), jnp.int32),
        pltpu.SemaphoreType.DMA,
    ],
)
def _winner_keys(ids_hbm, tbl_hbm, slabs, tbl, sem):
    w = lax.axis_index("s") * 2 + lax.axis_index("c")

    lane = lax.iota(jnp.int32, 16)

    def init(i, carry):
        tbl[pl.ds(i * 16, 16)] = jnp.full((16,), -1, jnp.int32)
        return carry

    lax.fori_loop(0, TBL // 16, init, 0)

    h0 = (w * PPT) // W
    rs = jnp.minimum((h0 // 8) * 8, H - SLAB)
    n_rows = jnp.minimum(ROWS, H - h0)
    pending = pltpu.async_copy(ids_hbm.at[pl.ds(rs, SLAB), :], slabs.at[0], sem)
    for k in range(KCH):
        pending.wait()
        if k + 1 < KCH:
            pending = pltpu.async_copy(
                ids_hbm.at[pl.ds((k + 1) * H + rs, SLAB), :],
                slabs.at[(k + 1) % 2], sem)
        slab = slabs.at[k % 2]

        def row_body(r, carry, k=k, slab=slab):
            h = h0 + r
            local = h - rs
            key0 = (k * HW + h * W) + lane

            def col_body(c0, carry2):
                cols = [c0 * 16 * UNROLL + u * 16 for u in range(UNROLL)]
                ids = [slab[local, pl.ds(col, 16)] for col in cols]
                for u, col in enumerate(cols):
                    plsc.store_scatter(tbl, [ids[u]], key0 + col)
                return carry2

            lax.fori_loop(0, (W // 16) // UNROLL, col_body, 0)
            return carry

        lax.fori_loop(0, n_rows, row_body, 0)

    pltpu.sync_copy(tbl, tbl_hbm.at[pl.ds(w * TBL, TBL)])


@functools.partial(
    pl.kernel,
    mesh=_MESH,
    compiler_params=_PARAMS_B,
    out_type=jax.ShapeDtypeStruct((1, NV, C), jnp.float32),
    scratch_types=[
        pltpu.VMEM((NW, VPW), jnp.int32),
        pltpu.VMEM((VPW,), jnp.int32),
        pltpu.VMEM((VPW,), jnp.int32),
        pltpu.VMEM((VPW, C), jnp.float32),
        pltpu.SemaphoreType.DMA,
    ],
)
def _gather_rows(tbl_hbm, img_hbm, out_hbm, tb, win, idxv, rows, sem):
    w = lax.axis_index("s") * 2 + lax.axis_index("c")
    vbase = w * VPW

    @pl.when(w <= FULL_TILES)
    def _tile_work():
        _gather_tile(tbl_hbm, img_hbm, out_hbm, tb, win, idxv, rows, sem,
                     w, vbase)


def _gather_tile(tbl_hbm, img_hbm, out_hbm, tb, win, idxv, rows, sem,
                 w, vbase):
    copies = [
        pltpu.async_copy(tbl_hbm.at[pl.ds(t * TBL + vbase, VPW)], tb.at[t], sem)
        for t in range(NW)
    ]
    for cp in copies:
        cp.wait()

    lane = lax.iota(jnp.int32, 16)
    miss_lanes = jnp.zeros((16,), jnp.int32)
    for v in range(VPW // 16):
        m = tb[0, pl.ds(v * 16, 16)]
        for t in range(1, NW):
            m = jnp.maximum(m, tb[t, pl.ds(v * 16, 16)])
        win[pl.ds(v * 16, 16)] = m
        hit = m >= 0
        vid = vbase + v * 16 + lane
        idxv[pl.ds(v * 16, 16)] = jnp.where(hit, lax.rem(m, HW), vid)
        real_miss = jnp.logical_and(jnp.logical_not(hit), vid < NV)
        miss_lanes = miss_lanes + jnp.where(real_miss, 1, 0)

    pltpu.async_copy(img_hbm.at[idxv], rows, sem).wait()

    n_miss = jnp.max(miss_lanes)

    @pl.when(n_miss > 0)
    def _patch_misses():
        def fix(r, carry):
            rs = jnp.full((16,), 0, jnp.int32) + r
            wk = plsc.load_gather(win, [rs])
            is_miss = wk < 0
            for cb in range(C // 16):
                ci = lane + cb * 16
                seg = plsc.load_gather(rows, [rs, ci])
                plsc.store_scatter(rows, [rs, ci],
                                   jnp.where(is_miss, 0.5, seg))
            return carry

        lax.fori_loop(0, VPW, fix, 0)

    @pl.when(w < FULL_TILES)
    def _store_full():
        pltpu.sync_copy(rows, out_hbm.at[0, pl.ds(vbase, VPW)])

    if REM:
        @pl.when(w == FULL_TILES)
        def _store_rem():
            pltpu.sync_copy(rows.at[pl.ds(0, REM)],
                            out_hbm.at[0, pl.ds(FULL_TILES * VPW, REM)])


def kernel(vert_ids, image_array):
    ids2d = jnp.transpose(vert_ids, (2, 0, 1)).reshape(KCH * H, W)
    img = image_array.reshape(HW, C)
    tbls = _winner_keys(ids2d)
    return _gather_rows(tbls, img)

# --- scband reference (transcript-rebuilt; emitter-appended) ---
"""Pipeline reference for scband-rgbfeatureprojection-38010460570253 (READ-ONLY COPY).

The authoritative reference and input builder live on the scoring server;
editing this copy changes nothing except your own understanding.
"""

import jax, jax.numpy as jnp
import numpy as np

H, W, C = 720, 1280, 512
N_VERTS = 2562

def setup_inputs(seed: int = 0) -> dict:
    key = jax.random.key(seed)
    k1, k2 = jax.random.split(key)
    vert_ids = jax.random.randint(k1, (H, W, 3), 0, N_VERTS, dtype=jnp.int32)
    image_array = jax.random.normal(k2, (H, W, C), dtype=jnp.float32)
    return {"vert_ids": vert_ids, "image_array": image_array}

def reference(vert_ids, image_array):
    # vertex_features initialized to constant 0.5 (original used 0.5 * ones)
    vertex_features = 0.5 * jnp.ones((N_VERTS, C), dtype=jnp.float32)
    # Three sequential scatter-overwrites: per-pixel triangle's three vertex ids
    # each receive that pixel's 512-d feature vector (last write wins on duplicates,
    # matching torch advanced-indexing assignment semantics up to write order).
    vertex_features = vertex_features.at[vert_ids[:, :, 0]].set(image_array)
    vertex_features = vertex_features.at[vert_ids[:, :, 1]].set(image_array)
    vertex_features = vertex_features.at[vert_ids[:, :, 2]].set(image_array)
    return vertex_features[None, :, :]

if __name__ == "__main__":
    import jax
    _d = setup_inputs()
    print(jax.jit(kernel)(*tuple(_d.values())))

</pallas_src>

<mosaic_0001>
#map = affine_map<(d0, d1) -> (0, 0)>
#map1 = affine_map<(d0, d1) -> (0)>
module attributes {stable_mosaic.version = 14 : i64} {
  func.func @_winner_keys(%arg0: i32, %arg1: i32, %arg2: memref<2160x1280xi32, #tpu.memory_space<hbm>>, %arg3: memref<131072xi32, #tpu.memory_space<hbm>>, %arg4: memref<2x32x1280xi32, #tpu.memory_space<vmem>>, %arg5: memref<4096xi32, #tpu.memory_space<vmem>>, %arg6: memref<!tpu.dma_semaphore, #tpu.memory_space<semaphore_mem>>) attributes {dimension_semantics = [#tpu.dimension_semantics<core_parallel>, #tpu.dimension_semantics<subcore_parallel>], iteration_bounds = array<i64: 2, 16>, scalar_prefetch = 0 : i64, scratch_operands = 3 : i64, tpu.core_type = #tpu.core_type<sc_vector_subcore>, window_params = [{transform_indices = #map}, {transform_indices = #map1}]} {
    %mul3A = arith.constant 2 : i32
    %mul3A_0 = arith.muli %arg1, %mul3A : i32
    %add3A = arith.addi %mul3A_0, %arg0 : i32
    %iota3A = tpu.iota {dimensions = array<i32: 0>} : vector<16xi32>
    %scan3A = arith.constant 0 : i32
    %scan3A_1 = arith.constant 0 : i32
    %scan3A_2 = arith.constant 256 : i32
    %scan3A_3 = arith.addi %scan3A_1, %scan3A_2 : i32
    %scan3A_4 = arith.constant 1 : i32
    scf.for %scan3A_169 = %scan3A_1 to %scan3A_3 step %scan3A_4  : i32 {
      %broadcast_in_dim3A = arith.constant -1 : i32
      %broadcast_in_dim3A_170 = vector.broadcast %broadcast_in_dim3A : i32 to vector<16xi32>
      %mul3A_171 = arith.constant 16 : i32
      %mul3A_172 = arith.muli %scan3A_169, %mul3A_171 : i32
      %swap3A = arith.index_cast %mul3A_172 : i32 to index
      %swap3A_173 = tpu.vector_load %arg5[%swap3A] {strides = array<i32>} : memref<4096xi32, #tpu.memory_space<vmem>>, vector<16xi32>,
      tpu.vector_store %arg5[%swap3A], %broadcast_in_dim3A_170 {strides = array<i32>} : memref<4096xi32, #tpu.memory_space<vmem>>, vector<16xi32>,
    }
    %scan3A_5 = arith.constant 256 : i32
    %mul3A_6 = arith.constant 28800 : i32
    %mul3A_7 = arith.muli %add3A, %mul3A_6 : i32
    %jit3A = arith.constant 1280 : i32
    %div3A = arith.divsi %mul3A_7, %jit3A : i32
    %sign3A = arith.constant 0 : i32
    %sign3A_8 = arith.cmpi sgt, %mul3A_7, %sign3A : i32
    %sign3A_9 = arith.extui %sign3A_8 : i1 to i32
    %sign3A_10 = arith.constant 0 : i32
    %sign3A_11 = arith.cmpi slt, %mul3A_7, %sign3A_10 : i32
    %sign3A_12 = arith.extui %sign3A_11 : i1 to i32
    %sign3A_13 = arith.subi %sign3A_9, %sign3A_12 : i32
    %sign3A_14 = arith.constant 0 : i32
    %sign3A_15 = arith.cmpi sgt, %jit3A, %sign3A_14 : i32
    %sign3A_16 = arith.extui %sign3A_15 : i1 to i32
    %sign3A_17 = arith.constant 0 : i32
    %sign3A_18 = arith.cmpi slt, %jit3A, %sign3A_17 : i32
    %sign3A_19 = arith.extui %sign3A_18 : i1 to i32
    %sign3A_20 = arith.subi %sign3A_16, %sign3A_19 : i32
    %ne3A = arith.cmpi ne, %sign3A_13, %sign3A_20 : i32
    %rem3A = arith.remsi %mul3A_7, %jit3A : i32
    %ne3A_21 = arith.constant 0 : i32
    %ne3A_22 = arith.cmpi ne, %rem3A, %ne3A_21 : i32
    %and3A = arith.andi %ne3A, %ne3A_22 : i1
    %sub3A = arith.constant 1 : i32
    %sub3A_23 = arith.subi %div3A, %sub3A : i32
    %select_n3A = arith.select %and3A, %sub3A_23, %div3A : i32
    %jit3A_24 = arith.constant 8 : i32
    %div3A_25 = arith.divsi %select_n3A, %jit3A_24 : i32
    %sign3A_26 = arith.constant 0 : i32
    %sign3A_27 = arith.cmpi sgt, %select_n3A, %sign3A_26 : i32
    %sign3A_28 = arith.extui %sign3A_27 : i1 to i32
    %sign3A_29 = arith.constant 0 : i32
    %sign3A_30 = arith.cmpi slt, %select_n3A, %sign3A_29 : i32
    %sign3A_31 = arith.extui %sign3A_30 : i1 to i32
    %sign3A_32 = arith.subi %sign3A_28, %sign3A_31 : i32
    %sign3A_33 = arith.constant 0 : i32
    %sign3A_34 = arith.cmpi sgt, %jit3A_24, %sign3A_33 : i32
    %sign3A_35 = arith.extui %sign3A_34 : i1 to i32
    %sign3A_36 = arith.constant 0 : i32
    %sign3A_37 = arith.cmpi slt, %jit3A_24, %sign3A_36 : i32
    %sign3A_38 = arith.extui %sign3A_37 : i1 to i32
    %sign3A_39 = arith.subi %sign3A_35, %sign3A_38 : i32
    %ne3A_40 = arith.cmpi ne, %sign3A_32, %sign3A_39 : i32
    %rem3A_41 = arith.remsi %select_n3A, %jit3A_24 : i32
    %ne3A_42 = arith.constant 0 : i32
    %ne3A_43 = arith.cmpi ne, %rem3A_41, %ne3A_42 : i32
    %and3A_44 = arith.andi %ne3A_40, %ne3A_43 : i1
    %sub3A_45 = arith.constant 1 : i32
    %sub3A_46 = arith.subi %div3A_25, %sub3A_45 : i32
    %select_n3A_47 = arith.select %and3A_44, %sub3A_46, %div3A_25 : i32
    %mul3A_48 = arith.constant 8 : i32
    %mul3A_49 = arith.muli %select_n3A_47, %mul3A_48 : i32
    %min3A = arith.constant 688 : i32
    %min3A_50 = arith.minsi %mul3A_49, %min3A : i32
    %sub3A_51 = arith.constant 720 : i32
    %sub3A_52 = arith.subi %sub3A_51, %select_n3A : i32
    %min3A_53 = arith.constant 24 : i32
    %min3A_54 = arith.minsi %min3A_53, %sub3A_52 : i32
    %dma_start3A = arith.constant 0 : i32
    %dma_start3A_55 = arith.constant 0 : i32
    %dma_start3A_56 = arith.constant 0 : i32
    %dma_start3A_57 = tpu.memref_slice %arg4[%dma_start3A, %dma_start3A_55, %dma_start3A_56] : memref<2x32x1280xi32, #tpu.memory_space<vmem>> -> memref<1x32x1280xi32, #tpu.memory_space<vmem>>
    %dma_start3A_58 = tpu.memref_squeeze %dma_start3A_57 : memref<1x32x1280xi32, #tpu.memory_space<vmem>> -> memref<32x1280xi32, #tpu.memory_space<vmem>>
    %dma_start3A_59 = arith.constant 0 : i32
    %dma_start3A_60 = tpu.memref_slice %arg2[%min3A_50, %dma_start3A_59] : memref<2160x1280xi32, #tpu.memory_space<hbm>> -> memref<32x1280xi32, #tpu.memory_space<hbm>>
    %dma_start3A_61 = arith.constant 0 : i32
    %dma_start3A_62 = arith.constant 0 : i32
    %dma_start3A_63 = tpu.memref_slice %arg4[%dma_start3A, %dma_start3A_61, %dma_start3A_62] : memref<2x32x1280xi32, #tpu.memory_space<vmem>> -> memref<1x32x1280xi32, #tpu.memory_space<vmem>>
    %dma_start3A_64 = tpu.memref_squeeze %dma_start3A_63 : memref<1x32x1280xi32, #tpu.memory_space<vmem>> -> memref<32x1280xi32, #tpu.memory_space<vmem>>
    %dma_start3A_65 = arith.constant 0 : i32
    %dma_start3A_66 = tpu.memref_slice %arg2[%min3A_50, %dma_start3A_65] : memref<2160x1280xi32, #tpu.memory_space<hbm>> -> memref<32x1280xi32, #tpu.memory_space<hbm>>
    tpu.enqueue_dma source(%dma_start3A_66 : memref<32x1280xi32, #tpu.memory_space<hbm>>) target(%dma_start3A_64 : memref<32x1280xi32, #tpu.memory_space<vmem>>) target_semaphore(%arg6 : memref<!tpu.dma_semaphore, #tpu.memory_space<semaphore_mem>>)
    %dma_wait3A = arith.constant 0 : i32
    %dma_wait3A_67 = arith.constant 0 : i32
    %dma_wait3A_68 = arith.constant 0 : i32
    %dma_wait3A_69 = tpu.memref_slice %arg4[%dma_wait3A, %dma_wait3A_67, %dma_wait3A_68] : memref<2x32x1280xi32, #tpu.memory_space<vmem>> -> memref<1x32x1280xi32, #tpu.memory_space<vmem>>
    %dma_wait3A_70 = tpu.memref_squeeze %dma_wait3A_69 : memref<1x32x1280xi32, #tpu.memory_space<vmem>> -> memref<32x1280xi32, #tpu.memory_space<vmem>>
    %dma_wait3A_71 = arith.constant 0 : i32
    %dma_wait3A_72 = tpu.memref_slice %arg2[%min3A_50, %dma_wait3A_71] : memref<2160x1280xi32, #tpu.memory_space<hbm>> -> memref<32x1280xi32, #tpu.memory_space<hbm>>
    %dma_wait3A_73 = arith.constant 0 : i32
    %dma_wait3A_74 = arith.constant 0 : i32
    %dma_wait3A_75 = tpu.memref_slice %arg4[%dma_wait3A, %dma_wait3A_73, %dma_wait3A_74] : memref<2x32x1280xi32, #tpu.memory_space<vmem>> -> memref<1x32x1280xi32, #tpu.memory_space<vmem>>
    %dma_wait3A_76 = tpu.memref_squeeze %dma_wait3A_75 : memref<1x32x1280xi32, #tpu.memory_space<vmem>> -> memref<32x1280xi32, #tpu.memory_space<vmem>>
    %dma_wait3A_77 = arith.constant 0 : i32
    %dma_wait3A_78 = tpu.memref_slice %arg2[%min3A_50, %dma_wait3A_77] : memref<2160x1280xi32, #tpu.memory_space<hbm>> -> memref<32x1280xi32, #tpu.memory_space<hbm>>
    tpu.wait_dma2 semaphore(%arg6 : memref<!tpu.dma_semaphore, #tpu.memory_space<semaphore_mem>>) src(%dma_wait3A_78 : memref<32x1280xi32, #tpu.memory_space<hbm>>) dst(%dma_wait3A_76 : memref<32x1280xi32, #tpu.memory_space<vmem>>)
    %add3A_79 = arith.constant 720 : i32
    %add3A_80 = arith.addi %add3A_79, %min3A_50 : i32
    %dma_start3A_81 = arith.constant 1 : i32
    %dma_start3A_82 = arith.constant 0 : i32
    %dma_start3A_83 = arith.constant 0 : i32
    %dma_start3A_84 = tpu.memref_slice %arg4[%dma_start3A_81, %dma_start3A_82, %dma_start3A_83] : memref<2x32x1280xi32, #tpu.memory_space<vmem>> -> memref<1x32x1280xi32, #tpu.memory_space<vmem>>
    %dma_start3A_85 = tpu.memref_squeeze %dma_start3A_84 : memref<1x32x1280xi32, #tpu.memory_space<vmem>> -> memref<32x1280xi32, #tpu.memory_space<vmem>>
    %dma_start3A_86 = arith.constant 0 : i32
    %dma_start3A_87 = tpu.memref_slice %arg2[%add3A_80, %dma_start3A_86] : memref<2160x1280xi32, #tpu.memory_space<hbm>> -> memref<32x1280xi32, #tpu.memory_space<hbm>>
    %dma_start3A_88 = arith.constant 0 : i32
    %dma_start3A_89 = arith.constant 0 : i32
    %dma_start3A_90 = tpu.memref_slice %arg4[%dma_start3A_81, %dma_start3A_88, %dma_start3A_89] : memref<2x32x1280xi32, #tpu.memory_space<vmem>> -> memref<1x32x1280xi32, #tpu.memory_space<vmem>>
    %dma_start3A_91 = tpu.memref_squeeze %dma_start3A_90 : memref<1x32x1280xi32, #tpu.memory_space<vmem>> -> memref<32x1280xi32, #tpu.memory_space<vmem>>
    %dma_start3A_92 = arith.constant 0 : i32
    %dma_start3A_93 = tpu.memref_slice %arg2[%add3A_80, %dma_start3A_92] : memref<2160x1280xi32, #tpu.memory_space<hbm>> -> memref<32x1280xi32, #tpu.memory_space<hbm>>
    tpu.enqueue_dma source(%dma_start3A_93 : memref<32x1280xi32, #tpu.memory_space<hbm>>) target(%dma_start3A_91 : memref<32x1280xi32, #tpu.memory_space<vmem>>) target_semaphore(%arg6 : memref<!tpu.dma_semaphore, #tpu.memory_space<semaphore_mem>>)
    %while3A = arith.constant 0 : i32
    %while3A_94 = arith.constant 0 : i32
    %while3A_95 = arith.constant 0 : i32
    %while3A_96 = arith.subi %min3A_54, %while3A_95 : i32
    %while3A_97 = arith.addi %while3A_95, %while3A_96 : i32
    %while3A_98 = arith.constant 1 : i32
    %while3A_99 = arith.divsi %while3A_96, %while3A_98 : i32
    %while3A_100 = arith.muli %while3A_99, %while3A_98 : i32
    %while3A_101 = arith.addi %while3A_95, %while3A_100 : i32
    %while3A_102 = arith.constant 1 : i32
    scf.for %while3A_169 = %while3A_95 to %while3A_101 step %while3A_102  : i32 {
      %add3A_170 = arith.addi %select_n3A, %while3A_169 : i32
      %sub3A_171 = arith.subi %add3A_170, %min3A_50 : i32
      %mul3A_172 = arith.constant 1280 : i32
      %mul3A_173 = arith.muli %add3A_170, %mul3A_172 : i32
      %add3A_174 = arith.constant 0 : i32
      %add3A_175 = arith.addi %add3A_174, %mul3A_173 : i32
      %add3A_176 = vector.broadcast %add3A_175 : i32 to vector<16xi32>
      %add3A_177 = arith.addi %add3A_176, %iota3A : vector<16xi32>
      %scan3A_178 = arith.constant 0 : i32
      %scan3A_179 = arith.constant 0 : i32
      %scan3A_180 = arith.constant 10 : i32
      %scan3A_181 = arith.addi %scan3A_179, %scan3A_180 : i32
      %scan3A_182 = arith.constant 1 : i32
      scf.for %scan3A_184 = %scan3A_179 to %scan3A_181 step %scan3A_182  : i32 {
        %mul3A_185 = arith.constant 16 : i32
        %mul3A_186 = arith.muli %scan3A_184, %mul3A_185 : i32
        %mul3A_187 = arith.constant 8 : i32
        %mul3A_188 = arith.muli %mul3A_186, %mul3A_187 : i32
        %add3A_189 = arith.constant 0 : i32
        %add3A_190 = arith.addi %mul3A_188, %add3A_189 : i32
        %mul3A_191 = arith.constant 16 : i32
        %mul3A_192 = arith.muli %scan3A_184, %mul3A_191 : i32
        %mul3A_193 = arith.constant 8 : i32
        %mul3A_194 = arith.muli %mul3A_192, %mul3A_193 : i32
        %add3A_195 = arith.constant 16 : i32
        %add3A_196 = arith.addi %mul3A_194, %add3A_195 : i32
        %mul3A_197 = arith.constant 16 : i32
        %mul3A_198 = arith.muli %scan3A_184, %mul3A_197 : i32
        %mul3A_199 = arith.constant 8 : i32
        %mul3A_200 = arith.muli %mul3A_198, %mul3A_199 : i32
        %add3A_201 = arith.constant 32 : i32
        %add3A_202 = arith.addi %mul3A_200, %add3A_201 : i32
        %mul3A_203 = arith.constant 16 : i32
        %mul3A_204 = arith.muli %scan3A_184, %mul3A_203 : i32
        %mul3A_205 = arith.constant 8 : i32
        %mul3A_206 = arith.muli %mul3A_204, %mul3A_205 : i32
        %add3A_207 = arith.constant 48 : i32
        %add3A_208 = arith.addi %mul3A_206, %add3A_207 : i32
        %mul3A_209 = arith.constant 16 : i32
        %mul3A_210 = arith.muli %scan3A_184, %mul3A_209 : i32
        %mul3A_211 = arith.constant 8 : i32
        %mul3A_212 = arith.muli %mul3A_210, %mul3A_211 : i32
        %add3A_213 = arith.constant 64 : i32
        %add3A_214 = arith.addi %mul3A_212, %add3A_213 : i32
        %mul3A_215 = arith.constant 16 : i32
        %mul3A_216 = arith.muli %scan3A_184, %mul3A_215 : i32
        %mul3A_217 = arith.constant 8 : i32
        %mul3A_218 = arith.muli %mul3A_216, %mul3A_217 : i32
        %add3A_219 = arith.constant 80 : i32
        %add3A_220 = arith.addi %mul3A_218, %add3A_219 : i32
        %mul3A_221 = arith.constant 16 : i32
        %mul3A_222 = arith.muli %scan3A_184, %mul3A_221 : i32
        %mul3A_223 = arith.constant 8 : i32
        %mul3A_224 = arith.muli %mul3A_222, %mul3A_223 : i32
        %add3A_225 = arith.constant 96 : i32
        %add3A_226 = arith.addi %mul3A_224, %add3A_225 : i32
        %mul3A_227 = arith.constant 16 : i32
        %mul3A_228 = arith.muli %scan3A_184, %mul3A_227 : i32
        %mul3A_229 = arith.constant 8 : i32
        %mul3A_230 = arith.muli %mul3A_228, %mul3A_229 : i32
        %add3A_231 = arith.constant 112 : i32
        %add3A_232 = arith.addi %mul3A_230, %add3A_231 : i32
        %get3A = arith.constant 0 : i32
        %get3A_233 = arith.constant 0 : i32
        %get3A_234 = tpu.memref_slice %arg4[%while3A_94, %get3A, %get3A_233] : memref<2x32x1280xi32, #tpu.memory_space<vmem>> -> memref<1x32x1280xi32, #tpu.memory_space<vmem>>
        %get3A_235 = tpu.memref_squeeze %get3A_234 : memref<1x32x1280xi32, #tpu.memory_space<vmem>> -> memref<32x1280xi32, #tpu.memory_space<vmem>>
        %get3A_236 = arith.index_cast %sub3A_171 : i32 to index
        %get3A_237 = arith.index_cast %add3A_190 : i32 to index
        %get3A_238 = tpu.vector_load %get3A_235[%get3A_236, %get3A_237] {strides = array<i32>} : memref<32x1280xi32, #tpu.memory_space<vmem>>, vector<16xi32>,
        %get3A_239 = arith.constant 0 : i32
        %get3A_240 = arith.constant 0 : i32
        %get3A_241 = tpu.memref_slice %arg4[%while3A_94, %get3A_239, %get3A_240] : memref<2x32x1280xi32, #tpu.memory_space<vmem>> -> memref<1x32x1280xi32, #tpu.memory_space<vmem>>
        %get3A_242 = tpu.memref_squeeze %get3A_241 : memref<1x32x1280xi32, #tpu.memory_space<vmem>> -> memref<32x1280xi32, #tpu.memory_space<vmem>>
        %get3A_243 = arith.index_cast %sub3A_171 : i32 to index
        %get3A_244 = arith.index_cast %add3A_196 : i32 to index
        %get3A_245 = tpu.vector_load %get3A_242[%get3A_243, %get3A_244] {strides = array<i32>} : memref<32x1280xi32, #tpu.memory_space<vmem>>, vector<16xi32>,
        %get3A_246 = arith.constant 0 : i32
        %get3A_247 = arith.constant 0 : i32
        %get3A_248 = tpu.memref_slice %arg4[%while3A_94, %get3A_246, %get3A_247] : memref<2x32x1280xi32, #tpu.memory_space<vmem>> -> memref<1x32x1280xi32, #tpu.memory_space<vmem>>
        %get3A_249 = tpu.memref_squeeze %get3A_248 : memref<1x32x1280xi32, #tpu.memory_space<vmem>> -> memref<32x1280xi32, #tpu.memory_space<vmem>>
        %get3A_250 = arith.index_cast %sub3A_171 : i32 to index
        %get3A_251 = arith.index_cast %add3A_202 : i32 to index
        %get3A_252 = tpu.vector_load %get3A_249[%get3A_250, %get3A_251] {strides = array<i32>} : memref<32x1280xi32, #tpu.memory_space<vmem>>, vector<16xi32>,
        %get3A_253 = arith.constant 0 : i32
        %get3A_254 = arith.constant 0 : i32
        %get3A_255 = tpu.memref_slice %arg4[%while3A_94, %get3A_253, %get3A_254] : memref<2x32x1280xi32, #tpu.memory_space<vmem>> -> memref<1x32x1280xi32, #tpu.memory_space<vmem>>
        %get3A_256 = tpu.memref_squeeze %get3A_255 : memref<1x32x1280xi32, #tpu.memory_space<vmem>> -> memref<32x1280xi32, #tpu.memory_space<vmem>>
        %get3A_257 = arith.index_cast %sub3A_171 : i32 to index
        %get3A_258 = arith.index_cast %add3A_208 : i32 to index
        %get3A_259 = tpu.vector_load %get3A_256[%get3A_257, %get3A_258] {strides = array<i32>} : memref<32x1280xi32, #tpu.memory_space<vmem>>, vector<16xi32>,
        %get3A_260 = arith.constant 0 : i32
        %get3A_261 = arith.constant 0 : i32
        %get3A_262 = tpu.memref_slice %arg4[%while3A_94, %get3A_260, %get3A_261] : memref<2x32x1280xi32, #tpu.memory_space<vmem>> -> memref<1x32x1280xi32, #tpu.memory_space<vmem>>
        %get3A_263 = tpu.memref_squeeze %get3A_262 : memref<1x32x1280xi32, #tpu.memory_space<vmem>> -> memref<32x1280xi32, #tpu.memory_space<vmem>>
        %get3A_264 = arith.index_cast %sub3A_171 : i32 to index
        %get3A_265 = arith.index_cast %add3A_214 : i32 to index
        %get3A_266 = tpu.vector_load %get3A_263[%get3A_264, %get3A_265] {strides = array<i32>} : memref<32x1280xi32, #tpu.memory_space<vmem>>, vector<16xi32>,
        %get3A_267 = arith.constant 0 : i32
        %get3A_268 = arith.constant 0 : i32
        %get3A_269 = tpu.memref_slice %arg4[%while3A_94, %get3A_267, %get3A_268] : memref<2x32x1280xi32, #tpu.memory_space<vmem>> -> memref<1x32x1280xi32, #tpu.memory_space<vmem>>
        %get3A_270 = tpu.memref_squeeze %get3A_269 : memref<1x32x1280xi32, #tpu.memory_space<vmem>> -> memref<32x1280xi32, #tpu.memory_space<vmem>>
        %get3A_271 = arith.index_cast %sub3A_171 : i32 to index
        %get3A_272 = arith.index_cast %add3A_220 : i32 to index
        %get3A_273 = tpu.vector_load %get3A_270[%get3A_271, %get3A_272] {strides = array<i32>} : memref<32x1280xi32, #tpu.memory_space<vmem>>, vector<16xi32>,
        %get3A_274 = arith.constant 0 : i32
        %get3A_275 = arith.constant 0 : i32
        %get3A_276 = tpu.memref_slice %arg4[%while3A_94, %get3A_274, %get3A_275] : memref<2x32x1280xi32, #tpu.memory_space<vmem>> -> memref<1x32x1280xi32, #tpu.memory_space<vmem>>
        %get3A_277 = tpu.memref_squeeze %get3A_276 : memref<1x32x1280xi32, #tpu.memory_space<vmem>> -> memref<32x1280xi32, #tpu.memory_space<vmem>>
        %get3A_278 = arith.index_cast %sub3A_171 : i32 to index
        %get3A_279 = arith.index_cast %add3A_226 : i32 to index
        %get3A_280 = tpu.vector_load %get3A_277[%get3A_278, %get3A_279] {strides = array<i32>} : memref<32x1280xi32, #tpu.memory_space<vmem>>, vector<16xi32>,
        %get3A_281 = arith.constant 0 : i32
        %get3A_282 = arith.constant 0 : i32
        %get3A_283 = tpu.memref_slice %arg4[%while3A_94, %get3A_281, %get3A_282] : memref<2x32x1280xi32, #tpu.memory_space<vmem>> -> memref<1x32x1280xi32, #tpu.memory_space<vmem>>
        %get3A_284 = tpu.memref_squeeze %get3A_283 : memref<1x32x1280xi32, #tpu.memory_space<vmem>> -> memref<32x1280xi32, #tpu.memory_space<vmem>>
        %get3A_285 = arith.index_cast %sub3A_171 : i32 to index
        %get3A_286 = arith.index_cast %add3A_232 : i32 to index
        %get3A_287 = tpu.vector_load %get3A_284[%get3A_285, %get3A_286] {strides = array<i32>} : memref<32x1280xi32, #tpu.memory_space<vmem>>, vector<16xi32>,
        %add3A_288 = vector.broadcast %add3A_190 : i32 to vector<16xi32>
        %add3A_289 = arith.addi %add3A_177, %add3A_288 : vector<16xi32>
        tpu.vector_store_idx %arg5[%get3A_238], %add3A_289 : memref<4096xi32, #tpu.memory_space<vmem>>[vector<16xi32>], vector<16xi32>,
        %add3A_290 = vector.broadcast %add3A_196 : i32 to vector<16xi32>
        %add3A_291 = arith.addi %add3A_177, %add3A_290 : vector<16xi32>
        tpu.vector_store_idx %arg5[%get3A_245], %add3A_291 : memref<4096xi32, #tpu.memory_space<vmem>>[vector<16xi32>], vector<16xi32>,
        %add3A_292 = vector.broadcast %add3A_202 : i32 to vector<16xi32>
        %add3A_293 = arith.addi %add3A_177, %add3A_292 : vector<16xi32>
        tpu.vector_store_idx %arg5[%get3A_252], %add3A_293 : memref<4096xi32, #tpu.memory_space<vmem>>[vector<16xi32>], vector<16xi32>,
        %add3A_294 = vector.broadcast %add3A_208 : i32 to vector<16xi32>
        %add3A_295 = arith.addi %add3A_177, %add3A_294 : vector<16xi32>
        tpu.vector_store_idx %arg5[%get3A_259], %add3A_295 : memref<4096xi32, #tpu.memory_space<vmem>>[vector<16xi32>], vector<16xi32>,
        %add3A_296 = vector.broadcast %add3A_214 : i32 to vector<16xi32>
        %add3A_297 = arith.addi %add3A_177, %add3A_296 : vector<16xi32>
        tpu.vector_store_idx %arg5[%get3A_266], %add3A_297 : memref<4096xi32, #tpu.memory_space<vmem>>[vector<16xi32>], vector<16xi32>,
        %add3A_298 = vector.broadcast %add3A_220 : i32 to vector<16xi32>
        %add3A_299 = arith.addi %add3A_177, %add3A_298 : vector<16xi32>
        tpu.vector_store_idx %arg5[%get3A_273], %add3A_299 : memref<4096xi32, #tpu.memory_space<vmem>>[vector<16xi32>], vector<16xi32>,
        %add3A_300 = vector.broadcast %add3A_226 : i32 to vector<16xi32>
        %add3A_301 = arith.addi %add3A_177, %add3A_300 : vector<16xi32>
        tpu.vector_store_idx %arg5[%get3A_280], %add3A_301 : memref<4096xi32, #tpu.memory_space<vmem>>[vector<16xi32>], vector<16xi32>,
        %add3A_302 = vector.broadcast %add3A_232 : i32 to vector<16xi32>
        %add3A_303 = arith.addi %add3A_177, %add3A_302 : vector<16xi32>
        tpu.vector_store_idx %arg5[%get3A_287], %add3A_303 : memref<4096xi32, #tpu.memory_space<vmem>>[vector<16xi32>], vector<16xi32>,
      }
      %scan3A_183 = arith.constant 10 : i32
    }
    %while3A_103 = arith.constant 1 : i32
    scf.for %while3A_169 = %while3A_101 to %while3A_97 step %while3A_103  : i32 {
      %add3A_170 = arith.addi %select_n3A, %while3A_169 : i32
      %sub3A_171 = arith.subi %add3A_170, %min3A_50 : i32
      %mul3A_172 = arith.constant 1280 : i32
      %mul3A_173 = arith.muli %add3A_170, %mul3A_172 : i32
      %add3A_174 = arith.constant 0 : i32
      %add3A_175 = arith.addi %add3A_174, %mul3A_173 : i32
      %add3A_176 = vector.broadcast %add3A_175 : i32 to vector<16xi32>
      %add3A_177 = arith.addi %add3A_176, %iota3A : vector<16xi32>
      %scan3A_178 = arith.constant 0 : i32
      %scan3A_179 = arith.constant 0 : i32
      %scan3A_180 = arith.constant 10 : i32
      %scan3A_181 = arith.addi %scan3A_179, %scan3A_180 : i32
      %scan3A_182 = arith.constant 1 : i32
      scf.for %scan3A_184 = %scan3A_179 to %scan3A_181 step %scan3A_182  : i32 {
        %mul3A_185 = arith.constant 16 : i32
        %mul3A_186 = arith.muli %scan3A_184, %mul3A_185 : i32
        %mul3A_187 = arith.constant 8 : i32
        %mul3A_188 = arith.muli %mul3A_186, %mul3A_187 : i32
        %add3A_189 = arith.constant 0 : i32
        %add3A_190 = arith.addi %mul3A_188, %add3A_189 : i32
        %mul3A_191 = arith.constant 16 : i32
        %mul3A_192 = arith.muli %scan3A_184, %mul3A_191 : i32
        %mul3A_193 = arith.constant 8 : i32
        %mul3A_194 = arith.muli %mul3A_192, %mul3A_193 : i32
        %add3A_195 = arith.constant 16 : i32
        %add3A_196 = arith.addi %mul3A_194, %add3A_195 : i32
        %mul3A_197 = arith.constant 16 : i32
        %mul3A_198 = arith.muli %scan3A_184, %mul3A_197 : i32
        %mul3A_199 = arith.constant 8 : i32
        %mul3A_200 = arith.muli %mul3A_198, %mul3A_199 : i32
        %add3A_201 = arith.constant 32 : i32
        %add3A_202 = arith.addi %mul3A_200, %add3A_201 : i32
        %mul3A_203 = arith.constant 16 : i32
        %mul3A_204 = arith.muli %scan3A_184, %mul3A_203 : i32
        %mul3A_205 = arith.constant 8 : i32
        %mul3A_206 = arith.muli %mul3A_204, %mul3A_205 : i32
        %add3A_207 = arith.constant 48 : i32
        %add3A_208 = arith.addi %mul3A_206, %add3A_207 : i32
        %mul3A_209 = arith.constant 16 : i32
        %mul3A_210 = arith.muli %scan3A_184, %mul3A_209 : i32
        %mul3A_211 = arith.constant 8 : i32
        %mul3A_212 = arith.muli %mul3A_210, %mul3A_211 : i32
        %add3A_213 = arith.constant 64 : i32
        %add3A_214 = arith.addi %mul3A_212, %add3A_213 : i32
        %mul3A_215 = arith.constant 16 : i32
        %mul3A_216 = arith.muli %scan3A_184, %mul3A_215 : i32
        %mul3A_217 = arith.constant 8 : i32
        %mul3A_218 = arith.muli %mul3A_216, %mul3A_217 : i32
        %add3A_219 = arith.constant 80 : i32
        %add3A_220 = arith.addi %mul3A_218, %add3A_219 : i32
        %mul3A_221 = arith.constant 16 : i32
        %mul3A_222 = arith.muli %scan3A_184, %mul3A_221 : i32
        %mul3A_223 = arith.constant 8 : i32
        %mul3A_224 = arith.muli %mul3A_222, %mul3A_223 : i32
        %add3A_225 = arith.constant 96 : i32
        %add3A_226 = arith.addi %mul3A_224, %add3A_225 : i32
        %mul3A_227 = arith.constant 16 : i32
        %mul3A_228 = arith.muli %scan3A_184, %mul3A_227 : i32
        %mul3A_229 = arith.constant 8 : i32
        %mul3A_230 = arith.muli %mul3A_228, %mul3A_229 : i32
        %add3A_231 = arith.constant 112 : i32
        %add3A_232 = arith.addi %mul3A_230, %add3A_231 : i32
        %get3A = arith.constant 0 : i32
        %get3A_233 = arith.constant 0 : i32
        %get3A_234 = tpu.memref_slice %arg4[%while3A_94, %get3A, %get3A_233] : memref<2x32x1280xi32, #tpu.memory_space<vmem>> -> memref<1x32x1280xi32, #tpu.memory_space<vmem>>
        %get3A_235 = tpu.memref_squeeze %get3A_234 : memref<1x32x1280xi32, #tpu.memory_space<vmem>> -> memref<32x1280xi32, #tpu.memory_space<vmem>>
        %get3A_236 = arith.index_cast %sub3A_171 : i32 to index
        %get3A_237 = arith.index_cast %add3A_190 : i32 to index
        %get3A_238 = tpu.vector_load %get3A_235[%get3A_236, %get3A_237] {strides = array<i32>} : memref<32x1280xi32, #tpu.memory_space<vmem>>, vector<16xi32>,
        %get3A_239 = arith.constant 0 : i32
        %get3A_240 = arith.constant 0 : i32
        %get3A_241 = tpu.memref_slice %arg4[%while3A_94, %get3A_239, %get3A_240] : memref<2x32x1280xi32, #tpu.memory_space<vmem>> -> memref<1x32x1280xi32, #tpu.memory_space<vmem>>
        %get3A_242 = tpu.memref_squeeze %get3A_241 : memref<1x32x1280xi32, #tpu.memory_space<vmem>> -> memref<32x1280xi32, #tpu.memory_space<vmem>>
        %get3A_243 = arith.index_cast %sub3A_171 : i32 to index
        %get3A_244 = arith.index_cast %add3A_196 : i32 to index
        %get3A_245 = tpu.vector_load %get3A_242[%get3A_243, %get3A_244] {strides = array<i32>} : memref<32x1280xi32, #tpu.memory_space<vmem>>, vector<16xi32>,
        %get3A_246 = arith.constant 0 : i32
        %get3A_247 = arith.constant 0 : i32
        %get3A_248 = tpu.memref_slice %arg4[%while3A_94, %get3A_246, %get3A_247] : memref<2x32x1280xi32, #tpu.memory_space<vmem>> -> memref<1x32x1280xi32, #tpu.memory_space<vmem>>
        %get3A_249 = tpu.memref_squeeze %get3A_248 : memref<1x32x1280xi32, #tpu.memory_space<vmem>> -> memref<32x1280xi32, #tpu.memory_space<vmem>>
        %get3A_250 = arith.index_cast %sub3A_171 : i32 to index
        %get3A_251 = arith.index_cast %add3A_202 : i32 to index
        %get3A_252 = tpu.vector_load %get3A_249[%get3A_250, %get3A_251] {strides = array<i32>} : memref<32x1280xi32, #tpu.memory_space<vmem>>, vector<16xi32>,
        %get3A_253 = arith.constant 0 : i32
        %get3A_254 = arith.constant 0 : i32
        %get3A_255 = tpu.memref_slice %arg4[%while3A_94, %get3A_253, %get3A_254] : memref<2x32x1280xi32, #tpu.memory_space<vmem>> -> memref<1x32x1280xi32, #tpu.memory_space<vmem>>
        %get3A_256 = tpu.memref_squeeze %get3A_255 : memref<1x32x1280xi32, #tpu.memory_space<vmem>> -> memref<32x1280xi32, #tpu.memory_space<vmem>>
        %get3A_257 = arith.index_cast %sub3A_171 : i32 to index
        %get3A_258 = arith.index_cast %add3A_208 : i32 to index
        %get3A_259 = tpu.vector_load %get3A_256[%get3A_257, %get3A_258] {strides = array<i32>} : memref<32x1280xi32, #tpu.memory_space<vmem>>, vector<16xi32>,
        %get3A_260 = arith.constant 0 : i32
        %get3A_261 = arith.constant 0 : i32
        %get3A_262 = tpu.memref_slice %arg4[%while3A_94, %get3A_260, %get3A_261] : memref<2x32x1280xi32, #tpu.memory_space<vmem>> -> memref<1x32x1280xi32, #tpu.memory_space<vmem>>
        %get3A_263 = tpu.memref_squeeze %get3A_262 : memref<1x32x1280xi32, #tpu.memory_space<vmem>> -> memref<32x1280xi32, #tpu.memory_space<vmem>>
        %get3A_264 = arith.index_cast %sub3A_171 : i32 to index
        %get3A_265 = arith.index_cast %add3A_214 : i32 to index
        %get3A_266 = tpu.vector_load %get3A_263[%get3A_264, %get3A_265] {strides = array<i32>} : memref<32x1280xi32, #tpu.memory_space<vmem>>, vector<16xi32>,
        %get3A_267 = arith.constant 0 : i32
        %get3A_268 = arith.constant 0 : i32
        %get3A_269 = tpu.memref_slice %arg4[%while3A_94, %get3A_267, %get3A_268] : memref<2x32x1280xi32, #tpu.memory_space<vmem>> -> memref<1x32x1280xi32, #tpu.memory_space<vmem>>
        %get3A_270 = tpu.memref_squeeze %get3A_269 : memref<1x32x1280xi32, #tpu.memory_space<vmem>> -> memref<32x1280xi32, #tpu.memory_space<vmem>>
        %get3A_271 = arith.index_cast %sub3A_171 : i32 to index
        %get3A_272 = arith.index_cast %add3A_220 : i32 to index
        %get3A_273 = tpu.vector_load %get3A_270[%get3A_271, %get3A_272] {strides = array<i32>} : memref<32x1280xi32, #tpu.memory_space<vmem>>, vector<16xi32>,
        %get3A_274 = arith.constant 0 : i32
        %get3A_275 = arith.constant 0 : i32
        %get3A_276 = tpu.memref_slice %arg4[%while3A_94, %get3A_274, %get3A_275] : memref<2x32x1280xi32, #tpu.memory_space<vmem>> -> memref<1x32x1280xi32, #tpu.memory_space<vmem>>
        %get3A_277 = tpu.memref_squeeze %get3A_276 : memref<1x32x1280xi32, #tpu.memory_space<vmem>> -> memref<32x1280xi32, #tpu.memory_space<vmem>>
        %get3A_278 = arith.index_cast %sub3A_171 : i32 to index
        %get3A_279 = arith.index_cast %add3A_226 : i32 to index
        %get3A_280 = tpu.vector_load %get3A_277[%get3A_278, %get3A_279] {strides = array<i32>} : memref<32x1280xi32, #tpu.memory_space<vmem>>, vector<16xi32>,
        %get3A_281 = arith.constant 0 : i32
        %get3A_282 = arith.constant 0 : i32
        %get3A_283 = tpu.memref_slice %arg4[%while3A_94, %get3A_281, %get3A_282] : memref<2x32x1280xi32, #tpu.memory_space<vmem>> -> memref<1x32x1280xi32, #tpu.memory_space<vmem>>
        %get3A_284 = tpu.memref_squeeze %get3A_283 : memref<1x32x1280xi32, #tpu.memory_space<vmem>> -> memref<32x1280xi32, #tpu.memory_space<vmem>>
        %get3A_285 = arith.index_cast %sub3A_171 : i32 to index
        %get3A_286 = arith.index_cast %add3A_232 : i32 to index
        %get3A_287 = tpu.vector_load %get3A_284[%get3A_285, %get3A_286] {strides = array<i32>} : memref<32x1280xi32, #tpu.memory_space<vmem>>, vector<16xi32>,
        %add3A_288 = vector.broadcast %add3A_190 : i32 to vector<16xi32>
        %add3A_289 = arith.addi %add3A_177, %add3A_288 : vector<16xi32>
        tpu.vector_store_idx %arg5[%get3A_238], %add3A_289 : memref<4096xi32, #tpu.memory_space<vmem>>[vector<16xi32>], vector<16xi32>,
        %add3A_290 = vector.broadcast %add3A_196 : i32 to vector<16xi32>
        %add3A_291 = arith.addi %add3A_177, %add3A_290 : vector<16xi32>
        tpu.vector_store_idx %arg5[%get3A_245], %add3A_291 : memref<4096xi32, #tpu.memory_space<vmem>>[vector<16xi32>], vector<16xi32>,
        %add3A_292 = vector.broadcast %add3A_202 : i32 to vector<16xi32>
        %add3A_293 = arith.addi %add3A_177, %add3A_292 : vector<16xi32>
        tpu.vector_store_idx %arg5[%get3A_252], %add3A_293 : memref<4096xi32, #tpu.memory_space<vmem>>[vector<16xi32>], vector<16xi32>,
        %add3A_294 = vector.broadcast %add3A_208 : i32 to vector<16xi32>
        %add3A_295 = arith.addi %add3A_177, %add3A_294 : vector<16xi32>
        tpu.vector_store_idx %arg5[%get3A_259], %add3A_295 : memref<4096xi32, #tpu.memory_space<vmem>>[vector<16xi32>], vector<16xi32>,
        %add3A_296 = vector.broadcast %add3A_214 : i32 to vector<16xi32>
        %add3A_297 = arith.addi %add3A_177, %add3A_296 : vector<16xi32>
        tpu.vector_store_idx %arg5[%get3A_266], %add3A_297 : memref<4096xi32, #tpu.memory_space<vmem>>[vector<16xi32>], vector<16xi32>,
        %add3A_298 = vector.broadcast %add3A_220 : i32 to vector<16xi32>
        %add3A_299 = arith.addi %add3A_177, %add3A_298 : vector<16xi32>
        tpu.vector_store_idx %arg5[%get3A_273], %add3A_299 : memref<4096xi32, #tpu.memory_space<vmem>>[vector<16xi32>], vector<16xi32>,
        %add3A_300 = vector.broadcast %add3A_226 : i32 to vector<16xi32>
        %add3A_301 = arith.addi %add3A_177, %add3A_300 : vector<16xi32>
        tpu.vector_store_idx %arg5[%get3A_280], %add3A_301 : memref<4096xi32, #tpu.memory_space<vmem>>[vector<16xi32>], vector<16xi32>,
        %add3A_302 = vector.broadcast %add3A_232 : i32 to vector<16xi32>
        %add3A_303 = arith.addi %add3A_177, %add3A_302 : vector<16xi32>
        tpu.vector_store_idx %arg5[%get3A_287], %add3A_303 : memref<4096xi32, #tpu.memory_space<vmem>>[vector<16xi32>], vector<16xi32>,
      }
      %scan3A_183 = arith.constant 10 : i32
    }
    %dma_wait3A_104 = arith.constant 1 : i32
    %dma_wait3A_105 = arith.constant 0 : i32
    %dma_wait3A_106 = arith.constant 0 : i32
    %dma_wait3A_107 = tpu.memref_slice %arg4[%dma_wait3A_104, %dma_wait3A_105, %dma_wait3A_106] : memref<2x32x1280xi32, #tpu.memory_space<vmem>> -> memref<1x32x1280xi32, #tpu.memory_space<vmem>>
    %dma_wait3A_108 = tpu.memref_squeeze %dma_wait3A_107 : memref<1x32x1280xi32, #tpu.memory_space<vmem>> -> memref<32x1280xi32, #tpu.memory_space<vmem>>
    %dma_wait3A_109 = arith.constant 0 : i32
    %dma_wait3A_110 = tpu.memref_slice %arg2[%add3A_80, %dma_wait3A_109] : memref<2160x1280xi32, #tpu.memory_space<hbm>> -> memref<32x1280xi32, #tpu.memory_space<hbm>>
    %dma_wait3A_111 = arith.constant 0 : i32
    %dma_wait3A_112 = arith.constant 0 : i32
    %dma_wait3A_113 = tpu.memref_slice %arg4[%dma_wait3A_104, %dma_wait3A_111, %dma_wait3A_112] : memref<2x32x1280xi32, #tpu.memory_space<vmem>> -> memref<1x32x1280xi32, #tpu.memory_space<vmem>>
    %dma_wait3A_114 = tpu.memref_squeeze %dma_wait3A_113 : memref<1x32x1280xi32, #tpu.memory_space<vmem>> -> memref<32x1280xi32, #tpu.memory_space<vmem>>
    %dma_wait3A_115 = arith.constant 0 : i32
    %dma_wait3A_116 = tpu.memref_slice %arg2[%add3A_80, %dma_wait3A_115] : memref<2160x1280xi32, #tpu.memory_space<hbm>> -> memref<32x1280xi32, #tpu.memory_space<hbm>>
    tpu.wait_dma2 semaphore(%arg6 : memref<!tpu.dma_semaphore, #tpu.memory_space<semaphore_mem>>) src(%dma_wait3A_116 : memref<32x1280xi32, #tpu.memory_space<hbm>>) dst(%dma_wait3A_114 : memref<32x1280xi32, #tpu.memory_space<vmem>>)
    %add3A_117 = arith.constant 1440 : i32
    %add3A_118 = arith.addi %add3A_117, %min3A_50 : i32
    %dma_start3A_119 = arith.constant 0 : i32
    %dma_start3A_120 = arith.constant 0 : i32
    %dma_start3A_121 = arith.constant 0 : i32
    %dma_start3A_122 = tpu.memref_slice %arg4[%dma_start3A_119, %dma_start3A_120, %dma_start3A_121] : memref<2x32x1280xi32, #tpu.memory_space<vmem>> -> memref<1x32x1280xi32, #tpu.memory_space<vmem>>
    %dma_start3A_123 = tpu.memref_squeeze %dma_start3A_122 : memref<1x32x1280xi32, #tpu.memory_space<vmem>> -> memref<32x1280xi32, #tpu.memory_space<vmem>>
    %dma_start3A_124 = arith.constant 0 : i32
    %dma_start3A_125 = tpu.memref_slice %arg2[%add3A_118, %dma_start3A_124] : memref<2160x1280xi32, #tpu.memory_space<hbm>> -> memref<32x1280xi32, #tpu.memory_space<hbm>>
    %dma_start3A_126 = arith.constant 0 : i32
    %dma_start3A_127 = arith.constant 0 : i32
    %dma_start3A_128 = tpu.memref_slice %arg4[%dma_start3A_119, %dma_start3A_126, %dma_start3A_127] : memref<2x32x1280xi32, #tpu.memory_space<vmem>> -> memref<1x32x1280xi32, #tpu.memory_space<vmem>>
    %dma_start3A_129 = tpu.memref_squeeze %dma_start3A_128 : memref<1x32x1280xi32, #tpu.memory_space<vmem>> -> memref<32x1280xi32, #tpu.memory_space<vmem>>
    %dma_start3A_130 = arith.constant 0 : i32
    %dma_start3A_131 = tpu.memref_slice %arg2[%add3A_118, %dma_start3A_130] : memref<2160x1280xi32, #tpu.memory_space<hbm>> -> memref<32x1280xi32, #tpu.memory_space<hbm>>
    tpu.enqueue_dma source(%dma_start3A_131 : memref<32x1280xi32, #tpu.memory_space<hbm>>) target(%dma_start3A_129 : memref<32x1280xi32, #tpu.memory_space<vmem>>) target_semaphore(%arg6 : memref<!tpu.dma_semaphore, #tpu.memory_space<semaphore_mem>>)
    %while3A_132 = arith.constant 0 : i32
    %while3A_133 = arith.constant 1 : i32
    %while3A_134 = arith.constant 0 : i32
    %while3A_135 = arith.subi %min3A_54, %while3A_134 : i32
    %while3A_136 = arith.addi %while3A_134, %while3A_135 : i32
    %while3A_137 = arith.constant 1 : i32
    %while3A_138 = arith.divsi %while3A_135, %while3A_137 : i32
    %while3A_139 = arith.muli %while3A_138, %while3A_137 : i32
    %while3A_140 = arith.addi %while3A_134, %while3A_139 : i32
    %while3A_141 = arith.constant 1 : i32
    scf.for %while3A_169 = %while3A_134 to %while3A_140 step %while3A_141  : i32 {
      %add3A_170 = arith.addi %select_n3A, %while3A_169 : i32
      %sub3A_171 = arith.subi %add3A_170, %min3A_50 : i32
      %mul3A_172 = arith.constant 1280 : i32
      %mul3A_173 = arith.muli %add3A_170, %mul3A_172 : i32
      %add3A_174 = arith.constant 921600 : i32
      %add3A_175 = arith.addi %add3A_174, %mul3A_173 : i32
      %add3A_176 = vector.broadcast %add3A_175 : i32 to vector<16xi32>
      %add3A_177 = arith.addi %add3A_176, %iota3A : vector<16xi32>
      %scan3A_178 = arith.constant 0 : i32
      %scan3A_179 = arith.constant 0 : i32
      %scan3A_180 = arith.constant 10 : i32
      %scan3A_181 = arith.addi %scan3A_179, %scan3A_180 : i32
      %scan3A_182 = arith.constant 1 : i32
      scf.for %scan3A_184 = %scan3A_179 to %scan3A_181 step %scan3A_182  : i32 {
        %mul3A_185 = arith.constant 16 : i32
        %mul3A_186 = arith.muli %scan3A_184, %mul3A_185 : i32
        %mul3A_187 = arith.constant 8 : i32
        %mul3A_188 = arith.muli %mul3A_186, %mul3A_187 : i32
        %add3A_189 = arith.constant 0 : i32
        %add3A_190 = arith.addi %mul3A_188, %add3A_189 : i32
        %mul3A_191 = arith.constant 16 : i32
        %mul3A_192 = arith.muli %scan3A_184, %mul3A_191 : i32
        %mul3A_193 = arith.constant 8 : i32
        %mul3A_194 = arith.muli %mul3A_192, %mul3A_193 : i32
        %add3A_195 = arith.constant 16 : i32
        %add3A_196 = arith.addi %mul3A_194, %add3A_195 : i32
        %mul3A_197 = arith.constant 16 : i32
        %mul3A_198 = arith.muli %scan3A_184, %mul3A_197 : i32
        %mul3A_199 = arith.constant 8 : i32
        %mul3A_200 = arith.muli %mul3A_198, %mul3A_199 : i32
        %add3A_201 = arith.constant 32 : i32
        %add3A_202 = arith.addi %mul3A_200, %add3A_201 : i32
        %mul3A_203 = arith.constant 16 : i32
        %mul3A_204 = arith.muli %scan3A_184, %mul3A_203 : i32
        %mul3A_205 = arith.constant 8 : i32
        %mul3A_206 = arith.muli %mul3A_204, %mul3A_205 : i32
        %add3A_207 = arith.constant 48 : i32
        %add3A_208 = arith.addi %mul3A_206, %add3A_207 : i32
        %mul3A_209 = arith.constant 16 : i32
        %mul3A_210 = arith.muli %scan3A_184, %mul3A_209 : i32
        %mul3A_211 = arith.constant 8 : i32
        %mul3A_212 = arith.muli %mul3A_210, %mul3A_211 : i32
        %add3A_213 = arith.constant 64 : i32
        %add3A_214 = arith.addi %mul3A_212, %add3A_213 : i32
        %mul3A_215 = arith.constant 16 : i32
        %mul3A_216 = arith.muli %scan3A_184, %mul3A_215 : i32
        %mul3A_217 = arith.constant 8 : i32
        %mul3A_218 = arith.muli %mul3A_216, %mul3A_217 : i32
        %add3A_219 = arith.constant 80 : i32
        %add3A_220 = arith.addi %mul3A_218, %add3A_219 : i32
        %mul3A_221 = arith.constant 16 : i32
        %mul3A_222 = arith.muli %scan3A_184, %mul3A_221 : i32
        %mul3A_223 = arith.constant 8 : i32
        %mul3A_224 = arith.muli %mul3A_222, %mul3A_223 : i32
        %add3A_225 = arith.constant 96 : i32
        %add3A_226 = arith.addi %mul3A_224, %add3A_225 : i32
        %mul3A_227 = arith.constant 16 : i32
        %mul3A_228 = arith.muli %scan3A_184, %mul3A_227 : i32
        %mul3A_229 = arith.constant 8 : i32
        %mul3A_230 = arith.muli %mul3A_228, %mul3A_229 : i32
        %add3A_231 = arith.constant 112 : i32
        %add3A_232 = arith.addi %mul3A_230, %add3A_231 : i32
        %get3A = arith.constant 0 : i32
        %get3A_233 = arith.constant 0 : i32
        %get3A_234 = tpu.memref_slice %arg4[%while3A_133, %get3A, %get3A_233] : memref<2x32x1280xi32, #tpu.memory_space<vmem>> -> memref<1x32x1280xi32, #tpu.memory_space<vmem>>
        %get3A_235 = tpu.memref_squeeze %get3A_234 : memref<1x32x1280xi32, #tpu.memory_space<vmem>> -> memref<32x1280xi32, #tpu.memory_space<vmem>>
        %get3A_236 = arith.index_cast %sub3A_171 : i32 to index
        %get3A_237 = arith.index_cast %add3A_190 : i32 to index
        %get3A_238 = tpu.vector_load %get3A_235[%get3A_236, %get3A_237] {strides = array<i32>} : memref<32x1280xi32, #tpu.memory_space<vmem>>, vector<16xi32>,
        %get3A_239 = arith.constant 0 : i32
        %get3A_240 = arith.constant 0 : i32
        %get3A_241 = tpu.memref_slice %arg4[%while3A_133, %get3A_239, %get3A_240] : memref<2x32x1280xi32, #tpu.memory_space<vmem>> -> memref<1x32x1280xi32, #tpu.memory_space<vmem>>
        %get3A_242 = tpu.memref_squeeze %get3A_241 : memref<1x32x1280xi32, #tpu.memory_space<vmem>> -> memref<32x1280xi32, #tpu.memory_space<vmem>>
        %get3A_243 = arith.index_cast %sub3A_171 : i32 to index
        %get3A_244 = arith.index_cast %add3A_196 : i32 to index
        %get3A_245 = tpu.vector_load %get3A_242[%get3A_243, %get3A_244] {strides = array<i32>} : memref<32x1280xi32, #tpu.memory_space<vmem>>, vector<16xi32>,
        %get3A_246 = arith.constant 0 : i32
        %get3A_247 = arith.constant 0 : i32
        %get3A_248 = tpu.memref_slice %arg4[%while3A_133, %get3A_246, %get3A_247] : memref<2x32x1280xi32, #tpu.memory_space<vmem>> -> memref<1x32x1280xi32, #tpu.memory_space<vmem>>
        %get3A_249 = tpu.memref_squeeze %get3A_248 : memref<1x32x1280xi32, #tpu.memory_space<vmem>> -> memref<32x1280xi32, #tpu.memory_space<vmem>>
        %get3A_250 = arith.index_cast %sub3A_171 : i32 to index
        %get3A_251 = arith.index_cast %add3A_202 : i32 to index
        %get3A_252 = tpu.vector_load %get3A_249[%get3A_250, %get3A_251] {strides = array<i32>} : memref<32x1280xi32, #tpu.memory_space<vmem>>, vector<16xi32>,
        %get3A_253 = arith.constant 0 : i32
        %get3A_254 = arith.constant 0 : i32
        %get3A_255 = tpu.memref_slice %arg4[%while3A_133, %get3A_253, %get3A_254] : memref<2x32x1280xi32, #tpu.memory_space<vmem>> -> memref<1x32x1280xi32, #tpu.memory_space<vmem>>
        %get3A_256 = tpu.memref_squeeze %get3A_255 : memref<1x32x1280xi32, #tpu.memory_space<vmem>> -> memref<32x1280xi32, #tpu.memory_space<vmem>>
        %get3A_257 = arith.index_cast %sub3A_171 : i32 to index
        %get3A_258 = arith.index_cast %add3A_208 : i32 to index
        %get3A_259 = tpu.vector_load %get3A_256[%get3A_257, %get3A_258] {strides = array<i32>} : memref<32x1280xi32, #tpu.memory_space<vmem>>, vector<16xi32>,
        %get3A_260 = arith.constant 0 : i32
        %get3A_261 = arith.constant 0 : i32
        %get3A_262 = tpu.memref_slice %arg4[%while3A_133, %get3A_260, %get3A_261] : memref<2x32x1280xi32, #tpu.memory_space<vmem>> -> memref<1x32x1280xi32, #tpu.memory_space<vmem>>
        %get3A_263 = tpu.memref_squeeze %get3A_262 : memref<1x32x1280xi32, #tpu.memory_space<vmem>> -> memref<32x1280xi32, #tpu.memory_space<vmem>>
        %get3A_264 = arith.index_cast %sub3A_171 : i32 to index
        %get3A_265 = arith.index_cast %add3A_214 : i32 to index
        %get3A_266 = tpu.vector_load %get3A_263[%get3A_264, %get3A_265] {strides = array<i32>} : memref<32x1280xi32, #tpu.memory_space<vmem>>, vector<16xi32>,
        %get3A_267 = arith.constant 0 : i32
        %get3A_268 = arith.constant 0 : i32
        %get3A_269 = tpu.memref_slice %arg4[%while3A_133, %get3A_267, %get3A_268] : memref<2x32x1280xi32, #tpu.memory_space<vmem>> -> memref<1x32x1280xi32, #tpu.memory_space<vmem>>
        %get3A_270 = tpu.memref_squeeze %get3A_269 : memref<1x32x1280xi32, #tpu.memory_space<vmem>> -> memref<32x1280xi32, #tpu.memory_space<vmem>>
        %get3A_271 = arith.index_cast %sub3A_171 : i32 to index
        %get3A_272 = arith.index_cast %add3A_220 : i32 to index
        %get3A_273 = tpu.vector_load %get3A_270[%get3A_271, %get3A_272] {strides = array<i32>} : memref<32x1280xi32, #tpu.memory_space<vmem>>, vector<16xi32>,
        %get3A_274 = arith.constant 0 : i32
        %get3A_275 = arith.constant 0 : i32
        %get3A_276 = tpu.memref_slice %arg4[%while3A_133, %get3A_274, %get3A_275] : memref<2x32x1280xi32, #tpu.memory_space<vmem>> -> memref<1x32x1280xi32, #tpu.memory_space<vmem>>
        %get3A_277 = tpu.memref_squeeze %get3A_276 : memref<1x32x1280xi32, #tpu.memory_space<vmem>> -> memref<32x1280xi32, #tpu.memory_space<vmem>>
        %get3A_278 = arith.index_cast %sub3A_171 : i32 to index
        %get3A_279 = arith.index_cast %add3A_226 : i32 to index
        %get3A_280 = tpu.vector_load %get3A_277[%get3A_278, %get3A_279] {strides = array<i32>} : memref<32x1280xi32, #tpu.memory_space<vmem>>, vector<16xi32>,
        %get3A_281 = arith.constant 0 : i32
        %get3A_282 = arith.constant 0 : i32
        %get3A_283 = tpu.memref_slice %arg4[%while3A_133, %get3A_281, %get3A_282] : memref<2x32x1280xi32, #tpu.memory_space<vmem>> -> memref<1x32x1280xi32, #tpu.memory_space<vmem>>
        %get3A_284 = tpu.memref_squeeze %get3A_283 : memref<1x32x1280xi32, #tpu.memory_space<vmem>> -> memref<32x1280xi32, #tpu.memory_space<vmem>>
        %get3A_285 = arith.index_cast %sub3A_171 : i32 to index
        %get3A_286 = arith.index_cast %add3A_232 : i32 to index
        %get3A_287 = tpu.vector_load %get3A_284[%get3A_285, %get3A_286] {strides = array<i32>} : memref<32x1280xi32, #tpu.memory_space<vmem>>, vector<16xi32>,
        %add3A_288 = vector.broadcast %add3A_190 : i32 to vector<16xi32>
        %add3A_289 = arith.addi %add3A_177, %add3A_288 : vector<16xi32>
        tpu.vector_store_idx %arg5[%get3A_238], %add3A_289 : memref<4096xi32, #tpu.memory_space<vmem>>[vector<16xi32>], vector<16xi32>,
        %add3A_290 = vector.broadcast %add3A_196 : i32 to vector<16xi32>
        %add3A_291 = arith.addi %add3A_177, %add3A_290 : vector<16xi32>
        tpu.vector_store_idx %arg5[%get3A_245], %add3A_291 : memref<4096xi32, #tpu.memory_space<vmem>>[vector<16xi32>], vector<16xi32>,
        %add3A_292 = vector.broadcast %add3A_202 : i32 to vector<16xi32>
        %add3A_293 = arith.addi %add3A_177, %add3A_292 : vector<16xi32>
        tpu.vector_store_idx %arg5[%get3A_252], %add3A_293 : memref<4096xi32, #tpu.memory_space<vmem>>[vector<16xi32>], vector<16xi32>,
        %add3A_294 = vector.broadcast %add3A_208 : i32 to vector<16xi32>
        %add3A_295 = arith.addi %add3A_177, %add3A_294 : vector<16xi32>
        tpu.vector_store_idx %arg5[%get3A_259], %add3A_295 : memref<4096xi32, #tpu.memory_space<vmem>>[vector<16xi32>], vector<16xi32>,
        %add3A_296 = vector.broadcast %add3A_214 : i32 to vector<16xi32>
        %add3A_297 = arith.addi %add3A_177, %add3A_296 : vector<16xi32>
        tpu.vector_store_idx %arg5[%get3A_266], %add3A_297 : memref<4096xi32, #tpu.memory_space<vmem>>[vector<16xi32>], vector<16xi32>,
        %add3A_298 = vector.broadcast %add3A_220 : i32 to vector<16xi32>
        %add3A_299 = arith.addi %add3A_177, %add3A_298 : vector<16xi32>
        tpu.vector_store_idx %arg5[%get3A_273], %add3A_299 : memref<4096xi32, #tpu.memory_space<vmem>>[vector<16xi32>], vector<16xi32>,
        %add3A_300 = vector.broadcast %add3A_226 : i32 to vector<16xi32>
        %add3A_301 = arith.addi %add3A_177, %add3A_300 : vector<16xi32>
        tpu.vector_store_idx %arg5[%get3A_280], %add3A_301 : memref<4096xi32, #tpu.memory_space<vmem>>[vector<16xi32>], vector<16xi32>,
        %add3A_302 = vector.broadcast %add3A_232 : i32 to vector<16xi32>
        %add3A_303 = arith.addi %add3A_177, %add3A_302 : vector<16xi32>
        tpu.vector_store_idx %arg5[%get3A_287], %add3A_303 : memref<4096xi32, #tpu.memory_space<vmem>>[vector<16xi32>], vector<16xi32>,
      }
      %scan3A_183 = arith.constant 10 : i32
    }
    %while3A_142 = arith.constant 1 : i32
    scf.for %while3A_169 = %while3A_140 to %while3A_136 step %while3A_142  : i32 {
      %add3A_170 = arith.addi %select_n3A, %while3A_169 : i32
      %sub3A_171 = arith.subi %add3A_170, %min3A_50 : i32
      %mul3A_172 = arith.constant 1280 : i32
      %mul3A_173 = arith.muli %add3A_170, %mul3A_172 : i32
      %add3A_174 = arith.constant 921600 : i32
      %add3A_175 = arith.addi %add3A_174, %mul3A_173 : i32
      %add3A_176 = vector.broadcast %add3A_175 : i32 to vector<16xi32>
      %add3A_177 = arith.addi %add3A_176, %iota3A : vector<16xi32>
      %scan3A_178 = arith.constant 0 : i32
      %scan3A_179 = arith.constant 0 : i32
      %scan3A_180 = arith.constant 10 : i32
      %scan3A_181 = arith.addi %scan3A_179, %scan3A_180 : i32
      %scan3A_182 = arith.constant 1 : i32
      scf.for %scan3A_184 = %scan3A_179 to %scan3A_181 step %scan3A_182  : i32 {
        %mul3A_185 = arith.constant 16 : i32
        %mul3A_186 = arith.muli %scan3A_184, %mul3A_185 : i32
        %mul3A_187 = arith.constant 8 : i32
        %mul3A_188 = arith.muli %mul3A_186, %mul3A_187 : i32
        %add3A_189 = arith.constant 0 : i32
        %add3A_190 = arith.addi %mul3A_188, %add3A_189 : i32
        %mul3A_191 = arith.constant 16 : i32
        %mul3A_192 = arith.muli %scan3A_184, %mul3A_191 : i32
        %mul3A_193 = arith.constant 8 : i32
        %mul3A_194 = arith.muli %mul3A_192, %mul3A_193 : i32
        %add3A_195 = arith.constant 16 : i32
        %add3A_196 = arith.addi %mul3A_194, %add3A_195 : i32
        %mul3A_197 = arith.constant 16 : i32
        %mul3A_198 = arith.muli %scan3A_184, %mul3A_197 : i32
        %mul3A_199 = arith.constant 8 : i32
        %mul3A_200 = arith.muli %mul3A_198, %mul3A_199 : i32
        %add3A_201 = arith.constant 32 : i32
        %add3A_202 = arith.addi %mul3A_200, %add3A_201 : i32
        %mul3A_203 = arith.constant 16 : i32
        %mul3A_204 = arith.muli %scan3A_184, %mul3A_203 : i32
        %mul3A_205 = arith.constant 8 : i32
        %mul3A_206 = arith.muli %mul3A_204, %mul3A_205 : i32
        %add3A_207 = arith.constant 48 : i32
        %add3A_208 = arith.addi %mul3A_206, %add3A_207 : i32
        %mul3A_209 = arith.constant 16 : i32
        %mul3A_210 = arith.muli %scan3A_184, %mul3A_209 : i32
        %mul3A_211 = arith.constant 8 : i32
        %mul3A_212 = arith.muli %mul3A_210, %mul3A_211 : i32
        %add3A_213 = arith.constant 64 : i32
        %add3A_214 = arith.addi %mul3A_212, %add3A_213 : i32
        %mul3A_215 = arith.constant 16 : i32
        %mul3A_216 = arith.muli %scan3A_184, %mul3A_215 : i32
        %mul3A_217 = arith.constant 8 : i32
        %mul3A_218 = arith.muli %mul3A_216, %mul3A_217 : i32
        %add3A_219 = arith.constant 80 : i32
        %add3A_220 = arith.addi %mul3A_218, %add3A_219 : i32
        %mul3A_221 = arith.constant 16 : i32
        %mul3A_222 = arith.muli %scan3A_184, %mul3A_221 : i32
        %mul3A_223 = arith.constant 8 : i32
        %mul3A_224 = arith.muli %mul3A_222, %mul3A_223 : i32
        %add3A_225 = arith.constant 96 : i32
        %add3A_226 = arith.addi %mul3A_224, %add3A_225 : i32
        %mul3A_227 = arith.constant 16 : i32
        %mul3A_228 = arith.muli %scan3A_184, %mul3A_227 : i32
        %mul3A_229 = arith.constant 8 : i32
        %mul3A_230 = arith.muli %mul3A_228, %mul3A_229 : i32
        %add3A_231 = arith.constant 112 : i32
        %add3A_232 = arith.addi %mul3A_230, %add3A_231 : i32
        %get3A = arith.constant 0 : i32
        %get3A_233 = arith.constant 0 : i32
        %get3A_234 = tpu.memref_slice %arg4[%while3A_133, %get3A, %get3A_233] : memref<2x32x1280xi32, #tpu.memory_space<vmem>> -> memref<1x32x1280xi32, #tpu.memory_space<vmem>>
        %get3A_235 = tpu.memref_squeeze %get3A_234 : memref<1x32x1280xi32, #tpu.memory_space<vmem>> -> memref<32x1280xi32, #tpu.memory_space<vmem>>
        %get3A_236 = arith.index_cast %sub3A_171 : i32 to index
        %get3A_237 = arith.index_cast %add3A_190 : i32 to index
        %get3A_238 = tpu.vector_load %get3A_235[%get3A_236, %get3A_237] {strides = array<i32>} : memref<32x1280xi32, #tpu.memory_space<vmem>>, vector<16xi32>,
        %get3A_239 = arith.constant 0 : i32
        %get3A_240 = arith.constant 0 : i32
        %get3A_241 = tpu.memref_slice %arg4[%while3A_133, %get3A_239, %get3A_240] : memref<2x32x1280xi32, #tpu.memory_space<vmem>> -> memref<1x32x1280xi32, #tpu.memory_space<vmem>>
        %get3A_242 = tpu.memref_squeeze %get3A_241 : memref<1x32x1280xi32, #tpu.memory_space<vmem>> -> memref<32x1280xi32, #tpu.memory_space<vmem>>
        %get3A_243 = arith.index_cast %sub3A_171 : i32 to index
        %get3A_244 = arith.index_cast %add3A_196 : i32 to index
        %get3A_245 = tpu.vector_load %get3A_242[%get3A_243, %get3A_244] {strides = array<i32>} : memref<32x1280xi32, #tpu.memory_space<vmem>>, vector<16xi32>,
        %get3A_246 = arith.constant 0 : i32
        %get3A_247 = arith.constant 0 : i32
        %get3A_248 = tpu.memref_slice %arg4[%while3A_133, %get3A_246, %get3A_247] : memref<2x32x1280xi32, #tpu.memory_space<vmem>> -> memref<1x32x1280xi32, #tpu.memory_space<vmem>>
        %get3A_249 = tpu.memref_squeeze %get3A_248 : memref<1x32x1280xi32, #tpu.memory_space<vmem>> -> memref<32x1280xi32, #tpu.memory_space<vmem>>
        %get3A_250 = arith.index_cast %sub3A_171 : i32 to index
        %get3A_251 = arith.index_cast %add3A_202 : i32 to index
        %get3A_252 = tpu.vector_load %get3A_249[%get3A_250, %get3A_251] {strides = array<i32>} : memref<32x1280xi32, #tpu.memory_space<vmem>>, vector<16xi32>,
        %get3A_253 = arith.constant 0 : i32
        %get3A_254 = arith.constant 0 : i32
        %get3A_255 = tpu.memref_slice %arg4[%while3A_133, %get3A_253, %get3A_254] : memref<2x32x1280xi32, #tpu.memory_space<vmem>> -> memref<1x32x1280xi32, #tpu.memory_space<vmem>>
        %get3A_256 = tpu.memref_squeeze %get3A_255 : memref<1x32x1280xi32, #tpu.memory_space<vmem>> -> memref<32x1280xi32, #tpu.memory_space<vmem>>
        %get3A_257 = arith.index_cast %sub3A_171 : i32 to index
        %get3A_258 = arith.index_cast %add3A_208 : i32 to index
        %get3A_259 = tpu.vector_load %get3A_256[%get3A_257, %get3A_258] {strides = array<i32>} : memref<32x1280xi32, #tpu.memory_space<vmem>>, vector<16xi32>,
        %get3A_260 = arith.constant 0 : i32
        %get3A_261 = arith.constant 0 : i32
        %get3A_262 = tpu.memref_slice %arg4[%while3A_133, %get3A_260, %get3A_261] : memref<2x32x1280xi32, #tpu.memory_space<vmem>> -> memref<1x32x1280xi32, #tpu.memory_space<vmem>>
        %get3A_263 = tpu.memref_squeeze %get3A_262 : memref<1x32x1280xi32, #tpu.memory_space<vmem>> -> memref<32x1280xi32, #tpu.memory_space<vmem>>
        %get3A_264 = arith.index_cast %sub3A_171 : i32 to index
        %get3A_265 = arith.index_cast %add3A_214 : i32 to index
        %get3A_266 = tpu.vector_load %get3A_263[%get3A_264, %get3A_265] {strides = array<i32>} : memref<32x1280xi32, #tpu.memory_space<vmem>>, vector<16xi32>,
        %get3A_267 = arith.constant 0 : i32
        %get3A_268 = arith.constant 0 : i32
        %get3A_269 = tpu.memref_slice %arg4[%while3A_133, %get3A_267, %get3A_268] : memref<2x32x1280xi32, #tpu.memory_space<vmem>> -> memref<1x32x1280xi32, #tpu.memory_space<vmem>>
        %get3A_270 = tpu.memref_squeeze %get3A_269 : memref<1x32x1280xi32, #tpu.memory_space<vmem>> -> memref<32x1280xi32, #tpu.memory_space<vmem>>
        %get3A_271 = arith.index_cast %sub3A_171 : i32 to index
        %get3A_272 = arith.index_cast %add3A_220 : i32 to index
        %get3A_273 = tpu.vector_load %get3A_270[%get3A_271, %get3A_272] {strides = array<i32>} : memref<32x1280xi32, #tpu.memory_space<vmem>>, vector<16xi32>,
        %get3A_274 = arith.constant 0 : i32
        %get3A_275 = arith.constant 0 : i32
        %get3A_276 = tpu.memref_slice %arg4[%while3A_133, %get3A_274, %get3A_275] : memref<2x32x1280xi32, #tpu.memory_space<vmem>> -> memref<1x32x1280xi32, #tpu.memory_space<vmem>>
        %get3A_277 = tpu.memref_squeeze %get3A_276 : memref<1x32x1280xi32, #tpu.memory_space<vmem>> -> memref<32x1280xi32, #tpu.memory_space<vmem>>
        %get3A_278 = arith.index_cast %sub3A_171 : i32 to index
        %get3A_279 = arith.index_cast %add3A_226 : i32 to index
        %get3A_280 = tpu.vector_load %get3A_277[%get3A_278, %get3A_279] {strides = array<i32>} : memref<32x1280xi32, #tpu.memory_space<vmem>>, vector<16xi32>,
        %get3A_281 = arith.constant 0 : i32
        %get3A_282 = arith.constant 0 : i32
        %get3A_283 = tpu.memref_slice %arg4[%while3A_133, %get3A_281, %get3A_282] : memref<2x32x1280xi32, #tpu.memory_space<vmem>> -> memref<1x32x1280xi32, #tpu.memory_space<vmem>>
        %get3A_284 = tpu.memref_squeeze %get3A_283 : memref<1x32x1280xi32, #tpu.memory_space<vmem>> -> memref<32x1280xi32, #tpu.memory_space<vmem>>
        %get3A_285 = arith.index_cast %sub3A_171 : i32 to index
        %get3A_286 = arith.index_cast %add3A_232 : i32 to index
        %get3A_287 = tpu.vector_load %get3A_284[%get3A_285, %get3A_286] {strides = array<i32>} : memref<32x1280xi32, #tpu.memory_space<vmem>>, vector<16xi32>,
        %add3A_288 = vector.broadcast %add3A_190 : i32 to vector<16xi32>
        %add3A_289 = arith.addi %add3A_177, %add3A_288 : vector<16xi32>
        tpu.vector_store_idx %arg5[%get3A_238], %add3A_289 : memref<4096xi32, #tpu.memory_space<vmem>>[vector<16xi32>], vector<16xi32>,
        %add3A_290 = vector.broadcast %add3A_196 : i32 to vector<16xi32>
        %add3A_291 = arith.addi %add3A_177, %add3A_290 : vector<16xi32>
        tpu.vector_store_idx %arg5[%get3A_245], %add3A_291 : memref<4096xi32, #tpu.memory_space<vmem>>[vector<16xi32>], vector<16xi32>,
        %add3A_292 = vector.broadcast %add3A_202 : i32 to vector<16xi32>
        %add3A_293 = arith.addi %add3A_177, %add3A_292 : vector<16xi32>
        tpu.vector_store_idx %arg5[%get3A_252], %add3A_293 : memref<4096xi32, #tpu.memory_space<vmem>>[vector<16xi32>], vector<16xi32>,
        %add3A_294 = vector.broadcast %add3A_208 : i32 to vector<16xi32>
        %add3A_295 = arith.addi %add3A_177, %add3A_294 : vector<16xi32>
        tpu.vector_store_idx %arg5[%get3A_259], %add3A_295 : memref<4096xi32, #tpu.memory_space<vmem>>[vector<16xi32>], vector<16xi32>,
        %add3A_296 = vector.broadcast %add3A_214 : i32 to vector<16xi32>
        %add3A_297 = arith.addi %add3A_177, %add3A_296 : vector<16xi32>
        tpu.vector_store_idx %arg5[%get3A_266], %add3A_297 : memref<4096xi32, #tpu.memory_space<vmem>>[vector<16xi32>], vector<16xi32>,
        %add3A_298 = vector.broadcast %add3A_220 : i32 to vector<16xi32>
        %add3A_299 = arith.addi %add3A_177, %add3A_298 : vector<16xi32>
        tpu.vector_store_idx %arg5[%get3A_273], %add3A_299 : memref<4096xi32, #tpu.memory_space<vmem>>[vector<16xi32>], vector<16xi32>,
        %add3A_300 = vector.broadcast %add3A_226 : i32 to vector<16xi32>
        %add3A_301 = arith.addi %add3A_177, %add3A_300 : vector<16xi32>
        tpu.vector_store_idx %arg5[%get3A_280], %add3A_301 : memref<4096xi32, #tpu.memory_space<vmem>>[vector<16xi32>], vector<16xi32>,
        %add3A_302 = vector.broadcast %add3A_232 : i32 to vector<16xi32>
        %add3A_303 = arith.addi %add3A_177, %add3A_302 : vector<16xi32>
        tpu.vector_store_idx %arg5[%get3A_287], %add3A_303 : memref<4096xi32, #tpu.memory_space<vmem>>[vector<16xi32>], vector<16xi32>,
      }
      %scan3A_183 = arith.constant 10 : i32
    }
    %dma_wait3A_143 = arith.constant 0 : i32
    %dma_wait3A_144 = arith.constant 0 : i32
    %dma_wait3A_145 = arith.constant 0 : i32
    %dma_wait3A_146 = tpu.memref_slice %arg4[%dma_wait3A_143, %dma_wait3A_144, %dma_wait3A_145] : memref<2x32x1280xi32, #tpu.memory_space<vmem>> -> memref<1x32x1280xi32, #tpu.memory_space<vmem>>
    %dma_wait3A_147 = tpu.memref_squeeze %dma_wait3A_146 : memref<1x32x1280xi32, #tpu.memory_space<vmem>> -> memref<32x1280xi32, #tpu.memory_space<vmem>>
    %dma_wait3A_148 = arith.constant 0 : i32
    %dma_wait3A_149 = tpu.memref_slice %arg2[%add3A_118, %dma_wait3A_148] : memref<2160x1280xi32, #tpu.memory_space<hbm>> -> memref<32x1280xi32, #tpu.memory_space<hbm>>
    %dma_wait3A_150 = arith.constant 0 : i32
    %dma_wait3A_151 = arith.constant 0 : i32
    %dma_wait3A_152 = tpu.memref_slice %arg4[%dma_wait3A_143, %dma_wait3A_150, %dma_wait3A_151] : memref<2x32x1280xi32, #tpu.memory_space<vmem>> -> memref<1x32x1280xi32, #tpu.memory_space<vmem>>
    %dma_wait3A_153 = tpu.memref_squeeze %dma_wait3A_152 : memref<1x32x1280xi32, #tpu.memory_space<vmem>> -> memref<32x1280xi32, #tpu.memory_space<vmem>>
    %dma_wait3A_154 = arith.constant 0 : i32
    %dma_wait3A_155 = tpu.memref_slice %arg2[%add3A_118, %dma_wait3A_154] : memref<2160x1280xi32, #tpu.memory_space<hbm>> -> memref<32x1280xi32, #tpu.memory_space<hbm>>
    tpu.wait_dma2 semaphore(%arg6 : memref<!tpu.dma_semaphore, #tpu.memory_space<semaphore_mem>>) src(%dma_wait3A_155 : memref<32x1280xi32, #tpu.memory_space<hbm>>) dst(%dma_wait3A_153 : memref<32x1280xi32, #tpu.memory_space<vmem>>)
    %while3A_156 = arith.constant 0 : i32
    %while3A_157 = arith.constant 0 : i32
    %while3A_158 = arith.constant 0 : i32
    %while3A_159 = arith.subi %min3A_54, %while3A_158 : i32
    %while3A_160 = arith.addi %while3A_158, %while3A_159 : i32
    %while3A_161 = arith.constant 1 : i32
    %while3A_162 = arith.divsi %while3A_159, %while3A_161 : i32
    %while3A_163 = arith.muli %while3A_162, %while3A_161 : i32
    %while3A_164 = arith.addi %while3A_158, %while3A_163 : i32
    %while3A_165 = arith.constant 1 : i32
    scf.for %while3A_169 = %while3A_158 to %while3A_164 step %while3A_165  : i32 {
      %add3A_170 = arith.addi %select_n3A, %while3A_169 : i32
      %sub3A_171 = arith.subi %add3A_170, %min3A_50 : i32
      %mul3A_172 = arith.constant 1280 : i32
      %mul3A_173 = arith.muli %add3A_170, %mul3A_172 : i32
      %add3A_174 = arith.constant 1843200 : i32
      %add3A_175 = arith.addi %add3A_174, %mul3A_173 : i32
      %add3A_176 = vector.broadcast %add3A_175 : i32 to vector<16xi32>
      %add3A_177 = arith.addi %add3A_176, %iota3A : vector<16xi32>
      %scan3A_178 = arith.constant 0 : i32
      %scan3A_179 = arith.constant 0 : i32
      %scan3A_180 = arith.constant 10 : i32
      %scan3A_181 = arith.addi %scan3A_179, %scan3A_180 : i32
      %scan3A_182 = arith.constant 1 : i32
      scf.for %scan3A_184 = %scan3A_179 to %scan3A_181 step %scan3A_182  : i32 {
        %mul3A_185 = arith.constant 16 : i32
        %mul3A_186 = arith.muli %scan3A_184, %mul3A_185 : i32
        %mul3A_187 = arith.constant 8 : i32
        %mul3A_188 = arith.muli %mul3A_186, %mul3A_187 : i32
        %add3A_189 = arith.constant 0 : i32
        %add3A_190 = arith.addi %mul3A_188, %add3A_189 : i32
        %mul3A_191 = arith.constant 16 : i32
        %mul3A_192 = arith.muli %scan3A_184, %mul3A_191 : i32
        %mul3A_193 = arith.constant 8 : i32
        %mul3A_194 = arith.muli %mul3A_192, %mul3A_193 : i32
        %add3A_195 = arith.constant 16 : i32
        %add3A_196 = arith.addi %mul3A_194, %add3A_195 : i32
        %mul3A_197 = arith.constant 16 : i32
        %mul3A_198 = arith.muli %scan3A_184, %mul3A_197 : i32
        %mul3A_199 = arith.constant 8 : i32
        %mul3A_200 = arith.muli %mul3A_198, %mul3A_199 : i32
        %add3A_201 = arith.constant 32 : i32
        %add3A_202 = arith.addi %mul3A_200, %add3A_201 : i32
        %mul3A_203 = arith.constant 16 : i32
        %mul3A_204 = arith.muli %scan3A_184, %mul3A_203 : i32
        %mul3A_205 = arith.constant 8 : i32
        %mul3A_206 = arith.muli %mul3A_204, %mul3A_205 : i32
        %add3A_207 = arith.constant 48 : i32
        %add3A_208 = arith.addi %mul3A_206, %add3A_207 : i32
        %mul3A_209 = arith.constant 16 : i32
        %mul3A_210 = arith.muli %scan3A_184, %mul3A_209 : i32
        %mul3A_211 = arith.constant 8 : i32
        %mul3A_212 = arith.muli %mul3A_210, %mul3A_211 : i32
        %add3A_213 = arith.constant 64 : i32
        %add3A_214 = arith.addi %mul3A_212, %add3A_213 : i32
        %mul3A_215 = arith.constant 16 : i32
        %mul3A_216 = arith.muli %scan3A_184, %mul3A_215 : i32
        %mul3A_217 = arith.constant 8 : i32
        %mul3A_218 = arith.muli %mul3A_216, %mul3A_217 : i32
        %add3A_219 = arith.constant 80 : i32
        %add3A_220 = arith.addi %mul3A_218, %add3A_219 : i32
        %mul3A_221 = arith.constant 16 : i32
        %mul3A_222 = arith.muli %scan3A_184, %mul3A_221 : i32
        %mul3A_223 = arith.constant 8 : i32
        %mul3A_224 = arith.muli %mul3A_222, %mul3A_223 : i32
        %add3A_225 = arith.constant 96 : i32
        %add3A_226 = arith.addi %mul3A_224, %add3A_225 : i32
        %mul3A_227 = arith.constant 16 : i32
        %mul3A_228 = arith.muli %scan3A_184, %mul3A_227 : i32
        %mul3A_229 = arith.constant 8 : i32
        %mul3A_230 = arith.muli %mul3A_228, %mul3A_229 : i32
        %add3A_231 = arith.constant 112 : i32
        %add3A_232 = arith.addi %mul3A_230, %add3A_231 : i32
        %get3A = arith.constant 0 : i32
        %get3A_233 = arith.constant 0 : i32
        %get3A_234 = tpu.memref_slice %arg4[%while3A_157, %get3A, %get3A_233] : memref<2x32x1280xi32, #tpu.memory_space<vmem>> -> memref<1x32x1280xi32, #tpu.memory_space<vmem>>
        %get3A_235 = tpu.memref_squeeze %get3A_234 : memref<1x32x1280xi32, #tpu.memory_space<vmem>> -> memref<32x1280xi32, #tpu.memory_space<vmem>>
        %get3A_236 = arith.index_cast %sub3A_171 : i32 to index
        %get3A_237 = arith.index_cast %add3A_190 : i32 to index
        %get3A_238 = tpu.vector_load %get3A_235[%get3A_236, %get3A_237] {strides = array<i32>} : memref<32x1280xi32, #tpu.memory_space<vmem>>, vector<16xi32>,
        %get3A_239 = arith.constant 0 : i32
        %get3A_240 = arith.constant 0 : i32
        %get3A_241 = tpu.memref_slice %arg4[%while3A_157, %get3A_239, %get3A_240] : memref<2x32x1280xi32, #tpu.memory_space<vmem>> -> memref<1x32x1280xi32, #tpu.memory_space<vmem>>
        %get3A_242 = tpu.memref_squeeze %get3A_241 : memref<1x32x1280xi32, #tpu.memory_space<vmem>> -> memref<32x1280xi32, #tpu.memory_space<vmem>>
        %get3A_243 = arith.index_cast %sub3A_171 : i32 to index
        %get3A_244 = arith.index_cast %add3A_196 : i32 to index
        %get3A_245 = tpu.vector_load %get3A_242[%get3A_243, %get3A_244] {strides = array<i32>} : memref<32x1280xi32, #tpu.memory_space<vmem>>, vector<16xi32>,
        %get3A_246 = arith.constant 0 : i32
        %get3A_247 = arith.constant 0 : i32
        %get3A_248 = tpu.memref_slice %arg4[%while3A_157, %get3A_246, %get3A_247] : memref<2x32x1280xi32, #tpu.memory_space<vmem>> -> memref<1x32x1280xi32, #tpu.memory_space<vmem>>
        %get3A_249 = tpu.memref_squeeze %get3A_248 : memref<1x32x1280xi32, #tpu.memory_space<vmem>> -> memref<32x1280xi32, #tpu.memory_space<vmem>>
        %get3A_250 = arith.index_cast %sub3A_171 : i32 to index
        %get3A_251 = arith.index_cast %add3A_202 : i32 to index
        %get3A_252 = tpu.vector_load %get3A_249[%get3A_250, %get3A_251] {strides = array<i32>} : memref<32x1280xi32, #tpu.memory_space<vmem>>, vector<16xi32>,
        %get3A_253 = arith.constant 0 : i32
        %get3A_254 = arith.constant 0 : i32
        %get3A_255 = tpu.memref_slice %arg4[%while3A_157, %get3A_253, %get3A_254] : memref<2x32x1280xi32, #tpu.memory_space<vmem>> -> memref<1x32x1280xi32, #tpu.memory_space<vmem>>
        %get3A_256 = tpu.memref_squeeze %get3A_255 : memref<1x32x1280xi32, #tpu.memory_space<vmem>> -> memref<32x1280xi32, #tpu.memory_space<vmem>>
        %get3A_257 = arith.index_cast %sub3A_171 : i32 to index
        %get3A_258 = arith.index_cast %add3A_208 : i32 to index
        %get3A_259 = tpu.vector_load %get3A_256[%get3A_257, %get3A_258] {strides = array<i32>} : memref<32x1280xi32, #tpu.memory_space<vmem>>, vector<16xi32>,
        %get3A_260 = arith.constant 0 : i32
        %get3A_261 = arith.constant 0 : i32
        %get3A_262 = tpu.memref_slice %arg4[%while3A_157, %get3A_260, %get3A_261] : memref<2x32x1280xi32, #tpu.memory_space<vmem>> -> memref<1x32x1280xi32, #tpu.memory_space<vmem>>
        %get3A_263 = tpu.memref_squeeze %get3A_262 : memref<1x32x1280xi32, #tpu.memory_space<vmem>> -> memref<32x1280xi32, #tpu.memory_space<vmem>>
        %get3A_264 = arith.index_cast %sub3A_171 : i32 to index
        %get3A_265 = arith.index_cast %add3A_214 : i32 to index
        %get3A_266 = tpu.vector_load %get3A_263[%get3A_264, %get3A_265] {strides = array<i32>} : memref<32x1280xi32, #tpu.memory_space<vmem>>, vector<16xi32>,
        %get3A_267 = arith.constant 0 : i32
        %get3A_268 = arith.constant 0 : i32
        %get3A_269 = tpu.memref_slice %arg4[%while3A_157, %get3A_267, %get3A_268] : memref<2x32x1280xi32, #tpu.memory_space<vmem>> -> memref<1x32x1280xi32, #tpu.memory_space<vmem>>
        %get3A_270 = tpu.memref_squeeze %get3A_269 : memref<1x32x1280xi32, #tpu.memory_space<vmem>> -> memref<32x1280xi32, #tpu.memory_space<vmem>>
        %get3A_271 = arith.index_cast %sub3A_171 : i32 to index
        %get3A_272 = arith.index_cast %add3A_220 : i32 to index
        %get3A_273 = tpu.vector_load %get3A_270[%get3A_271, %get3A_272] {strides = array<i32>} : memref<32x1280xi32, #tpu.memory_space<vmem>>, vector<16xi32>,
        %get3A_274 = arith.constant 0 : i32
        %get3A_275 = arith.constant 0 : i32
        %get3A_276 = tpu.memref_slice %arg4[%while3A_157, %get3A_274, %get3A_275] : memref<2x32x1280xi32, #tpu.memory_space<vmem>> -> memref<1x32x1280xi32, #tpu.memory_space<vmem>>
        %get3A_277 = tpu.memref_squeeze %get3A_276 : memref<1x32x1280xi32, #tpu.memory_space<vmem>> -> memref<32x1280xi32, #tpu.memory_space<vmem>>
        %get3A_278 = arith.index_cast %sub3A_171 : i32 to index
        %get3A_279 = arith.index_cast %add3A_226 : i32 to index
        %get3A_280 = tpu.vector_load %get3A_277[%get3A_278, %get3A_279] {strides = array<i32>} : memref<32x1280xi32, #tpu.memory_space<vmem>>, vector<16xi32>,
        %get3A_281 = arith.constant 0 : i32
        %get3A_282 = arith.constant 0 : i32
        %get3A_283 = tpu.memref_slice %arg4[%while3A_157, %get3A_281, %get3A_282] : memref<2x32x1280xi32, #tpu.memory_space<vmem>> -> memref<1x32x1280xi32, #tpu.memory_space<vmem>>
        %get3A_284 = tpu.memref_squeeze %get3A_283 : memref<1x32x1280xi32, #tpu.memory_space<vmem>> -> memref<32x1280xi32, #tpu.memory_space<vmem>>
        %get3A_285 = arith.index_cast %sub3A_171 : i32 to index
        %get3A_286 = arith.index_cast %add3A_232 : i32 to index
        %get3A_287 = tpu.vector_load %get3A_284[%get3A_285, %get3A_286] {strides = array<i32>} : memref<32x1280xi32, #tpu.memory_space<vmem>>, vector<16xi32>,
        %add3A_288 = vector.broadcast %add3A_190 : i32 to vector<16xi32>
        %add3A_289 = arith.addi %add3A_177, %add3A_288 : vector<16xi32>
        tpu.vector_store_idx %arg5[%get3A_238], %add3A_289 : memref<4096xi32, #tpu.memory_space<vmem>>[vector<16xi32>], vector<16xi32>,
        %add3A_290 = vector.broadcast %add3A_196 : i32 to vector<16xi32>
        %add3A_291 = arith.addi %add3A_177, %add3A_290 : vector<16xi32>
        tpu.vector_store_idx %arg5[%get3A_245], %add3A_291 : memref<4096xi32, #tpu.memory_space<vmem>>[vector<16xi32>], vector<16xi32>,
        %add3A_292 = vector.broadcast %add3A_202 : i32 to vector<16xi32>
        %add3A_293 = arith.addi %add3A_177, %add3A_292 : vector<16xi32>
        tpu.vector_store_idx %arg5[%get3A_252], %add3A_293 : memref<4096xi32, #tpu.memory_space<vmem>>[vector<16xi32>], vector<16xi32>,
        %add3A_294 = vector.broadcast %add3A_208 : i32 to vector<16xi32>
        %add3A_295 = arith.addi %add3A_177, %add3A_294 : vector<16xi32>
        tpu.vector_store_idx %arg5[%get3A_259], %add3A_295 : memref<4096xi32, #tpu.memory_space<vmem>>[vector<16xi32>], vector<16xi32>,
        %add3A_296 = vector.broadcast %add3A_214 : i32 to vector<16xi32>
        %add3A_297 = arith.addi %add3A_177, %add3A_296 : vector<16xi32>
        tpu.vector_store_idx %arg5[%get3A_266], %add3A_297 : memref<4096xi32, #tpu.memory_space<vmem>>[vector<16xi32>], vector<16xi32>,
        %add3A_298 = vector.broadcast %add3A_220 : i32 to vector<16xi32>
        %add3A_299 = arith.addi %add3A_177, %add3A_298 : vector<16xi32>
        tpu.vector_store_idx %arg5[%get3A_273], %add3A_299 : memref<4096xi32, #tpu.memory_space<vmem>>[vector<16xi32>], vector<16xi32>,
        %add3A_300 = vector.broadcast %add3A_226 : i32 to vector<16xi32>
        %add3A_301 = arith.addi %add3A_177, %add3A_300 : vector<16xi32>
        tpu.vector_store_idx %arg5[%get3A_280], %add3A_301 : memref<4096xi32, #tpu.memory_space<vmem>>[vector<16xi32>], vector<16xi32>,
        %add3A_302 = vector.broadcast %add3A_232 : i32 to vector<16xi32>
        %add3A_303 = arith.addi %add3A_177, %add3A_302 : vector<16xi32>
        tpu.vector_store_idx %arg5[%get3A_287], %add3A_303 : memref<4096xi32, #tpu.memory_space<vmem>>[vector<16xi32>], vector<16xi32>,
      }
      %scan3A_183 = arith.constant 10 : i32
    }
    %while3A_166 = arith.constant 1 : i32
    scf.for %while3A_169 = %while3A_164 to %while3A_160 step %while3A_166  : i32 {
      %add3A_170 = arith.addi %select_n3A, %while3A_169 : i32
      %sub3A_171 = arith.subi %add3A_170, %min3A_50 : i32
      %mul3A_172 = arith.constant 1280 : i32
      %mul3A_173 = arith.muli %add3A_170, %mul3A_172 : i32
      %add3A_174 = arith.constant 1843200 : i32
      %add3A_175 = arith.addi %add3A_174, %mul3A_173 : i32
      %add3A_176 = vector.broadcast %add3A_175 : i32 to vector<16xi32>
      %add3A_177 = arith.addi %add3A_176, %iota3A : vector<16xi32>
      %scan3A_178 = arith.constant 0 : i32
      %scan3A_179 = arith.constant 0 : i32
      %scan3A_180 = arith.constant 10 : i32
      %scan3A_181 = arith.addi %scan3A_179, %scan3A_180 : i32
      %scan3A_182 = arith.constant 1 : i32
      scf.for %scan3A_184 = %scan3A_179 to %scan3A_181 step %scan3A_182  : i32 {
        %mul3A_185 = arith.constant 16 : i32
        %mul3A_186 = arith.muli %scan3A_184, %mul3A_185 : i32
        %mul3A_187 = arith.constant 8 : i32
        %mul3A_188 = arith.muli %mul3A_186, %mul3A_187 : i32
        %add3A_189 = arith.constant 0 : i32
        %add3A_190 = arith.addi %mul3A_188, %add3A_189 : i32
        %mul3A_191 = arith.constant 16 : i32
        %mul3A_192 = arith.muli %scan3A_184, %mul3A_191 : i32
        %mul3A_193 = arith.constant 8 : i32
        %mul3A_194 = arith.muli %mul3A_192, %mul3A_193 : i32
        %add3A_195 = arith.constant 16 : i32
        %add3A_196 = arith.addi %mul3A_194, %add3A_195 : i32
        %mul3A_197 = arith.constant 16 : i32
        %mul3A_198 = arith.muli %scan3A_184, %mul3A_197 : i32
        %mul3A_199 = arith.constant 8 : i32
        %mul3A_200 = arith.muli %mul3A_198, %mul3A_199 : i32
        %add3A_201 = arith.constant 32 : i32
        %add3A_202 = arith.addi %mul3A_200, %add3A_201 : i32
        %mul3A_203 = arith.constant 16 : i32
        %mul3A_204 = arith.muli %scan3A_184, %mul3A_203 : i32
        %mul3A_205 = arith.constant 8 : i32
        %mul3A_206 = arith.muli %mul3A_204, %mul3A_205 : i32
        %add3A_207 = arith.constant 48 : i32
        %add3A_208 = arith.addi %mul3A_206, %add3A_207 : i32
        %mul3A_209 = arith.constant 16 : i32
        %mul3A_210 = arith.muli %scan3A_184, %mul3A_209 : i32
        %mul3A_211 = arith.constant 8 : i32
        %mul3A_212 = arith.muli %mul3A_210, %mul3A_211 : i32
        %add3A_213 = arith.constant 64 : i32
        %add3A_214 = arith.addi %mul3A_212, %add3A_213 : i32
        %mul3A_215 = arith.constant 16 : i32
        %mul3A_216 = arith.muli %scan3A_184, %mul3A_215 : i32
        %mul3A_217 = arith.constant 8 : i32
        %mul3A_218 = arith.muli %mul3A_216, %mul3A_217 : i32
        %add3A_219 = arith.constant 80 : i32
        %add3A_220 = arith.addi %mul3A_218, %add3A_219 : i32
        %mul3A_221 = arith.constant 16 : i32
        %mul3A_222 = arith.muli %scan3A_184, %mul3A_221 : i32
        %mul3A_223 = arith.constant 8 : i32
        %mul3A_224 = arith.muli %mul3A_222, %mul3A_223 : i32
        %add3A_225 = arith.constant 96 : i32
        %add3A_226 = arith.addi %mul3A_224, %add3A_225 : i32
        %mul3A_227 = arith.constant 16 : i32
        %mul3A_228 = arith.muli %scan3A_184, %mul3A_227 : i32
        %mul3A_229 = arith.constant 8 : i32
        %mul3A_230 = arith.muli %mul3A_228, %mul3A_229 : i32
        %add3A_231 = arith.constant 112 : i32
        %add3A_232 = arith.addi %mul3A_230, %add3A_231 : i32
        %get3A = arith.constant 0 : i32
        %get3A_233 = arith.constant 0 : i32
        %get3A_234 = tpu.memref_slice %arg4[%while3A_157, %get3A, %get3A_233] : memref<2x32x1280xi32, #tpu.memory_space<vmem>> -> memref<1x32x1280xi32, #tpu.memory_space<vmem>>
        %get3A_235 = tpu.memref_squeeze %get3A_234 : memref<1x32x1280xi32, #tpu.memory_space<vmem>> -> memref<32x1280xi32, #tpu.memory_space<vmem>>
        %get3A_236 = arith.index_cast %sub3A_171 : i32 to index
        %get3A_237 = arith.index_cast %add3A_190 : i32 to index
        %get3A_238 = tpu.vector_load %get3A_235[%get3A_236, %get3A_237] {strides = array<i32>} : memref<32x1280xi32, #tpu.memory_space<vmem>>, vector<16xi32>,
        %get3A_239 = arith.constant 0 : i32
        %get3A_240 = arith.constant 0 : i32
        %get3A_241 = tpu.memref_slice %arg4[%while3A_157, %get3A_239, %get3A_240] : memref<2x32x1280xi32, #tpu.memory_space<vmem>> -> memref<1x32x1280xi32, #tpu.memory_space<vmem>>
        %get3A_242 = tpu.memref_squeeze %get3A_241 : memref<1x32x1280xi32, #tpu.memory_space<vmem>> -> memref<32x1280xi32, #tpu.memory_space<vmem>>
        %get3A_243 = arith.index_cast %sub3A_171 : i32 to index
        %get3A_244 = arith.index_cast %add3A_196 : i32 to index
        %get3A_245 = tpu.vector_load %get3A_242[%get3A_243, %get3A_244] {strides = array<i32>} : memref<32x1280xi32, #tpu.memory_space<vmem>>, vector<16xi32>,
        %get3A_246 = arith.constant 0 : i32
        %get3A_247 = arith.constant 0 : i32
        %get3A_248 = tpu.memref_slice %arg4[%while3A_157, %get3A_246, %get3A_247] : memref<2x32x1280xi32, #tpu.memory_space<vmem>> -> memref<1x32x1280xi32, #tpu.memory_space<vmem>>
        %get3A_249 = tpu.memref_squeeze %get3A_248 : memref<1x32x1280xi32, #tpu.memory_space<vmem>> -> memref<32x1280xi32, #tpu.memory_space<vmem>>
        %get3A_250 = arith.index_cast %sub3A_171 : i32 to index
        %get3A_251 = arith.index_cast %add3A_202 : i32 to index
        %get3A_252 = tpu.vector_load %get3A_249[%get3A_250, %get3A_251] {strides = array<i32>} : memref<32x1280xi32, #tpu.memory_space<vmem>>, vector<16xi32>,
        %get3A_253 = arith.constant 0 : i32
        %get3A_254 = arith.constant 0 : i32
        %get3A_255 = tpu.memref_slice %arg4[%while3A_157, %get3A_253, %get3A_254] : memref<2x32x1280xi32, #tpu.memory_space<vmem>> -> memref<1x32x1280xi32, #tpu.memory_space<vmem>>
        %get3A_256 = tpu.memref_squeeze %get3A_255 : memref<1x32x1280xi32, #tpu.memory_space<vmem>> -> memref<32x1280xi32, #tpu.memory_space<vmem>>
        %get3A_257 = arith.index_cast %sub3A_171 : i32 to index
        %get3A_258 = arith.index_cast %add3A_208 : i32 to index
        %get3A_259 = tpu.vector_load %get3A_256[%get3A_257, %get3A_258] {strides = array<i32>} : memref<32x1280xi32, #tpu.memory_space<vmem>>, vector<16xi32>,
        %get3A_260 = arith.constant 0 : i32
        %get3A_261 = arith.constant 0 : i32
        %get3A_262 = tpu.memref_slice %arg4[%while3A_157, %get3A_260, %get3A_261] : memref<2x32x1280xi32, #tpu.memory_space<vmem>> -> memref<1x32x1280xi32, #tpu.memory_space<vmem>>
        %get3A_263 = tpu.memref_squeeze %get3A_262 : memref<1x32x1280xi32, #tpu.memory_space<vmem>> -> memref<32x1280xi32, #tpu.memory_space<vmem>>
        %get3A_264 = arith.index_cast %sub3A_171 : i32 to index
        %get3A_265 = arith.index_cast %add3A_214 : i32 to index
        %get3A_266 = tpu.vector_load %get3A_263[%get3A_264, %get3A_265] {strides = array<i32>} : memref<32x1280xi32, #tpu.memory_space<vmem>>, vector<16xi32>,
        %get3A_267 = arith.constant 0 : i32
        %get3A_268 = arith.constant 0 : i32
        %get3A_269 = tpu.memref_slice %arg4[%while3A_157, %get3A_267, %get3A_268] : memref<2x32x1280xi32, #tpu.memory_space<vmem>> -> memref<1x32x1280xi32, #tpu.memory_space<vmem>>
        %get3A_270 = tpu.memref_squeeze %get3A_269 : memref<1x32x1280xi32, #tpu.memory_space<vmem>> -> memref<32x1280xi32, #tpu.memory_space<vmem>>
        %get3A_271 = arith.index_cast %sub3A_171 : i32 to index
        %get3A_272 = arith.index_cast %add3A_220 : i32 to index
        %get3A_273 = tpu.vector_load %get3A_270[%get3A_271, %get3A_272] {strides = array<i32>} : memref<32x1280xi32, #tpu.memory_space<vmem>>, vector<16xi32>,
        %get3A_274 = arith.constant 0 : i32
        %get3A_275 = arith.constant 0 : i32
        %get3A_276 = tpu.memref_slice %arg4[%while3A_157, %get3A_274, %get3A_275] : memref<2x32x1280xi32, #tpu.memory_space<vmem>> -> memref<1x32x1280xi32, #tpu.memory_space<vmem>>
        %get3A_277 = tpu.memref_squeeze %get3A_276 : memref<1x32x1280xi32, #tpu.memory_space<vmem>> -> memref<32x1280xi32, #tpu.memory_space<vmem>>
        %get3A_278 = arith.index_cast %sub3A_171 : i32 to index
        %get3A_279 = arith.index_cast %add3A_226 : i32 to index
        %get3A_280 = tpu.vector_load %get3A_277[%get3A_278, %get3A_279] {strides = array<i32>} : memref<32x1280xi32, #tpu.memory_space<vmem>>, vector<16xi32>,
        %get3A_281 = arith.constant 0 : i32
        %get3A_282 = arith.constant 0 : i32
        %get3A_283 = tpu.memref_slice %arg4[%while3A_157, %get3A_281, %get3A_282] : memref<2x32x1280xi32, #tpu.memory_space<vmem>> -> memref<1x32x1280xi32, #tpu.memory_space<vmem>>
        %get3A_284 = tpu.memref_squeeze %get3A_283 : memref<1x32x1280xi32, #tpu.memory_space<vmem>> -> memref<32x1280xi32, #tpu.memory_space<vmem>>
        %get3A_285 = arith.index_cast %sub3A_171 : i32 to index
        %get3A_286 = arith.index_cast %add3A_232 : i32 to index
        %get3A_287 = tpu.vector_load %get3A_284[%get3A_285, %get3A_286] {strides = array<i32>} : memref<32x1280xi32, #tpu.memory_space<vmem>>, vector<16xi32>,
        %add3A_288 = vector.broadcast %add3A_190 : i32 to vector<16xi32>
        %add3A_289 = arith.addi %add3A_177, %add3A_288 : vector<16xi32>
        tpu.vector_store_idx %arg5[%get3A_238], %add3A_289 : memref<4096xi32, #tpu.memory_space<vmem>>[vector<16xi32>], vector<16xi32>,
        %add3A_290 = vector.broadcast %add3A_196 : i32 to vector<16xi32>
        %add3A_291 = arith.addi %add3A_177, %add3A_290 : vector<16xi32>
        tpu.vector_store_idx %arg5[%get3A_245], %add3A_291 : memref<4096xi32, #tpu.memory_space<vmem>>[vector<16xi32>], vector<16xi32>,
        %add3A_292 = vector.broadcast %add3A_202 : i32 to vector<16xi32>
        %add3A_293 = arith.addi %add3A_177, %add3A_292 : vector<16xi32>
        tpu.vector_store_idx %arg5[%get3A_252], %add3A_293 : memref<4096xi32, #tpu.memory_space<vmem>>[vector<16xi32>], vector<16xi32>,
        %add3A_294 = vector.broadcast %add3A_208 : i32 to vector<16xi32>
        %add3A_295 = arith.addi %add3A_177, %add3A_294 : vector<16xi32>
        tpu.vector_store_idx %arg5[%get3A_259], %add3A_295 : memref<4096xi32, #tpu.memory_space<vmem>>[vector<16xi32>], vector<16xi32>,
        %add3A_296 = vector.broadcast %add3A_214 : i32 to vector<16xi32>
        %add3A_297 = arith.addi %add3A_177, %add3A_296 : vector<16xi32>
        tpu.vector_store_idx %arg5[%get3A_266], %add3A_297 : memref<4096xi32, #tpu.memory_space<vmem>>[vector<16xi32>], vector<16xi32>,
        %add3A_298 = vector.broadcast %add3A_220 : i32 to vector<16xi32>
        %add3A_299 = arith.addi %add3A_177, %add3A_298 : vector<16xi32>
        tpu.vector_store_idx %arg5[%get3A_273], %add3A_299 : memref<4096xi32, #tpu.memory_space<vmem>>[vector<16xi32>], vector<16xi32>,
        %add3A_300 = vector.broadcast %add3A_226 : i32 to vector<16xi32>
        %add3A_301 = arith.addi %add3A_177, %add3A_300 : vector<16xi32>
        tpu.vector_store_idx %arg5[%get3A_280], %add3A_301 : memref<4096xi32, #tpu.memory_space<vmem>>[vector<16xi32>], vector<16xi32>,
        %add3A_302 = vector.broadcast %add3A_232 : i32 to vector<16xi32>
        %add3A_303 = arith.addi %add3A_177, %add3A_302 : vector<16xi32>
        tpu.vector_store_idx %arg5[%get3A_287], %add3A_303 : memref<4096xi32, #tpu.memory_space<vmem>>[vector<16xi32>], vector<16xi32>,
      }
      %scan3A_183 = arith.constant 10 : i32
    }
    %mul3A_167 = arith.constant 4096 : i32
    %mul3A_168 = arith.muli %add3A, %mul3A_167 : i32
    "tpu.region"() ({
      %run_scoped3A = tpu.sem_alloc : memref<!tpu.dma_semaphore, #tpu.memory_space<semaphore_mem>>
      %dma_start3A_169 = tpu.memref_slice %arg3[%mul3A_168] : memref<131072xi32, #tpu.memory_space<hbm>> -> memref<4096xi32, #tpu.memory_space<hbm>>
      %dma_start3A_170 = tpu.memref_slice %arg3[%mul3A_168] : memref<131072xi32, #tpu.memory_space<hbm>> -> memref<4096xi32, #tpu.memory_space<hbm>>
      tpu.enqueue_dma source(%arg5 : memref<4096xi32, #tpu.memory_space<vmem>>) target(%dma_start3A_170 : memref<4096xi32, #tpu.memory_space<hbm>>) target_semaphore(%run_scoped3A : memref<!tpu.dma_semaphore, #tpu.memory_space<semaphore_mem>>)
      %dma_wait3A_171 = tpu.memref_slice %arg3[%mul3A_168] : memref<131072xi32, #tpu.memory_space<hbm>> -> memref<4096xi32, #tpu.memory_space<hbm>>
      %dma_wait3A_172 = tpu.memref_slice %arg3[%mul3A_168] : memref<131072xi32, #tpu.memory_space<hbm>> -> memref<4096xi32, #tpu.memory_space<hbm>>
      tpu.wait_dma2 semaphore(%run_scoped3A : memref<!tpu.dma_semaphore, #tpu.memory_space<semaphore_mem>>) src(%arg5 : memref<4096xi32, #tpu.memory_space<vmem>>) dst(%dma_wait3A_172 : memref<4096xi32, #tpu.memory_space<hbm>>)
      tpu.yield
    }) : () -> ()
    return
  }
}

#map = affine_map<(d0, d1) -> (0)>
#map1 = affine_map<(d0, d1) -> (0, 0)>
#map2 = affine_map<(d0, d1) -> (0, 0, 0)>
module attributes {stable_mosaic.version = 14 : i64} {
  func.func @_gather_rows(%arg0: i32, %arg1: i32, %arg2: memref<131072xi32, #tpu.memory_space<hbm>>, %arg3: memref<921600x512xf32, #tpu.memory_space<hbm>>, %arg4: memref<1x2562x512xf32, #tpu.memory_space<hbm>>, %arg5: memref<32x128xi32, #tpu.memory_space<vmem>>, %arg6: memref<128xi32, #tpu.memory_space<vmem>>, %arg7: memref<128xi32, #tpu.memory_space<vmem>>, %arg8: memref<128x512xf32, #tpu.memory_space<vmem>>, %arg9: memref<!tpu.dma_semaphore, #tpu.memory_space<semaphore_mem>>) attributes {dimension_semantics = [#tpu.dimension_semantics<core_parallel>, #tpu.dimension_semantics<subcore_parallel>], iteration_bounds = array<i64: 2, 16>, scalar_prefetch = 0 : i64, scratch_operands = 5 : i64, tpu.core_type = #tpu.core_type<sc_vector_subcore>, window_params = [{transform_indices = #map}, {transform_indices = #map1}, {transform_indices = #map2}]} {
    %mul3A = arith.constant 2 : i32
    %mul3A_0 = arith.muli %arg1, %mul3A : i32
    %add3A = arith.addi %mul3A_0, %arg0 : i32
    %mul3A_1 = arith.constant 128 : i32
    %mul3A_2 = arith.muli %add3A, %mul3A_1 : i32
    %le3A = arith.constant 20 : i32
    %le3A_3 = arith.cmpi sle, %add3A, %le3A : i32
    %convert_element_type3A = arith.extui %le3A_3 : i1 to i32
    %cond3A = arith.constant 0 : i32
    %cond3A_4 = arith.cmpi ne, %convert_element_type3A, %cond3A : i32
    scf.if %cond3A_4 {
      %add3A_5 = arith.constant 0 : i32
      %add3A_6 = arith.addi %add3A_5, %mul3A_2 : i32
      %dma_start3A = arith.constant 0 : i32
      %dma_start3A_7 = arith.constant 0 : i32
      %dma_start3A_8 = tpu.memref_slice %arg5[%dma_start3A, %dma_start3A_7] : memref<32x128xi32, #tpu.memory_space<vmem>> -> memref<1x128xi32, #tpu.memory_space<vmem>>
      %dma_start3A_9 = tpu.memref_squeeze %dma_start3A_8 : memref<1x128xi32, #tpu.memory_space<vmem>> -> memref<128xi32, #tpu.memory_space<vmem>>
      %dma_start3A_10 = tpu.memref_slice %arg2[%add3A_6] : memref<131072xi32, #tpu.memory_space<hbm>> -> memref<128xi32, #tpu.memory_space<hbm>>
      %dma_start3A_11 = arith.constant 0 : i32
      %dma_start3A_12 = tpu.memref_slice %arg5[%dma_start3A, %dma_start3A_11] : memref<32x128xi32, #tpu.memory_space<vmem>> -> memref<1x128xi32, #tpu.memory_space<vmem>>
      %dma_start3A_13 = tpu.memref_squeeze %dma_start3A_12 : memref<1x128xi32, #tpu.memory_space<vmem>> -> memref<128xi32, #tpu.memory_space<vmem>>
      %dma_start3A_14 = tpu.memref_slice %arg2[%add3A_6] : memref<131072xi32, #tpu.memory_space<hbm>> -> memref<128xi32, #tpu.memory_space<hbm>>
      tpu.enqueue_dma source(%dma_start3A_14 : memref<128xi32, #tpu.memory_space<hbm>>) target(%dma_start3A_13 : memref<128xi32, #tpu.memory_space<vmem>>) target_semaphore(%arg9 : memref<!tpu.dma_semaphore, #tpu.memory_space<semaphore_mem>>)
      %add3A_15 = arith.constant 4096 : i32
      %add3A_16 = arith.addi %add3A_15, %mul3A_2 : i32
      %dma_start3A_17 = arith.constant 1 : i32
      %dma_start3A_18 = arith.constant 0 : i32
      %dma_start3A_19 = tpu.memref_slice %arg5[%dma_start3A_17, %dma_start3A_18] : memref<32x128xi32, #tpu.memory_space<vmem>> -> memref<1x128xi32, #tpu.memory_space<vmem>>
      %dma_start3A_20 = tpu.memref_squeeze %dma_start3A_19 : memref<1x128xi32, #tpu.memory_space<vmem>> -> memref<128xi32, #tpu.memory_space<vmem>>
      %dma_start3A_21 = tpu.memref_slice %arg2[%add3A_16] : memref<131072xi32, #tpu.memory_space<hbm>> -> memref<128xi32, #tpu.memory_space<hbm>>
      %dma_start3A_22 = arith.constant 0 : i32
      %dma_start3A_23 = tpu.memref_slice %arg5[%dma_start3A_17, %dma_start3A_22] : memref<32x128xi32, #tpu.memory_space<vmem>> -> memref<1x128xi32, #tpu.memory_space<vmem>>
      %dma_start3A_24 = tpu.memref_squeeze %dma_start3A_23 : memref<1x128xi32, #tpu.memory_space<vmem>> -> memref<128xi32, #tpu.memory_space<vmem>>
      %dma_start3A_25 = tpu.memref_slice %arg2[%add3A_16] : memref<131072xi32, #tpu.memory_space<hbm>> -> memref<128xi32, #tpu.memory_space<hbm>>
      tpu.enqueue_dma source(%dma_start3A_25 : memref<128xi32, #tpu.memory_space<hbm>>) target(%dma_start3A_24 : memref<128xi32, #tpu.memory_space<vmem>>) target_semaphore(%arg9 : memref<!tpu.dma_semaphore, #tpu.memory_space<semaphore_mem>>)
      %add3A_26 = arith.constant 8192 : i32
      %add3A_27 = arith.addi %add3A_26, %mul3A_2 : i32
      %dma_start3A_28 = arith.constant 2 : i32
      %dma_start3A_29 = arith.constant 0 : i32
      %dma_start3A_30 = tpu.memref_slice %arg5[%dma_start3A_28, %dma_start3A_29] : memref<32x128xi32, #tpu.memory_space<vmem>> -> memref<1x128xi32, #tpu.memory_space<vmem>>
      %dma_start3A_31 = tpu.memref_squeeze %dma_start3A_30 : memref<1x128xi32, #tpu.memory_space<vmem>> -> memref<128xi32, #tpu.memory_space<vmem>>
      %dma_start3A_32 = tpu.memref_slice %arg2[%add3A_27] : memref<131072xi32, #tpu.memory_space<hbm>> -> memref<128xi32, #tpu.memory_space<hbm>>
      %dma_start3A_33 = arith.constant 0 : i32
      %dma_start3A_34 = tpu.memref_slice %arg5[%dma_start3A_28, %dma_start3A_33] : memref<32x128xi32, #tpu.memory_space<vmem>> -> memref<1x128xi32, #tpu.memory_space<vmem>>
      %dma_start3A_35 = tpu.memref_squeeze %dma_start3A_34 : memref<1x128xi32, #tpu.memory_space<vmem>> -> memref<128xi32, #tpu.memory_space<vmem>>
      %dma_start3A_36 = tpu.memref_slice %arg2[%add3A_27] : memref<131072xi32, #tpu.memory_space<hbm>> -> memref<128xi32, #tpu.memory_space<hbm>>
      tpu.enqueue_dma source(%dma_start3A_36 : memref<128xi32, #tpu.memory_space<hbm>>) target(%dma_start3A_35 : memref<128xi32, #tpu.memory_space<vmem>>) target_semaphore(%arg9 : memref<!tpu.dma_semaphore, #tpu.memory_space<semaphore_mem>>)
      %add3A_37 = arith.constant 12288 : i32
      %add3A_38 = arith.addi %add3A_37, %mul3A_2 : i32
      %dma_start3A_39 = arith.constant 3 : i32
      %dma_start3A_40 = arith.constant 0 : i32
      %dma_start3A_41 = tpu.memref_slice %arg5[%dma_start3A_39, %dma_start3A_40] : memref<32x128xi32, #tpu.memory_space<vmem>> -> memref<1x128xi32, #tpu.memory_space<vmem>>
      %dma_start3A_42 = tpu.memref_squeeze %dma_start3A_41 : memref<1x128xi32, #tpu.memory_space<vmem>> -> memref<128xi32, #tpu.memory_space<vmem>>
      %dma_start3A_43 = tpu.memref_slice %arg2[%add3A_38] : memref<131072xi32, #tpu.memory_space<hbm>> -> memref<128xi32, #tpu.memory_space<hbm>>
      %dma_start3A_44 = arith.constant 0 : i32
      %dma_start3A_45 = tpu.memref_slice %arg5[%dma_start3A_39, %dma_start3A_44] : memref<32x128xi32, #tpu.memory_space<vmem>> -> memref<1x128xi32, #tpu.memory_space<vmem>>
      %dma_start3A_46 = tpu.memref_squeeze %dma_start3A_45 : memref<1x128xi32, #tpu.memory_space<vmem>> -> memref<128xi32, #tpu.memory_space<vmem>>
      %dma_start3A_47 = tpu.memref_slice %arg2[%add3A_38] : memref<131072xi32, #tpu.memory_space<hbm>> -> memref<128xi32, #tpu.memory_space<hbm>>
      tpu.enqueue_dma source(%dma_start3A_47 : memref<128xi32, #tpu.memory_space<hbm>>) target(%dma_start3A_46 : memref<128xi32, #tpu.memory_space<vmem>>) target_semaphore(%arg9 : memref<!tpu.dma_semaphore, #tpu.memory_space<semaphore_mem>>)
      %add3A_48 = arith.constant 16384 : i32
      %add3A_49 = arith.addi %add3A_48, %mul3A_2 : i32
      %dma_start3A_50 = arith.constant 4 : i32
      %dma_start3A_51 = arith.constant 0 : i32
      %dma_start3A_52 = tpu.memref_slice %arg5[%dma_start3A_50, %dma_start3A_51] : memref<32x128xi32, #tpu.memory_space<vmem>> -> memref<1x128xi32, #tpu.memory_space<vmem>>
      %dma_start3A_53 = tpu.memref_squeeze %dma_start3A_52 : memref<1x128xi32, #tpu.memory_space<vmem>> -> memref<128xi32, #tpu.memory_space<vmem>>
      %dma_start3A_54 = tpu.memref_slice %arg2[%add3A_49] : memref<131072xi32, #tpu.memory_space<hbm>> -> memref<128xi32, #tpu.memory_space<hbm>>
      %dma_start3A_55 = arith.constant 0 : i32
      %dma_start3A_56 = tpu.memref_slice %arg5[%dma_start3A_50, %dma_start3A_55] : memref<32x128xi32, #tpu.memory_space<vmem>> -> memref<1x128xi32, #tpu.memory_space<vmem>>
      %dma_start3A_57 = tpu.memref_squeeze %dma_start3A_56 : memref<1x128xi32, #tpu.memory_space<vmem>> -> memref<128xi32, #tpu.memory_space<vmem>>
      %dma_start3A_58 = tpu.memref_slice %arg2[%add3A_49] : memref<131072xi32, #tpu.memory_space<hbm>> -> memref<128xi32, #tpu.memory_space<hbm>>
      tpu.enqueue_dma source(%dma_start3A_58 : memref<128xi32, #tpu.memory_space<hbm>>) target(%dma_start3A_57 : memref<128xi32, #tpu.memory_space<vmem>>) target_semaphore(%arg9 : memref<!tpu.dma_semaphore, #tpu.memory_space<semaphore_mem>>)
      %add3A_59 = arith.constant 20480 : i32
      %add3A_60 = arith.addi %add3A_59, %mul3A_2 : i32
      %dma_start3A_61 = arith.constant 5 : i32
      %dma_start3A_62 = arith.constant 0 : i32
      %dma_start3A_63 = tpu.memref_slice %arg5[%dma_start3A_61, %dma_start3A_62] : memref<32x128xi32, #tpu.memory_space<vmem>> -> memref<1x128xi32, #tpu.memory_space<vmem>>
      %dma_start3A_64 = tpu.memref_squeeze %dma_start3A_63 : memref<1x128xi32, #tpu.memory_space<vmem>> -> memref<128xi32, #tpu.memory_space<vmem>>
      %dma_start3A_65 = tpu.memref_slice %arg2[%add3A_60] : memref<131072xi32, #tpu.memory_space<hbm>> -> memref<128xi32, #tpu.memory_space<hbm>>
      %dma_start3A_66 = arith.constant 0 : i32
      %dma_start3A_67 = tpu.memref_slice %arg5[%dma_start3A_61, %dma_start3A_66] : memref<32x128xi32, #tpu.memory_space<vmem>> -> memref<1x128xi32, #tpu.memory_space<vmem>>
      %dma_start3A_68 = tpu.memref_squeeze %dma_start3A_67 : memref<1x128xi32, #tpu.memory_space<vmem>> -> memref<128xi32, #tpu.memory_space<vmem>>
      %dma_start3A_69 = tpu.memref_slice %arg2[%add3A_60] : memref<131072xi32, #tpu.memory_space<hbm>> -> memref<128xi32, #tpu.memory_space<hbm>>
      tpu.enqueue_dma source(%dma_start3A_69 : memref<128xi32, #tpu.memory_space<hbm>>) target(%dma_start3A_68 : memref<128xi32, #tpu.memory_space<vmem>>) target_semaphore(%arg9 : memref<!tpu.dma_semaphore, #tpu.memory_space<semaphore_mem>>)
      %add3A_70 = arith.constant 24576 : i32
      %add3A_71 = arith.addi %add3A_70, %mul3A_2 : i32
      %dma_start3A_72 = arith.constant 6 : i32
      %dma_start3A_73 = arith.constant 0 : i32
      %dma_start3A_74 = tpu.memref_slice %arg5[%dma_start3A_72, %dma_start3A_73] : memref<32x128xi32, #tpu.memory_space<vmem>> -> memref<1x128xi32, #tpu.memory_space<vmem>>
      %dma_start3A_75 = tpu.memref_squeeze %dma_start3A_74 : memref<1x128xi32, #tpu.memory_space<vmem>> -> memref<128xi32, #tpu.memory_space<vmem>>
      %dma_start3A_76 = tpu.memref_slice %arg2[%add3A_71] : memref<131072xi32, #tpu.memory_space<hbm>> -> memref<128xi32, #tpu.memory_space<hbm>>
      %dma_start3A_77 = arith.constant 0 : i32
      %dma_start3A_78 = tpu.memref_slice %arg5[%dma_start3A_72, %dma_start3A_77] : memref<32x128xi32, #tpu.memory_space<vmem>> -> memref<1x128xi32, #tpu.memory_space<vmem>>
      %dma_start3A_79 = tpu.memref_squeeze %dma_start3A_78 : memref<1x128xi32, #tpu.memory_space<vmem>> -> memref<128xi32, #tpu.memory_space<vmem>>
      %dma_start3A_80 = tpu.memref_slice %arg2[%add3A_71] : memref<131072xi32, #tpu.memory_space<hbm>> -> memref<128xi32, #tpu.memory_space<hbm>>
      tpu.enqueue_dma source(%dma_start3A_80 : memref<128xi32, #tpu.memory_space<hbm>>) target(%dma_start3A_79 : memref<128xi32, #tpu.memory_space<vmem>>) target_semaphore(%arg9 : memref<!tpu.dma_semaphore, #tpu.memory_space<semaphore_mem>>)
      %add3A_81 = arith.constant 28672 : i32
      %add3A_82 = arith.addi %add3A_81, %mul3A_2 : i32
      %dma_start3A_83 = arith.constant 7 : i32
      %dma_start3A_84 = arith.constant 0 : i32
      %dma_start3A_85 = tpu.memref_slice %arg5[%dma_start3A_83, %dma_start3A_84] : memref<32x128xi32, #tpu.memory_space<vmem>> -> memref<1x128xi32, #tpu.memory_space<vmem>>
      %dma_start3A_86 = tpu.memref_squeeze %dma_start3A_85 : memref<1x128xi32, #tpu.memory_space<vmem>> -> memref<128xi32, #tpu.memory_space<vmem>>
      %dma_start3A_87 = tpu.memref_slice %arg2[%add3A_82] : memref<131072xi32, #tpu.memory_space<hbm>> -> memref<128xi32, #tpu.memory_space<hbm>>
      %dma_start3A_88 = arith.constant 0 : i32
      %dma_start3A_89 = tpu.memref_slice %arg5[%dma_start3A_83, %dma_start3A_88] : memref<32x128xi32, #tpu.memory_space<vmem>> -> memref<1x128xi32, #tpu.memory_space<vmem>>
      %dma_start3A_90 = tpu.memref_squeeze %dma_start3A_89 : memref<1x128xi32, #tpu.memory_space<vmem>> -> memref<128xi32, #tpu.memory_space<vmem>>
      %dma_start3A_91 = tpu.memref_slice %arg2[%add3A_82] : memref<131072xi32, #tpu.memory_space<hbm>> -> memref<128xi32, #tpu.memory_space<hbm>>
      tpu.enqueue_dma source(%dma_start3A_91 : memref<128xi32, #tpu.memory_space<hbm>>) target(%dma_start3A_90 : memref<128xi32, #tpu.memory_space<vmem>>) target_semaphore(%arg9 : memref<!tpu.dma_semaphore, #tpu.memory_space<semaphore_mem>>)
      %add3A_92 = arith.constant 32768 : i32
      %add3A_93 = arith.addi %add3A_92, %mul3A_2 : i32
      %dma_start3A_94 = arith.constant 8 : i32
      %dma_start3A_95 = arith.constant 0 : i32
      %dma_start3A_96 = tpu.memref_slice %arg5[%dma_start3A_94, %dma_start3A_95] : memref<32x128xi32, #tpu.memory_space<vmem>> -> memref<1x128xi32, #tpu.memory_space<vmem>>
      %dma_start3A_97 = tpu.memref_squeeze %dma_start3A_96 : memref<1x128xi32, #tpu.memory_space<vmem>> -> memref<128xi32, #tpu.memory_space<vmem>>
      %dma_start3A_98 = tpu.memref_slice %arg2[%add3A_93] : memref<131072xi32, #tpu.memory_space<hbm>> -> memref<128xi32, #tpu.memory_space<hbm>>
      %dma_start3A_99 = arith.constant 0 : i32
      %dma_start3A_100 = tpu.memref_slice %arg5[%dma_start3A_94, %dma_start3A_99] : memref<32x128xi32, #tpu.memory_space<vmem>> -> memref<1x128xi32, #tpu.memory_space<vmem>>
      %dma_start3A_101 = tpu.memref_squeeze %dma_start3A_100 : memref<1x128xi32, #tpu.memory_space<vmem>> -> memref<128xi32, #tpu.memory_space<vmem>>
      %dma_start3A_102 = tpu.memref_slice %arg2[%add3A_93] : memref<131072xi32, #tpu.memory_space<hbm>> -> memref<128xi32, #tpu.memory_space<hbm>>
      tpu.enqueue_dma source(%dma_start3A_102 : memref<128xi32, #tpu.memory_space<hbm>>) target(%dma_start3A_101 : memref<128xi32, #tpu.memory_space<vmem>>) target_semaphore(%arg9 : memref<!tpu.dma_semaphore, #tpu.memory_space<semaphore_mem>>)
      %add3A_103 = arith.constant 36864 : i32
      %add3A_104 = arith.addi %add3A_103, %mul3A_2 : i32
      %dma_start3A_105 = arith.constant 9 : i32
      %dma_start3A_106 = arith.constant 0 : i32
      %dma_start3A_107 = tpu.memref_slice %arg5[%dma_start3A_105, %dma_start3A_106] : memref<32x128xi32, #tpu.memory_space<vmem>> -> memref<1x128xi32, #tpu.memory_space<vmem>>
      %dma_start3A_108 = tpu.memref_squeeze %dma_start3A_107 : memref<1x128xi32, #tpu.memory_space<vmem>> -> memref<128xi32, #tpu.memory_space<vmem>>
      %dma_start3A_109 = tpu.memref_slice %arg2[%add3A_104] : memref<131072xi32, #tpu.memory_space<hbm>> -> memref<128xi32, #tpu.memory_space<hbm>>
      %dma_start3A_110 = arith.constant 0 : i32
      %dma_start3A_111 = tpu.memref_slice %arg5[%dma_start3A_105, %dma_start3A_110] : memref<32x128xi32, #tpu.memory_space<vmem>> -> memref<1x128xi32, #tpu.memory_space<vmem>>
      %dma_start3A_112 = tpu.memref_squeeze %dma_start3A_111 : memref<1x128xi32, #tpu.memory_space<vmem>> -> memref<128xi32, #tpu.memory_space<vmem>>
      %dma_start3A_113 = tpu.memref_slice %arg2[%add3A_104] : memref<131072xi32, #tpu.memory_space<hbm>> -> memref<128xi32, #tpu.memory_space<hbm>>
      tpu.enqueue_dma source(%dma_start3A_113 : memref<128xi32, #tpu.memory_space<hbm>>) target(%dma_start3A_112 : memref<128xi32, #tpu.memory_space<vmem>>) target_semaphore(%arg9 : memref<!tpu.dma_semaphore, #tpu.memory_space<semaphore_mem>>)
      %add3A_114 = arith.constant 40960 : i32
      %add3A_115 = arith.addi %add3A_114, %mul3A_2 : i32
      %dma_start3A_116 = arith.constant 10 : i32
      %dma_start3A_117 = arith.constant 0 : i32
      %dma_start3A_118 = tpu.memref_slice %arg5[%dma_start3A_116, %dma_start3A_117] : memref<32x128xi32, #tpu.memory_space<vmem>> -> memref<1x128xi32, #tpu.memory_space<vmem>>
      %dma_start3A_119 = tpu.memref_squeeze %dma_start3A_118 : memref<1x128xi32, #tpu.memory_space<vmem>> -> memref<128xi32, #tpu.memory_space<vmem>>
      %dma_start3A_120 = tpu.memref_slice %arg2[%add3A_115] : memref<131072xi32, #tpu.memory_space<hbm>> -> memref<128xi32, #tpu.memory_space<hbm>>
      %dma_start3A_121 = arith.constant 0 : i32
      %dma_start3A_122 = tpu.memref_slice %arg5[%dma_start3A_116, %dma_start3A_121] : memref<32x128xi32, #tpu.memory_space<vmem>> -> memref<1x128xi32, #tpu.memory_space<vmem>>
      %dma_start3A_123 = tpu.memref_squeeze %dma_start3A_122 : memref<1x128xi32, #tpu.memory_space<vmem>> -> memref<128xi32, #tpu.memory_space<vmem>>
      %dma_start3A_124 = tpu.memref_slice %arg2[%add3A_115] : memref<131072xi32, #tpu.memory_space<hbm>> -> memref<128xi32, #tpu.memory_space<hbm>>
      tpu.enqueue_dma source(%dma_start3A_124 : memref<128xi32, #tpu.memory_space<hbm>>) target(%dma_start3A_123 : memref<128xi32, #tpu.memory_space<vmem>>) target_semaphore(%arg9 : memref<!tpu.dma_semaphore, #tpu.memory_space<semaphore_mem>>)
      %add3A_125 = arith.constant 45056 : i32
      %add3A_126 = arith.addi %add3A_125, %mul3A_2 : i32
      %dma_start3A_127 = arith.constant 11 : i32
      %dma_start3A_128 = arith.constant 0 : i32
      %dma_start3A_129 = tpu.memref_slice %arg5[%dma_start3A_127, %dma_start3A_128] : memref<32x128xi32, #tpu.memory_space<vmem>> -> memref<1x128xi32, #tpu.memory_space<vmem>>
      %dma_start3A_130 = tpu.memref_squeeze %dma_start3A_129 : memref<1x128xi32, #tpu.memory_space<vmem>> -> memref<128xi32, #tpu.memory_space<vmem>>
      %dma_start3A_131 = tpu.memref_slice %arg2[%add3A_126] : memref<131072xi32, #tpu.memory_space<hbm>> -> memref<128xi32, #tpu.memory_space<hbm>>
      %dma_start3A_132 = arith.constant 0 : i32
      %dma_start3A_133 = tpu.memref_slice %arg5[%dma_start3A_127, %dma_start3A_132] : memref<32x128xi32, #tpu.memory_space<vmem>> -> memref<1x128xi32, #tpu.memory_space<vmem>>
      %dma_start3A_134 = tpu.memref_squeeze %dma_start3A_133 : memref<1x128xi32, #tpu.memory_space<vmem>> -> memref<128xi32, #tpu.memory_space<vmem>>
      %dma_start3A_135 = tpu.memref_slice %arg2[%add3A_126] : memref<131072xi32, #tpu.memory_space<hbm>> -> memref<128xi32, #tpu.memory_space<hbm>>
      tpu.enqueue_dma source(%dma_start3A_135 : memref<128xi32, #tpu.memory_space<hbm>>) target(%dma_start3A_134 : memref<128xi32, #tpu.memory_space<vmem>>) target_semaphore(%arg9 : memref<!tpu.dma_semaphore, #tpu.memory_space<semaphore_mem>>)
      %add3A_136 = arith.constant 49152 : i32
      %add3A_137 = arith.addi %add3A_136, %mul3A_2 : i32
      %dma_start3A_138 = arith.constant 12 : i32
      %dma_start3A_139 = arith.constant 0 : i32
      %dma_start3A_140 = tpu.memref_slice %arg5[%dma_start3A_138, %dma_start3A_139] : memref<32x128xi32, #tpu.memory_space<vmem>> -> memref<1x128xi32, #tpu.memory_space<vmem>>
      %dma_start3A_141 = tpu.memref_squeeze %dma_start3A_140 : memref<1x128xi32, #tpu.memory_space<vmem>> -> memref<128xi32, #tpu.memory_space<vmem>>
      %dma_start3A_142 = tpu.memref_slice %arg2[%add3A_137] : memref<131072xi32, #tpu.memory_space<hbm>> -> memref<128xi32, #tpu.memory_space<hbm>>
      %dma_start3A_143 = arith.constant 0 : i32
      %dma_start3A_144 = tpu.memref_slice %arg5[%dma_start3A_138, %dma_start3A_143] : memref<32x128xi32, #tpu.memory_space<vmem>> -> memref<1x128xi32, #tpu.memory_space<vmem>>
      %dma_start3A_145 = tpu.memref_squeeze %dma_start3A_144 : memref<1x128xi32, #tpu.memory_space<vmem>> -> memref<128xi32, #tpu.memory_space<vmem>>
      %dma_start3A_146 = tpu.memref_slice %arg2[%add3A_137] : memref<131072xi32, #tpu.memory_space<hbm>> -> memref<128xi32, #tpu.memory_space<hbm>>
      tpu.enqueue_dma source(%dma_start3A_146 : memref<128xi32, #tpu.memory_space<hbm>>) target(%dma_start3A_145 : memref<128xi32, #tpu.memory_space<vmem>>) target_semaphore(%arg9 : memref<!tpu.dma_semaphore, #tpu.memory_space<semaphore_mem>>)
      %add3A_147 = arith.constant 53248 : i32
      %add3A_148 = arith.addi %add3A_147, %mul3A_2 : i32
      %dma_start3A_149 = arith.constant 13 : i32
      %dma_start3A_150 = arith.constant 0 : i32
      %dma_start3A_151 = tpu.memref_slice %arg5[%dma_start3A_149, %dma_start3A_150] : memref<32x128xi32, #tpu.memory_space<vmem>> -> memref<1x128xi32, #tpu.memory_space<vmem>>
      %dma_start3A_152 = tpu.memref_squeeze %dma_start3A_151 : memref<1x128xi32, #tpu.memory_space<vmem>> -> memref<128xi32, #tpu.memory_space<vmem>>
      %dma_start3A_153 = tpu.memref_slice %arg2[%add3A_148] : memref<131072xi32, #tpu.memory_space<hbm>> -> memref<128xi32, #tpu.memory_space<hbm>>
      %dma_start3A_154 = arith.constant 0 : i32
      %dma_start3A_155 = tpu.memref_slice %arg5[%dma_start3A_149, %dma_start3A_154] : memref<32x128xi32, #tpu.memory_space<vmem>> -> memref<1x128xi32, #tpu.memory_space<vmem>>
      %dma_start3A_156 = tpu.memref_squeeze %dma_start3A_155 : memref<1x128xi32, #tpu.memory_space<vmem>> -> memref<128xi32, #tpu.memory_space<vmem>>
      %dma_start3A_157 = tpu.memref_slice %arg2[%add3A_148] : memref<131072xi32, #tpu.memory_space<hbm>> -> memref<128xi32, #tpu.memory_space<hbm>>
      tpu.enqueue_dma source(%dma_start3A_157 : memref<128xi32, #tpu.memory_space<hbm>>) target(%dma_start3A_156 : memref<128xi32, #tpu.memory_space<vmem>>) target_semaphore(%arg9 : memref<!tpu.dma_semaphore, #tpu.memory_space<semaphore_mem>>)
      %add3A_158 = arith.constant 57344 : i32
      %add3A_159 = arith.addi %add3A_158, %mul3A_2 : i32
      %dma_start3A_160 = arith.constant 14 : i32
      %dma_start3A_161 = arith.constant 0 : i32
      %dma_start3A_162 = tpu.memref_slice %arg5[%dma_start3A_160, %dma_start3A_161] : memref<32x128xi32, #tpu.memory_space<vmem>> -> memref<1x128xi32, #tpu.memory_space<vmem>>
      %dma_start3A_163 = tpu.memref_squeeze %dma_start3A_162 : memref<1x128xi32, #tpu.memory_space<vmem>> -> memref<128xi32, #tpu.memory_space<vmem>>
      %dma_start3A_164 = tpu.memref_slice %arg2[%add3A_159] : memref<131072xi32, #tpu.memory_space<hbm>> -> memref<128xi32, #tpu.memory_space<hbm>>
      %dma_start3A_165 = arith.constant 0 : i32
      %dma_start3A_166 = tpu.memref_slice %arg5[%dma_start3A_160, %dma_start3A_165] : memref<32x128xi32, #tpu.memory_space<vmem>> -> memref<1x128xi32, #tpu.memory_space<vmem>>
      %dma_start3A_167 = tpu.memref_squeeze %dma_start3A_166 : memref<1x128xi32, #tpu.memory_space<vmem>> -> memref<128xi32, #tpu.memory_space<vmem>>
      %dma_start3A_168 = tpu.memref_slice %arg2[%add3A_159] : memref<131072xi32, #tpu.memory_space<hbm>> -> memref<128xi32, #tpu.memory_space<hbm>>
      tpu.enqueue_dma source(%dma_start3A_168 : memref<128xi32, #tpu.memory_space<hbm>>) target(%dma_start3A_167 : memref<128xi32, #tpu.memory_space<vmem>>) target_semaphore(%arg9 : memref<!tpu.dma_semaphore, #tpu.memory_space<semaphore_mem>>)
      %add3A_169 = arith.constant 61440 : i32
      %add3A_170 = arith.addi %add3A_169, %mul3A_2 : i32
      %dma_start3A_171 = arith.constant 15 : i32
      %dma_start3A_172 = arith.constant 0 : i32
      %dma_start3A_173 = tpu.memref_slice %arg5[%dma_start3A_171, %dma_start3A_172] : memref<32x128xi32, #tpu.memory_space<vmem>> -> memref<1x128xi32, #tpu.memory_space<vmem>>
      %dma_start3A_174 = tpu.memref_squeeze %dma_start3A_173 : memref<1x128xi32, #tpu.memory_space<vmem>> -> memref<128xi32, #tpu.memory_space<vmem>>
      %dma_start3A_175 = tpu.memref_slice %arg2[%add3A_170] : memref<131072xi32, #tpu.memory_space<hbm>> -> memref<128xi32, #tpu.memory_space<hbm>>
      %dma_start3A_176 = arith.constant 0 : i32
      %dma_start3A_177 = tpu.memref_slice %arg5[%dma_start3A_171, %dma_start3A_176] : memref<32x128xi32, #tpu.memory_space<vmem>> -> memref<1x128xi32, #tpu.memory_space<vmem>>
      %dma_start3A_178 = tpu.memref_squeeze %dma_start3A_177 : memref<1x128xi32, #tpu.memory_space<vmem>> -> memref<128xi32, #tpu.memory_space<vmem>>
      %dma_start3A_179 = tpu.memref_slice %arg2[%add3A_170] : memref<131072xi32, #tpu.memory_space<hbm>> -> memref<128xi32, #tpu.memory_space<hbm>>
      tpu.enqueue_dma source(%dma_start3A_179 : memref<128xi32, #tpu.memory_space<hbm>>) target(%dma_start3A_178 : memref<128xi32, #tpu.memory_space<vmem>>) target_semaphore(%arg9 : memref<!tpu.dma_semaphore, #tpu.memory_space<semaphore_mem>>)
      %add3A_180 = arith.constant 65536 : i32
      %add3A_181 = arith.addi %add3A_180, %mul3A_2 : i32
      %dma_start3A_182 = arith.constant 16 : i32
      %dma_start3A_183 = arith.constant 0 : i32
      %dma_start3A_184 = tpu.memref_slice %arg5[%dma_start3A_182, %dma_start3A_183] : memref<32x128xi32, #tpu.memory_space<vmem>> -> memref<1x128xi32, #tpu.memory_space<vmem>>
      %dma_start3A_185 = tpu.memref_squeeze %dma_start3A_184 : memref<1x128xi32, #tpu.memory_space<vmem>> -> memref<128xi32, #tpu.memory_space<vmem>>
      %dma_start3A_186 = tpu.memref_slice %arg2[%add3A_181] : memref<131072xi32, #tpu.memory_space<hbm>> -> memref<128xi32, #tpu.memory_space<hbm>>
      %dma_start3A_187 = arith.constant 0 : i32
      %dma_start3A_188 = tpu.memref_slice %arg5[%dma_start3A_182, %dma_start3A_187] : memref<32x128xi32, #tpu.memory_space<vmem>> -> memref<1x128xi32, #tpu.memory_space<vmem>>
      %dma_start3A_189 = tpu.memref_squeeze %dma_start3A_188 : memref<1x128xi32, #tpu.memory_space<vmem>> -> memref<128xi32, #tpu.memory_space<vmem>>
      %dma_start3A_190 = tpu.memref_slice %arg2[%add3A_181] : memref<131072xi32, #tpu.memory_space<hbm>> -> memref<128xi32, #tpu.memory_space<hbm>>
      tpu.enqueue_dma source(%dma_start3A_190 : memref<128xi32, #tpu.memory_space<hbm>>) target(%dma_start3A_189 : memref<128xi32, #tpu.memory_space<vmem>>) target_semaphore(%arg9 : memref<!tpu.dma_semaphore, #tpu.memory_space<semaphore_mem>>)
      %add3A_191 = arith.constant 69632 : i32
      %add3A_192 = arith.addi %add3A_191, %mul3A_2 : i32
      %dma_start3A_193 = arith.constant 17 : i32
      %dma_start3A_194 = arith.constant 0 : i32
      %dma_start3A_195 = tpu.memref_slice %arg5[%dma_start3A_193, %dma_start3A_194] : memref<32x128xi32, #tpu.memory_space<vmem>> -> memref<1x128xi32, #tpu.memory_space<vmem>>
      %dma_start3A_196 = tpu.memref_squeeze %dma_start3A_195 : memref<1x128xi32, #tpu.memory_space<vmem>> -> memref<128xi32, #tpu.memory_space<vmem>>
      %dma_start3A_197 = tpu.memref_slice %arg2[%add3A_192] : memref<131072xi32, #tpu.memory_space<hbm>> -> memref<128xi32, #tpu.memory_space<hbm>>
      %dma_start3A_198 = arith.constant 0 : i32
      %dma_start3A_199 = tpu.memref_slice %arg5[%dma_start3A_193, %dma_start3A_198] : memref<32x128xi32, #tpu.memory_space<vmem>> -> memref<1x128xi32, #tpu.memory_space<vmem>>
      %dma_start3A_200 = tpu.memref_squeeze %dma_start3A_199 : memref<1x128xi32, #tpu.memory_space<vmem>> -> memref<128xi32, #tpu.memory_space<vmem>>
      %dma_start3A_201 = tpu.memref_slice %arg2[%add3A_192] : memref<131072xi32, #tpu.memory_space<hbm>> -> memref<128xi32, #tpu.memory_space<hbm>>
      tpu.enqueue_dma source(%dma_start3A_201 : memref<128xi32, #tpu.memory_space<hbm>>) target(%dma_start3A_200 : memref<128xi32, #tpu.memory_space<vmem>>) target_semaphore(%arg9 : memref<!tpu.dma_semaphore, #tpu.memory_space<semaphore_mem>>)
      %add3A_202 = arith.constant 73728 : i32
      %add3A_203 = arith.addi %add3A_202, %mul3A_2 : i32
      %dma_start3A_204 = arith.constant 18 : i32
      %dma_start3A_205 = arith.constant 0 : i32
      %dma_start3A_206 = tpu.memref_slice %arg5[%dma_start3A_204, %dma_start3A_205] : memref<32x128xi32, #tpu.memory_space<vmem>> -> memref<1x128xi32, #tpu.memory_space<vmem>>
      %dma_start3A_207 = tpu.memref_squeeze %dma_start3A_206 : memref<1x128xi32, #tpu.memory_space<vmem>> -> memref<128xi32, #tpu.memory_space<vmem>>
      %dma_start3A_208 = tpu.memref_slice %arg2[%add3A_203] : memref<131072xi32, #tpu.memory_space<hbm>> -> memref<128xi32, #tpu.memory_space<hbm>>
      %dma_start3A_209 = arith.constant 0 : i32
      %dma_start3A_210 = tpu.memref_slice %arg5[%dma_start3A_204, %dma_start3A_209] : memref<32x128xi32, #tpu.memory_space<vmem>> -> memref<1x128xi32, #tpu.memory_space<vmem>>
      %dma_start3A_211 = tpu.memref_squeeze %dma_start3A_210 : memref<1x128xi32, #tpu.memory_space<vmem>> -> memref<128xi32, #tpu.memory_space<vmem>>
      %dma_start3A_212 = tpu.memref_slice %arg2[%add3A_203] : memref<131072xi32, #tpu.memory_space<hbm>> -> memref<128xi32, #tpu.memory_space<hbm>>
      tpu.enqueue_dma source(%dma_start3A_212 : memref<128xi32, #tpu.memory_space<hbm>>) target(%dma_start3A_211 : memref<128xi32, #tpu.memory_space<vmem>>) target_semaphore(%arg9 : memref<!tpu.dma_semaphore, #tpu.memory_space<semaphore_mem>>)
      %add3A_213 = arith.constant 77824 : i32
      %add3A_214 = arith.addi %add3A_213, %mul3A_2 : i32
      %dma_start3A_215 = arith.constant 19 : i32
      %dma_start3A_216 = arith.constant 0 : i32
      %dma_start3A_217 = tpu.memref_slice %arg5[%dma_start3A_215, %dma_start3A_216] : memref<32x128xi32, #tpu.memory_space<vmem>> -> memref<1x128xi32, #tpu.memory_space<vmem>>
      %dma_start3A_218 = tpu.memref_squeeze %dma_start3A_217 : memref<1x128xi32, #tpu.memory_space<vmem>> -> memref<128xi32, #tpu.memory_space<vmem>>
      %dma_start3A_219 = tpu.memref_slice %arg2[%add3A_214] : memref<131072xi32, #tpu.memory_space<hbm>> -> memref<128xi32, #tpu.memory_space<hbm>>
      %dma_start3A_220 = arith.constant 0 : i32
      %dma_start3A_221 = tpu.memref_slice %arg5[%dma_start3A_215, %dma_start3A_220] : memref<32x128xi32, #tpu.memory_space<vmem>> -> memref<1x128xi32, #tpu.memory_space<vmem>>
      %dma_start3A_222 = tpu.memref_squeeze %dma_start3A_221 : memref<1x128xi32, #tpu.memory_space<vmem>> -> memref<128xi32, #tpu.memory_space<vmem>>
      %dma_start3A_223 = tpu.memref_slice %arg2[%add3A_214] : memref<131072xi32, #tpu.memory_space<hbm>> -> memref<128xi32, #tpu.memory_space<hbm>>
      tpu.enqueue_dma source(%dma_start3A_223 : memref<128xi32, #tpu.memory_space<hbm>>) target(%dma_start3A_222 : memref<128xi32, #tpu.memory_space<vmem>>) target_semaphore(%arg9 : memref<!tpu.dma_semaphore, #tpu.memory_space<semaphore_mem>>)
      %add3A_224 = arith.constant 81920 : i32
      %add3A_225 = arith.addi %add3A_224, %mul3A_2 : i32
      %dma_start3A_226 = arith.constant 20 : i32
      %dma_start3A_227 = arith.constant 0 : i32
      %dma_start3A_228 = tpu.memref_slice %arg5[%dma_start3A_226, %dma_start3A_227] : memref<32x128xi32, #tpu.memory_space<vmem>> -> memref<1x128xi32, #tpu.memory_space<vmem>>
      %dma_start3A_229 = tpu.memref_squeeze %dma_start3A_228 : memref<1x128xi32, #tpu.memory_space<vmem>> -> memref<128xi32, #tpu.memory_space<vmem>>
      %dma_start3A_230 = tpu.memref_slice %arg2[%add3A_225] : memref<131072xi32, #tpu.memory_space<hbm>> -> memref<128xi32, #tpu.memory_space<hbm>>
      %dma_start3A_231 = arith.constant 0 : i32
      %dma_start3A_232 = tpu.memref_slice %arg5[%dma_start3A_226, %dma_start3A_231] : memref<32x128xi32, #tpu.memory_space<vmem>> -> memref<1x128xi32, #tpu.memory_space<vmem>>
      %dma_start3A_233 = tpu.memref_squeeze %dma_start3A_232 : memref<1x128xi32, #tpu.memory_space<vmem>> -> memref<128xi32, #tpu.memory_space<vmem>>
      %dma_start3A_234 = tpu.memref_slice %arg2[%add3A_225] : memref<131072xi32, #tpu.memory_space<hbm>> -> memref<128xi32, #tpu.memory_space<hbm>>
      tpu.enqueue_dma source(%dma_start3A_234 : memref<128xi32, #tpu.memory_space<hbm>>) target(%dma_start3A_233 : memref<128xi32, #tpu.memory_space<vmem>>) target_semaphore(%arg9 : memref<!tpu.dma_semaphore, #tpu.memory_space<semaphore_mem>>)
      %add3A_235 = arith.constant 86016 : i32
      %add3A_236 = arith.addi %add3A_235, %mul3A_2 : i32
      %dma_start3A_237 = arith.constant 21 : i32
      %dma_start3A_238 = arith.constant 0 : i32
      %dma_start3A_239 = tpu.memref_slice %arg5[%dma_start3A_237, %dma_start3A_238] : memref<32x128xi32, #tpu.memory_space<vmem>> -> memref<1x128xi32, #tpu.memory_space<vmem>>
      %dma_start3A_240 = tpu.memref_squeeze %dma_start3A_239 : memref<1x128xi32, #tpu.memory_space<vmem>> -> memref<128xi32, #tpu.memory_space<vmem>>
      %dma_start3A_241 = tpu.memref_slice %arg2[%add3A_236] : memref<131072xi32, #tpu.memory_space<hbm>> -> memref<128xi32, #tpu.memory_space<hbm>>
      %dma_start3A_242 = arith.constant 0 : i32
      %dma_start3A_243 = tpu.memref_slice %arg5[%dma_start3A_237, %dma_start3A_242] : memref<32x128xi32, #tpu.memory_space<vmem>> -> memref<1x128xi32, #tpu.memory_space<vmem>>
      %dma_start3A_244 = tpu.memref_squeeze %dma_start3A_243 : memref<1x128xi32, #tpu.memory_space<vmem>> -> memref<128xi32, #tpu.memory_space<vmem>>
      %dma_start3A_245 = tpu.memref_slice %arg2[%add3A_236] : memref<131072xi32, #tpu.memory_space<hbm>> -> memref<128xi32, #tpu.memory_space<hbm>>
      tpu.enqueue_dma source(%dma_start3A_245 : memref<128xi32, #tpu.memory_space<hbm>>) target(%dma_start3A_244 : memref<128xi32, #tpu.memory_space<vmem>>) target_semaphore(%arg9 : memref<!tpu.dma_semaphore, #tpu.memory_space<semaphore_mem>>)
      %add3A_246 = arith.constant 90112 : i32
      %add3A_247 = arith.addi %add3A_246, %mul3A_2 : i32
      %dma_start3A_248 = arith.constant 22 : i32
      %dma_start3A_249 = arith.constant 0 : i32
      %dma_start3A_250 = tpu.memref_slice %arg5[%dma_start3A_248, %dma_start3A_249] : memref<32x128xi32, #tpu.memory_space<vmem>> -> memref<1x128xi32, #tpu.memory_space<vmem>>
      %dma_start3A_251 = tpu.memref_squeeze %dma_start3A_250 : memref<1x128xi32, #tpu.memory_space<vmem>> -> memref<128xi32, #tpu.memory_space<vmem>>
      %dma_start3A_252 = tpu.memref_slice %arg2[%add3A_247] : memref<131072xi32, #tpu.memory_space<hbm>> -> memref<128xi32, #tpu.memory_space<hbm>>
      %dma_start3A_253 = arith.constant 0 : i32
      %dma_start3A_254 = tpu.memref_slice %arg5[%dma_start3A_248, %dma_start3A_253] : memref<32x128xi32, #tpu.memory_space<vmem>> -> memref<1x128xi32, #tpu.memory_space<vmem>>
      %dma_start3A_255 = tpu.memref_squeeze %dma_start3A_254 : memref<1x128xi32, #tpu.memory_space<vmem>> -> memref<128xi32, #tpu.memory_space<vmem>>
      %dma_start3A_256 = tpu.memref_slice %arg2[%add3A_247] : memref<131072xi32, #tpu.memory_space<hbm>> -> memref<128xi32, #tpu.memory_space<hbm>>
      tpu.enqueue_dma source(%dma_start3A_256 : memref<128xi32, #tpu.memory_space<hbm>>) target(%dma_start3A_255 : memref<128xi32, #tpu.memory_space<vmem>>) target_semaphore(%arg9 : memref<!tpu.dma_semaphore, #tpu.memory_space<semaphore_mem>>)
      %add3A_257 = arith.constant 94208 : i32
      %add3A_258 = arith.addi %add3A_257, %mul3A_2 : i32
      %dma_start3A_259 = arith.constant 23 : i32
      %dma_start3A_260 = arith.constant 0 : i32
      %dma_start3A_261 = tpu.memref_slice %arg5[%dma_start3A_259, %dma_start3A_260] : memref<32x128xi32, #tpu.memory_space<vmem>> -> memref<1x128xi32, #tpu.memory_space<vmem>>
      %dma_start3A_262 = tpu.memref_squeeze %dma_start3A_261 : memref<1x128xi32, #tpu.memory_space<vmem>> -> memref<128xi32, #tpu.memory_space<vmem>>
      %dma_start3A_263 = tpu.memref_slice %arg2[%add3A_258] : memref<131072xi32, #tpu.memory_space<hbm>> -> memref<128xi32, #tpu.memory_space<hbm>>
      %dma_start3A_264 = arith.constant 0 : i32
      %dma_start3A_265 = tpu.memref_slice %arg5[%dma_start3A_259, %dma_start3A_264] : memref<32x128xi32, #tpu.memory_space<vmem>> -> memref<1x128xi32, #tpu.memory_space<vmem>>
      %dma_start3A_266 = tpu.memref_squeeze %dma_start3A_265 : memref<1x128xi32, #tpu.memory_space<vmem>> -> memref<128xi32, #tpu.memory_space<vmem>>
      %dma_start3A_267 = tpu.memref_slice %arg2[%add3A_258] : memref<131072xi32, #tpu.memory_space<hbm>> -> memref<128xi32, #tpu.memory_space<hbm>>
      tpu.enqueue_dma source(%dma_start3A_267 : memref<128xi32, #tpu.memory_space<hbm>>) target(%dma_start3A_266 : memref<128xi32, #tpu.memory_space<vmem>>) target_semaphore(%arg9 : memref<!tpu.dma_semaphore, #tpu.memory_space<semaphore_mem>>)
      %add3A_268 = arith.constant 98304 : i32
      %add3A_269 = arith.addi %add3A_268, %mul3A_2 : i32
      %dma_start3A_270 = arith.constant 24 : i32
      %dma_start3A_271 = arith.constant 0 : i32
      %dma_start3A_272 = tpu.memref_slice %arg5[%dma_start3A_270, %dma_start3A_271] : memref<32x128xi32, #tpu.memory_space<vmem>> -> memref<1x128xi32, #tpu.memory_space<vmem>>
      %dma_start3A_273 = tpu.memref_squeeze %dma_start3A_272 : memref<1x128xi32, #tpu.memory_space<vmem>> -> memref<128xi32, #tpu.memory_space<vmem>>
      %dma_start3A_274 = tpu.memref_slice %arg2[%add3A_269] : memref<131072xi32, #tpu.memory_space<hbm>> -> memref<128xi32, #tpu.memory_space<hbm>>
      %dma_start3A_275 = arith.constant 0 : i32
      %dma_start3A_276 = tpu.memref_slice %arg5[%dma_start3A_270, %dma_start3A_275] : memref<32x128xi32, #tpu.memory_space<vmem>> -> memref<1x128xi32, #tpu.memory_space<vmem>>
      %dma_start3A_277 = tpu.memref_squeeze %dma_start3A_276 : memref<1x128xi32, #tpu.memory_space<vmem>> -> memref<128xi32, #tpu.memory_space<vmem>>
      %dma_start3A_278 = tpu.memref_slice %arg2[%add3A_269] : memref<131072xi32, #tpu.memory_space<hbm>> -> memref<128xi32, #tpu.memory_space<hbm>>
      tpu.enqueue_dma source(%dma_start3A_278 : memref<128xi32, #tpu.memory_space<hbm>>) target(%dma_start3A_277 : memref<128xi32, #tpu.memory_space<vmem>>) target_semaphore(%arg9 : memref<!tpu.dma_semaphore, #tpu.memory_space<semaphore_mem>>)
      %add3A_279 = arith.constant 102400 : i32
      %add3A_280 = arith.addi %add3A_279, %mul3A_2 : i32
      %dma_start3A_281 = arith.constant 25 : i32
      %dma_start3A_282 = arith.constant 0 : i32
      %dma_start3A_283 = tpu.memref_slice %arg5[%dma_start3A_281, %dma_start3A_282] : memref<32x128xi32, #tpu.memory_space<vmem>> -> memref<1x128xi32, #tpu.memory_space<vmem>>
      %dma_start3A_284 = tpu.memref_squeeze %dma_start3A_283 : memref<1x128xi32, #tpu.memory_space<vmem>> -> memref<128xi32, #tpu.memory_space<vmem>>
      %dma_start3A_285 = tpu.memref_slice %arg2[%add3A_280] : memref<131072xi32, #tpu.memory_space<hbm>> -> memref<128xi32, #tpu.memory_space<hbm>>
      %dma_start3A_286 = arith.constant 0 : i32
      %dma_start3A_287 = tpu.memref_slice %arg5[%dma_start3A_281, %dma_start3A_286] : memref<32x128xi32, #tpu.memory_space<vmem>> -> memref<1x128xi32, #tpu.memory_space<vmem>>
      %dma_start3A_288 = tpu.memref_squeeze %dma_start3A_287 : memref<1x128xi32, #tpu.memory_space<vmem>> -> memref<128xi32, #tpu.memory_space<vmem>>
      %dma_start3A_289 = tpu.memref_slice %arg2[%add3A_280] : memref<131072xi32, #tpu.memory_space<hbm>> -> memref<128xi32, #tpu.memory_space<hbm>>
      tpu.enqueue_dma source(%dma_start3A_289 : memref<128xi32, #tpu.memory_space<hbm>>) target(%dma_start3A_288 : memref<128xi32, #tpu.memory_space<vmem>>) target_semaphore(%arg9 : memref<!tpu.dma_semaphore, #tpu.memory_space<semaphore_mem>>)
      %add3A_290 = arith.constant 106496 : i32
      %add3A_291 = arith.addi %add3A_290, %mul3A_2 : i32
      %dma_start3A_292 = arith.constant 26 : i32
      %dma_start3A_293 = arith.constant 0 : i32
      %dma_start3A_294 = tpu.memref_slice %arg5[%dma_start3A_292, %dma_start3A_293] : memref<32x128xi32, #tpu.memory_space<vmem>> -> memref<1x128xi32, #tpu.memory_space<vmem>>
      %dma_start3A_295 = tpu.memref_squeeze %dma_start3A_294 : memref<1x128xi32, #tpu.memory_space<vmem>> -> memref<128xi32, #tpu.memory_space<vmem>>
      %dma_start3A_296 = tpu.memref_slice %arg2[%add3A_291] : memref<131072xi32, #tpu.memory_space<hbm>> -> memref<128xi32, #tpu.memory_space<hbm>>
      %dma_start3A_297 = arith.constant 0 : i32
      %dma_start3A_298 = tpu.memref_slice %arg5[%dma_start3A_292, %dma_start3A_297] : memref<32x128xi32, #tpu.memory_space<vmem>> -> memref<1x128xi32, #tpu.memory_space<vmem>>
      %dma_start3A_299 = tpu.memref_squeeze %dma_start3A_298 : memref<1x128xi32, #tpu.memory_space<vmem>> -> memref<128xi32, #tpu.memory_space<vmem>>
      %dma_start3A_300 = tpu.memref_slice %arg2[%add3A_291] : memref<131072xi32, #tpu.memory_space<hbm>> -> memref<128xi32, #tpu.memory_space<hbm>>
      tpu.enqueue_dma source(%dma_start3A_300 : memref<128xi32, #tpu.memory_space<hbm>>) target(%dma_start3A_299 : memref<128xi32, #tpu.memory_space<vmem>>) target_semaphore(%arg9 : memref<!tpu.dma_semaphore, #tpu.memory_space<semaphore_mem>>)
      %add3A_301 = arith.constant 110592 : i32
      %add3A_302 = arith.addi %add3A_301, %mul3A_2 : i32
      %dma_start3A_303 = arith.constant 27 : i32
      %dma_start3A_304 = arith.constant 0 : i32
      %dma_start3A_305 = tpu.memref_slice %arg5[%dma_start3A_303, %dma_start3A_304] : memref<32x128xi32, #tpu.memory_space<vmem>> -> memref<1x128xi32, #tpu.memory_space<vmem>>
      %dma_start3A_306 = tpu.memref_squeeze %dma_start3A_305 : memref<1x128xi32, #tpu.memory_space<vmem>> -> memref<128xi32, #tpu.memory_space<vmem>>
      %dma_start3A_307 = tpu.memref_slice %arg2[%add3A_302] : memref<131072xi32, #tpu.memory_space<hbm>> -> memref<128xi32, #tpu.memory_space<hbm>>
      %dma_start3A_308 = arith.constant 0 : i32
      %dma_start3A_309 = tpu.memref_slice %arg5[%dma_start3A_303, %dma_start3A_308] : memref<32x128xi32, #tpu.memory_space<vmem>> -> memref<1x128xi32, #tpu.memory_space<vmem>>
      %dma_start3A_310 = tpu.memref_squeeze %dma_start3A_309 : memref<1x128xi32, #tpu.memory_space<vmem>> -> memref<128xi32, #tpu.memory_space<vmem>>
      %dma_start3A_311 = tpu.memref_slice %arg2[%add3A_302] : memref<131072xi32, #tpu.memory_space<hbm>> -> memref<128xi32, #tpu.memory_space<hbm>>
      tpu.enqueue_dma source(%dma_start3A_311 : memref<128xi32, #tpu.memory_space<hbm>>) target(%dma_start3A_310 : memref<128xi32, #tpu.memory_space<vmem>>) target_semaphore(%arg9 : memref<!tpu.dma_semaphore, #tpu.memory_space<semaphore_mem>>)
      %add3A_312 = arith.constant 114688 : i32
      %add3A_313 = arith.addi %add3A_312, %mul3A_2 : i32
      %dma_start3A_314 = arith.constant 28 : i32
      %dma_start3A_315 = arith.constant 0 : i32
      %dma_start3A_316 = tpu.memref_slice %arg5[%dma_start3A_314, %dma_start3A_315] : memref<32x128xi32, #tpu.memory_space<vmem>> -> memref<1x128xi32, #tpu.memory_space<vmem>>
      %dma_start3A_317 = tpu.memref_squeeze %dma_start3A_316 : memref<1x128xi32, #tpu.memory_space<vmem>> -> memref<128xi32, #tpu.memory_space<vmem>>
      %dma_start3A_318 = tpu.memref_slice %arg2[%add3A_313] : memref<131072xi32, #tpu.memory_space<hbm>> -> memref<128xi32, #tpu.memory_space<hbm>>
      %dma_start3A_319 = arith.constant 0 : i32
      %dma_start3A_320 = tpu.memref_slice %arg5[%dma_start3A_314, %dma_start3A_319] : memref<32x128xi32, #tpu.memory_space<vmem>> -> memref<1x128xi32, #tpu.memory_space<vmem>>
      %dma_start3A_321 = tpu.memref_squeeze %dma_start3A_320 : memref<1x128xi32, #tpu.memory_space<vmem>> -> memref<128xi32, #tpu.memory_space<vmem>>
      %dma_start3A_322 = tpu.memref_slice %arg2[%add3A_313] : memref<131072xi32, #tpu.memory_space<hbm>> -> memref<128xi32, #tpu.memory_space<hbm>>
      tpu.enqueue_dma source(%dma_start3A_322 : memref<128xi32, #tpu.memory_space<hbm>>) target(%dma_start3A_321 : memref<128xi32, #tpu.memory_space<vmem>>) target_semaphore(%arg9 : memref<!tpu.dma_semaphore, #tpu.memory_space<semaphore_mem>>)
      %add3A_323 = arith.constant 118784 : i32
      %add3A_324 = arith.addi %add3A_323, %mul3A_2 : i32
      %dma_start3A_325 = arith.constant 29 : i32
      %dma_start3A_326 = arith.constant 0 : i32
      %dma_start3A_327 = tpu.memref_slice %arg5[%dma_start3A_325, %dma_start3A_326] : memref<32x128xi32, #tpu.memory_space<vmem>> -> memref<1x128xi32, #tpu.memory_space<vmem>>
      %dma_start3A_328 = tpu.memref_squeeze %dma_start3A_327 : memref<1x128xi32, #tpu.memory_space<vmem>> -> memref<128xi32, #tpu.memory_space<vmem>>
      %dma_start3A_329 = tpu.memref_slice %arg2[%add3A_324] : memref<131072xi32, #tpu.memory_space<hbm>> -> memref<128xi32, #tpu.memory_space<hbm>>
      %dma_start3A_330 = arith.constant 0 : i32
      %dma_start3A_331 = tpu.memref_slice %arg5[%dma_start3A_325, %dma_start3A_330] : memref<32x128xi32, #tpu.memory_space<vmem>> -> memref<1x128xi32, #tpu.memory_space<vmem>>
      %dma_start3A_332 = tpu.memref_squeeze %dma_start3A_331 : memref<1x128xi32, #tpu.memory_space<vmem>> -> memref<128xi32, #tpu.memory_space<vmem>>
      %dma_start3A_333 = tpu.memref_slice %arg2[%add3A_324] : memref<131072xi32, #tpu.memory_space<hbm>> -> memref<128xi32, #tpu.memory_space<hbm>>
      tpu.enqueue_dma source(%dma_start3A_333 : memref<128xi32, #tpu.memory_space<hbm>>) target(%dma_start3A_332 : memref<128xi32, #tpu.memory_space<vmem>>) target_semaphore(%arg9 : memref<!tpu.dma_semaphore, #tpu.memory_space<semaphore_mem>>)
      %add3A_334 = arith.constant 122880 : i32
      %add3A_335 = arith.addi %add3A_334, %mul3A_2 : i32
      %dma_start3A_336 = arith.constant 30 : i32
      %dma_start3A_337 = arith.constant 0 : i32
      %dma_start3A_338 = tpu.memref_slice %arg5[%dma_start3A_336, %dma_start3A_337] : memref<32x128xi32, #tpu.memory_space<vmem>> -> memref<1x128xi32, #tpu.memory_space<vmem>>
      %dma_start3A_339 = tpu.memref_squeeze %dma_start3A_338 : memref<1x128xi32, #tpu.memory_space<vmem>> -> memref<128xi32, #tpu.memory_space<vmem>>
      %dma_start3A_340 = tpu.memref_slice %arg2[%add3A_335] : memref<131072xi32, #tpu.memory_space<hbm>> -> memref<128xi32, #tpu.memory_space<hbm>>
      %dma_start3A_341 = arith.constant 0 : i32
      %dma_start3A_342 = tpu.memref_slice %arg5[%dma_start3A_336, %dma_start3A_341] : memref<32x128xi32, #tpu.memory_space<vmem>> -> memref<1x128xi32, #tpu.memory_space<vmem>>
      %dma_start3A_343 = tpu.memref_squeeze %dma_start3A_342 : memref<1x128xi32, #tpu.memory_space<vmem>> -> memref<128xi32, #tpu.memory_space<vmem>>
      %dma_start3A_344 = tpu.memref_slice %arg2[%add3A_335] : memref<131072xi32, #tpu.memory_space<hbm>> -> memref<128xi32, #tpu.memory_space<hbm>>
      tpu.enqueue_dma source(%dma_start3A_344 : memref<128xi32, #tpu.memory_space<hbm>>) target(%dma_start3A_343 : memref<128xi32, #tpu.memory_space<vmem>>) target_semaphore(%arg9 : memref<!tpu.dma_semaphore, #tpu.memory_space<semaphore_mem>>)
      %add3A_345 = arith.constant 126976 : i32
      %add3A_346 = arith.addi %add3A_345, %mul3A_2 : i32
      %dma_start3A_347 = arith.constant 31 : i32
      %dma_start3A_348 = arith.constant 0 : i32
      %dma_start3A_349 = tpu.memref_slice %arg5[%dma_start3A_347, %dma_start3A_348] : memref<32x128xi32, #tpu.memory_space<vmem>> -> memref<1x128xi32, #tpu.memory_space<vmem>>
      %dma_start3A_350 = tpu.memref_squeeze %dma_start3A_349 : memref<1x128xi32, #tpu.memory_space<vmem>> -> memref<128xi32, #tpu.memory_space<vmem>>
      %dma_start3A_351 = tpu.memref_slice %arg2[%add3A_346] : memref<131072xi32, #tpu.memory_space<hbm>> -> memref<128xi32, #tpu.memory_space<hbm>>
      %dma_start3A_352 = arith.constant 0 : i32
      %dma_start3A_353 = tpu.memref_slice %arg5[%dma_start3A_347, %dma_start3A_352] : memref<32x128xi32, #tpu.memory_space<vmem>> -> memref<1x128xi32, #tpu.memory_space<vmem>>
      %dma_start3A_354 = tpu.memref_squeeze %dma_start3A_353 : memref<1x128xi32, #tpu.memory_space<vmem>> -> memref<128xi32, #tpu.memory_space<vmem>>
      %dma_start3A_355 = tpu.memref_slice %arg2[%add3A_346] : memref<131072xi32, #tpu.memory_space<hbm>> -> memref<128xi32, #tpu.memory_space<hbm>>
      tpu.enqueue_dma source(%dma_start3A_355 : memref<128xi32, #tpu.memory_space<hbm>>) target(%dma_start3A_354 : memref<128xi32, #tpu.memory_space<vmem>>) target_semaphore(%arg9 : memref<!tpu.dma_semaphore, #tpu.memory_space<semaphore_mem>>)
      %dma_wait3A = arith.constant 0 : i32
      %dma_wait3A_356 = arith.constant 0 : i32
      %dma_wait3A_357 = tpu.memref_slice %arg5[%dma_wait3A, %dma_wait3A_356] : memref<32x128xi32, #tpu.memory_space<vmem>> -> memref<1x128xi32, #tpu.memory_space<vmem>>
      %dma_wait3A_358 = tpu.memref_squeeze %dma_wait3A_357 : memref<1x128xi32, #tpu.memory_space<vmem>> -> memref<128xi32, #tpu.memory_space<vmem>>
      %dma_wait3A_359 = tpu.memref_slice %arg2[%add3A_6] : memref<131072xi32, #tpu.memory_space<hbm>> -> memref<128xi32, #tpu.memory_space<hbm>>
      %dma_wait3A_360 = arith.constant 0 : i32
      %dma_wait3A_361 = tpu.memref_slice %arg5[%dma_wait3A, %dma_wait3A_360] : memref<32x128xi32, #tpu.memory_space<vmem>> -> memref<1x128xi32, #tpu.memory_space<vmem>>
      %dma_wait3A_362 = tpu.memref_squeeze %dma_wait3A_361 : memref<1x128xi32, #tpu.memory_space<vmem>> -> memref<128xi32, #tpu.memory_space<vmem>>
      %dma_wait3A_363 = tpu.memref_slice %arg2[%add3A_6] : memref<131072xi32, #tpu.memory_space<hbm>> -> memref<128xi32, #tpu.memory_space<hbm>>
      tpu.wait_dma2 semaphore(%arg9 : memref<!tpu.dma_semaphore, #tpu.memory_space<semaphore_mem>>) src(%dma_wait3A_363 : memref<128xi32, #tpu.memory_space<hbm>>) dst(%dma_wait3A_362 : memref<128xi32, #tpu.memory_space<vmem>>)
      %dma_wait3A_364 = arith.constant 1 : i32
      %dma_wait3A_365 = arith.constant 0 : i32
      %dma_wait3A_366 = tpu.memref_slice %arg5[%dma_wait3A_364, %dma_wait3A_365] : memref<32x128xi32, #tpu.memory_space<vmem>> -> memref<1x128xi32, #tpu.memory_space<vmem>>
      %dma_wait3A_367 = tpu.memref_squeeze %dma_wait3A_366 : memref<1x128xi32, #tpu.memory_space<vmem>> -> memref<128xi32, #tpu.memory_space<vmem>>
      %dma_wait3A_368 = tpu.memref_slice %arg2[%add3A_16] : memref<131072xi32, #tpu.memory_space<hbm>> -> memref<128xi32, #tpu.memory_space<hbm>>
      %dma_wait3A_369 = arith.constant 0 : i32
      %dma_wait3A_370 = tpu.memref_slice %arg5[%dma_wait3A_364, %dma_wait3A_369] : memref<32x128xi32, #tpu.memory_space<vmem>> -> memref<1x128xi32, #tpu.memory_space<vmem>>
      %dma_wait3A_371 = tpu.memref_squeeze %dma_wait3A_370 : memref<1x128xi32, #tpu.memory_space<vmem>> -> memref<128xi32, #tpu.memory_space<vmem>>
      %dma_wait3A_372 = tpu.memref_slice %arg2[%add3A_16] : memref<131072xi32, #tpu.memory_space<hbm>> -> memref<128xi32, #tpu.memory_space<hbm>>
      tpu.wait_dma2 semaphore(%arg9 : memref<!tpu.dma_semaphore, #tpu.memory_space<semaphore_mem>>) src(%dma_wait3A_372 : memref<128xi32, #tpu.memory_space<hbm>>) dst(%dma_wait3A_371 : memref<128xi32, #tpu.memory_space<vmem>>)
      %dma_wait3A_373 = arith.constant 2 : i32
      %dma_wait3A_374 = arith.constant 0 : i32
      %dma_wait3A_375 = tpu.memref_slice %arg5[%dma_wait3A_373, %dma_wait3A_374] : memref<32x128xi32, #tpu.memory_space<vmem>> -> memref<1x128xi32, #tpu.memory_space<vmem>>
      %dma_wait3A_376 = tpu.memref_squeeze %dma_wait3A_375 : memref<1x128xi32, #tpu.memory_space<vmem>> -> memref<128xi32, #tpu.memory_space<vmem>>
      %dma_wait3A_377 = tpu.memref_slice %arg2[%add3A_27] : memref<131072xi32, #tpu.memory_space<hbm>> -> memref<128xi32, #tpu.memory_space<hbm>>
      %dma_wait3A_378 = arith.constant 0 : i32
      %dma_wait3A_379 = tpu.memref_slice %arg5[%dma_wait3A_373, %dma_wait3A_378] : memref<32x128xi32, #tpu.memory_space<vmem>> -> memref<1x128xi32, #tpu.memory_space<vmem>>
      %dma_wait3A_380 = tpu.memref_squeeze %dma_wait3A_379 : memref<1x128xi32, #tpu.memory_space<vmem>> -> memref<128xi32, #tpu.memory_space<vmem>>
      %dma_wait3A_381 = tpu.memref_slice %arg2[%add3A_27] : memref<131072xi32, #tpu.memory_space<hbm>> -> memref<128xi32, #tpu.memory_space<hbm>>
      tpu.wait_dma2 semaphore(%arg9 : memref<!tpu.dma_semaphore, #tpu.memory_space<semaphore_mem>>) src(%dma_wait3A_381 : memref<128xi32, #tpu.memory_space<hbm>>) dst(%dma_wait3A_380 : memref<128xi32, #tpu.memory_space<vmem>>)
      %dma_wait3A_382 = arith.constant 3 : i32
      %dma_wait3A_383 = arith.constant 0 : i32
      %dma_wait3A_384 = tpu.memref_slice %arg5[%dma_wait3A_382, %dma_wait3A_383] : memref<32x128xi32, #tpu.memory_space<vmem>> -> memref<1x128xi32, #tpu.memory_space<vmem>>
      %dma_wait3A_385 = tpu.memref_squeeze %dma_wait3A_384 : memref<1x128xi32, #tpu.memory_space<vmem>> -> memref<128xi32, #tpu.memory_space<vmem>>
      %dma_wait3A_386 = tpu.memref_slice %arg2[%add3A_38] : memref<131072xi32, #tpu.memory_space<hbm>> -> memref<128xi32, #tpu.memory_space<hbm>>
      %dma_wait3A_387 = arith.constant 0 : i32
      %dma_wait3A_388 = tpu.memref_slice %arg5[%dma_wait3A_382, %dma_wait3A_387] : memref<32x128xi32, #tpu.memory_space<vmem>> -> memref<1x128xi32, #tpu.memory_space<vmem>>
      %dma_wait3A_389 = tpu.memref_squeeze %dma_wait3A_388 : memref<1x128xi32, #tpu.memory_space<vmem>> -> memref<128xi32, #tpu.memory_space<vmem>>
      %dma_wait3A_390 = tpu.memref_slice %arg2[%add3A_38] : memref<131072xi32, #tpu.memory_space<hbm>> -> memref<128xi32, #tpu.memory_space<hbm>>
      tpu.wait_dma2 semaphore(%arg9 : memref<!tpu.dma_semaphore, #tpu.memory_space<semaphore_mem>>) src(%dma_wait3A_390 : memref<128xi32, #tpu.memory_space<hbm>>) dst(%dma_wait3A_389 : memref<128xi32, #tpu.memory_space<vmem>>)
      %dma_wait3A_391 = arith.constant 4 : i32
      %dma_wait3A_392 = arith.constant 0 : i32
      %dma_wait3A_393 = tpu.memref_slice %arg5[%dma_wait3A_391, %dma_wait3A_392] : memref<32x128xi32, #tpu.memory_space<vmem>> -> memref<1x128xi32, #tpu.memory_space<vmem>>
      %dma_wait3A_394 = tpu.memref_squeeze %dma_wait3A_393 : memref<1x128xi32, #tpu.memory_space<vmem>> -> memref<128xi32, #tpu.memory_space<vmem>>
      %dma_wait3A_395 = tpu.memref_slice %arg2[%add3A_49] : memref<131072xi32, #tpu.memory_space<hbm>> -> memref<128xi32, #tpu.memory_space<hbm>>
      %dma_wait3A_396 = arith.constant 0 : i32
      %dma_wait3A_397 = tpu.memref_slice %arg5[%dma_wait3A_391, %dma_wait3A_396] : memref<32x128xi32, #tpu.memory_space<vmem>> -> memref<1x128xi32, #tpu.memory_space<vmem>>
      %dma_wait3A_398 = tpu.memref_squeeze %dma_wait3A_397 : memref<1x128xi32, #tpu.memory_space<vmem>> -> memref<128xi32, #tpu.memory_space<vmem>>
      %dma_wait3A_399 = tpu.memref_slice %arg2[%add3A_49] : memref<131072xi32, #tpu.memory_space<hbm>> -> memref<128xi32, #tpu.memory_space<hbm>>
      tpu.wait_dma2 semaphore(%arg9 : memref<!tpu.dma_semaphore, #tpu.memory_space<semaphore_mem>>) src(%dma_wait3A_399 : memref<128xi32, #tpu.memory_space<hbm>>) dst(%dma_wait3A_398 : memref<128xi32, #tpu.memory_space<vmem>>)
      %dma_wait3A_400 = arith.constant 5 : i32
      %dma_wait3A_401 = arith.constant 0 : i32
      %dma_wait3A_402 = tpu.memref_slice %arg5[%dma_wait3A_400, %dma_wait3A_401] : memref<32x128xi32, #tpu.memory_space<vmem>> -> memref<1x128xi32, #tpu.memory_space<vmem>>
      %dma_wait3A_403 = tpu.memref_squeeze %dma_wait3A_402 : memref<1x128xi32, #tpu.memory_space<vmem>> -> memref<128xi32, #tpu.memory_space<vmem>>
      %dma_wait3A_404 = tpu.memref_slice %arg2[%add3A_60] : memref<131072xi32, #tpu.memory_space<hbm>> -> memref<128xi32, #tpu.memory_space<hbm>>
      %dma_wait3A_405 = arith.constant 0 : i32
      %dma_wait3A_406 = tpu.memref_slice %arg5[%dma_wait3A_400, %dma_wait3A_405] : memref<32x128xi32, #tpu.memory_space<vmem>> -> memref<1x128xi32, #tpu.memory_space<vmem>>
      %dma_wait3A_407 = tpu.memref_squeeze %dma_wait3A_406 : memref<1x128xi32, #tpu.memory_space<vmem>> -> memref<128xi32, #tpu.memory_space<vmem>>
      %dma_wait3A_408 = tpu.memref_slice %arg2[%add3A_60] : memref<131072xi32, #tpu.memory_space<hbm>> -> memref<128xi32, #tpu.memory_space<hbm>>
      tpu.wait_dma2 semaphore(%arg9 : memref<!tpu.dma_semaphore, #tpu.memory_space<semaphore_mem>>) src(%dma_wait3A_408 : memref<128xi32, #tpu.memory_space<hbm>>) dst(%dma_wait3A_407 : memref<128xi32, #tpu.memory_space<vmem>>)
      %dma_wait3A_409 = arith.constant 6 : i32
      %dma_wait3A_410 = arith.constant 0 : i32
      %dma_wait3A_411 = tpu.memref_slice %arg5[%dma_wait3A_409, %dma_wait3A_410] : memref<32x128xi32, #tpu.memory_space<vmem>> -> memref<1x128xi32, #tpu.memory_space<vmem>>
      %dma_wait3A_412 = tpu.memref_squeeze %dma_wait3A_411 : memref<1x128xi32, #tpu.memory_space<vmem>> -> memref<128xi32, #tpu.memory_space<vmem>>
      %dma_wait3A_413 = tpu.memref_slice %arg2[%add3A_71] : memref<131072xi32, #tpu.memory_space<hbm>> -> memref<128xi32, #tpu.memory_space<hbm>>
      %dma_wait3A_414 = arith.constant 0 : i32
      %dma_wait3A_415 = tpu.memref_slice %arg5[%dma_wait3A_409, %dma_wait3A_414] : memref<32x128xi32, #tpu.memory_space<vmem>> -> memref<1x128xi32, #tpu.memory_space<vmem>>
      %dma_wait3A_416 = tpu.memref_squeeze %dma_wait3A_415 : memref<1x128xi32, #tpu.memory_space<vmem>> -> memref<128xi32, #tpu.memory_space<vmem>>
      %dma_wait3A_417 = tpu.memref_slice %arg2[%add3A_71] : memref<131072xi32, #tpu.memory_space<hbm>> -> memref<128xi32, #tpu.memory_space<hbm>>
      tpu.wait_dma2 semaphore(%arg9 : memref<!tpu.dma_semaphore, #tpu.memory_space<semaphore_mem>>) src(%dma_wait3A_417 : memref<128xi32, #tpu.memory_space<hbm>>) dst(%dma_wait3A_416 : memref<128xi32, #tpu.memory_space<vmem>>)
      %dma_wait3A_418 = arith.constant 7 : i32
      %dma_wait3A_419 = arith.constant 0 : i32
      %dma_wait3A_420 = tpu.memref_slice %arg5[%dma_wait3A_418, %dma_wait3A_419] : memref<32x128xi32, #tpu.memory_space<vmem>> -> memref<1x128xi32, #tpu.memory_space<vmem>>
      %dma_wait3A_421 = tpu.memref_squeeze %dma_wait3A_420 : memref<1x128xi32, #tpu.memory_space<vmem>> -> memref<128xi32, #tpu.memory_space<vmem>>
      %dma_wait3A_422 = tpu.memref_slice %arg2[%add3A_82] : memref<131072xi32, #tpu.memory_space<hbm>> -> memref<128xi32, #tpu.memory_space<hbm>>
      %dma_wait3A_423 = arith.constant 0 : i32
      %dma_wait3A_424 = tpu.memref_slice %arg5[%dma_wait3A_418, %dma_wait3A_423] : memref<32x128xi32, #tpu.memory_space<vmem>> -> memref<1x128xi32, #tpu.memory_space<vmem>>
      %dma_wait3A_425 = tpu.memref_squeeze %dma_wait3A_424 : memref<1x128xi32, #tpu.memory_space<vmem>> -> memref<128xi32, #tpu.memory_space<vmem>>
      %dma_wait3A_426 = tpu.memref_slice %arg2[%add3A_82] : memref<131072xi32, #tpu.memory_space<hbm>> -> memref<128xi32, #tpu.memory_space<hbm>>
      tpu.wait_dma2 semaphore(%arg9 : memref<!tpu.dma_semaphore, #tpu.memory_space<semaphore_mem>>) src(%dma_wait3A_426 : memref<128xi32, #tpu.memory_space<hbm>>) dst(%dma_wait3A_425 : memref<128xi32, #tpu.memory_space<vmem>>)
      %dma_wait3A_427 = arith.constant 8 : i32
      %dma_wait3A_428 = arith.constant 0 : i32
      %dma_wait3A_429 = tpu.memref_slice %arg5[%dma_wait3A_427, %dma_wait3A_428] : memref<32x128xi32, #tpu.memory_space<vmem>> -> memref<1x128xi32, #tpu.memory_space<vmem>>
      %dma_wait3A_430 = tpu.memref_squeeze %dma_wait3A_429 : memref<1x128xi32, #tpu.memory_space<vmem>> -> memref<128xi32, #tpu.memory_space<vmem>>
      %dma_wait3A_431 = tpu.memref_slice %arg2[%add3A_93] : memref<131072xi32, #tpu.memory_space<hbm>> -> memref<128xi32, #tpu.memory_space<hbm>>
      %dma_wait3A_432 = arith.constant 0 : i32
      %dma_wait3A_433 = tpu.memref_slice %arg5[%dma_wait3A_427, %dma_wait3A_432] : memref<32x128xi32, #tpu.memory_space<vmem>> -> memref<1x128xi32, #tpu.memory_space<vmem>>
      %dma_wait3A_434 = tpu.memref_squeeze %dma_wait3A_433 : memref<1x128xi32, #tpu.memory_space<vmem>> -> memref<128xi32, #tpu.memory_space<vmem>>
      %dma_wait3A_435 = tpu.memref_slice %arg2[%add3A_93] : memref<131072xi32, #tpu.memory_space<hbm>> -> memref<128xi32, #tpu.memory_space<hbm>>
      tpu.wait_dma2 semaphore(%arg9 : memref<!tpu.dma_semaphore, #tpu.memory_space<semaphore_mem>>) src(%dma_wait3A_435 : memref<128xi32, #tpu.memory_space<hbm>>) dst(%dma_wait3A_434 : memref<128xi32, #tpu.memory_space<vmem>>)
      %dma_wait3A_436 = arith.constant 9 : i32
      %dma_wait3A_437 = arith.constant 0 : i32
      %dma_wait3A_438 = tpu.memref_slice %arg5[%dma_wait3A_436, %dma_wait3A_437] : memref<32x128xi32, #tpu.memory_space<vmem>> -> memref<1x128xi32, #tpu.memory_space<vmem>>
      %dma_wait3A_439 = tpu.memref_squeeze %dma_wait3A_438 : memref<1x128xi32, #tpu.memory_space<vmem>> -> memref<128xi32, #tpu.memory_space<vmem>>
      %dma_wait3A_440 = tpu.memref_slice %arg2[%add3A_104] : memref<131072xi32, #tpu.memory_space<hbm>> -> memref<128xi32, #tpu.memory_space<hbm>>
      %dma_wait3A_441 = arith.constant 0 : i32
      %dma_wait3A_442 = tpu.memref_slice %arg5[%dma_wait3A_436, %dma_wait3A_441] : memref<32x128xi32, #tpu.memory_space<vmem>> -> memref<1x128xi32, #tpu.memory_space<vmem>>
      %dma_wait3A_443 = tpu.memref_squeeze %dma_wait3A_442 : memref<1x128xi32, #tpu.memory_space<vmem>> -> memref<128xi32, #tpu.memory_space<vmem>>
      %dma_wait3A_444 = tpu.memref_slice %arg2[%add3A_104] : memref<131072xi32, #tpu.memory_space<hbm>> -> memref<128xi32, #tpu.memory_space<hbm>>
      tpu.wait_dma2 semaphore(%arg9 : memref<!tpu.dma_semaphore, #tpu.memory_space<semaphore_mem>>) src(%dma_wait3A_444 : memref<128xi32, #tpu.memory_space<hbm>>) dst(%dma_wait3A_443 : memref<128xi32, #tpu.memory_space<vmem>>)
      %dma_wait3A_445 = arith.constant 10 : i32
      %dma_wait3A_446 = arith.constant 0 : i32
      %dma_wait3A_447 = tpu.memref_slice %arg5[%dma_wait3A_445, %dma_wait3A_446] : memref<32x128xi32, #tpu.memory_space<vmem>> -> memref<1x128xi32, #tpu.memory_space<vmem>>
      %dma_wait3A_448 = tpu.memref_squeeze %dma_wait3A_447 : memref<1x128xi32, #tpu.memory_space<vmem>> -> memref<128xi32, #tpu.memory_space<vmem>>
      %dma_wait3A_449 = tpu.memref_slice %arg2[%add3A_115] : memref<131072xi32, #tpu.memory_space<hbm>> -> memref<128xi32, #tpu.memory_space<hbm>>
      %dma_wait3A_450 = arith.constant 0 : i32
      %dma_wait3A_451 = tpu.memref_slice %arg5[%dma_wait3A_445, %dma_wait3A_450] : memref<32x128xi32, #tpu.memory_space<vmem>> -> memref<1x128xi32, #tpu.memory_space<vmem>>
      %dma_wait3A_452 = tpu.memref_squeeze %dma_wait3A_451 : memref<1x128xi32, #tpu.memory_space<vmem>> -> memref<128xi32, #tpu.memory_space<vmem>>
      %dma_wait3A_453 = tpu.memref_slice %arg2[%add3A_115] : memref<131072xi32, #tpu.memory_space<hbm>> -> memref<128xi32, #tpu.memory_space<hbm>>
      tpu.wait_dma2 semaphore(%arg9 : memref<!tpu.dma_semaphore, #tpu.memory_space<semaphore_mem>>) src(%dma_wait3A_453 : memref<128xi32, #tpu.memory_space<hbm>>) dst(%dma_wait3A_452 : memref<128xi32, #tpu.memory_space<vmem>>)
      %dma_wait3A_454 = arith.constant 11 : i32
      %dma_wait3A_455 = arith.constant 0 : i32
      %dma_wait3A_456 = tpu.memref_slice %arg5[%dma_wait3A_454, %dma_wait3A_455] : memref<32x128xi32, #tpu.memory_space<vmem>> -> memref<1x128xi32, #tpu.memory_space<vmem>>
      %dma_wait3A_457 = tpu.memref_squeeze %dma_wait3A_456 : memref<1x128xi32, #tpu.memory_space<vmem>> -> memref<128xi32, #tpu.memory_space<vmem>>
      %dma_wait3A_458 = tpu.memref_slice %arg2[%add3A_126] : memref<131072xi32, #tpu.memory_space<hbm>> -> memref<128xi32, #tpu.memory_space<hbm>>
      %dma_wait3A_459 = arith.constant 0 : i32
      %dma_wait3A_460 = tpu.memref_slice %arg5[%dma_wait3A_454, %dma_wait3A_459] : memref<32x128xi32, #tpu.memory_space<vmem>> -> memref<1x128xi32, #tpu.memory_space<vmem>>
      %dma_wait3A_461 = tpu.memref_squeeze %dma_wait3A_460 : memref<1x128xi32, #tpu.memory_space<vmem>> -> memref<128xi32, #tpu.memory_space<vmem>>
      %dma_wait3A_462 = tpu.memref_slice %arg2[%add3A_126] : memref<131072xi32, #tpu.memory_space<hbm>> -> memref<128xi32, #tpu.memory_space<hbm>>
      tpu.wait_dma2 semaphore(%arg9 : memref<!tpu.dma_semaphore, #tpu.memory_space<semaphore_mem>>) src(%dma_wait3A_462 : memref<128xi32, #tpu.memory_space<hbm>>) dst(%dma_wait3A_461 : memref<128xi32, #tpu.memory_space<vmem>>)
      %dma_wait3A_463 = arith.constant 12 : i32
      %dma_wait3A_464 = arith.constant 0 : i32
      %dma_wait3A_465 = tpu.memref_slice %arg5[%dma_wait3A_463, %dma_wait3A_464] : memref<32x128xi32, #tpu.memory_space<vmem>> -> memref<1x128xi32, #tpu.memory_space<vmem>>
      %dma_wait3A_466 = tpu.memref_squeeze %dma_wait3A_465 : memref<1x128xi32, #tpu.memory_space<vmem>> -> memref<128xi32, #tpu.memory_space<vmem>>
      %dma_wait3A_467 = tpu.memref_slice %arg2[%add3A_137] : memref<131072xi32, #tpu.memory_space<hbm>> -> memref<128xi32, #tpu.memory_space<hbm>>
      %dma_wait3A_468 = arith.constant 0 : i32
      %dma_wait3A_469 = tpu.memref_slice %arg5[%dma_wait3A_463, %dma_wait3A_468] : memref<32x128xi32, #tpu.memory_space<vmem>> -> memref<1x128xi32, #tpu.memory_space<vmem>>
      %dma_wait3A_470 = tpu.memref_squeeze %dma_wait3A_469 : memref<1x128xi32, #tpu.memory_space<vmem>> -> memref<128xi32, #tpu.memory_space<vmem>>
      %dma_wait3A_471 = tpu.memref_slice %arg2[%add3A_137] : memref<131072xi32, #tpu.memory_space<hbm>> -> memref<128xi32, #tpu.memory_space<hbm>>
      tpu.wait_dma2 semaphore(%arg9 : memref<!tpu.dma_semaphore, #tpu.memory_space<semaphore_mem>>) src(%dma_wait3A_471 : memref<128xi32, #tpu.memory_space<hbm>>) dst(%dma_wait3A_470 : memref<128xi32, #tpu.memory_space<vmem>>)
      %dma_wait3A_472 = arith.constant 13 : i32
      %dma_wait3A_473 = arith.constant 0 : i32
      %dma_wait3A_474 = tpu.memref_slice %arg5[%dma_wait3A_472, %dma_wait3A_473] : memref<32x128xi32, #tpu.memory_space<vmem>> -> memref<1x128xi32, #tpu.memory_space<vmem>>
      %dma_wait3A_475 = tpu.memref_squeeze %dma_wait3A_474 : memref<1x128xi32, #tpu.memory_space<vmem>> -> memref<128xi32, #tpu.memory_space<vmem>>
      %dma_wait3A_476 = tpu.memref_slice %arg2[%add3A_148] : memref<131072xi32, #tpu.memory_space<hbm>> -> memref<128xi32, #tpu.memory_space<hbm>>
      %dma_wait3A_477 = arith.constant 0 : i32
      %dma_wait3A_478 = tpu.memref_slice %arg5[%dma_wait3A_472, %dma_wait3A_477] : memref<32x128xi32, #tpu.memory_space<vmem>> -> memref<1x128xi32, #tpu.memory_space<vmem>>
      %dma_wait3A_479 = tpu.memref_squeeze %dma_wait3A_478 : memref<1x128xi32, #tpu.memory_space<vmem>> -> memref<128xi32, #tpu.memory_space<vmem>>
      %dma_wait3A_480 = tpu.memref_slice %arg2[%add3A_148] : memref<131072xi32, #tpu.memory_space<hbm>> -> memref<128xi32, #tpu.memory_space<hbm>>
      tpu.wait_dma2 semaphore(%arg9 : memref<!tpu.dma_semaphore, #tpu.memory_space<semaphore_mem>>) src(%dma_wait3A_480 : memref<128xi32, #tpu.memory_space<hbm>>) dst(%dma_wait3A_479 : memref<128xi32, #tpu.memory_space<vmem>>)
      %dma_wait3A_481 = arith.constant 14 : i32
      %dma_wait3A_482 = arith.constant 0 : i32
      %dma_wait3A_483 = tpu.memref_slice %arg5[%dma_wait3A_481, %dma_wait3A_482] : memref<32x128xi32, #tpu.memory_space<vmem>> -> memref<1x128xi32, #tpu.memory_space<vmem>>
      %dma_wait3A_484 = tpu.memref_squeeze %dma_wait3A_483 : memref<1x128xi32, #tpu.memory_space<vmem>> -> memref<128xi32, #tpu.memory_space<vmem>>
      %dma_wait3A_485 = tpu.memref_slice %arg2[%add3A_159] : memref<131072xi32, #tpu.memory_space<hbm>> -> memref<128xi32, #tpu.memory_space<hbm>>
      %dma_wait3A_486 = arith.constant 0 : i32
      %dma_wait3A_487 = tpu.memref_slice %arg5[%dma_wait3A_481, %dma_wait3A_486] : memref<32x128xi32, #tpu.memory_space<vmem>> -> memref<1x128xi32, #tpu.memory_space<vmem>>
      %dma_wait3A_488 = tpu.memref_squeeze %dma_wait3A_487 : memref<1x128xi32, #tpu.memory_space<vmem>> -> memref<128xi32, #tpu.memory_space<vmem>>
      %dma_wait3A_489 = tpu.memref_slice %arg2[%add3A_159] : memref<131072xi32, #tpu.memory_space<hbm>> -> memref<128xi32, #tpu.memory_space<hbm>>
      tpu.wait_dma2 semaphore(%arg9 : memref<!tpu.dma_semaphore, #tpu.memory_space<semaphore_mem>>) src(%dma_wait3A_489 : memref<128xi32, #tpu.memory_space<hbm>>) dst(%dma_wait3A_488 : memref<128xi32, #tpu.memory_space<vmem>>)
      %dma_wait3A_490 = arith.constant 15 : i32
      %dma_wait3A_491 = arith.constant 0 : i32
      %dma_wait3A_492 = tpu.memref_slice %arg5[%dma_wait3A_490, %dma_wait3A_491] : memref<32x128xi32, #tpu.memory_space<vmem>> -> memref<1x128xi32, #tpu.memory_space<vmem>>
      %dma_wait3A_493 = tpu.memref_squeeze %dma_wait3A_492 : memref<1x128xi32, #tpu.memory_space<vmem>> -> memref<128xi32, #tpu.memory_space<vmem>>
      %dma_wait3A_494 = tpu.memref_slice %arg2[%add3A_170] : memref<131072xi32, #tpu.memory_space<hbm>> -> memref<128xi32, #tpu.memory_space<hbm>>
      %dma_wait3A_495 = arith.constant 0 : i32
      %dma_wait3A_496 = tpu.memref_slice %arg5[%dma_wait3A_490, %dma_wait3A_495] : memref<32x128xi32, #tpu.memory_space<vmem>> -> memref<1x128xi32, #tpu.memory_space<vmem>>
      %dma_wait3A_497 = tpu.memref_squeeze %dma_wait3A_496 : memref<1x128xi32, #tpu.memory_space<vmem>> -> memref<128xi32, #tpu.memory_space<vmem>>
      %dma_wait3A_498 = tpu.memref_slice %arg2[%add3A_170] : memref<131072xi32, #tpu.memory_space<hbm>> -> memref<128xi32, #tpu.memory_space<hbm>>
      tpu.wait_dma2 semaphore(%arg9 : memref<!tpu.dma_semaphore, #tpu.memory_space<semaphore_mem>>) src(%dma_wait3A_498 : memref<128xi32, #tpu.memory_space<hbm>>) dst(%dma_wait3A_497 : memref<128xi32, #tpu.memory_space<vmem>>)
      %dma_wait3A_499 = arith.constant 16 : i32
      %dma_wait3A_500 = arith.constant 0 : i32
      %dma_wait3A_501 = tpu.memref_slice %arg5[%dma_wait3A_499, %dma_wait3A_500] : memref<32x128xi32, #tpu.memory_space<vmem>> -> memref<1x128xi32, #tpu.memory_space<vmem>>
      %dma_wait3A_502 = tpu.memref_squeeze %dma_wait3A_501 : memref<1x128xi32, #tpu.memory_space<vmem>> -> memref<128xi32, #tpu.memory_space<vmem>>
      %dma_wait3A_503 = tpu.memref_slice %arg2[%add3A_181] : memref<131072xi32, #tpu.memory_space<hbm>> -> memref<128xi32, #tpu.memory_space<hbm>>
      %dma_wait3A_504 = arith.constant 0 : i32
      %dma_wait3A_505 = tpu.memref_slice %arg5[%dma_wait3A_499, %dma_wait3A_504] : memref<32x128xi32, #tpu.memory_space<vmem>> -> memref<1x128xi32, #tpu.memory_space<vmem>>
      %dma_wait3A_506 = tpu.memref_squeeze %dma_wait3A_505 : memref<1x128xi32, #tpu.memory_space<vmem>> -> memref<128xi32, #tpu.memory_space<vmem>>
      %dma_wait3A_507 = tpu.memref_slice %arg2[%add3A_181] : memref<131072xi32, #tpu.memory_space<hbm>> -> memref<128xi32, #tpu.memory_space<hbm>>
      tpu.wait_dma2 semaphore(%arg9 : memref<!tpu.dma_semaphore, #tpu.memory_space<semaphore_mem>>) src(%dma_wait3A_507 : memref<128xi32, #tpu.memory_space<hbm>>) dst(%dma_wait3A_506 : memref<128xi32, #tpu.memory_space<vmem>>)
      %dma_wait3A_508 = arith.constant 17 : i32
      %dma_wait3A_509 = arith.constant 0 : i32
      %dma_wait3A_510 = tpu.memref_slice %arg5[%dma_wait3A_508, %dma_wait3A_509] : memref<32x128xi32, #tpu.memory_space<vmem>> -> memref<1x128xi32, #tpu.memory_space<vmem>>
      %dma_wait3A_511 = tpu.memref_squeeze %dma_wait3A_510 : memref<1x128xi32, #tpu.memory_space<vmem>> -> memref<128xi32, #tpu.memory_space<vmem>>
      %dma_wait3A_512 = tpu.memref_slice %arg2[%add3A_192] : memref<131072xi32, #tpu.memory_space<hbm>> -> memref<128xi32, #tpu.memory_space<hbm>>
      %dma_wait3A_513 = arith.constant 0 : i32
      %dma_wait3A_514 = tpu.memref_slice %arg5[%dma_wait3A_508, %dma_wait3A_513] : memref<32x128xi32, #tpu.memory_space<vmem>> -> memref<1x128xi32, #tpu.memory_space<vmem>>
      %dma_wait3A_515 = tpu.memref_squeeze %dma_wait3A_514 : memref<1x128xi32, #tpu.memory_space<vmem>> -> memref<128xi32, #tpu.memory_space<vmem>>
      %dma_wait3A_516 = tpu.memref_slice %arg2[%add3A_192] : memref<131072xi32, #tpu.memory_space<hbm>> -> memref<128xi32, #tpu.memory_space<hbm>>
      tpu.wait_dma2 semaphore(%arg9 : memref<!tpu.dma_semaphore, #tpu.memory_space<semaphore_mem>>) src(%dma_wait3A_516 : memref<128xi32, #tpu.memory_space<hbm>>) dst(%dma_wait3A_515 : memref<128xi32, #tpu.memory_space<vmem>>)
      %dma_wait3A_517 = arith.constant 18 : i32
      %dma_wait3A_518 = arith.constant 0 : i32
      %dma_wait3A_519 = tpu.memref_slice %arg5[%dma_wait3A_517, %dma_wait3A_518] : memref<32x128xi32, #tpu.memory_space<vmem>> -> memref<1x128xi32, #tpu.memory_space<vmem>>
      %dma_wait3A_520 = tpu.memref_squeeze %dma_wait3A_519 : memref<1x128xi32, #tpu.memory_space<vmem>> -> memref<128xi32, #tpu.memory_space<vmem>>
      %dma_wait3A_521 = tpu.memref_slice %arg2[%add3A_203] : memref<131072xi32, #tpu.memory_space<hbm>> -> memref<128xi32, #tpu.memory_space<hbm>>
      %dma_wait3A_522 = arith.constant 0 : i32
      %dma_wait3A_523 = tpu.memref_slice %arg5[%dma_wait3A_517, %dma_wait3A_522] : memref<32x128xi32, #tpu.memory_space<vmem>> -> memref<1x128xi32, #tpu.memory_space<vmem>>
      %dma_wait3A_524 = tpu.memref_squeeze %dma_wait3A_523 : memref<1x128xi32, #tpu.memory_space<vmem>> -> memref<128xi32, #tpu.memory_space<vmem>>
      %dma_wait3A_525 = tpu.memref_slice %arg2[%add3A_203] : memref<131072xi32, #tpu.memory_space<hbm>> -> memref<128xi32, #tpu.memory_space<hbm>>
      tpu.wait_dma2 semaphore(%arg9 : memref<!tpu.dma_semaphore, #tpu.memory_space<semaphore_mem>>) src(%dma_wait3A_525 : memref<128xi32, #tpu.memory_space<hbm>>) dst(%dma_wait3A_524 : memref<128xi32, #tpu.memory_space<vmem>>)
      %dma_wait3A_526 = arith.constant 19 : i32
      %dma_wait3A_527 = arith.constant 0 : i32
      %dma_wait3A_528 = tpu.memref_slice %arg5[%dma_wait3A_526, %dma_wait3A_527] : memref<32x128xi32, #tpu.memory_space<vmem>> -> memref<1x128xi32, #tpu.memory_space<vmem>>
      %dma_wait3A_529 = tpu.memref_squeeze %dma_wait3A_528 : memref<1x128xi32, #tpu.memory_space<vmem>> -> memref<128xi32, #tpu.memory_space<vmem>>
      %dma_wait3A_530 = tpu.memref_slice %arg2[%add3A_214] : memref<131072xi32, #tpu.memory_space<hbm>> -> memref<128xi32, #tpu.memory_space<hbm>>
      %dma_wait3A_531 = arith.constant 0 : i32
      %dma_wait3A_532 = tpu.memref_slice %arg5[%dma_wait3A_526, %dma_wait3A_531] : memref<32x128xi32, #tpu.memory_space<vmem>> -> memref<1x128xi32, #tpu.memory_space<vmem>>
      %dma_wait3A_533 = tpu.memref_squeeze %dma_wait3A_532 : memref<1x128xi32, #tpu.memory_space<vmem>> -> memref<128xi32, #tpu.memory_space<vmem>>
      %dma_wait3A_534 = tpu.memref_slice %arg2[%add3A_214] : memref<131072xi32, #tpu.memory_space<hbm>> -> memref<128xi32, #tpu.memory_space<hbm>>
      tpu.wait_dma2 semaphore(%arg9 : memref<!tpu.dma_semaphore, #tpu.memory_space<semaphore_mem>>) src(%dma_wait3A_534 : memref<128xi32, #tpu.memory_space<hbm>>) dst(%dma_wait3A_533 : memref<128xi32, #tpu.memory_space<vmem>>)
      %dma_wait3A_535 = arith.constant 20 : i32
      %dma_wait3A_536 = arith.constant 0 : i32
      %dma_wait3A_537 = tpu.memref_slice %arg5[%dma_wait3A_535, %dma_wait3A_536] : memref<32x128xi32, #tpu.memory_space<vmem>> -> memref<1x128xi32, #tpu.memory_space<vmem>>
      %dma_wait3A_538 = tpu.memref_squeeze %dma_wait3A_537 : memref<1x128xi32, #tpu.memory_space<vmem>> -> memref<128xi32, #tpu.memory_space<vmem>>
      %dma_wait3A_539 = tpu.memref_slice %arg2[%add3A_225] : memref<131072xi32, #tpu.memory_space<hbm>> -> memref<128xi32, #tpu.memory_space<hbm>>
      %dma_wait3A_540 = arith.constant 0 : i32
      %dma_wait3A_541 = tpu.memref_slice %arg5[%dma_wait3A_535, %dma_wait3A_540] : memref<32x128xi32, #tpu.memory_space<vmem>> -> memref<1x128xi32, #tpu.memory_space<vmem>>
      %dma_wait3A_542 = tpu.memref_squeeze %dma_wait3A_541 : memref<1x128xi32, #tpu.memory_space<vmem>> -> memref<128xi32, #tpu.memory_space<vmem>>
      %dma_wait3A_543 = tpu.memref_slice %arg2[%add3A_225] : memref<131072xi32, #tpu.memory_space<hbm>> -> memref<128xi32, #tpu.memory_space<hbm>>
      tpu.wait_dma2 semaphore(%arg9 : memref<!tpu.dma_semaphore, #tpu.memory_space<semaphore_mem>>) src(%dma_wait3A_543 : memref<128xi32, #tpu.memory_space<hbm>>) dst(%dma_wait3A_542 : memref<128xi32, #tpu.memory_space<vmem>>)
      %dma_wait3A_544 = arith.constant 21 : i32
      %dma_wait3A_545 = arith.constant 0 : i32
      %dma_wait3A_546 = tpu.memref_slice %arg5[%dma_wait3A_544, %dma_wait3A_545] : memref<32x128xi32, #tpu.memory_space<vmem>> -> memref<1x128xi32, #tpu.memory_space<vmem>>
      %dma_wait3A_547 = tpu.memref_squeeze %dma_wait3A_546 : memref<1x128xi32, #tpu.memory_space<vmem>> -> memref<128xi32, #tpu.memory_space<vmem>>
      %dma_wait3A_548 = tpu.memref_slice %arg2[%add3A_236] : memref<131072xi32, #tpu.memory_space<hbm>> -> memref<128xi32, #tpu.memory_space<hbm>>
      %dma_wait3A_549 = arith.constant 0 : i32
      %dma_wait3A_550 = tpu.memref_slice %arg5[%dma_wait3A_544, %dma_wait3A_549] : memref<32x128xi32, #tpu.memory_space<vmem>> -> memref<1x128xi32, #tpu.memory_space<vmem>>
      %dma_wait3A_551 = tpu.memref_squeeze %dma_wait3A_550 : memref<1x128xi32, #tpu.memory_space<vmem>> -> memref<128xi32, #tpu.memory_space<vmem>>
      %dma_wait3A_552 = tpu.memref_slice %arg2[%add3A_236] : memref<131072xi32, #tpu.memory_space<hbm>> -> memref<128xi32, #tpu.memory_space<hbm>>
      tpu.wait_dma2 semaphore(%arg9 : memref<!tpu.dma_semaphore, #tpu.memory_space<semaphore_mem>>) src(%dma_wait3A_552 : memref<128xi32, #tpu.memory_space<hbm>>) dst(%dma_wait3A_551 : memref<128xi32, #tpu.memory_space<vmem>>)
      %dma_wait3A_553 = arith.constant 22 : i32
      %dma_wait3A_554 = arith.constant 0 : i32
      %dma_wait3A_555 = tpu.memref_slice %arg5[%dma_wait3A_553, %dma_wait3A_554] : memref<32x128xi32, #tpu.memory_space<vmem>> -> memref<1x128xi32, #tpu.memory_space<vmem>>
      %dma_wait3A_556 = tpu.memref_squeeze %dma_wait3A_555 : memref<1x128xi32, #tpu.memory_space<vmem>> -> memref<128xi32, #tpu.memory_space<vmem>>
      %dma_wait3A_557 = tpu.memref_slice %arg2[%add3A_247] : memref<131072xi32, #tpu.memory_space<hbm>> -> memref<128xi32, #tpu.memory_space<hbm>>
      %dma_wait3A_558 = arith.constant 0 : i32
      %dma_wait3A_559 = tpu.memref_slice %arg5[%dma_wait3A_553, %dma_wait3A_558] : memref<32x128xi32, #tpu.memory_space<vmem>> -> memref<1x128xi32, #tpu.memory_space<vmem>>
      %dma_wait3A_560 = tpu.memref_squeeze %dma_wait3A_559 : memref<1x128xi32, #tpu.memory_space<vmem>> -> memref<128xi32, #tpu.memory_space<vmem>>
      %dma_wait3A_561 = tpu.memref_slice %arg2[%add3A_247] : memref<131072xi32, #tpu.memory_space<hbm>> -> memref<128xi32, #tpu.memory_space<hbm>>
      tpu.wait_dma2 semaphore(%arg9 : memref<!tpu.dma_semaphore, #tpu.memory_space<semaphore_mem>>) src(%dma_wait3A_561 : memref<128xi32, #tpu.memory_space<hbm>>) dst(%dma_wait3A_560 : memref<128xi32, #tpu.memory_space<vmem>>)
      %dma_wait3A_562 = arith.constant 23 : i32
      %dma_wait3A_563 = arith.constant 0 : i32
      %dma_wait3A_564 = tpu.memref_slice %arg5[%dma_wait3A_562, %dma_wait3A_563] : memref<32x128xi32, #tpu.memory_space<vmem>> -> memref<1x128xi32, #tpu.memory_space<vmem>>
      %dma_wait3A_565 = tpu.memref_squeeze %dma_wait3A_564 : memref<1x128xi32, #tpu.memory_space<vmem>> -> memref<128xi32, #tpu.memory_space<vmem>>
      %dma_wait3A_566 = tpu.memref_slice %arg2[%add3A_258] : memref<131072xi32, #tpu.memory_space<hbm>> -> memref<128xi32, #tpu.memory_space<hbm>>
      %dma_wait3A_567 = arith.constant 0 : i32
      %dma_wait3A_568 = tpu.memref_slice %arg5[%dma_wait3A_562, %dma_wait3A_567] : memref<32x128xi32, #tpu.memory_space<vmem>> -> memref<1x128xi32, #tpu.memory_space<vmem>>
      %dma_wait3A_569 = tpu.memref_squeeze %dma_wait3A_568 : memref<1x128xi32, #tpu.memory_space<vmem>> -> memref<128xi32, #tpu.memory_space<vmem>>
      %dma_wait3A_570 = tpu.memref_slice %arg2[%add3A_258] : memref<131072xi32, #tpu.memory_space<hbm>> -> memref<128xi32, #tpu.memory_space<hbm>>
      tpu.wait_dma2 semaphore(%arg9 : memref<!tpu.dma_semaphore, #tpu.memory_space<semaphore_mem>>) src(%dma_wait3A_570 : memref<128xi32, #tpu.memory_space<hbm>>) dst(%dma_wait3A_569 : memref<128xi32, #tpu.memory_space<vmem>>)
      %dma_wait3A_571 = arith.constant 24 : i32
      %dma_wait3A_572 = arith.constant 0 : i32
      %dma_wait3A_573 = tpu.memref_slice %arg5[%dma_wait3A_571, %dma_wait3A_572] : memref<32x128xi32, #tpu.memory_space<vmem>> -> memref<1x128xi32, #tpu.memory_space<vmem>>
      %dma_wait3A_574 = tpu.memref_squeeze %dma_wait3A_573 : memref<1x128xi32, #tpu.memory_space<vmem>> -> memref<128xi32, #tpu.memory_space<vmem>>
      %dma_wait3A_575 = tpu.memref_slice %arg2[%add3A_269] : memref<131072xi32, #tpu.memory_space<hbm>> -> memref<128xi32, #tpu.memory_space<hbm>>
      %dma_wait3A_576 = arith.constant 0 : i32
      %dma_wait3A_577 = tpu.memref_slice %arg5[%dma_wait3A_571, %dma_wait3A_576] : memref<32x128xi32, #tpu.memory_space<vmem>> -> memref<1x128xi32, #tpu.memory_space<vmem>>
      %dma_wait3A_578 = tpu.memref_squeeze %dma_wait3A_577 : memref<1x128xi32, #tpu.memory_space<vmem>> -> memref<128xi32, #tpu.memory_space<vmem>>
      %dma_wait3A_579 = tpu.memref_slice %arg2[%add3A_269] : memref<131072xi32, #tpu.memory_space<hbm>> -> memref<128xi32, #tpu.memory_space<hbm>>
      tpu.wait_dma2 semaphore(%arg9 : memref<!tpu.dma_semaphore, #tpu.memory_space<semaphore_mem>>) src(%dma_wait3A_579 : memref<128xi32, #tpu.memory_space<hbm>>) dst(%dma_wait3A_578 : memref<128xi32, #tpu.memory_space<vmem>>)
      %dma_wait3A_580 = arith.constant 25 : i32
      %dma_wait3A_581 = arith.constant 0 : i32
      %dma_wait3A_582 = tpu.memref_slice %arg5[%dma_wait3A_580, %dma_wait3A_581] : memref<32x128xi32, #tpu.memory_space<vmem>> -> memref<1x128xi32, #tpu.memory_space<vmem>>
      %dma_wait3A_583 = tpu.memref_squeeze %dma_wait3A_582 : memref<1x128xi32, #tpu.memory_space<vmem>> -> memref<128xi32, #tpu.memory_space<vmem>>
      %dma_wait3A_584 = tpu.memref_slice %arg2[%add3A_280] : memref<131072xi32, #tpu.memory_space<hbm>> -> memref<128xi32, #tpu.memory_space<hbm>>
      %dma_wait3A_585 = arith.constant 0 : i32
      %dma_wait3A_586 = tpu.memref_slice %arg5[%dma_wait3A_580, %dma_wait3A_585] : memref<32x128xi32, #tpu.memory_space<vmem>> -> memref<1x128xi32, #tpu.memory_space<vmem>>
      %dma_wait3A_587 = tpu.memref_squeeze %dma_wait3A_586 : memref<1x128xi32, #tpu.memory_space<vmem>> -> memref<128xi32, #tpu.memory_space<vmem>>
      %dma_wait3A_588 = tpu.memref_slice %arg2[%add3A_280] : memref<131072xi32, #tpu.memory_space<hbm>> -> memref<128xi32, #tpu.memory_space<hbm>>
      tpu.wait_dma2 semaphore(%arg9 : memref<!tpu.dma_semaphore, #tpu.memory_space<semaphore_mem>>) src(%dma_wait3A_588 : memref<128xi32, #tpu.memory_space<hbm>>) dst(%dma_wait3A_587 : memref<128xi32, #tpu.memory_space<vmem>>)
      %dma_wait3A_589 = arith.constant 26 : i32
      %dma_wait3A_590 = arith.constant 0 : i32
      %dma_wait3A_591 = tpu.memref_slice %arg5[%dma_wait3A_589, %dma_wait3A_590] : memref<32x128xi32, #tpu.memory_space<vmem>> -> memref<1x128xi32, #tpu.memory_space<vmem>>
      %dma_wait3A_592 = tpu.memref_squeeze %dma_wait3A_591 : memref<1x128xi32, #tpu.memory_space<vmem>> -> memref<128xi32, #tpu.memory_space<vmem>>
      %dma_wait3A_593 = tpu.memref_slice %arg2[%add3A_291] : memref<131072xi32, #tpu.memory_space<hbm>> -> memref<128xi32, #tpu.memory_space<hbm>>
      %dma_wait3A_594 = arith.constant 0 : i32
      %dma_wait3A_595 = tpu.memref_slice %arg5[%dma_wait3A_589, %dma_wait3A_594] : memref<32x128xi32, #tpu.memory_space<vmem>> -> memref<1x128xi32, #tpu.memory_space<vmem>>
      %dma_wait3A_596 = tpu.memref_squeeze %dma_wait3A_595 : memref<1x128xi32, #tpu.memory_space<vmem>> -> memref<128xi32, #tpu.memory_space<vmem>>
      %dma_wait3A_597 = tpu.memref_slice %arg2[%add3A_291] : memref<131072xi32, #tpu.memory_space<hbm>> -> memref<128xi32, #tpu.memory_space<hbm>>
      tpu.wait_dma2 semaphore(%arg9 : memref<!tpu.dma_semaphore, #tpu.memory_space<semaphore_mem>>) src(%dma_wait3A_597 : memref<128xi32, #tpu.memory_space<hbm>>) dst(%dma_wait3A_596 : memref<128xi32, #tpu.memory_space<vmem>>)
      %dma_wait3A_598 = arith.constant 27 : i32
      %dma_wait3A_599 = arith.constant 0 : i32
      %dma_wait3A_600 = tpu.memref_slice %arg5[%dma_wait3A_598, %dma_wait3A_599] : memref<32x128xi32, #tpu.memory_space<vmem>> -> memref<1x128xi32, #tpu.memory_space<vmem>>
      %dma_wait3A_601 = tpu.memref_squeeze %dma_wait3A_600 : memref<1x128xi32, #tpu.memory_space<vmem>> -> memref<128xi32, #tpu.memory_space<vmem>>
      %dma_wait3A_602 = tpu.memref_slice %arg2[%add3A_302] : memref<131072xi32, #tpu.memory_space<hbm>> -> memref<128xi32, #tpu.memory_space<hbm>>
      %dma_wait3A_603 = arith.constant 0 : i32
      %dma_wait3A_604 = tpu.memref_slice %arg5[%dma_wait3A_598, %dma_wait3A_603] : memref<32x128xi32, #tpu.memory_space<vmem>> -> memref<1x128xi32, #tpu.memory_space<vmem>>
      %dma_wait3A_605 = tpu.memref_squeeze %dma_wait3A_604 : memref<1x128xi32, #tpu.memory_space<vmem>> -> memref<128xi32, #tpu.memory_space<vmem>>
      %dma_wait3A_606 = tpu.memref_slice %arg2[%add3A_302] : memref<131072xi32, #tpu.memory_space<hbm>> -> memref<128xi32, #tpu.memory_space<hbm>>
      tpu.wait_dma2 semaphore(%arg9 : memref<!tpu.dma_semaphore, #tpu.memory_space<semaphore_mem>>) src(%dma_wait3A_606 : memref<128xi32, #tpu.memory_space<hbm>>) dst(%dma_wait3A_605 : memref<128xi32, #tpu.memory_space<vmem>>)
      %dma_wait3A_607 = arith.constant 28 : i32
      %dma_wait3A_608 = arith.constant 0 : i32
      %dma_wait3A_609 = tpu.memref_slice %arg5[%dma_wait3A_607, %dma_wait3A_608] : memref<32x128xi32, #tpu.memory_space<vmem>> -> memref<1x128xi32, #tpu.memory_space<vmem>>
      %dma_wait3A_610 = tpu.memref_squeeze %dma_wait3A_609 : memref<1x128xi32, #tpu.memory_space<vmem>> -> memref<128xi32, #tpu.memory_space<vmem>>
      %dma_wait3A_611 = tpu.memref_slice %arg2[%add3A_313] : memref<131072xi32, #tpu.memory_space<hbm>> -> memref<128xi32, #tpu.memory_space<hbm>>
      %dma_wait3A_612 = arith.constant 0 : i32
      %dma_wait3A_613 = tpu.memref_slice %arg5[%dma_wait3A_607, %dma_wait3A_612] : memref<32x128xi32, #tpu.memory_space<vmem>> -> memref<1x128xi32, #tpu.memory_space<vmem>>
      %dma_wait3A_614 = tpu.memref_squeeze %dma_wait3A_613 : memref<1x128xi32, #tpu.memory_space<vmem>> -> memref<128xi32, #tpu.memory_space<vmem>>
      %dma_wait3A_615 = tpu.memref_slice %arg2[%add3A_313] : memref<131072xi32, #tpu.memory_space<hbm>> -> memref<128xi32, #tpu.memory_space<hbm>>
      tpu.wait_dma2 semaphore(%arg9 : memref<!tpu.dma_semaphore, #tpu.memory_space<semaphore_mem>>) src(%dma_wait3A_615 : memref<128xi32, #tpu.memory_space<hbm>>) dst(%dma_wait3A_614 : memref<128xi32, #tpu.memory_space<vmem>>)
      %dma_wait3A_616 = arith.constant 29 : i32
      %dma_wait3A_617 = arith.constant 0 : i32
      %dma_wait3A_618 = tpu.memref_slice %arg5[%dma_wait3A_616, %dma_wait3A_617] : memref<32x128xi32, #tpu.memory_space<vmem>> -> memref<1x128xi32, #tpu.memory_space<vmem>>
      %dma_wait3A_619 = tpu.memref_squeeze %dma_wait3A_618 : memref<1x128xi32, #tpu.memory_space<vmem>> -> memref<128xi32, #tpu.memory_space<vmem>>
      %dma_wait3A_620 = tpu.memref_slice %arg2[%add3A_324] : memref<131072xi32, #tpu.memory_space<hbm>> -> memref<128xi32, #tpu.memory_space<hbm>>
      %dma_wait3A_621 = arith.constant 0 : i32
      %dma_wait3A_622 = tpu.memref_slice %arg5[%dma_wait3A_616, %dma_wait3A_621] : memref<32x128xi32, #tpu.memory_space<vmem>> -> memref<1x128xi32, #tpu.memory_space<vmem>>
      %dma_wait3A_623 = tpu.memref_squeeze %dma_wait3A_622 : memref<1x128xi32, #tpu.memory_space<vmem>> -> memref<128xi32, #tpu.memory_space<vmem>>
      %dma_wait3A_624 = tpu.memref_slice %arg2[%add3A_324] : memref<131072xi32, #tpu.memory_space<hbm>> -> memref<128xi32, #tpu.memory_space<hbm>>
      tpu.wait_dma2 semaphore(%arg9 : memref<!tpu.dma_semaphore, #tpu.memory_space<semaphore_mem>>) src(%dma_wait3A_624 : memref<128xi32, #tpu.memory_space<hbm>>) dst(%dma_wait3A_623 : memref<128xi32, #tpu.memory_space<vmem>>)
      %dma_wait3A_625 = arith.constant 30 : i32
      %dma_wait3A_626 = arith.constant 0 : i32
      %dma_wait3A_627 = tpu.memref_slice %arg5[%dma_wait3A_625, %dma_wait3A_626] : memref<32x128xi32, #tpu.memory_space<vmem>> -> memref<1x128xi32, #tpu.memory_space<vmem>>
      %dma_wait3A_628 = tpu.memref_squeeze %dma_wait3A_627 : memref<1x128xi32, #tpu.memory_space<vmem>> -> memref<128xi32, #tpu.memory_space<vmem>>
      %dma_wait3A_629 = tpu.memref_slice %arg2[%add3A_335] : memref<131072xi32, #tpu.memory_space<hbm>> -> memref<128xi32, #tpu.memory_space<hbm>>
      %dma_wait3A_630 = arith.constant 0 : i32
      %dma_wait3A_631 = tpu.memref_slice %arg5[%dma_wait3A_625, %dma_wait3A_630] : memref<32x128xi32, #tpu.memory_space<vmem>> -> memref<1x128xi32, #tpu.memory_space<vmem>>
      %dma_wait3A_632 = tpu.memref_squeeze %dma_wait3A_631 : memref<1x128xi32, #tpu.memory_space<vmem>> -> memref<128xi32, #tpu.memory_space<vmem>>
      %dma_wait3A_633 = tpu.memref_slice %arg2[%add3A_335] : memref<131072xi32, #tpu.memory_space<hbm>> -> memref<128xi32, #tpu.memory_space<hbm>>
      tpu.wait_dma2 semaphore(%arg9 : memref<!tpu.dma_semaphore, #tpu.memory_space<semaphore_mem>>) src(%dma_wait3A_633 : memref<128xi32, #tpu.memory_space<hbm>>) dst(%dma_wait3A_632 : memref<128xi32, #tpu.memory_space<vmem>>)
      %dma_wait3A_634 = arith.constant 31 : i32
      %dma_wait3A_635 = arith.constant 0 : i32
      %dma_wait3A_636 = tpu.memref_slice %arg5[%dma_wait3A_634, %dma_wait3A_635] : memref<32x128xi32, #tpu.memory_space<vmem>> -> memref<1x128xi32, #tpu.memory_space<vmem>>
      %dma_wait3A_637 = tpu.memref_squeeze %dma_wait3A_636 : memref<1x128xi32, #tpu.memory_space<vmem>> -> memref<128xi32, #tpu.memory_space<vmem>>
      %dma_wait3A_638 = tpu.memref_slice %arg2[%add3A_346] : memref<131072xi32, #tpu.memory_space<hbm>> -> memref<128xi32, #tpu.memory_space<hbm>>
      %dma_wait3A_639 = arith.constant 0 : i32
      %dma_wait3A_640 = tpu.memref_slice %arg5[%dma_wait3A_634, %dma_wait3A_639] : memref<32x128xi32, #tpu.memory_space<vmem>> -> memref<1x128xi32, #tpu.memory_space<vmem>>
      %dma_wait3A_641 = tpu.memref_squeeze %dma_wait3A_640 : memref<1x128xi32, #tpu.memory_space<vmem>> -> memref<128xi32, #tpu.memory_space<vmem>>
      %dma_wait3A_642 = tpu.memref_slice %arg2[%add3A_346] : memref<131072xi32, #tpu.memory_space<hbm>> -> memref<128xi32, #tpu.memory_space<hbm>>
      tpu.wait_dma2 semaphore(%arg9 : memref<!tpu.dma_semaphore, #tpu.memory_space<semaphore_mem>>) src(%dma_wait3A_642 : memref<128xi32, #tpu.memory_space<hbm>>) dst(%dma_wait3A_641 : memref<128xi32, #tpu.memory_space<vmem>>)
      %iota3A = tpu.iota {dimensions = array<i32: 0>} : vector<16xi32>
      %broadcast_in_dim3A = arith.constant 0 : i32
      %broadcast_in_dim3A_643 = vector.broadcast %broadcast_in_dim3A : i32 to vector<16xi32>
      %get3A = arith.constant 0 : i32
      %get3A_644 = arith.index_cast %get3A : i32 to index
      %get3A_645 = arith.constant 0 : index
      %get3A_646 = tpu.vector_load %arg5[%get3A_644, %get3A_645] {strides = array<i32>} : memref<32x128xi32, #tpu.memory_space<vmem>>, vector<16xi32>,
      %get3A_647 = arith.constant 1 : i32
      %get3A_648 = arith.index_cast %get3A_647 : i32 to index
      %get3A_649 = arith.constant 0 : index
      %get3A_650 = tpu.vector_load %arg5[%get3A_648, %get3A_649] {strides = array<i32>} : memref<32x128xi32, #tpu.memory_space<vmem>>, vector<16xi32>,
      %max3A = arith.maxsi %get3A_646, %get3A_650 : vector<16xi32>
      %get3A_651 = arith.constant 2 : i32
      %get3A_652 = arith.index_cast %get3A_651 : i32 to index
      %get3A_653 = arith.constant 0 : index
      %get3A_654 = tpu.vector_load %arg5[%get3A_652, %get3A_653] {strides = array<i32>} : memref<32x128xi32, #tpu.memory_space<vmem>>, vector<16xi32>,
      %max3A_655 = arith.maxsi %max3A, %get3A_654 : vector<16xi32>
      %get3A_656 = arith.constant 3 : i32
      %get3A_657 = arith.index_cast %get3A_656 : i32 to index
      %get3A_658 = arith.constant 0 : index
      %get3A_659 = tpu.vector_load %arg5[%get3A_657, %get3A_658] {strides = array<i32>} : memref<32x128xi32, #tpu.memory_space<vmem>>, vector<16xi32>,
      %max3A_660 = arith.maxsi %max3A_655, %get3A_659 : vector<16xi32>
      %get3A_661 = arith.constant 4 : i32
      %get3A_662 = arith.index_cast %get3A_661 : i32 to index
      %get3A_663 = arith.constant 0 : index
      %get3A_664 = tpu.vector_load %arg5[%get3A_662, %get3A_663] {strides = array<i32>} : memref<32x128xi32, #tpu.memory_space<vmem>>, vector<16xi32>,
      %max3A_665 = arith.maxsi %max3A_660, %get3A_664 : vector<16xi32>
      %get3A_666 = arith.constant 5 : i32
      %get3A_667 = arith.index_cast %get3A_666 : i32 to index
      %get3A_668 = arith.constant 0 : index
      %get3A_669 = tpu.vector_load %arg5[%get3A_667, %get3A_668] {strides = array<i32>} : memref<32x128xi32, #tpu.memory_space<vmem>>, vector<16xi32>,
      %max3A_670 = arith.maxsi %max3A_665, %get3A_669 : vector<16xi32>
      %get3A_671 = arith.constant 6 : i32
      %get3A_672 = arith.index_cast %get3A_671 : i32 to index
      %get3A_673 = arith.constant 0 : index
      %get3A_674 = tpu.vector_load %arg5[%get3A_672, %get3A_673] {strides = array<i32>} : memref<32x128xi32, #tpu.memory_space<vmem>>, vector<16xi32>,
      %max3A_675 = arith.maxsi %max3A_670, %get3A_674 : vector<16xi32>
      %get3A_676 = arith.constant 7 : i32
      %get3A_677 = arith.index_cast %get3A_676 : i32 to index
      %get3A_678 = arith.constant 0 : index
      %get3A_679 = tpu.vector_load %arg5[%get3A_677, %get3A_678] {strides = array<i32>} : memref<32x128xi32, #tpu.memory_space<vmem>>, vector<16xi32>,
      %max3A_680 = arith.maxsi %max3A_675, %get3A_679 : vector<16xi32>
      %get3A_681 = arith.constant 8 : i32
      %get3A_682 = arith.index_cast %get3A_681 : i32 to index
      %get3A_683 = arith.constant 0 : index
      %get3A_684 = tpu.vector_load %arg5[%get3A_682, %get3A_683] {strides = array<i32>} : memref<32x128xi32, #tpu.memory_space<vmem>>, vector<16xi32>,
      %max3A_685 = arith.maxsi %max3A_680, %get3A_684 : vector<16xi32>
      %get3A_686 = arith.constant 9 : i32
      %get3A_687 = arith.index_cast %get3A_686 : i32 to index
      %get3A_688 = arith.constant 0 : index
      %get3A_689 = tpu.vector_load %arg5[%get3A_687, %get3A_688] {strides = array<i32>} : memref<32x128xi32, #tpu.memory_space<vmem>>, vector<16xi32>,
      %max3A_690 = arith.maxsi %max3A_685, %get3A_689 : vector<16xi32>
      %get3A_691 = arith.constant 10 : i32
      %get3A_692 = arith.index_cast %get3A_691 : i32 to index
      %get3A_693 = arith.constant 0 : index
      %get3A_694 = tpu.vector_load %arg5[%get3A_692, %get3A_693] {strides = array<i32>} : memref<32x128xi32, #tpu.memory_space<vmem>>, vector<16xi32>,
      %max3A_695 = arith.maxsi %max3A_690, %get3A_694 : vector<16xi32>
      %get3A_696 = arith.constant 11 : i32
      %get3A_697 = arith.index_cast %get3A_696 : i32 to index
      %get3A_698 = arith.constant 0 : index
      %get3A_699 = tpu.vector_load %arg5[%get3A_697, %get3A_698] {strides = array<i32>} : memref<32x128xi32, #tpu.memory_space<vmem>>, vector<16xi32>,
      %max3A_700 = arith.maxsi %max3A_695, %get3A_699 : vector<16xi32>
      %get3A_701 = arith.constant 12 : i32
      %get3A_702 = arith.index_cast %get3A_701 : i32 to index
      %get3A_703 = arith.constant 0 : index
      %get3A_704 = tpu.vector_load %arg5[%get3A_702, %get3A_703] {strides = array<i32>} : memref<32x128xi32, #tpu.memory_space<vmem>>, vector<16xi32>,
      %max3A_705 = arith.maxsi %max3A_700, %get3A_704 : vector<16xi32>
      %get3A_706 = arith.constant 13 : i32
      %get3A_707 = arith.index_cast %get3A_706 : i32 to index
      %get3A_708 = arith.constant 0 : index
      %get3A_709 = tpu.vector_load %arg5[%get3A_707, %get3A_708] {strides = array<i32>} : memref<32x128xi32, #tpu.memory_space<vmem>>, vector<16xi32>,
      %max3A_710 = arith.maxsi %max3A_705, %get3A_709 : vector<16xi32>
      %get3A_711 = arith.constant 14 : i32
      %get3A_712 = arith.index_cast %get3A_711 : i32 to index
      %get3A_713 = arith.constant 0 : index
      %get3A_714 = tpu.vector_load %arg5[%get3A_712, %get3A_713] {strides = array<i32>} : memref<32x128xi32, #tpu.memory_space<vmem>>, vector<16xi32>,
      %max3A_715 = arith.maxsi %max3A_710, %get3A_714 : vector<16xi32>
      %get3A_716 = arith.constant 15 : i32
      %get3A_717 = arith.index_cast %get3A_716 : i32 to index
      %get3A_718 = arith.constant 0 : index
      %get3A_719 = tpu.vector_load %arg5[%get3A_717, %get3A_718] {strides = array<i32>} : memref<32x128xi32, #tpu.memory_space<vmem>>, vector<16xi32>,
      %max3A_720 = arith.maxsi %max3A_715, %get3A_719 : vector<16xi32>
      %get3A_721 = arith.constant 16 : i32
      %get3A_722 = arith.index_cast %get3A_721 : i32 to index
      %get3A_723 = arith.constant 0 : index
      %get3A_724 = tpu.vector_load %arg5[%get3A_722, %get3A_723] {strides = array<i32>} : memref<32x128xi32, #tpu.memory_space<vmem>>, vector<16xi32>,
      %max3A_725 = arith.maxsi %max3A_720, %get3A_724 : vector<16xi32>
      %get3A_726 = arith.constant 17 : i32
      %get3A_727 = arith.index_cast %get3A_726 : i32 to index
      %get3A_728 = arith.constant 0 : index
      %get3A_729 = tpu.vector_load %arg5[%get3A_727, %get3A_728] {strides = array<i32>} : memref<32x128xi32, #tpu.memory_space<vmem>>, vector<16xi32>,
      %max3A_730 = arith.maxsi %max3A_725, %get3A_729 : vector<16xi32>
      %get3A_731 = arith.constant 18 : i32
      %get3A_732 = arith.index_cast %get3A_731 : i32 to index
      %get3A_733 = arith.constant 0 : index
      %get3A_734 = tpu.vector_load %arg5[%get3A_732, %get3A_733] {strides = array<i32>} : memref<32x128xi32, #tpu.memory_space<vmem>>, vector<16xi32>,
      %max3A_735 = arith.maxsi %max3A_730, %get3A_734 : vector<16xi32>
      %get3A_736 = arith.constant 19 : i32
      %get3A_737 = arith.index_cast %get3A_736 : i32 to index
      %get3A_738 = arith.constant 0 : index
      %get3A_739 = tpu.vector_load %arg5[%get3A_737, %get3A_738] {strides = array<i32>} : memref<32x128xi32, #tpu.memory_space<vmem>>, vector<16xi32>,
      %max3A_740 = arith.maxsi %max3A_735, %get3A_739 : vector<16xi32>
      %get3A_741 = arith.constant 20 : i32
      %get3A_742 = arith.index_cast %get3A_741 : i32 to index
      %get3A_743 = arith.constant 0 : index
      %get3A_744 = tpu.vector_load %arg5[%get3A_742, %get3A_743] {strides = array<i32>} : memref<32x128xi32, #tpu.memory_space<vmem>>, vector<16xi32>,
      %max3A_745 = arith.maxsi %max3A_740, %get3A_744 : vector<16xi32>
      %get3A_746 = arith.constant 21 : i32
      %get3A_747 = arith.index_cast %get3A_746 : i32 to index
      %get3A_748 = arith.constant 0 : index
      %get3A_749 = tpu.vector_load %arg5[%get3A_747, %get3A_748] {strides = array<i32>} : memref<32x128xi32, #tpu.memory_space<vmem>>, vector<16xi32>,
      %max3A_750 = arith.maxsi %max3A_745, %get3A_749 : vector<16xi32>
      %get3A_751 = arith.constant 22 : i32
      %get3A_752 = arith.index_cast %get3A_751 : i32 to index
      %get3A_753 = arith.constant 0 : index
      %get3A_754 = tpu.vector_load %arg5[%get3A_752, %get3A_753] {strides = array<i32>} : memref<32x128xi32, #tpu.memory_space<vmem>>, vector<16xi32>,
      %max3A_755 = arith.maxsi %max3A_750, %get3A_754 : vector<16xi32>
      %get3A_756 = arith.constant 23 : i32
      %get3A_757 = arith.index_cast %get3A_756 : i32 to index
      %get3A_758 = arith.constant 0 : index
      %get3A_759 = tpu.vector_load %arg5[%get3A_757, %get3A_758] {strides = array<i32>} : memref<32x128xi32, #tpu.memory_space<vmem>>, vector<16xi32>,
      %max3A_760 = arith.maxsi %max3A_755, %get3A_759 : vector<16xi32>
      %get3A_761 = arith.constant 24 : i32
      %get3A_762 = arith.index_cast %get3A_761 : i32 to index
      %get3A_763 = arith.constant 0 : index
      %get3A_764 = tpu.vector_load %arg5[%get3A_762, %get3A_763] {strides = array<i32>} : memref<32x128xi32, #tpu.memory_space<vmem>>, vector<16xi32>,
      %max3A_765 = arith.maxsi %max3A_760, %get3A_764 : vector<16xi32>
      %get3A_766 = arith.constant 25 : i32
      %get3A_767 = arith.index_cast %get3A_766 : i32 to index
      %get3A_768 = arith.constant 0 : index
      %get3A_769 = tpu.vector_load %arg5[%get3A_767, %get3A_768] {strides = array<i32>} : memref<32x128xi32, #tpu.memory_space<vmem>>, vector<16xi32>,
      %max3A_770 = arith.maxsi %max3A_765, %get3A_769 : vector<16xi32>
      %get3A_771 = arith.constant 26 : i32
      %get3A_772 = arith.index_cast %get3A_771 : i32 to index
      %get3A_773 = arith.constant 0 : index
      %get3A_774 = tpu.vector_load %arg5[%get3A_772, %get3A_773] {strides = array<i32>} : memref<32x128xi32, #tpu.memory_space<vmem>>, vector<16xi32>,
      %max3A_775 = arith.maxsi %max3A_770, %get3A_774 : vector<16xi32>
      %get3A_776 = arith.constant 27 : i32
      %get3A_777 = arith.index_cast %get3A_776 : i32 to index
      %get3A_778 = arith.constant 0 : index
      %get3A_779 = tpu.vector_load %arg5[%get3A_777, %get3A_778] {strides = array<i32>} : memref<32x128xi32, #tpu.memory_space<vmem>>, vector<16xi32>,
      %max3A_780 = arith.maxsi %max3A_775, %get3A_779 : vector<16xi32>
      %get3A_781 = arith.constant 28 : i32
      %get3A_782 = arith.index_cast %get3A_781 : i32 to index
      %get3A_783 = arith.constant 0 : index
      %get3A_784 = tpu.vector_load %arg5[%get3A_782, %get3A_783] {strides = array<i32>} : memref<32x128xi32, #tpu.memory_space<vmem>>, vector<16xi32>,
      %max3A_785 = arith.maxsi %max3A_780, %get3A_784 : vector<16xi32>
      %get3A_786 = arith.constant 29 : i32
      %get3A_787 = arith.index_cast %get3A_786 : i32 to index
      %get3A_788 = arith.constant 0 : index
      %get3A_789 = tpu.vector_load %arg5[%get3A_787, %get3A_788] {strides = array<i32>} : memref<32x128xi32, #tpu.memory_space<vmem>>, vector<16xi32>,
      %max3A_790 = arith.maxsi %max3A_785, %get3A_789 : vector<16xi32>
      %get3A_791 = arith.constant 30 : i32
      %get3A_792 = arith.index_cast %get3A_791 : i32 to index
      %get3A_793 = arith.constant 0 : index
      %get3A_794 = tpu.vector_load %arg5[%get3A_792, %get3A_793] {strides = array<i32>} : memref<32x128xi32, #tpu.memory_space<vmem>>, vector<16xi32>,
      %max3A_795 = arith.maxsi %max3A_790, %get3A_794 : vector<16xi32>
      %get3A_796 = arith.constant 31 : i32
      %get3A_797 = arith.index_cast %get3A_796 : i32 to index
      %get3A_798 = arith.constant 0 : index
      %get3A_799 = tpu.vector_load %arg5[%get3A_797, %get3A_798] {strides = array<i32>} : memref<32x128xi32, #tpu.memory_space<vmem>>, vector<16xi32>,
      %max3A_800 = arith.maxsi %max3A_795, %get3A_799 : vector<16xi32>
      %swap3A = arith.constant 0 : index
      %swap3A_801 = tpu.vector_load %arg6[%swap3A] {strides = array<i32>} : memref<128xi32, #tpu.memory_space<vmem>>, vector<16xi32>,
      tpu.vector_store %arg6[%swap3A], %max3A_800 {strides = array<i32>} : memref<128xi32, #tpu.memory_space<vmem>>, vector<16xi32>,
      %ge3A = arith.constant 0 : i32
      %ge3A_802 = vector.broadcast %ge3A : i32 to vector<16xi32>
      %ge3A_803 = arith.cmpi sge, %max3A_800, %ge3A_802 : vector<16xi32>
      %add3A_804 = arith.constant 0 : i32
      %add3A_805 = arith.addi %mul3A_2, %add3A_804 : i32
      %add3A_806 = vector.broadcast %add3A_805 : i32 to vector<16xi32>
      %add3A_807 = arith.addi %add3A_806, %iota3A : vector<16xi32>
      %rem3A = arith.constant 921600 : i32
      %rem3A_808 = vector.broadcast %rem3A : i32 to vector<16xi32>
      %rem3A_809 = arith.remsi %max3A_800, %rem3A_808 : vector<16xi32>
      %select_n3A = arith.select %ge3A_803, %rem3A_809, %add3A_807 : vector<16xi1>, vector<16xi32>
      %swap3A_810 = arith.constant 0 : index
      %swap3A_811 = tpu.vector_load %arg7[%swap3A_810] {strides = array<i32>} : memref<128xi32, #tpu.memory_space<vmem>>, vector<16xi32>,
      tpu.vector_store %arg7[%swap3A_810], %select_n3A {strides = array<i32>} : memref<128xi32, #tpu.memory_space<vmem>>, vector<16xi32>,
      %not3A = arith.constant dense<true> : vector<16xi1>
      %not3A_812 = arith.xori %ge3A_803, %not3A : vector<16xi1>
      %lt3A = arith.constant 2562 : i32
      %lt3A_813 = vector.broadcast %lt3A : i32 to vector<16xi32>
      %lt3A_814 = arith.cmpi slt, %add3A_807, %lt3A_813 : vector<16xi32>
      %and3A = arith.andi %not3A_812, %lt3A_814 : vector<16xi1>
      %jit3A = arith.constant 1 : i32
      %jit3A_815 = arith.constant 0 : i32
      %broadcast_in_dim3A_816 = vector.broadcast %jit3A : i32 to vector<16xi32>
      %broadcast_in_dim3A_817 = vector.broadcast %jit3A_815 : i32 to vector<16xi32>
      %select_n3A_818 = arith.select %and3A, %broadcast_in_dim3A_816, %broadcast_in_dim3A_817 : vector<16xi1>, vector<16xi32>
      %add3A_819 = arith.addi %broadcast_in_dim3A_643, %select_n3A_818 : vector<16xi32>
      %get3A_820 = arith.constant 0 : i32
      %get3A_821 = arith.index_cast %get3A_820 : i32 to index
      %get3A_822 = arith.constant 16 : index
      %get3A_823 = tpu.vector_load %arg5[%get3A_821, %get3A_822] {strides = array<i32>} : memref<32x128xi32, #tpu.memory_space<vmem>>, vector<16xi32>,
      %get3A_824 = arith.constant 1 : i32
      %get3A_825 = arith.index_cast %get3A_824 : i32 to index
      %get3A_826 = arith.constant 16 : index
      %get3A_827 = tpu.vector_load %arg5[%get3A_825, %get3A_826] {strides = array<i32>} : memref<32x128xi32, #tpu.memory_space<vmem>>, vector<16xi32>,
      %max3A_828 = arith.maxsi %get3A_823, %get3A_827 : vector<16xi32>
      %get3A_829 = arith.constant 2 : i32
      %get3A_830 = arith.index_cast %get3A_829 : i32 to index
      %get3A_831 = arith.constant 16 : index
      %get3A_832 = tpu.vector_load %arg5[%get3A_830, %get3A_831] {strides = array<i32>} : memref<32x128xi32, #tpu.memory_space<vmem>>, vector<16xi32>,
      %max3A_833 = arith.maxsi %max3A_828, %get3A_832 : vector<16xi32>
      %get3A_834 = arith.constant 3 : i32
      %get3A_835 = arith.index_cast %get3A_834 : i32 to index
      %get3A_836 = arith.constant 16 : index
      %get3A_837 = tpu.vector_load %arg5[%get3A_835, %get3A_836] {strides = array<i32>} : memref<32x128xi32, #tpu.memory_space<vmem>>, vector<16xi32>,
      %max3A_838 = arith.maxsi %max3A_833, %get3A_837 : vector<16xi32>
      %get3A_839 = arith.constant 4 : i32
      %get3A_840 = arith.index_cast %get3A_839 : i32 to index
      %get3A_841 = arith.constant 16 : index
      %get3A_842 = tpu.vector_load %arg5[%get3A_840, %get3A_841] {strides = array<i32>} : memref<32x128xi32, #tpu.memory_space<vmem>>, vector<16xi32>,
      %max3A_843 = arith.maxsi %max3A_838, %get3A_842 : vector<16xi32>
      %get3A_844 = arith.constant 5 : i32
      %get3A_845 = arith.index_cast %get3A_844 : i32 to index
      %get3A_846 = arith.constant 16 : index
      %get3A_847 = tpu.vector_load %arg5[%get3A_845, %get3A_846] {strides = array<i32>} : memref<32x128xi32, #tpu.memory_space<vmem>>, vector<16xi32>,
      %max3A_848 = arith.maxsi %max3A_843, %get3A_847 : vector<16xi32>
      %get3A_849 = arith.constant 6 : i32
      %get3A_850 = arith.index_cast %get3A_849 : i32 to index
      %get3A_851 = arith.constant 16 : index
      %get3A_852 = tpu.vector_load %arg5[%get3A_850, %get3A_851] {strides = array<i32>} : memref<32x128xi32, #tpu.memory_space<vmem>>, vector<16xi32>,
      %max3A_853 = arith.maxsi %max3A_848, %get3A_852 : vector<16xi32>
      %get3A_854 = arith.constant 7 : i32
      %get3A_855 = arith.index_cast %get3A_854 : i32 to index
      %get3A_856 = arith.constant 16 : index
      %get3A_857 = tpu.vector_load %arg5[%get3A_855, %get3A_856] {strides = array<i32>} : memref<32x128xi32, #tpu.memory_space<vmem>>, vector<16xi32>,
      %max3A_858 = arith.maxsi %max3A_853, %get3A_857 : vector<16xi32>
      %get3A_859 = arith.constant 8 : i32
      %get3A_860 = arith.index_cast %get3A_859 : i32 to index
      %get3A_861 = arith.constant 16 : index
      %get3A_862 = tpu.vector_load %arg5[%get3A_860, %get3A_861] {strides = array<i32>} : memref<32x128xi32, #tpu.memory_space<vmem>>, vector<16xi32>,
      %max3A_863 = arith.maxsi %max3A_858, %get3A_862 : vector<16xi32>
      %get3A_864 = arith.constant 9 : i32
      %get3A_865 = arith.index_cast %get3A_864 : i32 to index
      %get3A_866 = arith.constant 16 : index
      %get3A_867 = tpu.vector_load %arg5[%get3A_865, %get3A_866] {strides = array<i32>} : memref<32x128xi32, #tpu.memory_space<vmem>>, vector<16xi32>,
      %max3A_868 = arith.maxsi %max3A_863, %get3A_867 : vector<16xi32>
      %get3A_869 = arith.constant 10 : i32
      %get3A_870 = arith.index_cast %get3A_869 : i32 to index
      %get3A_871 = arith.constant 16 : index
      %get3A_872 = tpu.vector_load %arg5[%get3A_870, %get3A_871] {strides = array<i32>} : memref<32x128xi32, #tpu.memory_space<vmem>>, vector<16xi32>,
      %max3A_873 = arith.maxsi %max3A_868, %get3A_872 : vector<16xi32>
      %get3A_874 = arith.constant 11 : i32
      %get3A_875 = arith.index_cast %get3A_874 : i32 to index
      %get3A_876 = arith.constant 16 : index
      %get3A_877 = tpu.vector_load %arg5[%get3A_875, %get3A_876] {strides = array<i32>} : memref<32x128xi32, #tpu.memory_space<vmem>>, vector<16xi32>,
      %max3A_878 = arith.maxsi %max3A_873, %get3A_877 : vector<16xi32>
      %get3A_879 = arith.constant 12 : i32
      %get3A_880 = arith.index_cast %get3A_879 : i32 to index
      %get3A_881 = arith.constant 16 : index
      %get3A_882 = tpu.vector_load %arg5[%get3A_880, %get3A_881] {strides = array<i32>} : memref<32x128xi32, #tpu.memory_space<vmem>>, vector<16xi32>,
      %max3A_883 = arith.maxsi %max3A_878, %get3A_882 : vector<16xi32>
      %get3A_884 = arith.constant 13 : i32
      %get3A_885 = arith.index_cast %get3A_884 : i32 to index
      %get3A_886 = arith.constant 16 : index
      %get3A_887 = tpu.vector_load %arg5[%get3A_885, %get3A_886] {strides = array<i32>} : memref<32x128xi32, #tpu.memory_space<vmem>>, vector<16xi32>,
      %max3A_888 = arith.maxsi %max3A_883, %get3A_887 : vector<16xi32>
      %get3A_889 = arith.constant 14 : i32
      %get3A_890 = arith.index_cast %get3A_889 : i32 to index
      %get3A_891 = arith.constant 16 : index
      %get3A_892 = tpu.vector_load %arg5[%get3A_890, %get3A_891] {strides = array<i32>} : memref<32x128xi32, #tpu.memory_space<vmem>>, vector<16xi32>,
      %max3A_893 = arith.maxsi %max3A_888, %get3A_892 : vector<16xi32>
      %get3A_894 = arith.constant 15 : i32
      %get3A_895 = arith.index_cast %get3A_894 : i32 to index
      %get3A_896 = arith.constant 16 : index
      %get3A_897 = tpu.vector_load %arg5[%get3A_895, %get3A_896] {strides = array<i32>} : memref<32x128xi32, #tpu.memory_space<vmem>>, vector<16xi32>,
      %max3A_898 = arith.maxsi %max3A_893, %get3A_897 : vector<16xi32>
      %get3A_899 = arith.constant 16 : i32
      %get3A_900 = arith.index_cast %get3A_899 : i32 to index
      %get3A_901 = arith.constant 16 : index
      %get3A_902 = tpu.vector_load %arg5[%get3A_900, %get3A_901] {strides = array<i32>} : memref<32x128xi32, #tpu.memory_space<vmem>>, vector<16xi32>,
      %max3A_903 = arith.maxsi %max3A_898, %get3A_902 : vector<16xi32>
      %get3A_904 = arith.constant 17 : i32
      %get3A_905 = arith.index_cast %get3A_904 : i32 to index
      %get3A_906 = arith.constant 16 : index
      %get3A_907 = tpu.vector_load %arg5[%get3A_905, %get3A_906] {strides = array<i32>} : memref<32x128xi32, #tpu.memory_space<vmem>>, vector<16xi32>,
      %max3A_908 = arith.maxsi %max3A_903, %get3A_907 : vector<16xi32>
      %get3A_909 = arith.constant 18 : i32
      %get3A_910 = arith.index_cast %get3A_909 : i32 to index
      %get3A_911 = arith.constant 16 : index
      %get3A_912 = tpu.vector_load %arg5[%get3A_910, %get3A_911] {strides = array<i32>} : memref<32x128xi32, #tpu.memory_space<vmem>>, vector<16xi32>,
      %max3A_913 = arith.maxsi %max3A_908, %get3A_912 : vector<16xi32>
      %get3A_914 = arith.constant 19 : i32
      %get3A_915 = arith.index_cast %get3A_914 : i32 to index
      %get3A_916 = arith.constant 16 : index
      %get3A_917 = tpu.vector_load %arg5[%get3A_915, %get3A_916] {strides = array<i32>} : memref<32x128xi32, #tpu.memory_space<vmem>>, vector<16xi32>,
      %max3A_918 = arith.maxsi %max3A_913, %get3A_917 : vector<16xi32>
      %get3A_919 = arith.constant 20 : i32
      %get3A_920 = arith.index_cast %get3A_919 : i32 to index
      %get3A_921 = arith.constant 16 : index
      %get3A_922 = tpu.vector_load %arg5[%get3A_920, %get3A_921] {strides = array<i32>} : memref<32x128xi32, #tpu.memory_space<vmem>>, vector<16xi32>,
      %max3A_923 = arith.maxsi %max3A_918, %get3A_922 : vector<16xi32>
      %get3A_924 = arith.constant 21 : i32
      %get3A_925 = arith.index_cast %get3A_924 : i32 to index
      %get3A_926 = arith.constant 16 : index
      %get3A_927 = tpu.vector_load %arg5[%get3A_925, %get3A_926] {strides = array<i32>} : memref<32x128xi32, #tpu.memory_space<vmem>>, vector<16xi32>,
      %max3A_928 = arith.maxsi %max3A_923, %get3A_927 : vector<16xi32>
      %get3A_929 = arith.constant 22 : i32
      %get3A_930 = arith.index_cast %get3A_929 : i32 to index
      %get3A_931 = arith.constant 16 : index
      %get3A_932 = tpu.vector_load %arg5[%get3A_930, %get3A_931] {strides = array<i32>} : memref<32x128xi32, #tpu.memory_space<vmem>>, vector<16xi32>,
      %max3A_933 = arith.maxsi %max3A_928, %get3A_932 : vector<16xi32>
      %get3A_934 = arith.constant 23 : i32
      %get3A_935 = arith.index_cast %get3A_934 : i32 to index
      %get3A_936 = arith.constant 16 : index
      %get3A_937 = tpu.vector_load %arg5[%get3A_935, %get3A_936] {strides = array<i32>} : memref<32x128xi32, #tpu.memory_space<vmem>>, vector<16xi32>,
      %max3A_938 = arith.maxsi %max3A_933, %get3A_937 : vector<16xi32>
      %get3A_939 = arith.constant 24 : i32
      %get3A_940 = arith.index_cast %get3A_939 : i32 to index
      %get3A_941 = arith.constant 16 : index
      %get3A_942 = tpu.vector_load %arg5[%get3A_940, %get3A_941] {strides = array<i32>} : memref<32x128xi32, #tpu.memory_space<vmem>>, vector<16xi32>,
      %max3A_943 = arith.maxsi %max3A_938, %get3A_942 : vector<16xi32>
      %get3A_944 = arith.constant 25 : i32
      %get3A_945 = arith.index_cast %get3A_944 : i32 to index
      %get3A_946 = arith.constant 16 : index
      %get3A_947 = tpu.vector_load %arg5[%get3A_945, %get3A_946] {strides = array<i32>} : memref<32x128xi32, #tpu.memory_space<vmem>>, vector<16xi32>,
      %max3A_948 = arith.maxsi %max3A_943, %get3A_947 : vector<16xi32>
      %get3A_949 = arith.constant 26 : i32
      %get3A_950 = arith.index_cast %get3A_949 : i32 to index
      %get3A_951 = arith.constant 16 : index
      %get3A_952 = tpu.vector_load %arg5[%get3A_950, %get3A_951] {strides = array<i32>} : memref<32x128xi32, #tpu.memory_space<vmem>>, vector<16xi32>,
      %max3A_953 = arith.maxsi %max3A_948, %get3A_952 : vector<16xi32>
      %get3A_954 = arith.constant 27 : i32
      %get3A_955 = arith.index_cast %get3A_954 : i32 to index
      %get3A_956 = arith.constant 16 : index
      %get3A_957 = tpu.vector_load %arg5[%get3A_955, %get3A_956] {strides = array<i32>} : memref<32x128xi32, #tpu.memory_space<vmem>>, vector<16xi32>,
      %max3A_958 = arith.maxsi %max3A_953, %get3A_957 : vector<16xi32>
      %get3A_959 = arith.constant 28 : i32
      %get3A_960 = arith.index_cast %get3A_959 : i32 to index
      %get3A_961 = arith.constant 16 : index
      %get3A_962 = tpu.vector_load %arg5[%get3A_960, %get3A_961] {strides = array<i32>} : memref<32x128xi32, #tpu.memory_space<vmem>>, vector<16xi32>,
      %max3A_963 = arith.maxsi %max3A_958, %get3A_962 : vector<16xi32>
      %get3A_964 = arith.constant 29 : i32
      %get3A_965 = arith.index_cast %get3A_964 : i32 to index
      %get3A_966 = arith.constant 16 : index
      %get3A_967 = tpu.vector_load %arg5[%get3A_965, %get3A_966] {strides = array<i32>} : memref<32x128xi32, #tpu.memory_space<vmem>>, vector<16xi32>,
      %max3A_968 = arith.maxsi %max3A_963, %get3A_967 : vector<16xi32>
      %get3A_969 = arith.constant 30 : i32
      %get3A_970 = arith.index_cast %get3A_969 : i32 to index
      %get3A_971 = arith.constant 16 : index
      %get3A_972 = tpu.vector_load %arg5[%get3A_970, %get3A_971] {strides = array<i32>} : memref<32x128xi32, #tpu.memory_space<vmem>>, vector<16xi32>,
      %max3A_973 = arith.maxsi %max3A_968, %get3A_972 : vector<16xi32>
      %get3A_974 = arith.constant 31 : i32
      %get3A_975 = arith.index_cast %get3A_974 : i32 to index
      %get3A_976 = arith.constant 16 : index
      %get3A_977 = tpu.vector_load %arg5[%get3A_975, %get3A_976] {strides = array<i32>} : memref<32x128xi32, #tpu.memory_space<vmem>>, vector<16xi32>,
      %max3A_978 = arith.maxsi %max3A_973, %get3A_977 : vector<16xi32>
      %swap3A_979 = arith.constant 16 : index
      %swap3A_980 = tpu.vector_load %arg6[%swap3A_979] {strides = array<i32>} : memref<128xi32, #tpu.memory_space<vmem>>, vector<16xi32>,
      tpu.vector_store %arg6[%swap3A_979], %max3A_978 {strides = array<i32>} : memref<128xi32, #tpu.memory_space<vmem>>, vector<16xi32>,
      %ge3A_981 = arith.constant 0 : i32
      %ge3A_982 = vector.broadcast %ge3A_981 : i32 to vector<16xi32>
      %ge3A_983 = arith.cmpi sge, %max3A_978, %ge3A_982 : vector<16xi32>
      %add3A_984 = arith.constant 16 : i32
      %add3A_985 = arith.addi %mul3A_2, %add3A_984 : i32
      %add3A_986 = vector.broadcast %add3A_985 : i32 to vector<16xi32>
      %add3A_987 = arith.addi %add3A_986, %iota3A : vector<16xi32>
      %rem3A_988 = arith.constant 921600 : i32
      %rem3A_989 = vector.broadcast %rem3A_988 : i32 to vector<16xi32>
      %rem3A_990 = arith.remsi %max3A_978, %rem3A_989 : vector<16xi32>
      %select_n3A_991 = arith.select %ge3A_983, %rem3A_990, %add3A_987 : vector<16xi1>, vector<16xi32>
      %swap3A_992 = arith.constant 16 : index
      %swap3A_993 = tpu.vector_load %arg7[%swap3A_992] {strides = array<i32>} : memref<128xi32, #tpu.memory_space<vmem>>, vector<16xi32>,
      tpu.vector_store %arg7[%swap3A_992], %select_n3A_991 {strides = array<i32>} : memref<128xi32, #tpu.memory_space<vmem>>, vector<16xi32>,
      %not3A_994 = arith.constant dense<true> : vector<16xi1>
      %not3A_995 = arith.xori %ge3A_983, %not3A_994 : vector<16xi1>
      %lt3A_996 = arith.constant 2562 : i32
      %lt3A_997 = vector.broadcast %lt3A_996 : i32 to vector<16xi32>
      %lt3A_998 = arith.cmpi slt, %add3A_987, %lt3A_997 : vector<16xi32>
      %and3A_999 = arith.andi %not3A_995, %lt3A_998 : vector<16xi1>
      %jit3A_1000 = arith.constant 1 : i32
      %jit3A_1001 = arith.constant 0 : i32
      %broadcast_in_dim3A_1002 = vector.broadcast %jit3A_1000 : i32 to vector<16xi32>
      %broadcast_in_dim3A_1003 = vector.broadcast %jit3A_1001 : i32 to vector<16xi32>
      %select_n3A_1004 = arith.select %and3A_999, %broadcast_in_dim3A_1002, %broadcast_in_dim3A_1003 : vector<16xi1>, vector<16xi32>
      %add3A_1005 = arith.addi %add3A_819, %select_n3A_1004 : vector<16xi32>
      %get3A_1006 = arith.constant 0 : i32
      %get3A_1007 = arith.index_cast %get3A_1006 : i32 to index
      %get3A_1008 = arith.constant 32 : index
      %get3A_1009 = tpu.vector_load %arg5[%get3A_1007, %get3A_1008] {strides = array<i32>} : memref<32x128xi32, #tpu.memory_space<vmem>>, vector<16xi32>,
      %get3A_1010 = arith.constant 1 : i32
      %get3A_1011 = arith.index_cast %get3A_1010 : i32 to index
      %get3A_1012 = arith.constant 32 : index
      %get3A_1013 = tpu.vector_load %arg5[%get3A_1011, %get3A_1012] {strides = array<i32>} : memref<32x128xi32, #tpu.memory_space<vmem>>, vector<16xi32>,
      %max3A_1014 = arith.maxsi %get3A_1009, %get3A_1013 : vector<16xi32>
      %get3A_1015 = arith.constant 2 : i32
      %get3A_1016 = arith.index_cast %get3A_1015 : i32 to index
      %get3A_1017 = arith.constant 32 : index
      %get3A_1018 = tpu.vector_load %arg5[%get3A_1016, %get3A_1017] {strides = array<i32>} : memref<32x128xi32, #tpu.memory_space<vmem>>, vector<16xi32>,
      %max3A_1019 = arith.maxsi %max3A_1014, %get3A_1018 : vector<16xi32>
      %get3A_1020 = arith.constant 3 : i32
      %get3A_1021 = arith.index_cast %get3A_1020 : i32 to index
      %get3A_1022 = arith.constant 32 : index
      %get3A_1023 = tpu.vector_load %arg5[%get3A_1021, %get3A_1022] {strides = array<i32>} : memref<32x128xi32, #tpu.memory_space<vmem>>, vector<16xi32>,
      %max3A_1024 = arith.maxsi %max3A_1019, %get3A_1023 : vector<16xi32>
      %get3A_1025 = arith.constant 4 : i32
      %get3A_1026 = arith.index_cast %get3A_1025 : i32 to index
      %get3A_1027 = arith.constant 32 : index
      %get3A_1028 = tpu.vector_load %arg5[%get3A_1026, %get3A_1027] {strides = array<i32>} : memref<32x128xi32, #tpu.memory_space<vmem>>, vector<16xi32>,
      %max3A_1029 = arith.maxsi %max3A_1024, %get3A_1028 : vector<16xi32>
      %get3A_1030 = arith.constant 5 : i32
      %get3A_1031 = arith.index_cast %get3A_1030 : i32 to index
      %get3A_1032 = arith.constant 32 : index
      %get3A_1033 = tpu.vector_load %arg5[%get3A_1031, %get3A_1032] {strides = array<i32>} : memref<32x128xi32, #tpu.memory_space<vmem>>, vector<16xi32>,
      %max3A_1034 = arith.maxsi %max3A_1029, %get3A_1033 : vector<16xi32>
      %get3A_1035 = arith.constant 6 : i32
      %get3A_1036 = arith.index_cast %get3A_1035 : i32 to index
      %get3A_1037 = arith.constant 32 : index
      %get3A_1038 = tpu.vector_load %arg5[%get3A_1036, %get3A_1037] {strides = array<i32>} : memref<32x128xi32, #tpu.memory_space<vmem>>, vector<16xi32>,
      %max3A_1039 = arith.maxsi %max3A_1034, %get3A_1038 : vector<16xi32>
      %get3A_1040 = arith.constant 7 : i32
      %get3A_1041 = arith.index_cast %get3A_1040 : i32 to index
      %get3A_1042 = arith.constant 32 : index
      %get3A_1043 = tpu.vector_load %arg5[%get3A_1041, %get3A_1042] {strides = array<i32>} : memref<32x128xi32, #tpu.memory_space<vmem>>, vector<16xi32>,
      %max3A_1044 = arith.maxsi %max3A_1039, %get3A_1043 : vector<16xi32>
      %get3A_1045 = arith.constant 8 : i32
      %get3A_1046 = arith.index_cast %get3A_1045 : i32 to index
      %get3A_1047 = arith.constant 32 : index
      %get3A_1048 = tpu.vector_load %arg5[%get3A_1046, %get3A_1047] {strides = array<i32>} : memref<32x128xi32, #tpu.memory_space<vmem>>, vector<16xi32>,
      %max3A_1049 = arith.maxsi %max3A_1044, %get3A_1048 : vector<16xi32>
      %get3A_1050 = arith.constant 9 : i32
      %get3A_1051 = arith.index_cast %get3A_1050 : i32 to index
      %get3A_1052 = arith.constant 32 : index
      %get3A_1053 = tpu.vector_load %arg5[%get3A_1051, %get3A_1052] {strides = array<i32>} : memref<32x128xi32, #tpu.memory_space<vmem>>, vector<16xi32>,
      %max3A_1054 = arith.maxsi %max3A_1049, %get3A_1053 : vector<16xi32>
      %get3A_1055 = arith.constant 10 : i32
      %get3A_1056 = arith.index_cast %get3A_1055 : i32 to index
      %get3A_1057 = arith.constant 32 : index
      %get3A_1058 = tpu.vector_load %arg5[%get3A_1056, %get3A_1057] {strides = array<i32>} : memref<32x128xi32, #tpu.memory_space<vmem>>, vector<16xi32>,
      %max3A_1059 = arith.maxsi %max3A_1054, %get3A_1058 : vector<16xi32>
      %get3A_1060 = arith.constant 11 : i32
      %get3A_1061 = arith.index_cast %get3A_1060 : i32 to index
      %get3A_1062 = arith.constant 32 : index
      %get3A_1063 = tpu.vector_load %arg5[%get3A_1061, %get3A_1062] {strides = array<i32>} : memref<32x128xi32, #tpu.memory_space<vmem>>, vector<16xi32>,
      %max3A_1064 = arith.maxsi %max3A_1059, %get3A_1063 : vector<16xi32>
      %get3A_1065 = arith.constant 12 : i32
      %get3A_1066 = arith.index_cast %get3A_1065 : i32 to index
      %get3A_1067 = arith.constant 32 : index
      %get3A_1068 = tpu.vector_load %arg5[%get3A_1066, %get3A_1067] {strides = array<i32>} : memref<32x128xi32, #tpu.memory_space<vmem>>, vector<16xi32>,
      %max3A_1069 = arith.maxsi %max3A_1064, %get3A_1068 : vector<16xi32>
      %get3A_1070 = arith.constant 13 : i32
      %get3A_1071 = arith.index_cast %get3A_1070 : i32 to index
      %get3A_1072 = arith.constant 32 : index
      %get3A_1073 = tpu.vector_load %arg5[%get3A_1071, %get3A_1072] {strides = array<i32>} : memref<32x128xi32, #tpu.memory_space<vmem>>, vector<16xi32>,
      %max3A_1074 = arith.maxsi %max3A_1069, %get3A_1073 : vector<16xi32>
      %get3A_1075 = arith.constant 14 : i32
      %get3A_1076 = arith.index_cast %get3A_1075 : i32 to index
      %get3A_1077 = arith.constant 32 : index
      %get3A_1078 = tpu.vector_load %arg5[%get3A_1076, %get3A_1077] {strides = array<i32>} : memref<32x128xi32, #tpu.memory_space<vmem>>, vector<16xi32>,
      %max3A_1079 = arith.maxsi %max3A_1074, %get3A_1078 : vector<16xi32>
      %get3A_1080 = arith.constant 15 : i32
      %get3A_1081 = arith.index_cast %get3A_1080 : i32 to index
      %get3A_1082 = arith.constant 32 : index
      %get3A_1083 = tpu.vector_load %arg5[%get3A_1081, %get3A_1082] {strides = array<i32>} : memref<32x128xi32, #tpu.memory_space<vmem>>, vector<16xi32>,
      %max3A_1084 = arith.maxsi %max3A_1079, %get3A_1083 : vector<16xi32>
      %get3A_1085 = arith.constant 16 : i32
      %get3A_1086 = arith.index_cast %get3A_1085 : i32 to index
      %get3A_1087 = arith.constant 32 : index
      %get3A_1088 = tpu.vector_load %arg5[%get3A_1086, %get3A_1087] {strides = array<i32>} : memref<32x128xi32, #tpu.memory_space<vmem>>, vector<16xi32>,
      %max3A_1089 = arith.maxsi %max3A_1084, %get3A_1088 : vector<16xi32>
      %get3A_1090 = arith.constant 17 : i32
      %get3A_1091 = arith.index_cast %get3A_1090 : i32 to index
      %get3A_1092 = arith.constant 32 : index
      %get3A_1093 = tpu.vector_load %arg5[%get3A_1091, %get3A_1092] {strides = array<i32>} : memref<32x128xi32, #tpu.memory_space<vmem>>, vector<16xi32>,
      %max3A_1094 = arith.maxsi %max3A_1089, %get3A_1093 : vector<16xi32>
      %get3A_1095 = arith.constant 18 : i32
      %get3A_1096 = arith.index_cast %get3A_1095 : i32 to index
      %get3A_1097 = arith.constant 32 : index
      %get3A_1098 = tpu.vector_load %arg5[%get3A_1096, %get3A_1097] {strides = array<i32>} : memref<32x128xi32, #tpu.memory_space<vmem>>, vector<16xi32>,
      %max3A_1099 = arith.maxsi %max3A_1094, %get3A_1098 : vector<16xi32>
      %get3A_1100 = arith.constant 19 : i32
      %get3A_1101 = arith.index_cast %get3A_1100 : i32 to index
      %get3A_1102 = arith.constant 32 : index
      %get3A_1103 = tpu.vector_load %arg5[%get3A_1101, %get3A_1102] {strides = array<i32>} : memref<32x128xi32, #tpu.memory_space<vmem>>, vector<16xi32>,
      %max3A_1104 = arith.maxsi %max3A_1099, %get3A_1103 : vector<16xi32>
      %get3A_1105 = arith.constant 20 : i32
      %get3A_1106 = arith.index_cast %get3A_1105 : i32 to index
      %get3A_1107 = arith.constant 32 : index
      %get3A_1108 = tpu.vector_load %arg5[%get3A_1106, %get3A_1107] {strides = array<i32>} : memref<32x128xi32, #tpu.memory_space<vmem>>, vector<16xi32>,
      %max3A_1109 = arith.maxsi %max3A_1104, %get3A_1108 : vector<16xi32>
      %get3A_1110 = arith.constant 21 : i32
      %get3A_1111 = arith.index_cast %get3A_1110 : i32 to index
      %get3A_1112 = arith.constant 32 : index
      %get3A_1113 = tpu.vector_load %arg5[%get3A_1111, %get3A_1112] {strides = array<i32>} : memref<32x128xi32, #tpu.memory_space<vmem>>, vector<16xi32>,
      %max3A_1114 = arith.maxsi %max3A_1109, %get3A_1113 : vector<16xi32>
      %get3A_1115 = arith.constant 22 : i32
      %get3A_1116 = arith.index_cast %get3A_1115 : i32 to index
      %get3A_1117 = arith.constant 32 : index
      %get3A_1118 = tpu.vector_load %arg5[%get3A_1116, %get3A_1117] {strides = array<i32>} : memref<32x128xi32, #tpu.memory_space<vmem>>, vector<16xi32>,
      %max3A_1119 = arith.maxsi %max3A_1114, %get3A_1118 : vector<16xi32>
      %get3A_1120 = arith.constant 23 : i32
      %get3A_1121 = arith.index_cast %get3A_1120 : i32 to index
      %get3A_1122 = arith.constant 32 : index
      %get3A_1123 = tpu.vector_load %arg5[%get3A_1121, %get3A_1122] {strides = array<i32>} : memref<32x128xi32, #tpu.memory_space<vmem>>, vector<16xi32>,
      %max3A_1124 = arith.maxsi %max3A_1119, %get3A_1123 : vector<16xi32>
      %get3A_1125 = arith.constant 24 : i32
      %get3A_1126 = arith.index_cast %get3A_1125 : i32 to index
      %get3A_1127 = arith.constant 32 : index
      %get3A_1128 = tpu.vector_load %arg5[%get3A_1126, %get3A_1127] {strides = array<i32>} : memref<32x128xi32, #tpu.memory_space<vmem>>, vector<16xi32>,
      %max3A_1129 = arith.maxsi %max3A_1124, %get3A_1128 : vector<16xi32>
      %get3A_1130 = arith.constant 25 : i32
      %get3A_1131 = arith.index_cast %get3A_1130 : i32 to index
      %get3A_1132 = arith.constant 32 : index
      %get3A_1133 = tpu.vector_load %arg5[%get3A_1131, %get3A_1132] {strides = array<i32>} : memref<32x128xi32, #tpu.memory_space<vmem>>, vector<16xi32>,
      %max3A_1134 = arith.maxsi %max3A_1129, %get3A_1133 : vector<16xi32>
      %get3A_1135 = arith.constant 26 : i32
      %get3A_1136 = arith.index_cast %get3A_1135 : i32 to index
      %get3A_1137 = arith.constant 32 : index
      %get3A_1138 = tpu.vector_load %arg5[%get3A_1136, %get3A_1137] {strides = array<i32>} : memref<32x128xi32, #tpu.memory_space<vmem>>, vector<16xi32>,
      %max3A_1139 = arith.maxsi %max3A_1134, %get3A_1138 : vector<16xi32>
      %get3A_1140 = arith.constant 27 : i32
      %get3A_1141 = arith.index_cast %get3A_1140 : i32 to index
      %get3A_1142 = arith.constant 32 : index
      %get3A_1143 = tpu.vector_load %arg5[%get3A_1141, %get3A_1142] {strides = array<i32>} : memref<32x128xi32, #tpu.memory_space<vmem>>, vector<16xi32>,
      %max3A_1144 = arith.maxsi %max3A_1139, %get3A_1143 : vector<16xi32>
      %get3A_1145 = arith.constant 28 : i32
      %get3A_1146 = arith.index_cast %get3A_1145 : i32 to index
      %get3A_1147 = arith.constant 32 : index
      %get3A_1148 = tpu.vector_load %arg5[%get3A_1146, %get3A_1147] {strides = array<i32>} : memref<32x128xi32, #tpu.memory_space<vmem>>, vector<16xi32>,
      %max3A_1149 = arith.maxsi %max3A_1144, %get3A_1148 : vector<16xi32>
      %get3A_1150 = arith.constant 29 : i32
      %get3A_1151 = arith.index_cast %get3A_1150 : i32 to index
      %get3A_1152 = arith.constant 32 : index
      %get3A_1153 = tpu.vector_load %arg5[%get3A_1151, %get3A_1152] {strides = array<i32>} : memref<32x128xi32, #tpu.memory_space<vmem>>, vector<16xi32>,
      %max3A_1154 = arith.maxsi %max3A_1149, %get3A_1153 : vector<16xi32>
      %get3A_1155 = arith.constant 30 : i32
      %get3A_1156 = arith.index_cast %get3A_1155 : i32 to index
      %get3A_1157 = arith.constant 32 : index
      %get3A_1158 = tpu.vector_load %arg5[%get3A_1156, %get3A_1157] {strides = array<i32>} : memref<32x128xi32, #tpu.memory_space<vmem>>, vector<16xi32>,
      %max3A_1159 = arith.maxsi %max3A_1154, %get3A_1158 : vector<16xi32>
      %get3A_1160 = arith.constant 31 : i32
      %get3A_1161 = arith.index_cast %get3A_1160 : i32 to index
      %get3A_1162 = arith.constant 32 : index
      %get3A_1163 = tpu.vector_load %arg5[%get3A_1161, %get3A_1162] {strides = array<i32>} : memref<32x128xi32, #tpu.memory_space<vmem>>, vector<16xi32>,
      %max3A_1164 = arith.maxsi %max3A_1159, %get3A_1163 : vector<16xi32>
      %swap3A_1165 = arith.constant 32 : index
      %swap3A_1166 = tpu.vector_load %arg6[%swap3A_1165] {strides = array<i32>} : memref<128xi32, #tpu.memory_space<vmem>>, vector<16xi32>,
      tpu.vector_store %arg6[%swap3A_1165], %max3A_1164 {strides = array<i32>} : memref<128xi32, #tpu.memory_space<vmem>>, vector<16xi32>,
      %ge3A_1167 = arith.constant 0 : i32
      %ge3A_1168 = vector.broadcast %ge3A_1167 : i32 to vector<16xi32>
      %ge3A_1169 = arith.cmpi sge, %max3A_1164, %ge3A_1168 : vector<16xi32>
      %add3A_1170 = arith.constant 32 : i32
      %add3A_1171 = arith.addi %mul3A_2, %add3A_1170 : i32
      %add3A_1172 = vector.broadcast %add3A_1171 : i32 to vector<16xi32>
      %add3A_1173 = arith.addi %add3A_1172, %iota3A : vector<16xi32>
      %rem3A_1174 = arith.constant 921600 : i32
      %rem3A_1175 = vector.broadcast %rem3A_1174 : i32 to vector<16xi32>
      %rem3A_1176 = arith.remsi %max3A_1164, %rem3A_1175 : vector<16xi32>
      %select_n3A_1177 = arith.select %ge3A_1169, %rem3A_1176, %add3A_1173 : vector<16xi1>, vector<16xi32>
      %swap3A_1178 = arith.constant 32 : index
      %swap3A_1179 = tpu.vector_load %arg7[%swap3A_1178] {strides = array<i32>} : memref<128xi32, #tpu.memory_space<vmem>>, vector<16xi32>,
      tpu.vector_store %arg7[%swap3A_1178], %select_n3A_1177 {strides = array<i32>} : memref<128xi32, #tpu.memory_space<vmem>>, vector<16xi32>,
      %not3A_1180 = arith.constant dense<true> : vector<16xi1>
      %not3A_1181 = arith.xori %ge3A_1169, %not3A_1180 : vector<16xi1>
      %lt3A_1182 = arith.constant 2562 : i32
      %lt3A_1183 = vector.broadcast %lt3A_1182 : i32 to vector<16xi32>
      %lt3A_1184 = arith.cmpi slt, %add3A_1173, %lt3A_1183 : vector<16xi32>
      %and3A_1185 = arith.andi %not3A_1181, %lt3A_1184 : vector<16xi1>
      %jit3A_1186 = arith.constant 1 : i32
      %jit3A_1187 = arith.constant 0 : i32
      %broadcast_in_dim3A_1188 = vector.broadcast %jit3A_1186 : i32 to vector<16xi32>
      %broadcast_in_dim3A_1189 = vector.broadcast %jit3A_1187 : i32 to vector<16xi32>
      %select_n3A_1190 = arith.select %and3A_1185, %broadcast_in_dim3A_1188, %broadcast_in_dim3A_1189 : vector<16xi1>, vector<16xi32>
      %add3A_1191 = arith.addi %add3A_1005, %select_n3A_1190 : vector<16xi32>
      %get3A_1192 = arith.constant 0 : i32
      %get3A_1193 = arith.index_cast %get3A_1192 : i32 to index
      %get3A_1194 = arith.constant 48 : index
      %get3A_1195 = tpu.vector_load %arg5[%get3A_1193, %get3A_1194] {strides = array<i32>} : memref<32x128xi32, #tpu.memory_space<vmem>>, vector<16xi32>,
      %get3A_1196 = arith.constant 1 : i32
      %get3A_1197 = arith.index_cast %get3A_1196 : i32 to index
      %get3A_1198 = arith.constant 48 : index
      %get3A_1199 = tpu.vector_load %arg5[%get3A_1197, %get3A_1198] {strides = array<i32>} : memref<32x128xi32, #tpu.memory_space<vmem>>, vector<16xi32>,
      %max3A_1200 = arith.maxsi %get3A_1195, %get3A_1199 : vector<16xi32>
      %get3A_1201 = arith.constant 2 : i32
      %get3A_1202 = arith.index_cast %get3A_1201 : i32 to index
      %get3A_1203 = arith.constant 48 : index
      %get3A_1204 = tpu.vector_load %arg5[%get3A_1202, %get3A_1203] {strides = array<i32>} : memref<32x128xi32, #tpu.memory_space<vmem>>, vector<16xi32>,
      %max3A_1205 = arith.maxsi %max3A_1200, %get3A_1204 : vector<16xi32>
      %get3A_1206 = arith.constant 3 : i32
      %get3A_1207 = arith.index_cast %get3A_1206 : i32 to index
      %get3A_1208 = arith.constant 48 : index
      %get3A_1209 = tpu.vector_load %arg5[%get3A_1207, %get3A_1208] {strides = array<i32>} : memref<32x128xi32, #tpu.memory_space<vmem>>, vector<16xi32>,
      %max3A_1210 = arith.maxsi %max3A_1205, %get3A_1209 : vector<16xi32>
      %get3A_1211 = arith.constant 4 : i32
      %get3A_1212 = arith.index_cast %get3A_1211 : i32 to index
      %get3A_1213 = arith.constant 48 : index
      %get3A_1214 = tpu.vector_load %arg5[%get3A_1212, %get3A_1213] {strides = array<i32>} : memref<32x128xi32, #tpu.memory_space<vmem>>, vector<16xi32>,
      %max3A_1215 = arith.maxsi %max3A_1210, %get3A_1214 : vector<16xi32>
      %get3A_1216 = arith.constant 5 : i32
      %get3A_1217 = arith.index_cast %get3A_1216 : i32 to index
      %get3A_1218 = arith.constant 48 : index
      %get3A_1219 = tpu.vector_load %arg5[%get3A_1217, %get3A_1218] {strides = array<i32>} : memref<32x128xi32, #tpu.memory_space<vmem>>, vector<16xi32>,
      %max3A_1220 = arith.maxsi %max3A_1215, %get3A_1219 : vector<16xi32>
      %get3A_1221 = arith.constant 6 : i32
      %get3A_1222 = arith.index_cast %get3A_1221 : i32 to index
      %get3A_1223 = arith.constant 48 : index
      %get3A_1224 = tpu.vector_load %arg5[%get3A_1222, %get3A_1223] {strides = array<i32>} : memref<32x128xi32, #tpu.memory_space<vmem>>, vector<16xi32>,
      %max3A_1225 = arith.maxsi %max3A_1220, %get3A_1224 : vector<16xi32>
      %get3A_1226 = arith.constant 7 : i32
      %get3A_1227 = arith.index_cast %get3A_1226 : i32 to index
      %get3A_1228 = arith.constant 48 : index
      %get3A_1229 = tpu.vector_load %arg5[%get3A_1227, %get3A_1228] {strides = array<i32>} : memref<32x128xi32, #tpu.memory_space<vmem>>, vector<16xi32>,
      %max3A_1230 = arith.maxsi %max3A_1225, %get3A_1229 : vector<16xi32>
      %get3A_1231 = arith.constant 8 : i32
      %get3A_1232 = arith.index_cast %get3A_1231 : i32 to index
      %get3A_1233 = arith.constant 48 : index
      %get3A_1234 = tpu.vector_load %arg5[%get3A_1232, %get3A_1233] {strides = array<i32>} : memref<32x128xi32, #tpu.memory_space<vmem>>, vector<16xi32>,
      %max3A_1235 = arith.maxsi %max3A_1230, %get3A_1234 : vector<16xi32>
      %get3A_1236 = arith.constant 9 : i32
      %get3A_1237 = arith.index_cast %get3A_1236 : i32 to index
      %get3A_1238 = arith.constant 48 : index
      %get3A_1239 = tpu.vector_load %arg5[%get3A_1237, %get3A_1238] {strides = array<i32>} : memref<32x128xi32, #tpu.memory_space<vmem>>, vector<16xi32>,
      %max3A_1240 = arith.maxsi %max3A_1235, %get3A_1239 : vector<16xi32>
      %get3A_1241 = arith.constant 10 : i32
      %get3A_1242 = arith.index_cast %get3A_1241 : i32 to index
      %get3A_1243 = arith.constant 48 : index
      %get3A_1244 = tpu.vector_load %arg5[%get3A_1242, %get3A_1243] {strides = array<i32>} : memref<32x128xi32, #tpu.memory_space<vmem>>, vector<16xi32>,
      %max3A_1245 = arith.maxsi %max3A_1240, %get3A_1244 : vector<16xi32>
      %get3A_1246 = arith.constant 11 : i32
      %get3A_1247 = arith.index_cast %get3A_1246 : i32 to index
      %get3A_1248 = arith.constant 48 : index
      %get3A_1249 = tpu.vector_load %arg5[%get3A_1247, %get3A_1248] {strides = array<i32>} : memref<32x128xi32, #tpu.memory_space<vmem>>, vector<16xi32>,
      %max3A_1250 = arith.maxsi %max3A_1245, %get3A_1249 : vector<16xi32>
      %get3A_1251 = arith.constant 12 : i32
      %get3A_1252 = arith.index_cast %get3A_1251 : i32 to index
      %get3A_1253 = arith.constant 48 : index
      %get3A_1254 = tpu.vector_load %arg5[%get3A_1252, %get3A_1253] {strides = array<i32>} : memref<32x128xi32, #tpu.memory_space<vmem>>, vector<16xi32>,
      %max3A_1255 = arith.maxsi %max3A_1250, %get3A_1254 : vector<16xi32>
      %get3A_1256 = arith.constant 13 : i32
      %get3A_1257 = arith.index_cast %get3A_1256 : i32 to index
      %get3A_1258 = arith.constant 48 : index
      %get3A_1259 = tpu.vector_load %arg5[%get3A_1257, %get3A_1258] {strides = array<i32>} : memref<32x128xi32, #tpu.memory_space<vmem>>, vector<16xi32>,
      %max3A_1260 = arith.maxsi %max3A_1255, %get3A_1259 : vector<16xi32>
      %get3A_1261 = arith.constant 14 : i32
      %get3A_1262 = arith.index_cast %get3A_1261 : i32 to index
      %get3A_1263 = arith.constant 48 : index
      %get3A_1264 = tpu.vector_load %arg5[%get3A_1262, %get3A_1263] {strides = array<i32>} : memref<32x128xi32, #tpu.memory_space<vmem>>, vector<16xi32>,
      %max3A_1265 = arith.maxsi %max3A_1260, %get3A_1264 : vector<16xi32>
      %get3A_1266 = arith.constant 15 : i32
      %get3A_1267 = arith.index_cast %get3A_1266 : i32 to index
      %get3A_1268 = arith.constant 48 : index
      %get3A_1269 = tpu.vector_load %arg5[%get3A_1267, %get3A_1268] {strides = array<i32>} : memref<32x128xi32, #tpu.memory_space<vmem>>, vector<16xi32>,
      %max3A_1270 = arith.maxsi %max3A_1265, %get3A_1269 : vector<16xi32>
      %get3A_1271 = arith.constant 16 : i32
      %get3A_1272 = arith.index_cast %get3A_1271 : i32 to index
      %get3A_1273 = arith.constant 48 : index
      %get3A_1274 = tpu.vector_load %arg5[%get3A_1272, %get3A_1273] {strides = array<i32>} : memref<32x128xi32, #tpu.memory_space<vmem>>, vector<16xi32>,
      %max3A_1275 = arith.maxsi %max3A_1270, %get3A_1274 : vector<16xi32>
      %get3A_1276 = arith.constant 17 : i32
      %get3A_1277 = arith.index_cast %get3A_1276 : i32 to index
      %get3A_1278 = arith.constant 48 : index
      %get3A_1279 = tpu.vector_load %arg5[%get3A_1277, %get3A_1278] {strides = array<i32>} : memref<32x128xi32, #tpu.memory_space<vmem>>, vector<16xi32>,
      %max3A_1280 = arith.maxsi %max3A_1275, %get3A_1279 : vector<16xi32>
      %get3A_1281 = arith.constant 18 : i32
      %get3A_1282 = arith.index_cast %get3A_1281 : i32 to index
      %get3A_1283 = arith.constant 48 : index
      %get3A_1284 = tpu.vector_load %arg5[%get3A_1282, %get3A_1283] {strides = array<i32>} : memref<32x128xi32, #tpu.memory_space<vmem>>, vector<16xi32>,
      %max3A_1285 = arith.maxsi %max3A_1280, %get3A_1284 : vector<16xi32>
      %get3A_1286 = arith.constant 19 : i32
      %get3A_1287 = arith.index_cast %get3A_1286 : i32 to index
      %get3A_1288 = arith.constant 48 : index
      %get3A_1289 = tpu.vector_load %arg5[%get3A_1287, %get3A_1288] {strides = array<i32>} : memref<32x128xi32, #tpu.memory_space<vmem>>, vector<16xi32>,
      %max3A_1290 = arith.maxsi %max3A_1285, %get3A_1289 : vector<16xi32>
      %get3A_1291 = arith.constant 20 : i32
      %get3A_1292 = arith.index_cast %get3A_1291 : i32 to index
      %get3A_1293 = arith.constant 48 : index
      %get3A_1294 = tpu.vector_load %arg5[%get3A_1292, %get3A_1293] {strides = array<i32>} : memref<32x128xi32, #tpu.memory_space<vmem>>, vector<16xi32>,
      %max3A_1295 = arith.maxsi %max3A_1290, %get3A_1294 : vector<16xi32>
      %get3A_1296 = arith.constant 21 : i32
      %get3A_1297 = arith.index_cast %get3A_1296 : i32 to index
      %get3A_1298 = arith.constant 48 : index
      %get3A_1299 = tpu.vector_load %arg5[%get3A_1297, %get3A_1298] {strides = array<i32>} : memref<32x128xi32, #tpu.memory_space<vmem>>, vector<16xi32>,
      %max3A_1300 = arith.maxsi %max3A_1295, %get3A_1299 : vector<16xi32>
      %get3A_1301 = arith.constant 22 : i32
      %get3A_1302 = arith.index_cast %get3A_1301 : i32 to index
      %get3A_1303 = arith.constant 48 : index
      %get3A_1304 = tpu.vector_load %arg5[%get3A_1302, %get3A_1303] {strides = array<i32>} : memref<32x128xi32, #tpu.memory_space<vmem>>, vector<16xi32>,
      %max3A_1305 = arith.maxsi %max3A_1300, %get3A_1304 : vector<16xi32>
      %get3A_1306 = arith.constant 23 : i32
      %get3A_1307 = arith.index_cast %get3A_1306 : i32 to index
      %get3A_1308 = arith.constant 48 : index
      %get3A_1309 = tpu.vector_load %arg5[%get3A_1307, %get3A_1308] {strides = array<i32>} : memref<32x128xi32, #tpu.memory_space<vmem>>, vector<16xi32>,
      %max3A_1310 = arith.maxsi %max3A_1305, %get3A_1309 : vector<16xi32>
      %get3A_1311 = arith.constant 24 : i32
      %get3A_1312 = arith.index_cast %get3A_1311 : i32 to index
      %get3A_1313 = arith.constant 48 : index
      %get3A_1314 = tpu.vector_load %arg5[%get3A_1312, %get3A_1313] {strides = array<i32>} : memref<32x128xi32, #tpu.memory_space<vmem>>, vector<16xi32>,
      %max3A_1315 = arith.maxsi %max3A_1310, %get3A_1314 : vector<16xi32>
      %get3A_1316 = arith.constant 25 : i32
      %get3A_1317 = arith.index_cast %get3A_1316 : i32 to index
      %get3A_1318 = arith.constant 48 : index
      %get3A_1319 = tpu.vector_load %arg5[%get3A_1317, %get3A_1318] {strides = array<i32>} : memref<32x128xi32, #tpu.memory_space<vmem>>, vector<16xi32>,
      %max3A_1320 = arith.maxsi %max3A_1315, %get3A_1319 : vector<16xi32>
      %get3A_1321 = arith.constant 26 : i32
      %get3A_1322 = arith.index_cast %get3A_1321 : i32 to index
      %get3A_1323 = arith.constant 48 : index
      %get3A_1324 = tpu.vector_load %arg5[%get3A_1322, %get3A_1323] {strides = array<i32>} : memref<32x128xi32, #tpu.memory_space<vmem>>, vector<16xi32>,
      %max3A_1325 = arith.maxsi %max3A_1320, %get3A_1324 : vector<16xi32>
      %get3A_1326 = arith.constant 27 : i32
      %get3A_1327 = arith.index_cast %get3A_1326 : i32 to index
      %get3A_1328 = arith.constant 48 : index
      %get3A_1329 = tpu.vector_load %arg5[%get3A_1327, %get3A_1328] {strides = array<i32>} : memref<32x128xi32, #tpu.memory_space<vmem>>, vector<16xi32>,
      %max3A_1330 = arith.maxsi %max3A_1325, %get3A_1329 : vector<16xi32>
      %get3A_1331 = arith.constant 28 : i32
      %get3A_1332 = arith.index_cast %get3A_1331 : i32 to index
      %get3A_1333 = arith.constant 48 : index
      %get3A_1334 = tpu.vector_load %arg5[%get3A_1332, %get3A_1333] {strides = array<i32>} : memref<32x128xi32, #tpu.memory_space<vmem>>, vector<16xi32>,
      %max3A_1335 = arith.maxsi %max3A_1330, %get3A_1334 : vector<16xi32>
      %get3A_1336 = arith.constant 29 : i32
      %get3A_1337 = arith.index_cast %get3A_1336 : i32 to index
      %get3A_1338 = arith.constant 48 : index
      %get3A_1339 = tpu.vector_load %arg5[%get3A_1337, %get3A_1338] {strides = array<i32>} : memref<32x128xi32, #tpu.memory_space<vmem>>, vector<16xi32>,
      %max3A_1340 = arith.maxsi %max3A_1335, %get3A_1339 : vector<16xi32>
      %get3A_1341 = arith.constant 30 : i32
      %get3A_1342 = arith.index_cast %get3A_1341 : i32 to index
      %get3A_1343 = arith.constant 48 : index
      %get3A_1344 = tpu.vector_load %arg5[%get3A_1342, %get3A_1343] {strides = array<i32>} : memref<32x128xi32, #tpu.memory_space<vmem>>, vector<16xi32>,
      %max3A_1345 = arith.maxsi %max3A_1340, %get3A_1344 : vector<16xi32>
      %get3A_1346 = arith.constant 31 : i32
      %get3A_1347 = arith.index_cast %get3A_1346 : i32 to index
      %get3A_1348 = arith.constant 48 : index
      %get3A_1349 = tpu.vector_load %arg5[%get3A_1347, %get3A_1348] {strides = array<i32>} : memref<32x128xi32, #tpu.memory_space<vmem>>, vector<16xi32>,
      %max3A_1350 = arith.maxsi %max3A_1345, %get3A_1349 : vector<16xi32>
      %swap3A_1351 = arith.constant 48 : index
      %swap3A_1352 = tpu.vector_load %arg6[%swap3A_1351] {strides = array<i32>} : memref<128xi32, #tpu.memory_space<vmem>>, vector<16xi32>,
      tpu.vector_store %arg6[%swap3A_1351], %max3A_1350 {strides = array<i32>} : memref<128xi32, #tpu.memory_space<vmem>>, vector<16xi32>,
      %ge3A_1353 = arith.constant 0 : i32
      %ge3A_1354 = vector.broadcast %ge3A_1353 : i32 to vector<16xi32>
      %ge3A_1355 = arith.cmpi sge, %max3A_1350, %ge3A_1354 : vector<16xi32>
      %add3A_1356 = arith.constant 48 : i32
      %add3A_1357 = arith.addi %mul3A_2, %add3A_1356 : i32
      %add3A_1358 = vector.broadcast %add3A_1357 : i32 to vector<16xi32>
      %add3A_1359 = arith.addi %add3A_1358, %iota3A : vector<16xi32>
      %rem3A_1360 = arith.constant 921600 : i32
      %rem3A_1361 = vector.broadcast %rem3A_1360 : i32 to vector<16xi32>
      %rem3A_1362 = arith.remsi %max3A_1350, %rem3A_1361 : vector<16xi32>
      %select_n3A_1363 = arith.select %ge3A_1355, %rem3A_1362, %add3A_1359 : vector<16xi1>, vector<16xi32>
      %swap3A_1364 = arith.constant 48 : index
      %swap3A_1365 = tpu.vector_load %arg7[%swap3A_1364] {strides = array<i32>} : memref<128xi32, #tpu.memory_space<vmem>>, vector<16xi32>,
      tpu.vector_store %arg7[%swap3A_1364], %select_n3A_1363 {strides = array<i32>} : memref<128xi32, #tpu.memory_space<vmem>>, vector<16xi32>,
      %not3A_1366 = arith.constant dense<true> : vector<16xi1>
      %not3A_1367 = arith.xori %ge3A_1355, %not3A_1366 : vector<16xi1>
      %lt3A_1368 = arith.constant 2562 : i32
      %lt3A_1369 = vector.broadcast %lt3A_1368 : i32 to vector<16xi32>
      %lt3A_1370 = arith.cmpi slt, %add3A_1359, %lt3A_1369 : vector<16xi32>
      %and3A_1371 = arith.andi %not3A_1367, %lt3A_1370 : vector<16xi1>
      %jit3A_1372 = arith.constant 1 : i32
      %jit3A_1373 = arith.constant 0 : i32
      %broadcast_in_dim3A_1374 = vector.broadcast %jit3A_1372 : i32 to vector<16xi32>
      %broadcast_in_dim3A_1375 = vector.broadcast %jit3A_1373 : i32 to vector<16xi32>
      %select_n3A_1376 = arith.select %and3A_1371, %broadcast_in_dim3A_1374, %broadcast_in_dim3A_1375 : vector<16xi1>, vector<16xi32>
      %add3A_1377 = arith.addi %add3A_1191, %select_n3A_1376 : vector<16xi32>
      %get3A_1378 = arith.constant 0 : i32
      %get3A_1379 = arith.index_cast %get3A_1378 : i32 to index
      %get3A_1380 = arith.constant 64 : index
      %get3A_1381 = tpu.vector_load %arg5[%get3A_1379, %get3A_1380] {strides = array<i32>} : memref<32x128xi32, #tpu.memory_space<vmem>>, vector<16xi32>,
      %get3A_1382 = arith.constant 1 : i32
      %get3A_1383 = arith.index_cast %get3A_1382 : i32 to index
      %get3A_1384 = arith.constant 64 : index
      %get3A_1385 = tpu.vector_load %arg5[%get3A_1383, %get3A_1384] {strides = array<i32>} : memref<32x128xi32, #tpu.memory_space<vmem>>, vector<16xi32>,
      %max3A_1386 = arith.maxsi %get3A_1381, %get3A_1385 : vector<16xi32>
      %get3A_1387 = arith.constant 2 : i32
      %get3A_1388 = arith.index_cast %get3A_1387 : i32 to index
      %get3A_1389 = arith.constant 64 : index
      %get3A_1390 = tpu.vector_load %arg5[%get3A_1388, %get3A_1389] {strides = array<i32>} : memref<32x128xi32, #tpu.memory_space<vmem>>, vector<16xi32>,
      %max3A_1391 = arith.maxsi %max3A_1386, %get3A_1390 : vector<16xi32>
      %get3A_1392 = arith.constant 3 : i32
      %get3A_1393 = arith.index_cast %get3A_1392 : i32 to index
      %get3A_1394 = arith.constant 64 : index
      %get3A_1395 = tpu.vector_load %arg5[%get3A_1393, %get3A_1394] {strides = array<i32>} : memref<32x128xi32, #tpu.memory_space<vmem>>, vector<16xi32>,
      %max3A_1396 = arith.maxsi %max3A_1391, %get3A_1395 : vector<16xi32>
      %get3A_1397 = arith.constant 4 : i32
      %get3A_1398 = arith.index_cast %get3A_1397 : i32 to index
      %get3A_1399 = arith.constant 64 : index
      %get3A_1400 = tpu.vector_load %arg5[%get3A_1398, %get3A_1399] {strides = array<i32>} : memref<32x128xi32, #tpu.memory_space<vmem>>, vector<16xi32>,
      %max3A_1401 = arith.maxsi %max3A_1396, %get3A_1400 : vector<16xi32>
      %get3A_1402 = arith.constant 5 : i32
      %get3A_1403 = arith.index_cast %get3A_1402 : i32 to index
      %get3A_1404 = arith.constant 64 : index
      %get3A_1405 = tpu.vector_load %arg5[%get3A_1403, %get3A_1404] {strides = array<i32>} : memref<32x128xi32, #tpu.memory_space<vmem>>, vector<16xi32>,
      %max3A_1406 = arith.maxsi %max3A_1401, %get3A_1405 : vector<16xi32>
      %get3A_1407 = arith.constant 6 : i32
      %get3A_1408 = arith.index_cast %get3A_1407 : i32 to index
      %get3A_1409 = arith.constant 64 : index
      %get3A_1410 = tpu.vector_load %arg5[%get3A_1408, %get3A_1409] {strides = array<i32>} : memref<32x128xi32, #tpu.memory_space<vmem>>, vector<16xi32>,
      %max3A_1411 = arith.maxsi %max3A_1406, %get3A_1410 : vector<16xi32>
      %get3A_1412 = arith.constant 7 : i32
      %get3A_1413 = arith.index_cast %get3A_1412 : i32 to index
      %get3A_1414 = arith.constant 64 : index
      %get3A_1415 = tpu.vector_load %arg5[%get3A_1413, %get3A_1414] {strides = array<i32>} : memref<32x128xi32, #tpu.memory_space<vmem>>, vector<16xi32>,
      %max3A_1416 = arith.maxsi %max3A_1411, %get3A_1415 : vector<16xi32>
      %get3A_1417 = arith.constant 8 : i32
      %get3A_1418 = arith.index_cast %get3A_1417 : i32 to index
      %get3A_1419 = arith.constant 64 : index
      %get3A_1420 = tpu.vector_load %arg5[%get3A_1418, %get3A_1419] {strides = array<i32>} : memref<32x128xi32, #tpu.memory_space<vmem>>, vector<16xi32>,
      %max3A_1421 = arith.maxsi %max3A_1416, %get3A_1420 : vector<16xi32>
      %get3A_1422 = arith.constant 9 : i32
      %get3A_1423 = arith.index_cast %get3A_1422 : i32 to index
      %get3A_1424 = arith.constant 64 : index
      %get3A_1425 = tpu.vector_load %arg5[%get3A_1423, %get3A_1424] {strides = array<i32>} : memref<32x128xi32, #tpu.memory_space<vmem>>, vector<16xi32>,
      %max3A_1426 = arith.maxsi %max3A_1421, %get3A_1425 : vector<16xi32>
      %get3A_1427 = arith.constant 10 : i32
      %get3A_1428 = arith.index_cast %get3A_1427 : i32 to index
      %get3A_1429 = arith.constant 64 : index
      %get3A_1430 = tpu.vector_load %arg5[%get3A_1428, %get3A_1429] {strides = array<i32>} : memref<32x128xi32, #tpu.memory_space<vmem>>, vector<16xi32>,
      %max3A_1431 = arith.maxsi %max3A_1426, %get3A_1430 : vector<16xi32>
      %get3A_1432 = arith.constant 11 : i32
      %get3A_1433 = arith.index_cast %get3A_1432 : i32 to index
      %get3A_1434 = arith.constant 64 : index
      %get3A_1435 = tpu.vector_load %arg5[%get3A_1433, %get3A_1434] {strides = array<i32>} : memref<32x128xi32, #tpu.memory_space<vmem>>, vector<16xi32>,
      %max3A_1436 = arith.maxsi %max3A_1431, %get3A_1435 : vector<16xi32>
      %get3A_1437 = arith.constant 12 : i32
      %get3A_1438 = arith.index_cast %get3A_1437 : i32 to index
      %get3A_1439 = arith.constant 64 : index
      %get3A_1440 = tpu.vector_load %arg5[%get3A_1438, %get3A_1439] {strides = array<i32>} : memref<32x128xi32, #tpu.memory_space<vmem>>, vector<16xi32>,
      %max3A_1441 = arith.maxsi %max3A_1436, %get3A_1440 : vector<16xi32>
      %get3A_1442 = arith.constant 13 : i32
      %get3A_1443 = arith.index_cast %get3A_1442 : i32 to index
      %get3A_1444 = arith.constant 64 : index
      %get3A_1445 = tpu.vector_load %arg5[%get3A_1443, %get3A_1444] {strides = array<i32>} : memref<32x128xi32, #tpu.memory_space<vmem>>, vector<16xi32>,
      %max3A_1446 = arith.maxsi %max3A_1441, %get3A_1445 : vector<16xi32>
      %get3A_1447 = arith.constant 14 : i32
      %get3A_1448 = arith.index_cast %get3A_1447 : i32 to index
      %get3A_1449 = arith.constant 64 : index
      %get3A_1450 = tpu.vector_load %arg5[%get3A_1448, %get3A_1449] {strides = array<i32>} : memref<32x128xi32, #tpu.memory_space<vmem>>, vector<16xi32>,
      %max3A_1451 = arith.maxsi %max3A_1446, %get3A_1450 : vector<16xi32>
      %get3A_1452 = arith.constant 15 : i32
      %get3A_1453 = arith.index_cast %get3A_1452 : i32 to index
      %get3A_1454 = arith.constant 64 : index
      %get3A_1455 = tpu.vector_load %arg5[%get3A_1453, %get3A_1454] {strides = array<i32>} : memref<32x128xi32, #tpu.memory_space<vmem>>, vector<16xi32>,
      %max3A_1456 = arith.maxsi %max3A_1451, %get3A_1455 : vector<16xi32>
      %get3A_1457 = arith.constant 16 : i32
      %get3A_1458 = arith.index_cast %get3A_1457 : i32 to index
      %get3A_1459 = arith.constant 64 : index
      %get3A_1460 = tpu.vector_load %arg5[%get3A_1458, %get3A_1459] {strides = array<i32>} : memref<32x128xi32, #tpu.memory_space<vmem>>, vector<16xi32>,
      %max3A_1461 = arith.maxsi %max3A_1456, %get3A_1460 : vector<16xi32>
      %get3A_1462 = arith.constant 17 : i32
      %get3A_1463 = arith.index_cast %get3A_1462 : i32 to index
      %get3A_1464 = arith.constant 64 : index
      %get3A_1465 = tpu.vector_load %arg5[%get3A_1463, %get3A_1464] {strides = array<i32>} : memref<32x128xi32, #tpu.memory_space<vmem>>, vector<16xi32>,
      %max3A_1466 = arith.maxsi %max3A_1461, %get3A_1465 : vector<16xi32>
      %get3A_1467 = arith.constant 18 : i32
      %get3A_1468 = arith.index_cast %get3A_1467 : i32 to index
      %get3A_1469 = arith.constant 64 : index
      %get3A_1470 = tpu.vector_load %arg5[%get3A_1468, %get3A_1469] {strides = array<i32>} : memref<32x128xi32, #tpu.memory_space<vmem>>, vector<16xi32>,
      %max3A_1471 = arith.maxsi %max3A_1466, %get3A_1470 : vector<16xi32>
      %get3A_1472 = arith.constant 19 : i32
      %get3A_1473 = arith.index_cast %get3A_1472 : i32 to index
      %get3A_1474 = arith.constant 64 : index
      %get3A_1475 = tpu.vector_load %arg5[%get3A_1473, %get3A_1474] {strides = array<i32>} : memref<32x128xi32, #tpu.memory_space<vmem>>, vector<16xi32>,
      %max3A_1476 = arith.maxsi %max3A_1471, %get3A_1475 : vector<16xi32>
      %get3A_1477 = arith.constant 20 : i32
      %get3A_1478 = arith.index_cast %get3A_1477 : i32 to index
      %get3A_1479 = arith.constant 64 : index
      %get3A_1480 = tpu.vector_load %arg5[%get3A_1478, %get3A_1479] {strides = array<i32>} : memref<32x128xi32, #tpu.memory_space<vmem>>, vector<16xi32>,
      %max3A_1481 = arith.maxsi %max3A_1476, %get3A_1480 : vector<16xi32>
      %get3A_1482 = arith.constant 21 : i32
      %get3A_1483 = arith.index_cast %get3A_1482 : i32 to index
      %get3A_1484 = arith.constant 64 : index
      %get3A_1485 = tpu.vector_load %arg5[%get3A_1483, %get3A_1484] {strides = array<i32>} : memref<32x128xi32, #tpu.memory_space<vmem>>, vector<16xi32>,
      %max3A_1486 = arith.maxsi %max3A_1481, %get3A_1485 : vector<16xi32>
      %get3A_1487 = arith.constant 22 : i32
      %get3A_1488 = arith.index_cast %get3A_1487 : i32 to index
      %get3A_1489 = arith.constant 64 : index
      %get3A_1490 = tpu.vector_load %arg5[%get3A_1488, %get3A_1489] {strides = array<i32>} : memref<32x128xi32, #tpu.memory_space<vmem>>, vector<16xi32>,
      %max3A_1491 = arith.maxsi %max3A_1486, %get3A_1490 : vector<16xi32>
      %get3A_1492 = arith.constant 23 : i32
      %get3A_1493 = arith.index_cast %get3A_1492 : i32 to index
      %get3A_1494 = arith.constant 64 : index
      %get3A_1495 = tpu.vector_load %arg5[%get3A_1493, %get3A_1494] {strides = array<i32>} : memref<32x128xi32, #tpu.memory_space<vmem>>, vector<16xi32>,
      %max3A_1496 = arith.maxsi %max3A_1491, %get3A_1495 : vector<16xi32>
      %get3A_1497 = arith.constant 24 : i32
      %get3A_1498 = arith.index_cast %get3A_1497 : i32 to index
      %get3A_1499 = arith.constant 64 : index
      %get3A_1500 = tpu.vector_load %arg5[%get3A_1498, %get3A_1499] {strides = array<i32>} : memref<32x128xi32, #tpu.memory_space<vmem>>, vector<16xi32>,
      %max3A_1501 = arith.maxsi %max3A_1496, %get3A_1500 : vector<16xi32>
      %get3A_1502 = arith.constant 25 : i32
      %get3A_1503 = arith.index_cast %get3A_1502 : i32 to index
      %get3A_1504 = arith.constant 64 : index
      %get3A_1505 = tpu.vector_load %arg5[%get3A_1503, %get3A_1504] {strides = array<i32>} : memref<32x128xi32, #tpu.memory_space<vmem>>, vector<16xi32>,
      %max3A_1506 = arith.maxsi %max3A_1501, %get3A_1505 : vector<16xi32>
      %get3A_1507 = arith.constant 26 : i32
      %get3A_1508 = arith.index_cast %get3A_1507 : i32 to index
      %get3A_1509 = arith.constant 64 : index
      %get3A_1510 = tpu.vector_load %arg5[%get3A_1508, %get3A_1509] {strides = array<i32>} : memref<32x128xi32, #tpu.memory_space<vmem>>, vector<16xi32>,
      %max3A_1511 = arith.maxsi %max3A_1506, %get3A_1510 : vector<16xi32>
      %get3A_1512 = arith.constant 27 : i32
      %get3A_1513 = arith.index_cast %get3A_1512 : i32 to index
      %get3A_1514 = arith.constant 64 : index
      %get3A_1515 = tpu.vector_load %arg5[%get3A_1513, %get3A_1514] {strides = array<i32>} : memref<32x128xi32, #tpu.memory_space<vmem>>, vector<16xi32>,
      %max3A_1516 = arith.maxsi %max3A_1511, %get3A_1515 : vector<16xi32>
      %get3A_1517 = arith.constant 28 : i32
      %get3A_1518 = arith.index_cast %get3A_1517 : i32 to index
      %get3A_1519 = arith.constant 64 : index
      %get3A_1520 = tpu.vector_load %arg5[%get3A_1518, %get3A_1519] {strides = array<i32>} : memref<32x128xi32, #tpu.memory_space<vmem>>, vector<16xi32>,
      %max3A_1521 = arith.maxsi %max3A_1516, %get3A_1520 : vector<16xi32>
      %get3A_1522 = arith.constant 29 : i32
      %get3A_1523 = arith.index_cast %get3A_1522 : i32 to index
      %get3A_1524 = arith.constant 64 : index
      %get3A_1525 = tpu.vector_load %arg5[%get3A_1523, %get3A_1524] {strides = array<i32>} : memref<32x128xi32, #tpu.memory_space<vmem>>, vector<16xi32>,
      %max3A_1526 = arith.maxsi %max3A_1521, %get3A_1525 : vector<16xi32>
      %get3A_1527 = arith.constant 30 : i32
      %get3A_1528 = arith.index_cast %get3A_1527 : i32 to index
      %get3A_1529 = arith.constant 64 : index
      %get3A_1530 = tpu.vector_load %arg5[%get3A_1528, %get3A_1529] {strides = array<i32>} : memref<32x128xi32, #tpu.memory_space<vmem>>, vector<16xi32>,
      %max3A_1531 = arith.maxsi %max3A_1526, %get3A_1530 : vector<16xi32>
      %get3A_1532 = arith.constant 31 : i32
      %get3A_1533 = arith.index_cast %get3A_1532 : i32 to index
      %get3A_1534 = arith.constant 64 : index
      %get3A_1535 = tpu.vector_load %arg5[%get3A_1533, %get3A_1534] {strides = array<i32>} : memref<32x128xi32, #tpu.memory_space<vmem>>, vector<16xi32>,
      %max3A_1536 = arith.maxsi %max3A_1531, %get3A_1535 : vector<16xi32>
      %swap3A_1537 = arith.constant 64 : index
      %swap3A_1538 = tpu.vector_load %arg6[%swap3A_1537] {strides = array<i32>} : memref<128xi32, #tpu.memory_space<vmem>>, vector<16xi32>,
      tpu.vector_store %arg6[%swap3A_1537], %max3A_1536 {strides = array<i32>} : memref<128xi32, #tpu.memory_space<vmem>>, vector<16xi32>,
      %ge3A_1539 = arith.constant 0 : i32
      %ge3A_1540 = vector.broadcast %ge3A_1539 : i32 to vector<16xi32>
      %ge3A_1541 = arith.cmpi sge, %max3A_1536, %ge3A_1540 : vector<16xi32>
      %add3A_1542 = arith.constant 64 : i32
      %add3A_1543 = arith.addi %mul3A_2, %add3A_1542 : i32
      %add3A_1544 = vector.broadcast %add3A_1543 : i32 to vector<16xi32>
      %add3A_1545 = arith.addi %add3A_1544, %iota3A : vector<16xi32>
      %rem3A_1546 = arith.constant 921600 : i32
      %rem3A_1547 = vector.broadcast %rem3A_1546 : i32 to vector<16xi32>
      %rem3A_1548 = arith.remsi %max3A_1536, %rem3A_1547 : vector<16xi32>
      %select_n3A_1549 = arith.select %ge3A_1541, %rem3A_1548, %add3A_1545 : vector<16xi1>, vector<16xi32>
      %swap3A_1550 = arith.constant 64 : index
      %swap3A_1551 = tpu.vector_load %arg7[%swap3A_1550] {strides = array<i32>} : memref<128xi32, #tpu.memory_space<vmem>>, vector<16xi32>,
      tpu.vector_store %arg7[%swap3A_1550], %select_n3A_1549 {strides = array<i32>} : memref<128xi32, #tpu.memory_space<vmem>>, vector<16xi32>,
      %not3A_1552 = arith.constant dense<true> : vector<16xi1>
      %not3A_1553 = arith.xori %ge3A_1541, %not3A_1552 : vector<16xi1>
      %lt3A_1554 = arith.constant 2562 : i32
      %lt3A_1555 = vector.broadcast %lt3A_1554 : i32 to vector<16xi32>
      %lt3A_1556 = arith.cmpi slt, %add3A_1545, %lt3A_1555 : vector<16xi32>
      %and3A_1557 = arith.andi %not3A_1553, %lt3A_1556 : vector<16xi1>
      %jit3A_1558 = arith.constant 1 : i32
      %jit3A_1559 = arith.constant 0 : i32
      %broadcast_in_dim3A_1560 = vector.broadcast %jit3A_1558 : i32 to vector<16xi32>
      %broadcast_in_dim3A_1561 = vector.broadcast %jit3A_1559 : i32 to vector<16xi32>
      %select_n3A_1562 = arith.select %and3A_1557, %broadcast_in_dim3A_1560, %broadcast_in_dim3A_1561 : vector<16xi1>, vector<16xi32>
      %add3A_1563 = arith.addi %add3A_1377, %select_n3A_1562 : vector<16xi32>
      %get3A_1564 = arith.constant 0 : i32
      %get3A_1565 = arith.index_cast %get3A_1564 : i32 to index
      %get3A_1566 = arith.constant 80 : index
      %get3A_1567 = tpu.vector_load %arg5[%get3A_1565, %get3A_1566] {strides = array<i32>} : memref<32x128xi32, #tpu.memory_space<vmem>>, vector<16xi32>,
      %get3A_1568 = arith.constant 1 : i32
      %get3A_1569 = arith.index_cast %get3A_1568 : i32 to index
      %get3A_1570 = arith.constant 80 : index
      %get3A_1571 = tpu.vector_load %arg5[%get3A_1569, %get3A_1570] {strides = array<i32>} : memref<32x128xi32, #tpu.memory_space<vmem>>, vector<16xi32>,
      %max3A_1572 = arith.maxsi %get3A_1567, %get3A_1571 : vector<16xi32>
      %get3A_1573 = arith.constant 2 : i32
      %get3A_1574 = arith.index_cast %get3A_1573 : i32 to index
      %get3A_1575 = arith.constant 80 : index
      %get3A_1576 = tpu.vector_load %arg5[%get3A_1574, %get3A_1575] {strides = array<i32>} : memref<32x128xi32, #tpu.memory_space<vmem>>, vector<16xi32>,
      %max3A_1577 = arith.maxsi %max3A_1572, %get3A_1576 : vector<16xi32>
      %get3A_1578 = arith.constant 3 : i32
      %get3A_1579 = arith.index_cast %get3A_1578 : i32 to index
      %get3A_1580 = arith.constant 80 : index
      %get3A_1581 = tpu.vector_load %arg5[%get3A_1579, %get3A_1580] {strides = array<i32>} : memref<32x128xi32, #tpu.memory_space<vmem>>, vector<16xi32>,
      %max3A_1582 = arith.maxsi %max3A_1577, %get3A_1581 : vector<16xi32>
      %get3A_1583 = arith.constant 4 : i32
      %get3A_1584 = arith.index_cast %get3A_1583 : i32 to index
      %get3A_1585 = arith.constant 80 : index
      %get3A_1586 = tpu.vector_load %arg5[%get3A_1584, %get3A_1585] {strides = array<i32>} : memref<32x128xi32, #tpu.memory_space<vmem>>, vector<16xi32>,
      %max3A_1587 = arith.maxsi %max3A_1582, %get3A_1586 : vector<16xi32>
      %get3A_1588 = arith.constant 5 : i32
      %get3A_1589 = arith.index_cast %get3A_1588 : i32 to index
      %get3A_1590 = arith.constant 80 : index
      %get3A_1591 = tpu.vector_load %arg5[%get3A_1589, %get3A_1590] {strides = array<i32>} : memref<32x128xi32, #tpu.memory_space<vmem>>, vector<16xi32>,
      %max3A_1592 = arith.maxsi %max3A_1587, %get3A_1591 : vector<16xi32>
      %get3A_1593 = arith.constant 6 : i32
      %get3A_1594 = arith.index_cast %get3A_1593 : i32 to index
      %get3A_1595 = arith.constant 80 : index
      %get3A_1596 = tpu.vector_load %arg5[%get3A_1594, %get3A_1595] {strides = array<i32>} : memref<32x128xi32, #tpu.memory_space<vmem>>, vector<16xi32>,
      %max3A_1597 = arith.maxsi %max3A_1592, %get3A_1596 : vector<16xi32>
      %get3A_1598 = arith.constant 7 : i32
      %get3A_1599 = arith.index_cast %get3A_1598 : i32 to index
      %get3A_1600 = arith.constant 80 : index
      %get3A_1601 = tpu.vector_load %arg5[%get3A_1599, %get3A_1600] {strides = array<i32>} : memref<32x128xi32, #tpu.memory_space<vmem>>, vector<16xi32>,
      %max3A_1602 = arith.maxsi %max3A_1597, %get3A_1601 : vector<16xi32>
      %get3A_1603 = arith.constant 8 : i32
      %get3A_1604 = arith.index_cast %get3A_1603 : i32 to index
      %get3A_1605 = arith.constant 80 : index
      %get3A_1606 = tpu.vector_load %arg5[%get3A_1604, %get3A_1605] {strides = array<i32>} : memref<32x128xi32, #tpu.memory_space<vmem>>, vector<16xi32>,
      %max3A_1607 = arith.maxsi %max3A_1602, %get3A_1606 : vector<16xi32>
      %get3A_1608 = arith.constant 9 : i32
      %get3A_1609 = arith.index_cast %get3A_1608 : i32 to index
      %get3A_1610 = arith.constant 80 : index
      %get3A_1611 = tpu.vector_load %arg5[%get3A_1609, %get3A_1610] {strides = array<i32>} : memref<32x128xi32, #tpu.memory_space<vmem>>, vector<16xi32>,
      %max3A_1612 = arith.maxsi %max3A_1607, %get3A_1611 : vector<16xi32>
      %get3A_1613 = arith.constant 10 : i32
      %get3A_1614 = arith.index_cast %get3A_1613 : i32 to index
      %get3A_1615 = arith.constant 80 : index
      %get3A_1616 = tpu.vector_load %arg5[%get3A_1614, %get3A_1615] {strides = array<i32>} : memref<32x128xi32, #tpu.memory_space<vmem>>, vector<16xi32>,
      %max3A_1617 = arith.maxsi %max3A_1612, %get3A_1616 : vector<16xi32>
      %get3A_1618 = arith.constant 11 : i32
      %get3A_1619 = arith.index_cast %get3A_1618 : i32 to index
      %get3A_1620 = arith.constant 80 : index
      %get3A_1621 = tpu.vector_load %arg5[%get3A_1619, %get3A_1620] {strides = array<i32>} : memref<32x128xi32, #tpu.memory_space<vmem>>, vector<16xi32>,
      %max3A_1622 = arith.maxsi %max3A_1617, %get3A_1621 : vector<16xi32>
      %get3A_1623 = arith.constant 12 : i32
      %get3A_1624 = arith.index_cast %get3A_1623 : i32 to index
      %get3A_1625 = arith.constant 80 : index
      %get3A_1626 = tpu.vector_load %arg5[%get3A_1624, %get3A_1625] {strides = array<i32>} : memref<32x128xi32, #tpu.memory_space<vmem>>, vector<16xi32>,
      %max3A_1627 = arith.maxsi %max3A_1622, %get3A_1626 : vector<16xi32>
      %get3A_1628 = arith.constant 13 : i32
      %get3A_1629 = arith.index_cast %get3A_1628 : i32 to index
      %get3A_1630 = arith.constant 80 : index
      %get3A_1631 = tpu.vector_load %arg5[%get3A_1629, %get3A_1630] {strides = array<i32>} : memref<32x128xi32, #tpu.memory_space<vmem>>, vector<16xi32>,
      %max3A_1632 = arith.maxsi %max3A_1627, %get3A_1631 : vector<16xi32>
      %get3A_1633 = arith.constant 14 : i32
      %get3A_1634 = arith.index_cast %get3A_1633 : i32 to index
      %get3A_1635 = arith.constant 80 : index
      %get3A_1636 = tpu.vector_load %arg5[%get3A_1634, %get3A_1635] {strides = array<i32>} : memref<32x128xi32, #tpu.memory_space<vmem>>, vector<16xi32>,
      %max3A_1637 = arith.maxsi %max3A_1632, %get3A_1636 : vector<16xi32>
      %get3A_1638 = arith.constant 15 : i32
      %get3A_1639 = arith.index_cast %get3A_1638 : i32 to index
      %get3A_1640 = arith.constant 80 : index
      %get3A_1641 = tpu.vector_load %arg5[%get3A_1639, %get3A_1640] {strides = array<i32>} : memref<32x128xi32, #tpu.memory_space<vmem>>, vector<16xi32>,
      %max3A_1642 = arith.maxsi %max3A_1637, %get3A_1641 : vector<16xi32>
      %get3A_1643 = arith.constant 16 : i32
      %get3A_1644 = arith.index_cast %get3A_1643 : i32 to index
      %get3A_1645 = arith.constant 80 : index
      %get3A_1646 = tpu.vector_load %arg5[%get3A_1644, %get3A_1645] {strides = array<i32>} : memref<32x128xi32, #tpu.memory_space<vmem>>, vector<16xi32>,
      %max3A_1647 = arith.maxsi %max3A_1642, %get3A_1646 : vector<16xi32>
      %get3A_1648 = arith.constant 17 : i32
      %get3A_1649 = arith.index_cast %get3A_1648 : i32 to index
      %get3A_1650 = arith.constant 80 : index
      %get3A_1651 = tpu.vector_load %arg5[%get3A_1649, %get3A_1650] {strides = array<i32>} : memref<32x128xi32, #tpu.memory_space<vmem>>, vector<16xi32>,
      %max3A_1652 = arith.maxsi %max3A_1647, %get3A_1651 : vector<16xi32>
      %get3A_1653 = arith.constant 18 : i32
      %get3A_1654 = arith.index_cast %get3A_1653 : i32 to index
      %get3A_1655 = arith.constant 80 : index
      %get3A_1656 = tpu.vector_load %arg5[%get3A_1654, %get3A_1655] {strides = array<i32>} : memref<32x128xi32, #tpu.memory_space<vmem>>, vector<16xi32>,
      %max3A_1657 = arith.maxsi %max3A_1652, %get3A_1656 : vector<16xi32>
      %get3A_1658 = arith.constant 19 : i32
      %get3A_1659 = arith.index_cast %get3A_1658 : i32 to index
      %get3A_1660 = arith.constant 80 : index
      %get3A_1661 = tpu.vector_load %arg5[%get3A_1659, %get3A_1660] {strides = array<i32>} : memref<32x128xi32, #tpu.memory_space<vmem>>, vector<16xi32>,
      %max3A_1662 = arith.maxsi %max3A_1657, %get3A_1661 : vector<16xi32>
      %get3A_1663 = arith.constant 20 : i32
      %get3A_1664 = arith.index_cast %get3A_1663 : i32 to index
      %get3A_1665 = arith.constant 80 : index
      %get3A_1666 = tpu.vector_load %arg5[%get3A_1664, %get3A_1665] {strides = array<i32>} : memref<32x128xi32, #tpu.memory_space<vmem>>, vector<16xi32>,
      %max3A_1667 = arith.maxsi %max3A_1662, %get3A_1666 : vector<16xi32>
      %get3A_1668 = arith.constant 21 : i32
      %get3A_1669 = arith.index_cast %get3A_1668 : i32 to index
      %get3A_1670 = arith.constant 80 : index
      %get3A_1671 = tpu.vector_load %arg5[%get3A_1669, %get3A_1670] {strides = array<i32>} : memref<32x128xi32, #tpu.memory_space<vmem>>, vector<16xi32>,
      %max3A_1672 = arith.maxsi %max3A_1667, %get3A_1671 : vector<16xi32>
      %get3A_1673 = arith.constant 22 : i32
      %get3A_1674 = arith.index_cast %get3A_1673 : i32 to index
      %get3A_1675 = arith.constant 80 : index
      %get3A_1676 = tpu.vector_load %arg5[%get3A_1674, %get3A_1675] {strides = array<i32>} : memref<32x128xi32, #tpu.memory_space<vmem>>, vector<16xi32>,
      %max3A_1677 = arith.maxsi %max3A_1672, %get3A_1676 : vector<16xi32>
      %get3A_1678 = arith.constant 23 : i32
      %get3A_1679 = arith.index_cast %get3A_1678 : i32 to index
      %get3A_1680 = arith.constant 80 : index
      %get3A_1681 = tpu.vector_load %arg5[%get3A_1679, %get3A_1680] {strides = array<i32>} : memref<32x128xi32, #tpu.memory_space<vmem>>, vector<16xi32>,
      %max3A_1682 = arith.maxsi %max3A_1677, %get3A_1681 : vector<16xi32>
      %get3A_1683 = arith.constant 24 : i32
      %get3A_1684 = arith.index_cast %get3A_1683 : i32 to index
      %get3A_1685 = arith.constant 80 : index
      %get3A_1686 = tpu.vector_load %arg5[%get3A_1684, %get3A_1685] {strides = array<i32>} : memref<32x128xi32, #tpu.memory_space<vmem>>, vector<16xi32>,
      %max3A_1687 = arith.maxsi %max3A_1682, %get3A_1686 : vector<16xi32>
      %get3A_1688 = arith.constant 25 : i32
      %get3A_1689 = arith.index_cast %get3A_1688 : i32 to index
      %get3A_1690 = arith.constant 80 : index
      %get3A_1691 = tpu.vector_load %arg5[%get3A_1689, %get3A_1690] {strides = array<i32>} : memref<32x128xi32, #tpu.memory_space<vmem>>, vector<16xi32>,
      %max3A_1692 = arith.maxsi %max3A_1687, %get3A_1691 : vector<16xi32>
      %get3A_1693 = arith.constant 26 : i32
      %get3A_1694 = arith.index_cast %get3A_1693 : i32 to index
      %get3A_1695 = arith.constant 80 : index
      %get3A_1696 = tpu.vector_load %arg5[%get3A_1694, %get3A_1695] {strides = array<i32>} : memref<32x128xi32, #tpu.memory_space<vmem>>, vector<16xi32>,
      %max3A_1697 = arith.maxsi %max3A_1692, %get3A_1696 : vector<16xi32>
      %get3A_1698 = arith.constant 27 : i32
      %get3A_1699 = arith.index_cast %get3A_1698 : i32 to index
      %get3A_1700 = arith.constant 80 : index
      %get3A_1701 = tpu.vector_load %arg5[%get3A_1699, %get3A_1700] {strides = array<i32>} : memref<32x128xi32, #tpu.memory_space<vmem>>, vector<16xi32>,
      %max3A_1702 = arith.maxsi %max3A_1697, %get3A_1701 : vector<16xi32>
      %get3A_1703 = arith.constant 28 : i32
      %get3A_1704 = arith.index_cast %get3A_1703 : i32 to index
      %get3A_1705 = arith.constant 80 : index
      %get3A_1706 = tpu.vector_load %arg5[%get3A_1704, %get3A_1705] {strides = array<i32>} : memref<32x128xi32, #tpu.memory_space<vmem>>, vector<16xi32>,
      %max3A_1707 = arith.maxsi %max3A_1702, %get3A_1706 : vector<16xi32>
      %get3A_1708 = arith.constant 29 : i32
      %get3A_1709 = arith.index_cast %get3A_1708 : i32 to index
      %get3A_1710 = arith.constant 80 : index
      %get3A_1711 = tpu.vector_load %arg5[%get3A_1709, %get3A_1710] {strides = array<i32>} : memref<32x128xi32, #tpu.memory_space<vmem>>, vector<16xi32>,
      %max3A_1712 = arith.maxsi %max3A_1707, %get3A_1711 : vector<16xi32>
      %get3A_1713 = arith.constant 30 : i32
      %get3A_1714 = arith.index_cast %get3A_1713 : i32 to index
      %get3A_1715 = arith.constant 80 : index
      %get3A_1716 = tpu.vector_load %arg5[%get3A_1714, %get3A_1715] {strides = array<i32>} : memref<32x128xi32, #tpu.memory_space<vmem>>, vector<16xi32>,
      %max3A_1717 = arith.maxsi %max3A_1712, %get3A_1716 : vector<16xi32>
      %get3A_1718 = arith.constant 31 : i32
      %get3A_1719 = arith.index_cast %get3A_1718 : i32 to index
      %get3A_1720 = arith.constant 80 : index
      %get3A_1721 = tpu.vector_load %arg5[%get3A_1719, %get3A_1720] {strides = array<i32>} : memref<32x128xi32, #tpu.memory_space<vmem>>, vector<16xi32>,
      %max3A_1722 = arith.maxsi %max3A_1717, %get3A_1721 : vector<16xi32>
      %swap3A_1723 = arith.constant 80 : index
      %swap3A_1724 = tpu.vector_load %arg6[%swap3A_1723] {strides = array<i32>} : memref<128xi32, #tpu.memory_space<vmem>>, vector<16xi32>,
      tpu.vector_store %arg6[%swap3A_1723], %max3A_1722 {strides = array<i32>} : memref<128xi32, #tpu.memory_space<vmem>>, vector<16xi32>,
      %ge3A_1725 = arith.constant 0 : i32
      %ge3A_1726 = vector.broadcast %ge3A_1725 : i32 to vector<16xi32>
      %ge3A_1727 = arith.cmpi sge, %max3A_1722, %ge3A_1726 : vector<16xi32>
      %add3A_1728 = arith.constant 80 : i32
      %add3A_1729 = arith.addi %mul3A_2, %add3A_1728 : i32
      %add3A_1730 = vector.broadcast %add3A_1729 : i32 to vector<16xi32>
      %add3A_1731 = arith.addi %add3A_1730, %iota3A : vector<16xi32>
      %rem3A_1732 = arith.constant 921600 : i32
      %rem3A_1733 = vector.broadcast %rem3A_1732 : i32 to vector<16xi32>
      %rem3A_1734 = arith.remsi %max3A_1722, %rem3A_1733 : vector<16xi32>
      %select_n3A_1735 = arith.select %ge3A_1727, %rem3A_1734, %add3A_1731 : vector<16xi1>, vector<16xi32>
      %swap3A_1736 = arith.constant 80 : index
      %swap3A_1737 = tpu.vector_load %arg7[%swap3A_1736] {strides = array<i32>} : memref<128xi32, #tpu.memory_space<vmem>>, vector<16xi32>,
      tpu.vector_store %arg7[%swap3A_1736], %select_n3A_1735 {strides = array<i32>} : memref<128xi32, #tpu.memory_space<vmem>>, vector<16xi32>,
      %not3A_1738 = arith.constant dense<true> : vector<16xi1>
      %not3A_1739 = arith.xori %ge3A_1727, %not3A_1738 : vector<16xi1>
      %lt3A_1740 = arith.constant 2562 : i32
      %lt3A_1741 = vector.broadcast %lt3A_1740 : i32 to vector<16xi32>
      %lt3A_1742 = arith.cmpi slt, %add3A_1731, %lt3A_1741 : vector<16xi32>
      %and3A_1743 = arith.andi %not3A_1739, %lt3A_1742 : vector<16xi1>
      %jit3A_1744 = arith.constant 1 : i32
      %jit3A_1745 = arith.constant 0 : i32
      %broadcast_in_dim3A_1746 = vector.broadcast %jit3A_1744 : i32 to vector<16xi32>
      %broadcast_in_dim3A_1747 = vector.broadcast %jit3A_1745 : i32 to vector<16xi32>
      %select_n3A_1748 = arith.select %and3A_1743, %broadcast_in_dim3A_1746, %broadcast_in_dim3A_1747 : vector<16xi1>, vector<16xi32>
      %add3A_1749 = arith.addi %add3A_1563, %select_n3A_1748 : vector<16xi32>
      %get3A_1750 = arith.constant 0 : i32
      %get3A_1751 = arith.index_cast %get3A_1750 : i32 to index
      %get3A_1752 = arith.constant 96 : index
      %get3A_1753 = tpu.vector_load %arg5[%get3A_1751, %get3A_1752] {strides = array<i32>} : memref<32x128xi32, #tpu.memory_space<vmem>>, vector<16xi32>,
      %get3A_1754 = arith.constant 1 : i32
      %get3A_1755 = arith.index_cast %get3A_1754 : i32 to index
      %get3A_1756 = arith.constant 96 : index
      %get3A_1757 = tpu.vector_load %arg5[%get3A_1755, %get3A_1756] {strides = array<i32>} : memref<32x128xi32, #tpu.memory_space<vmem>>, vector<16xi32>,
      %max3A_1758 = arith.maxsi %get3A_1753, %get3A_1757 : vector<16xi32>
      %get3A_1759 = arith.constant 2 : i32
      %get3A_1760 = arith.index_cast %get3A_1759 : i32 to index
      %get3A_1761 = arith.constant 96 : index
      %get3A_1762 = tpu.vector_load %arg5[%get3A_1760, %get3A_1761] {strides = array<i32>} : memref<32x128xi32, #tpu.memory_space<vmem>>, vector<16xi32>,
      %max3A_1763 = arith.maxsi %max3A_1758, %get3A_1762 : vector<16xi32>
      %get3A_1764 = arith.constant 3 : i32
      %get3A_1765 = arith.index_cast %get3A_1764 : i32 to index
      %get3A_1766 = arith.constant 96 : index
      %get3A_1767 = tpu.vector_load %arg5[%get3A_1765, %get3A_1766] {strides = array<i32>} : memref<32x128xi32, #tpu.memory_space<vmem>>, vector<16xi32>,
      %max3A_1768 = arith.maxsi %max3A_1763, %get3A_1767 : vector<16xi32>
      %get3A_1769 = arith.constant 4 : i32
      %get3A_1770 = arith.index_cast %get3A_1769 : i32 to index
      %get3A_1771 = arith.constant 96 : index
      %get3A_1772 = tpu.vector_load %arg5[%get3A_1770, %get3A_1771] {strides = array<i32>} : memref<32x128xi32, #tpu.memory_space<vmem>>, vector<16xi32>,
      %max3A_1773 = arith.maxsi %max3A_1768, %get3A_1772 : vector<16xi32>
      %get3A_1774 = arith.constant 5 : i32
      %get3A_1775 = arith.index_cast %get3A_1774 : i32 to index
      %get3A_1776 = arith.constant 96 : index
      %get3A_1777 = tpu.vector_load %arg5[%get3A_1775, %get3A_1776] {strides = array<i32>} : memref<32x128xi32, #tpu.memory_space<vmem>>, vector<16xi32>,
      %max3A_1778 = arith.maxsi %max3A_1773, %get3A_1777 : vector<16xi32>
      %get3A_1779 = arith.constant 6 : i32
      %get3A_1780 = arith.index_cast %get3A_1779 : i32 to index
      %get3A_1781 = arith.constant 96 : index
      %get3A_1782 = tpu.vector_load %arg5[%get3A_1780, %get3A_1781] {strides = array<i32>} : memref<32x128xi32, #tpu.memory_space<vmem>>, vector<16xi32>,
      %max3A_1783 = arith.maxsi %max3A_1778, %get3A_1782 : vector<16xi32>
      %get3A_1784 = arith.constant 7 : i32
      %get3A_1785 = arith.index_cast %get3A_1784 : i32 to index
      %get3A_1786 = arith.constant 96 : index
      %get3A_1787 = tpu.vector_load %arg5[%get3A_1785, %get3A_1786] {strides = array<i32>} : memref<32x128xi32, #tpu.memory_space<vmem>>, vector<16xi32>,
      %max3A_1788 = arith.maxsi %max3A_1783, %get3A_1787 : vector<16xi32>
      %get3A_1789 = arith.constant 8 : i32
      %get3A_1790 = arith.index_cast %get3A_1789 : i32 to index
      %get3A_1791 = arith.constant 96 : index
      %get3A_1792 = tpu.vector_load %arg5[%get3A_1790, %get3A_1791] {strides = array<i32>} : memref<32x128xi32, #tpu.memory_space<vmem>>, vector<16xi32>,
      %max3A_1793 = arith.maxsi %max3A_1788, %get3A_1792 : vector<16xi32>
      %get3A_1794 = arith.constant 9 : i32
      %get3A_1795 = arith.index_cast %get3A_1794 : i32 to index
      %get3A_1796 = arith.constant 96 : index
      %get3A_1797 = tpu.vector_load %arg5[%get3A_1795, %get3A_1796] {strides = array<i32>} : memref<32x128xi32, #tpu.memory_space<vmem>>, vector<16xi32>,
      %max3A_1798 = arith.maxsi %max3A_1793, %get3A_1797 : vector<16xi32>
      %get3A_1799 = arith.constant 10 : i32
      %get3A_1800 = arith.index_cast %get3A_1799 : i32 to index
      %get3A_1801 = arith.constant 96 : index
      %get3A_1802 = tpu.vector_load %arg5[%get3A_1800, %get3A_1801] {strides = array<i32>} : memref<32x128xi32, #tpu.memory_space<vmem>>, vector<16xi32>,
      %max3A_1803 = arith.maxsi %max3A_1798, %get3A_1802 : vector<16xi32>
      %get3A_1804 = arith.constant 11 : i32
      %get3A_1805 = arith.index_cast %get3A_1804 : i32 to index
      %get3A_1806 = arith.constant 96 : index
      %get3A_1807 = tpu.vector_load %arg5[%get3A_1805, %get3A_1806] {strides = array<i32>} : memref<32x128xi32, #tpu.memory_space<vmem>>, vector<16xi32>,
      %max3A_1808 = arith.maxsi %max3A_1803, %get3A_1807 : vector<16xi32>
      %get3A_1809 = arith.constant 12 : i32
      %get3A_1810 = arith.index_cast %get3A_1809 : i32 to index
      %get3A_1811 = arith.constant 96 : index
      %get3A_1812 = tpu.vector_load %arg5[%get3A_1810, %get3A_1811] {strides = array<i32>} : memref<32x128xi32, #tpu.memory_space<vmem>>, vector<16xi32>,
      %max3A_1813 = arith.maxsi %max3A_1808, %get3A_1812 : vector<16xi32>
      %get3A_1814 = arith.constant 13 : i32
      %get3A_1815 = arith.index_cast %get3A_1814 : i32 to index
      %get3A_1816 = arith.constant 96 : index
      %get3A_1817 = tpu.vector_load %arg5[%get3A_1815, %get3A_1816] {strides = array<i32>} : memref<32x128xi32, #tpu.memory_space<vmem>>, vector<16xi32>,
      %max3A_1818 = arith.maxsi %max3A_1813, %get3A_1817 : vector<16xi32>
      %get3A_1819 = arith.constant 14 : i32
      %get3A_1820 = arith.index_cast %get3A_1819 : i32 to index
      %get3A_1821 = arith.constant 96 : index
      %get3A_1822 = tpu.vector_load %arg5[%get3A_1820, %get3A_1821] {strides = array<i32>} : memref<32x128xi32, #tpu.memory_space<vmem>>, vector<16xi32>,
      %max3A_1823 = arith.maxsi %max3A_1818, %get3A_1822 : vector<16xi32>
      %get3A_1824 = arith.constant 15 : i32
      %get3A_1825 = arith.index_cast %get3A_1824 : i32 to index
      %get3A_1826 = arith.constant 96 : index
      %get3A_1827 = tpu.vector_load %arg5[%get3A_1825, %get3A_1826] {strides = array<i32>} : memref<32x128xi32, #tpu.memory_space<vmem>>, vector<16xi32>,
      %max3A_1828 = arith.maxsi %max3A_1823, %get3A_1827 : vector<16xi32>
      %get3A_1829 = arith.constant 16 : i32
      %get3A_1830 = arith.index_cast %get3A_1829 : i32 to index
      %get3A_1831 = arith.constant 96 : index
      %get3A_1832 = tpu.vector_load %arg5[%get3A_1830, %get3A_1831] {strides = array<i32>} : memref<32x128xi32, #tpu.memory_space<vmem>>, vector<16xi32>,
      %max3A_1833 = arith.maxsi %max3A_1828, %get3A_1832 : vector<16xi32>
      %get3A_1834 = arith.constant 17 : i32
      %get3A_1835 = arith.index_cast %get3A_1834 : i32 to index
      %get3A_1836 = arith.constant 96 : index
      %get3A_1837 = tpu.vector_load %arg5[%get3A_1835, %get3A_1836] {strides = array<i32>} : memref<32x128xi32, #tpu.memory_space<vmem>>, vector<16xi32>,
      %max3A_1838 = arith.maxsi %max3A_1833, %get3A_1837 : vector<16xi32>
      %get3A_1839 = arith.constant 18 : i32
      %get3A_1840 = arith.index_cast %get3A_1839 : i32 to index
      %get3A_1841 = arith.constant 96 : index
      %get3A_1842 = tpu.vector_load %arg5[%get3A_1840, %get3A_1841] {strides = array<i32>} : memref<32x128xi32, #tpu.memory_space<vmem>>, vector<16xi32>,
      %max3A_1843 = arith.maxsi %max3A_1838, %get3A_1842 : vector<16xi32>
      %get3A_1844 = arith.constant 19 : i32
      %get3A_1845 = arith.index_cast %get3A_1844 : i32 to index
      %get3A_1846 = arith.constant 96 : index
      %get3A_1847 = tpu.vector_load %arg5[%get3A_1845, %get3A_1846] {strides = array<i32>} : memref<32x128xi32, #tpu.memory_space<vmem>>, vector<16xi32>,
      %max3A_1848 = arith.maxsi %max3A_1843, %get3A_1847 : vector<16xi32>
      %get3A_1849 = arith.constant 20 : i32
      %get3A_1850 = arith.index_cast %get3A_1849 : i32 to index
      %get3A_1851 = arith.constant 96 : index
      %get3A_1852 = tpu.vector_load %arg5[%get3A_1850, %get3A_1851] {strides = array<i32>} : memref<32x128xi32, #tpu.memory_space<vmem>>, vector<16xi32>,
      %max3A_1853 = arith.maxsi %max3A_1848, %get3A_1852 : vector<16xi32>
      %get3A_1854 = arith.constant 21 : i32
      %get3A_1855 = arith.index_cast %get3A_1854 : i32 to index
      %get3A_1856 = arith.constant 96 : index
      %get3A_1857 = tpu.vector_load %arg5[%get3A_1855, %get3A_1856] {strides = array<i32>} : memref<32x128xi32, #tpu.memory_space<vmem>>, vector<16xi32>,
      %max3A_1858 = arith.maxsi %max3A_1853, %get3A_1857 : vector<16xi32>
      %get3A_1859 = arith.constant 22 : i32
      %get3A_1860 = arith.index_cast %get3A_1859 : i32 to index
      %get3A_1861 = arith.constant 96 : index
      %get3A_1862 = tpu.vector_load %arg5[%get3A_1860, %get3A_1861] {strides = array<i32>} : memref<32x128xi32, #tpu.memory_space<vmem>>, vector<16xi32>,
      %max3A_1863 = arith.maxsi %max3A_1858, %get3A_1862 : vector<16xi32>
      %get3A_1864 = arith.constant 23 : i32
      %get3A_1865 = arith.index_cast %get3A_1864 : i32 to index
      %get3A_1866 = arith.constant 96 : index
      %get3A_1867 = tpu.vector_load %arg5[%get3A_1865, %get3A_1866] {strides = array<i32>} : memref<32x128xi32, #tpu.memory_space<vmem>>, vector<16xi32>,
      %max3A_1868 = arith.maxsi %max3A_1863, %get3A_1867 : vector<16xi32>
      %get3A_1869 = arith.constant 24 : i32
      %get3A_1870 = arith.index_cast %get3A_1869 : i32 to index
      %get3A_1871 = arith.constant 96 : index
      %get3A_1872 = tpu.vector_load %arg5[%get3A_1870, %get3A_1871] {strides = array<i32>} : memref<32x128xi32, #tpu.memory_space<vmem>>, vector<16xi32>,
      %max3A_1873 = arith.maxsi %max3A_1868, %get3A_1872 : vector<16xi32>
      %get3A_1874 = arith.constant 25 : i32
      %get3A_1875 = arith.index_cast %get3A_1874 : i32 to index
      %get3A_1876 = arith.constant 96 : index
      %get3A_1877 = tpu.vector_load %arg5[%get3A_1875, %get3A_1876] {strides = array<i32>} : memref<32x128xi32, #tpu.memory_space<vmem>>, vector<16xi32>,
      %max3A_1878 = arith.maxsi %max3A_1873, %get3A_1877 : vector<16xi32>
      %get3A_1879 = arith.constant 26 : i32
      %get3A_1880 = arith.index_cast %get3A_1879 : i32 to index
      %get3A_1881 = arith.constant 96 : index
      %get3A_1882 = tpu.vector_load %arg5[%get3A_1880, %get3A_1881] {strides = array<i32>} : memref<32x128xi32, #tpu.memory_space<vmem>>, vector<16xi32>,
      %max3A_1883 = arith.maxsi %max3A_1878, %get3A_1882 : vector<16xi32>
      %get3A_1884 = arith.constant 27 : i32
      %get3A_1885 = arith.index_cast %get3A_1884 : i32 to index
      %get3A_1886 = arith.constant 96 : index
      %get3A_1887 = tpu.vector_load %arg5[%get3A_1885, %get3A_1886] {strides = array<i32>} : memref<32x128xi32, #tpu.memory_space<vmem>>, vector<16xi32>,
      %max3A_1888 = arith.maxsi %max3A_1883, %get3A_1887 : vector<16xi32>
      %get3A_1889 = arith.constant 28 : i32
      %get3A_1890 = arith.index_cast %get3A_1889 : i32 to index
      %get3A_1891 = arith.constant 96 : index
      %get3A_1892 = tpu.vector_load %arg5[%get3A_1890, %get3A_1891] {strides = array<i32>} : memref<32x128xi32, #tpu.memory_space<vmem>>, vector<16xi32>,
      %max3A_1893 = arith.maxsi %max3A_1888, %get3A_1892 : vector<16xi32>
      %get3A_1894 = arith.constant 29 : i32
      %get3A_1895 = arith.index_cast %get3A_1894 : i32 to index
      %get3A_1896 = arith.constant 96 : index
      %get3A_1897 = tpu.vector_load %arg5[%get3A_1895, %get3A_1896] {strides = array<i32>} : memref<32x128xi32, #tpu.memory_space<vmem>>, vector<16xi32>,
      %max3A_1898 = arith.maxsi %max3A_1893, %get3A_1897 : vector<16xi32>
      %get3A_1899 = arith.constant 30 : i32
      %get3A_1900 = arith.index_cast %get3A_1899 : i32 to index
      %get3A_1901 = arith.constant 96 : index
      %get3A_1902 = tpu.vector_load %arg5[%get3A_1900, %get3A_1901] {strides = array<i32>} : memref<32x128xi32, #tpu.memory_space<vmem>>, vector<16xi32>,
      %max3A_1903 = arith.maxsi %max3A_1898, %get3A_1902 : vector<16xi32>
      %get3A_1904 = arith.constant 31 : i32
      %get3A_1905 = arith.index_cast %get3A_1904 : i32 to index
      %get3A_1906 = arith.constant 96 : index
      %get3A_1907 = tpu.vector_load %arg5[%get3A_1905, %get3A_1906] {strides = array<i32>} : memref<32x128xi32, #tpu.memory_space<vmem>>, vector<16xi32>,
      %max3A_1908 = arith.maxsi %max3A_1903, %get3A_1907 : vector<16xi32>
      %swap3A_1909 = arith.constant 96 : index
      %swap3A_1910 = tpu.vector_load %arg6[%swap3A_1909] {strides = array<i32>} : memref<128xi32, #tpu.memory_space<vmem>>, vector<16xi32>,
      tpu.vector_store %arg6[%swap3A_1909], %max3A_1908 {strides = array<i32>} : memref<128xi32, #tpu.memory_space<vmem>>, vector<16xi32>,
      %ge3A_1911 = arith.constant 0 : i32
      %ge3A_1912 = vector.broadcast %ge3A_1911 : i32 to vector<16xi32>
      %ge3A_1913 = arith.cmpi sge, %max3A_1908, %ge3A_1912 : vector<16xi32>
      %add3A_1914 = arith.constant 96 : i32
      %add3A_1915 = arith.addi %mul3A_2, %add3A_1914 : i32
      %add3A_1916 = vector.broadcast %add3A_1915 : i32 to vector<16xi32>
      %add3A_1917 = arith.addi %add3A_1916, %iota3A : vector<16xi32>
      %rem3A_1918 = arith.constant 921600 : i32
      %rem3A_1919 = vector.broadcast %rem3A_1918 : i32 to vector<16xi32>
      %rem3A_1920 = arith.remsi %max3A_1908, %rem3A_1919 : vector<16xi32>
      %select_n3A_1921 = arith.select %ge3A_1913, %rem3A_1920, %add3A_1917 : vector<16xi1>, vector<16xi32>
      %swap3A_1922 = arith.constant 96 : index
      %swap3A_1923 = tpu.vector_load %arg7[%swap3A_1922] {strides = array<i32>} : memref<128xi32, #tpu.memory_space<vmem>>, vector<16xi32>,
      tpu.vector_store %arg7[%swap3A_1922], %select_n3A_1921 {strides = array<i32>} : memref<128xi32, #tpu.memory_space<vmem>>, vector<16xi32>,
      %not3A_1924 = arith.constant dense<true> : vector<16xi1>
      %not3A_1925 = arith.xori %ge3A_1913, %not3A_1924 : vector<16xi1>
      %lt3A_1926 = arith.constant 2562 : i32
      %lt3A_1927 = vector.broadcast %lt3A_1926 : i32 to vector<16xi32>
      %lt3A_1928 = arith.cmpi slt, %add3A_1917, %lt3A_1927 : vector<16xi32>
      %and3A_1929 = arith.andi %not3A_1925, %lt3A_1928 : vector<16xi1>
      %jit3A_1930 = arith.constant 1 : i32
      %jit3A_1931 = arith.constant 0 : i32
      %broadcast_in_dim3A_1932 = vector.broadcast %jit3A_1930 : i32 to vector<16xi32>
      %broadcast_in_dim3A_1933 = vector.broadcast %jit3A_1931 : i32 to vector<16xi32>
      %select_n3A_1934 = arith.select %and3A_1929, %broadcast_in_dim3A_1932, %broadcast_in_dim3A_1933 : vector<16xi1>, vector<16xi32>
      %add3A_1935 = arith.addi %add3A_1749, %select_n3A_1934 : vector<16xi32>
      %get3A_1936 = arith.constant 0 : i32
      %get3A_1937 = arith.index_cast %get3A_1936 : i32 to index
      %get3A_1938 = arith.constant 112 : index
      %get3A_1939 = tpu.vector_load %arg5[%get3A_1937, %get3A_1938] {strides = array<i32>} : memref<32x128xi32, #tpu.memory_space<vmem>>, vector<16xi32>,
      %get3A_1940 = arith.constant 1 : i32
      %get3A_1941 = arith.index_cast %get3A_1940 : i32 to index
      %get3A_1942 = arith.constant 112 : index
      %get3A_1943 = tpu.vector_load %arg5[%get3A_1941, %get3A_1942] {strides = array<i32>} : memref<32x128xi32, #tpu.memory_space<vmem>>, vector<16xi32>,
      %max3A_1944 = arith.maxsi %get3A_1939, %get3A_1943 : vector<16xi32>
      %get3A_1945 = arith.constant 2 : i32
      %get3A_1946 = arith.index_cast %get3A_1945 : i32 to index
      %get3A_1947 = arith.constant 112 : index
      %get3A_1948 = tpu.vector_load %arg5[%get3A_1946, %get3A_1947] {strides = array<i32>} : memref<32x128xi32, #tpu.memory_space<vmem>>, vector<16xi32>,
      %max3A_1949 = arith.maxsi %max3A_1944, %get3A_1948 : vector<16xi32>
      %get3A_1950 = arith.constant 3 : i32
      %get3A_1951 = arith.index_cast %get3A_1950 : i32 to index
      %get3A_1952 = arith.constant 112 : index
      %get3A_1953 = tpu.vector_load %arg5[%get3A_1951, %get3A_1952] {strides = array<i32>} : memref<32x128xi32, #tpu.memory_space<vmem>>, vector<16xi32>,
      %max3A_1954 = arith.maxsi %max3A_1949, %get3A_1953 : vector<16xi32>
      %get3A_1955 = arith.constant 4 : i32
      %get3A_1956 = arith.index_cast %get3A_1955 : i32 to index
      %get3A_1957 = arith.constant 112 : index
      %get3A_1958 = tpu.vector_load %arg5[%get3A_1956, %get3A_1957] {strides = array<i32>} : memref<32x128xi32, #tpu.memory_space<vmem>>, vector<16xi32>,
      %max3A_1959 = arith.maxsi %max3A_1954, %get3A_1958 : vector<16xi32>
      %get3A_1960 = arith.constant 5 : i32
      %get3A_1961 = arith.index_cast %get3A_1960 : i32 to index
      %get3A_1962 = arith.constant 112 : index
      %get3A_1963 = tpu.vector_load %arg5[%get3A_1961, %get3A_1962] {strides = array<i32>} : memref<32x128xi32, #tpu.memory_space<vmem>>, vector<16xi32>,
      %max3A_1964 = arith.maxsi %max3A_1959, %get3A_1963 : vector<16xi32>
      %get3A_1965 = arith.constant 6 : i32
      %get3A_1966 = arith.index_cast %get3A_1965 : i32 to index
      %get3A_1967 = arith.constant 112 : index
      %get3A_1968 = tpu.vector_load %arg5[%get3A_1966, %get3A_1967] {strides = array<i32>} : memref<32x128xi32, #tpu.memory_space<vmem>>, vector<16xi32>,
      %max3A_1969 = arith.maxsi %max3A_1964, %get3A_1968 : vector<16xi32>
      %get3A_1970 = arith.constant 7 : i32
      %get3A_1971 = arith.index_cast %get3A_1970 : i32 to index
      %get3A_1972 = arith.constant 112 : index
      %get3A_1973 = tpu.vector_load %arg5[%get3A_1971, %get3A_1972] {strides = array<i32>} : memref<32x128xi32, #tpu.memory_space<vmem>>, vector<16xi32>,
      %max3A_1974 = arith.maxsi %max3A_1969, %get3A_1973 : vector<16xi32>
      %get3A_1975 = arith.constant 8 : i32
      %get3A_1976 = arith.index_cast %get3A_1975 : i32 to index
      %get3A_1977 = arith.constant 112 : index
      %get3A_1978 = tpu.vector_load %arg5[%get3A_1976, %get3A_1977] {strides = array<i32>} : memref<32x128xi32, #tpu.memory_space<vmem>>, vector<16xi32>,
      %max3A_1979 = arith.maxsi %max3A_1974, %get3A_1978 : vector<16xi32>
      %get3A_1980 = arith.constant 9 : i32
      %get3A_1981 = arith.index_cast %get3A_1980 : i32 to index
      %get3A_1982 = arith.constant 112 : index
      %get3A_1983 = tpu.vector_load %arg5[%get3A_1981, %get3A_1982] {strides = array<i32>} : memref<32x128xi32, #tpu.memory_space<vmem>>, vector<16xi32>,
      %max3A_1984 = arith.maxsi %max3A_1979, %get3A_1983 : vector<16xi32>
      %get3A_1985 = arith.constant 10 : i32
      %get3A_1986 = arith.index_cast %get3A_1985 : i32 to index
      %get3A_1987 = arith.constant 112 : index
      %get3A_1988 = tpu.vector_load %arg5[%get3A_1986, %get3A_1987] {strides = array<i32>} : memref<32x128xi32, #tpu.memory_space<vmem>>, vector<16xi32>,
      %max3A_1989 = arith.maxsi %max3A_1984, %get3A_1988 : vector<16xi32>
      %get3A_1990 = arith.constant 11 : i32
      %get3A_1991 = arith.index_cast %get3A_1990 : i32 to index
      %get3A_1992 = arith.constant 112 : index
      %get3A_1993 = tpu.vector_load %arg5[%get3A_1991, %get3A_1992] {strides = array<i32>} : memref<32x128xi32, #tpu.memory_space<vmem>>, vector<16xi32>,
      %max3A_1994 = arith.maxsi %max3A_1989, %get3A_1993 : vector<16xi32>
      %get3A_1995 = arith.constant 12 : i32
      %get3A_1996 = arith.index_cast %get3A_1995 : i32 to index
      %get3A_1997 = arith.constant 112 : index
      %get3A_1998 = tpu.vector_load %arg5[%get3A_1996, %get3A_1997] {strides = array<i32>} : memref<32x128xi32, #tpu.memory_space<vmem>>, vector<16xi32>,
      %max3A_1999 = arith.maxsi %max3A_1994, %get3A_1998 : vector<16xi32>
      %get3A_2000 = arith.constant 13 : i32
      %get3A_2001 = arith.index_cast %get3A_2000 : i32 to index
      %get3A_2002 = arith.constant 112 : index
      %get3A_2003 = tpu.vector_load %arg5[%get3A_2001, %get3A_2002] {strides = array<i32>} : memref<32x128xi32, #tpu.memory_space<vmem>>, vector<16xi32>,
      %max3A_2004 = arith.maxsi %max3A_1999, %get3A_2003 : vector<16xi32>
      %get3A_2005 = arith.constant 14 : i32
      %get3A_2006 = arith.index_cast %get3A_2005 : i32 to index
      %get3A_2007 = arith.constant 112 : index
      %get3A_2008 = tpu.vector_load %arg5[%get3A_2006, %get3A_2007] {strides = array<i32>} : memref<32x128xi32, #tpu.memory_space<vmem>>, vector<16xi32>,
      %max3A_2009 = arith.maxsi %max3A_2004, %get3A_2008 : vector<16xi32>
      %get3A_2010 = arith.constant 15 : i32
      %get3A_2011 = arith.index_cast %get3A_2010 : i32 to index
      %get3A_2012 = arith.constant 112 : index
      %get3A_2013 = tpu.vector_load %arg5[%get3A_2011, %get3A_2012] {strides = array<i32>} : memref<32x128xi32, #tpu.memory_space<vmem>>, vector<16xi32>,
      %max3A_2014 = arith.maxsi %max3A_2009, %get3A_2013 : vector<16xi32>
      %get3A_2015 = arith.constant 16 : i32
      %get3A_2016 = arith.index_cast %get3A_2015 : i32 to index
      %get3A_2017 = arith.constant 112 : index
      %get3A_2018 = tpu.vector_load %arg5[%get3A_2016, %get3A_2017] {strides = array<i32>} : memref<32x128xi32, #tpu.memory_space<vmem>>, vector<16xi32>,
      %max3A_2019 = arith.maxsi %max3A_2014, %get3A_2018 : vector<16xi32>
      %get3A_2020 = arith.constant 17 : i32
      %get3A_2021 = arith.index_cast %get3A_2020 : i32 to index
      %get3A_2022 = arith.constant 112 : index
      %get3A_2023 = tpu.vector_load %arg5[%get3A_2021, %get3A_2022] {strides = array<i32>} : memref<32x128xi32, #tpu.memory_space<vmem>>, vector<16xi32>,
      %max3A_2024 = arith.maxsi %max3A_2019, %get3A_2023 : vector<16xi32>
      %get3A_2025 = arith.constant 18 : i32
      %get3A_2026 = arith.index_cast %get3A_2025 : i32 to index
      %get3A_2027 = arith.constant 112 : index
      %get3A_2028 = tpu.vector_load %arg5[%get3A_2026, %get3A_2027] {strides = array<i32>} : memref<32x128xi32, #tpu.memory_space<vmem>>, vector<16xi32>,
      %max3A_2029 = arith.maxsi %max3A_2024, %get3A_2028 : vector<16xi32>
      %get3A_2030 = arith.constant 19 : i32
      %get3A_2031 = arith.index_cast %get3A_2030 : i32 to index
      %get3A_2032 = arith.constant 112 : index
      %get3A_2033 = tpu.vector_load %arg5[%get3A_2031, %get3A_2032] {strides = array<i32>} : memref<32x128xi32, #tpu.memory_space<vmem>>, vector<16xi32>,
      %max3A_2034 = arith.maxsi %max3A_2029, %get3A_2033 : vector<16xi32>
      %get3A_2035 = arith.constant 20 : i32
      %get3A_2036 = arith.index_cast %get3A_2035 : i32 to index
      %get3A_2037 = arith.constant 112 : index
      %get3A_2038 = tpu.vector_load %arg5[%get3A_2036, %get3A_2037] {strides = array<i32>} : memref<32x128xi32, #tpu.memory_space<vmem>>, vector<16xi32>,
      %max3A_2039 = arith.maxsi %max3A_2034, %get3A_2038 : vector<16xi32>
      %get3A_2040 = arith.constant 21 : i32
      %get3A_2041 = arith.index_cast %get3A_2040 : i32 to index
      %get3A_2042 = arith.constant 112 : index
      %get3A_2043 = tpu.vector_load %arg5[%get3A_2041, %get3A_2042] {strides = array<i32>} : memref<32x128xi32, #tpu.memory_space<vmem>>, vector<16xi32>,
      %max3A_2044 = arith.maxsi %max3A_2039, %get3A_2043 : vector<16xi32>
      %get3A_2045 = arith.constant 22 : i32
      %get3A_2046 = arith.index_cast %get3A_2045 : i32 to index
      %get3A_2047 = arith.constant 112 : index
      %get3A_2048 = tpu.vector_load %arg5[%get3A_2046, %get3A_2047] {strides = array<i32>} : memref<32x128xi32, #tpu.memory_space<vmem>>, vector<16xi32>,
      %max3A_2049 = arith.maxsi %max3A_2044, %get3A_2048 : vector<16xi32>
      %get3A_2050 = arith.constant 23 : i32
      %get3A_2051 = arith.index_cast %get3A_2050 : i32 to index
      %get3A_2052 = arith.constant 112 : index
      %get3A_2053 = tpu.vector_load %arg5[%get3A_2051, %get3A_2052] {strides = array<i32>} : memref<32x128xi32, #tpu.memory_space<vmem>>, vector<16xi32>,
      %max3A_2054 = arith.maxsi %max3A_2049, %get3A_2053 : vector<16xi32>
      %get3A_2055 = arith.constant 24 : i32
      %get3A_2056 = arith.index_cast %get3A_2055 : i32 to index
      %get3A_2057 = arith.constant 112 : index
      %get3A_2058 = tpu.vector_load %arg5[%get3A_2056, %get3A_2057] {strides = array<i32>} : memref<32x128xi32, #tpu.memory_space<vmem>>, vector<16xi32>,
      %max3A_2059 = arith.maxsi %max3A_2054, %get3A_2058 : vector<16xi32>
      %get3A_2060 = arith.constant 25 : i32
      %get3A_2061 = arith.index_cast %get3A_2060 : i32 to index
      %get3A_2062 = arith.constant 112 : index
      %get3A_2063 = tpu.vector_load %arg5[%get3A_2061, %get3A_2062] {strides = array<i32>} : memref<32x128xi32, #tpu.memory_space<vmem>>, vector<16xi32>,
      %max3A_2064 = arith.maxsi %max3A_2059, %get3A_2063 : vector<16xi32>
      %get3A_2065 = arith.constant 26 : i32
      %get3A_2066 = arith.index_cast %get3A_2065 : i32 to index
      %get3A_2067 = arith.constant 112 : index
      %get3A_2068 = tpu.vector_load %arg5[%get3A_2066, %get3A_2067] {strides = array<i32>} : memref<32x128xi32, #tpu.memory_space<vmem>>, vector<16xi32>,
      %max3A_2069 = arith.maxsi %max3A_2064, %get3A_2068 : vector<16xi32>
      %get3A_2070 = arith.constant 27 : i32
      %get3A_2071 = arith.index_cast %get3A_2070 : i32 to index
      %get3A_2072 = arith.constant 112 : index
      %get3A_2073 = tpu.vector_load %arg5[%get3A_2071, %get3A_2072] {strides = array<i32>} : memref<32x128xi32, #tpu.memory_space<vmem>>, vector<16xi32>,
      %max3A_2074 = arith.maxsi %max3A_2069, %get3A_2073 : vector<16xi32>
      %get3A_2075 = arith.constant 28 : i32
      %get3A_2076 = arith.index_cast %get3A_2075 : i32 to index
      %get3A_2077 = arith.constant 112 : index
      %get3A_2078 = tpu.vector_load %arg5[%get3A_2076, %get3A_2077] {strides = array<i32>} : memref<32x128xi32, #tpu.memory_space<vmem>>, vector<16xi32>,
      %max3A_2079 = arith.maxsi %max3A_2074, %get3A_2078 : vector<16xi32>
      %get3A_2080 = arith.constant 29 : i32
      %get3A_2081 = arith.index_cast %get3A_2080 : i32 to index
      %get3A_2082 = arith.constant 112 : index
      %get3A_2083 = tpu.vector_load %arg5[%get3A_2081, %get3A_2082] {strides = array<i32>} : memref<32x128xi32, #tpu.memory_space<vmem>>, vector<16xi32>,
      %max3A_2084 = arith.maxsi %max3A_2079, %get3A_2083 : vector<16xi32>
      %get3A_2085 = arith.constant 30 : i32
      %get3A_2086 = arith.index_cast %get3A_2085 : i32 to index
      %get3A_2087 = arith.constant 112 : index
      %get3A_2088 = tpu.vector_load %arg5[%get3A_2086, %get3A_2087] {strides = array<i32>} : memref<32x128xi32, #tpu.memory_space<vmem>>, vector<16xi32>,
      %max3A_2089 = arith.maxsi %max3A_2084, %get3A_2088 : vector<16xi32>
      %get3A_2090 = arith.constant 31 : i32
      %get3A_2091 = arith.index_cast %get3A_2090 : i32 to index
      %get3A_2092 = arith.constant 112 : index
      %get3A_2093 = tpu.vector_load %arg5[%get3A_2091, %get3A_2092] {strides = array<i32>} : memref<32x128xi32, #tpu.memory_space<vmem>>, vector<16xi32>,
      %max3A_2094 = arith.maxsi %max3A_2089, %get3A_2093 : vector<16xi32>
      %swap3A_2095 = arith.constant 112 : index
      %swap3A_2096 = tpu.vector_load %arg6[%swap3A_2095] {strides = array<i32>} : memref<128xi32, #tpu.memory_space<vmem>>, vector<16xi32>,
      tpu.vector_store %arg6[%swap3A_2095], %max3A_2094 {strides = array<i32>} : memref<128xi32, #tpu.memory_space<vmem>>, vector<16xi32>,
      %ge3A_2097 = arith.constant 0 : i32
      %ge3A_2098 = vector.broadcast %ge3A_2097 : i32 to vector<16xi32>
      %ge3A_2099 = arith.cmpi sge, %max3A_2094, %ge3A_2098 : vector<16xi32>
      %add3A_2100 = arith.constant 112 : i32
      %add3A_2101 = arith.addi %mul3A_2, %add3A_2100 : i32
      %add3A_2102 = vector.broadcast %add3A_2101 : i32 to vector<16xi32>
      %add3A_2103 = arith.addi %add3A_2102, %iota3A : vector<16xi32>
      %rem3A_2104 = arith.constant 921600 : i32
      %rem3A_2105 = vector.broadcast %rem3A_2104 : i32 to vector<16xi32>
      %rem3A_2106 = arith.remsi %max3A_2094, %rem3A_2105 : vector<16xi32>
      %select_n3A_2107 = arith.select %ge3A_2099, %rem3A_2106, %add3A_2103 : vector<16xi1>, vector<16xi32>
      %swap3A_2108 = arith.constant 112 : index
      %swap3A_2109 = tpu.vector_load %arg7[%swap3A_2108] {strides = array<i32>} : memref<128xi32, #tpu.memory_space<vmem>>, vector<16xi32>,
      tpu.vector_store %arg7[%swap3A_2108], %select_n3A_2107 {strides = array<i32>} : memref<128xi32, #tpu.memory_space<vmem>>, vector<16xi32>,
      %not3A_2110 = arith.constant dense<true> : vector<16xi1>
      %not3A_2111 = arith.xori %ge3A_2099, %not3A_2110 : vector<16xi1>
      %lt3A_2112 = arith.constant 2562 : i32
      %lt3A_2113 = vector.broadcast %lt3A_2112 : i32 to vector<16xi32>
      %lt3A_2114 = arith.cmpi slt, %add3A_2103, %lt3A_2113 : vector<16xi32>
      %and3A_2115 = arith.andi %not3A_2111, %lt3A_2114 : vector<16xi1>
      %jit3A_2116 = arith.constant 1 : i32
      %jit3A_2117 = arith.constant 0 : i32
      %broadcast_in_dim3A_2118 = vector.broadcast %jit3A_2116 : i32 to vector<16xi32>
      %broadcast_in_dim3A_2119 = vector.broadcast %jit3A_2117 : i32 to vector<16xi32>
      %select_n3A_2120 = arith.select %and3A_2115, %broadcast_in_dim3A_2118, %broadcast_in_dim3A_2119 : vector<16xi1>, vector<16xi32>
      %add3A_2121 = arith.addi %add3A_1935, %select_n3A_2120 : vector<16xi32>
      %dma_start3A_2122 = arith.constant 0 : i32
      %dma_start3A_2123 = arith.constant 0 : i32
      %dma_start3A_2124 = tpu.memref_slice %arg3[%dma_start3A_2122, %dma_start3A_2123] : memref<921600x512xf32, #tpu.memory_space<hbm>> -> memref<921600x512xf32, #tpu.memory_space<hbm>>
      tpu.enqueue_indirect_dma source(%dma_start3A_2124 : memref<921600x512xf32, #tpu.memory_space<hbm>>) target(%arg8 : memref<128x512xf32, #tpu.memory_space<vmem>>) offsets(%arg7 : memref<128xi32, #tpu.memory_space<vmem>>) semaphore(%arg9 : memref<!tpu.dma_semaphore, #tpu.memory_space<semaphore_mem>>)
      %dma_wait3A_2125 = arith.constant 0 : i32
      %dma_wait3A_2126 = arith.constant 0 : i32
      %dma_wait3A_2127 = tpu.memref_slice %arg3[%dma_wait3A_2125, %dma_wait3A_2126] : memref<921600x512xf32, #tpu.memory_space<hbm>> -> memref<921600x512xf32, #tpu.memory_space<hbm>>
      tpu.wait_indirect_dma semaphore(%arg9 : memref<!tpu.dma_semaphore, #tpu.memory_space<semaphore_mem>>) src(%dma_wait3A_2127 : memref<921600x512xf32, #tpu.memory_space<hbm>>) dst(%arg8 : memref<128x512xf32, #tpu.memory_space<vmem>>)
      %reduce_max3A = arith.constant true
      %reduce_max3A_2128 = vector.broadcast %reduce_max3A : i1 to vector<16xi1>
      %reduce_max3A_2129 = arith.constant -2147483648 : i32
      %reduce_max3A_2130 = vector.broadcast %reduce_max3A_2129 : i32 to vector<16xi32>
      %reduce_max3A_2131 = arith.xori %add3A_2121, %reduce_max3A_2130 : vector<16xi32>
      %reduce_max3A_2132 = tpu.scan <max>, %reduce_max3A_2131 masked %reduce_max3A_2128 : vector<16xi32>, vector<16xi1> -> vector<16xi32>
      %reduce_max3A_2133 = arith.xori %reduce_max3A_2132, %reduce_max3A_2130 : vector<16xi32>
      %reduce_max3A_2134 = vector.extract %reduce_max3A_2133[15] : i32 from vector<16xi32>
      %gt3A = arith.constant 0 : i32
      %gt3A_2135 = arith.cmpi sgt, %reduce_max3A_2134, %gt3A : i32
      %convert_element_type3A_2136 = arith.extui %gt3A_2135 : i1 to i32
      %cond3A_2137 = arith.constant 0 : i32
      %cond3A_2138 = arith.cmpi ne, %convert_element_type3A_2136, %cond3A_2137 : i32
      scf.if %cond3A_2138 {
        %scan3A = arith.constant 0 : i32
        %scan3A_2148 = arith.constant 0 : i32
        %scan3A_2149 = arith.constant 128 : i32
        %scan3A_2150 = arith.addi %scan3A_2148, %scan3A_2149 : i32
        %scan3A_2151 = arith.constant 1 : i32
        scf.for %scan3A_2153 = %scan3A_2148 to %scan3A_2150 step %scan3A_2151  : i32 {
          %broadcast_in_dim3A_2154 = arith.constant 0 : i32
          %broadcast_in_dim3A_2155 = vector.broadcast %broadcast_in_dim3A_2154 : i32 to vector<16xi32>
          %add3A_2156 = vector.broadcast %scan3A_2153 : i32 to vector<16xi32>
          %add3A_2157 = arith.addi %broadcast_in_dim3A_2155, %add3A_2156 : vector<16xi32>
          %gather3A = tpu.vector_load_idx %arg6[%add3A_2157] : memref<128xi32, #tpu.memory_space<vmem>>[vector<16xi32>], vector<16xi32>,
          %lt3A_2158 = arith.constant 0 : i32
          %lt3A_2159 = vector.broadcast %lt3A_2158 : i32 to vector<16xi32>
          %lt3A_2160 = arith.cmpi slt, %gather3A, %lt3A_2159 : vector<16xi32>
          %add3A_2161 = arith.constant 0 : i32
          %add3A_2162 = vector.broadcast %add3A_2161 : i32 to vector<16xi32>
          %add3A_2163 = arith.addi %iota3A, %add3A_2162 : vector<16xi32>
          %gather3A_2164 = tpu.vector_load_idx %arg8[%add3A_2157, %add3A_2163] : memref<128x512xf32, #tpu.memory_space<vmem>>[vector<16xi32>, vector<16xi32>], vector<16xf32>,
          %jit3A_2165 = arith.constant 5.000000e-01 : f32
          %broadcast_in_dim3A_2166 = vector.broadcast %jit3A_2165 : f32 to vector<16xf32>
          %select_n3A_2167 = arith.select %lt3A_2160, %broadcast_in_dim3A_2166, %gather3A_2164 : vector<16xi1>, vector<16xf32>
          tpu.vector_store_idx %arg8[%add3A_2157, %add3A_2163], %select_n3A_2167 : memref<128x512xf32, #tpu.memory_space<vmem>>[vector<16xi32>, vector<16xi32>], vector<16xf32>,
          %add3A_2168 = arith.constant 16 : i32
          %add3A_2169 = vector.broadcast %add3A_2168 : i32 to vector<16xi32>
          %add3A_2170 = arith.addi %iota3A, %add3A_2169 : vector<16xi32>
          %gather3A_2171 = tpu.vector_load_idx %arg8[%add3A_2157, %add3A_2170] : memref<128x512xf32, #tpu.memory_space<vmem>>[vector<16xi32>, vector<16xi32>], vector<16xf32>,
          %jit3A_2172 = arith.constant 5.000000e-01 : f32
          %broadcast_in_dim3A_2173 = vector.broadcast %jit3A_2172 : f32 to vector<16xf32>
          %select_n3A_2174 = arith.select %lt3A_2160, %broadcast_in_dim3A_2173, %gather3A_2171 : vector<16xi1>, vector<16xf32>
          tpu.vector_store_idx %arg8[%add3A_2157, %add3A_2170], %select_n3A_2174 : memref<128x512xf32, #tpu.memory_space<vmem>>[vector<16xi32>, vector<16xi32>], vector<16xf32>,
          %add3A_2175 = arith.constant 32 : i32
          %add3A_2176 = vector.broadcast %add3A_2175 : i32 to vector<16xi32>
          %add3A_2177 = arith.addi %iota3A, %add3A_2176 : vector<16xi32>
          %gather3A_2178 = tpu.vector_load_idx %arg8[%add3A_2157, %add3A_2177] : memref<128x512xf32, #tpu.memory_space<vmem>>[vector<16xi32>, vector<16xi32>], vector<16xf32>,
          %jit3A_2179 = arith.constant 5.000000e-01 : f32
          %broadcast_in_dim3A_2180 = vector.broadcast %jit3A_2179 : f32 to vector<16xf32>
          %select_n3A_2181 = arith.select %lt3A_2160, %broadcast_in_dim3A_2180, %gather3A_2178 : vector<16xi1>, vector<16xf32>
          tpu.vector_store_idx %arg8[%add3A_2157, %add3A_2177], %select_n3A_2181 : memref<128x512xf32, #tpu.memory_space<vmem>>[vector<16xi32>, vector<16xi32>], vector<16xf32>,
          %add3A_2182 = arith.constant 48 : i32
          %add3A_2183 = vector.broadcast %add3A_2182 : i32 to vector<16xi32>
          %add3A_2184 = arith.addi %iota3A, %add3A_2183 : vector<16xi32>
          %gather3A_2185 = tpu.vector_load_idx %arg8[%add3A_2157, %add3A_2184] : memref<128x512xf32, #tpu.memory_space<vmem>>[vector<16xi32>, vector<16xi32>], vector<16xf32>,
          %jit3A_2186 = arith.constant 5.000000e-01 : f32
          %broadcast_in_dim3A_2187 = vector.broadcast %jit3A_2186 : f32 to vector<16xf32>
          %select_n3A_2188 = arith.select %lt3A_2160, %broadcast_in_dim3A_2187, %gather3A_2185 : vector<16xi1>, vector<16xf32>
          tpu.vector_store_idx %arg8[%add3A_2157, %add3A_2184], %select_n3A_2188 : memref<128x512xf32, #tpu.memory_space<vmem>>[vector<16xi32>, vector<16xi32>], vector<16xf32>,
          %add3A_2189 = arith.constant 64 : i32
          %add3A_2190 = vector.broadcast %add3A_2189 : i32 to vector<16xi32>
          %add3A_2191 = arith.addi %iota3A, %add3A_2190 : vector<16xi32>
          %gather3A_2192 = tpu.vector_load_idx %arg8[%add3A_2157, %add3A_2191] : memref<128x512xf32, #tpu.memory_space<vmem>>[vector<16xi32>, vector<16xi32>], vector<16xf32>,
          %jit3A_2193 = arith.constant 5.000000e-01 : f32
          %broadcast_in_dim3A_2194 = vector.broadcast %jit3A_2193 : f32 to vector<16xf32>
          %select_n3A_2195 = arith.select %lt3A_2160, %broadcast_in_dim3A_2194, %gather3A_2192 : vector<16xi1>, vector<16xf32>
          tpu.vector_store_idx %arg8[%add3A_2157, %add3A_2191], %select_n3A_2195 : memref<128x512xf32, #tpu.memory_space<vmem>>[vector<16xi32>, vector<16xi32>], vector<16xf32>,
          %add3A_2196 = arith.constant 80 : i32
          %add3A_2197 = vector.broadcast %add3A_2196 : i32 to vector<16xi32>
          %add3A_2198 = arith.addi %iota3A, %add3A_2197 : vector<16xi32>
          %gather3A_2199 = tpu.vector_load_idx %arg8[%add3A_2157, %add3A_2198] : memref<128x512xf32, #tpu.memory_space<vmem>>[vector<16xi32>, vector<16xi32>], vector<16xf32>,
          %jit3A_2200 = arith.constant 5.000000e-01 : f32
          %broadcast_in_dim3A_2201 = vector.broadcast %jit3A_2200 : f32 to vector<16xf32>
          %select_n3A_2202 = arith.select %lt3A_2160, %broadcast_in_dim3A_2201, %gather3A_2199 : vector<16xi1>, vector<16xf32>
          tpu.vector_store_idx %arg8[%add3A_2157, %add3A_2198], %select_n3A_2202 : memref<128x512xf32, #tpu.memory_space<vmem>>[vector<16xi32>, vector<16xi32>], vector<16xf32>,
          %add3A_2203 = arith.constant 96 : i32
          %add3A_2204 = vector.broadcast %add3A_2203 : i32 to vector<16xi32>
          %add3A_2205 = arith.addi %iota3A, %add3A_2204 : vector<16xi32>
          %gather3A_2206 = tpu.vector_load_idx %arg8[%add3A_2157, %add3A_2205] : memref<128x512xf32, #tpu.memory_space<vmem>>[vector<16xi32>, vector<16xi32>], vector<16xf32>,
          %jit3A_2207 = arith.constant 5.000000e-01 : f32
          %broadcast_in_dim3A_2208 = vector.broadcast %jit3A_2207 : f32 to vector<16xf32>
          %select_n3A_2209 = arith.select %lt3A_2160, %broadcast_in_dim3A_2208, %gather3A_2206 : vector<16xi1>, vector<16xf32>
          tpu.vector_store_idx %arg8[%add3A_2157, %add3A_2205], %select_n3A_2209 : memref<128x512xf32, #tpu.memory_space<vmem>>[vector<16xi32>, vector<16xi32>], vector<16xf32>,
          %add3A_2210 = arith.constant 112 : i32
          %add3A_2211 = vector.broadcast %add3A_2210 : i32 to vector<16xi32>
          %add3A_2212 = arith.addi %iota3A, %add3A_2211 : vector<16xi32>
          %gather3A_2213 = tpu.vector_load_idx %arg8[%add3A_2157, %add3A_2212] : memref<128x512xf32, #tpu.memory_space<vmem>>[vector<16xi32>, vector<16xi32>], vector<16xf32>,
          %jit3A_2214 = arith.constant 5.000000e-01 : f32
          %broadcast_in_dim3A_2215 = vector.broadcast %jit3A_2214 : f32 to vector<16xf32>
          %select_n3A_2216 = arith.select %lt3A_2160, %broadcast_in_dim3A_2215, %gather3A_2213 : vector<16xi1>, vector<16xf32>
          tpu.vector_store_idx %arg8[%add3A_2157, %add3A_2212], %select_n3A_2216 : memref<128x512xf32, #tpu.memory_space<vmem>>[vector<16xi32>, vector<16xi32>], vector<16xf32>,
          %add3A_2217 = arith.constant 128 : i32
          %add3A_2218 = vector.broadcast %add3A_2217 : i32 to vector<16xi32>
          %add3A_2219 = arith.addi %iota3A, %add3A_2218 : vector<16xi32>
          %gather3A_2220 = tpu.vector_load_idx %arg8[%add3A_2157, %add3A_2219] : memref<128x512xf32, #tpu.memory_space<vmem>>[vector<16xi32>, vector<16xi32>], vector<16xf32>,
          %jit3A_2221 = arith.constant 5.000000e-01 : f32
          %broadcast_in_dim3A_2222 = vector.broadcast %jit3A_2221 : f32 to vector<16xf32>
          %select_n3A_2223 = arith.select %lt3A_2160, %broadcast_in_dim3A_2222, %gather3A_2220 : vector<16xi1>, vector<16xf32>
          tpu.vector_store_idx %arg8[%add3A_2157, %add3A_2219], %select_n3A_2223 : memref<128x512xf32, #tpu.memory_space<vmem>>[vector<16xi32>, vector<16xi32>], vector<16xf32>,
          %add3A_2224 = arith.constant 144 : i32
          %add3A_2225 = vector.broadcast %add3A_2224 : i32 to vector<16xi32>
          %add3A_2226 = arith.addi %iota3A, %add3A_2225 : vector<16xi32>
          %gather3A_2227 = tpu.vector_load_idx %arg8[%add3A_2157, %add3A_2226] : memref<128x512xf32, #tpu.memory_space<vmem>>[vector<16xi32>, vector<16xi32>], vector<16xf32>,
          %jit3A_2228 = arith.constant 5.000000e-01 : f32
          %broadcast_in_dim3A_2229 = vector.broadcast %jit3A_2228 : f32 to vector<16xf32>
          %select_n3A_2230 = arith.select %lt3A_2160, %broadcast_in_dim3A_2229, %gather3A_2227 : vector<16xi1>, vector<16xf32>
          tpu.vector_store_idx %arg8[%add3A_2157, %add3A_2226], %select_n3A_2230 : memref<128x512xf32, #tpu.memory_space<vmem>>[vector<16xi32>, vector<16xi32>], vector<16xf32>,
          %add3A_2231 = arith.constant 160 : i32
          %add3A_2232 = vector.broadcast %add3A_2231 : i32 to vector<16xi32>
          %add3A_2233 = arith.addi %iota3A, %add3A_2232 : vector<16xi32>
          %gather3A_2234 = tpu.vector_load_idx %arg8[%add3A_2157, %add3A_2233] : memref<128x512xf32, #tpu.memory_space<vmem>>[vector<16xi32>, vector<16xi32>], vector<16xf32>,
          %jit3A_2235 = arith.constant 5.000000e-01 : f32
          %broadcast_in_dim3A_2236 = vector.broadcast %jit3A_2235 : f32 to vector<16xf32>
          %select_n3A_2237 = arith.select %lt3A_2160, %broadcast_in_dim3A_2236, %gather3A_2234 : vector<16xi1>, vector<16xf32>
          tpu.vector_store_idx %arg8[%add3A_2157, %add3A_2233], %select_n3A_2237 : memref<128x512xf32, #tpu.memory_space<vmem>>[vector<16xi32>, vector<16xi32>], vector<16xf32>,
          %add3A_2238 = arith.constant 176 : i32
          %add3A_2239 = vector.broadcast %add3A_2238 : i32 to vector<16xi32>
          %add3A_2240 = arith.addi %iota3A, %add3A_2239 : vector<16xi32>
          %gather3A_2241 = tpu.vector_load_idx %arg8[%add3A_2157, %add3A_2240] : memref<128x512xf32, #tpu.memory_space<vmem>>[vector<16xi32>, vector<16xi32>], vector<16xf32>,
          %jit3A_2242 = arith.constant 5.000000e-01 : f32
          %broadcast_in_dim3A_2243 = vector.broadcast %jit3A_2242 : f32 to vector<16xf32>
          %select_n3A_2244 = arith.select %lt3A_2160, %broadcast_in_dim3A_2243, %gather3A_2241 : vector<16xi1>, vector<16xf32>
          tpu.vector_store_idx %arg8[%add3A_2157, %add3A_2240], %select_n3A_2244 : memref<128x512xf32, #tpu.memory_space<vmem>>[vector<16xi32>, vector<16xi32>], vector<16xf32>,
          %add3A_2245 = arith.constant 192 : i32
          %add3A_2246 = vector.broadcast %add3A_2245 : i32 to vector<16xi32>
          %add3A_2247 = arith.addi %iota3A, %add3A_2246 : vector<16xi32>
          %gather3A_2248 = tpu.vector_load_idx %arg8[%add3A_2157, %add3A_2247] : memref<128x512xf32, #tpu.memory_space<vmem>>[vector<16xi32>, vector<16xi32>], vector<16xf32>,
          %jit3A_2249 = arith.constant 5.000000e-01 : f32
          %broadcast_in_dim3A_2250 = vector.broadcast %jit3A_2249 : f32 to vector<16xf32>
          %select_n3A_2251 = arith.select %lt3A_2160, %broadcast_in_dim3A_2250, %gather3A_2248 : vector<16xi1>, vector<16xf32>
          tpu.vector_store_idx %arg8[%add3A_2157, %add3A_2247], %select_n3A_2251 : memref<128x512xf32, #tpu.memory_space<vmem>>[vector<16xi32>, vector<16xi32>], vector<16xf32>,
          %add3A_2252 = arith.constant 208 : i32
          %add3A_2253 = vector.broadcast %add3A_2252 : i32 to vector<16xi32>
          %add3A_2254 = arith.addi %iota3A, %add3A_2253 : vector<16xi32>
          %gather3A_2255 = tpu.vector_load_idx %arg8[%add3A_2157, %add3A_2254] : memref<128x512xf32, #tpu.memory_space<vmem>>[vector<16xi32>, vector<16xi32>], vector<16xf32>,
          %jit3A_2256 = arith.constant 5.000000e-01 : f32
          %broadcast_in_dim3A_2257 = vector.broadcast %jit3A_2256 : f32 to vector<16xf32>
          %select_n3A_2258 = arith.select %lt3A_2160, %broadcast_in_dim3A_2257, %gather3A_2255 : vector<16xi1>, vector<16xf32>
          tpu.vector_store_idx %arg8[%add3A_2157, %add3A_2254], %select_n3A_2258 : memref<128x512xf32, #tpu.memory_space<vmem>>[vector<16xi32>, vector<16xi32>], vector<16xf32>,
          %add3A_2259 = arith.constant 224 : i32
          %add3A_2260 = vector.broadcast %add3A_2259 : i32 to vector<16xi32>
          %add3A_2261 = arith.addi %iota3A, %add3A_2260 : vector<16xi32>
          %gather3A_2262 = tpu.vector_load_idx %arg8[%add3A_2157, %add3A_2261] : memref<128x512xf32, #tpu.memory_space<vmem>>[vector<16xi32>, vector<16xi32>], vector<16xf32>,
          %jit3A_2263 = arith.constant 5.000000e-01 : f32
          %broadcast_in_dim3A_2264 = vector.broadcast %jit3A_2263 : f32 to vector<16xf32>
          %select_n3A_2265 = arith.select %lt3A_2160, %broadcast_in_dim3A_2264, %gather3A_2262 : vector<16xi1>, vector<16xf32>
          tpu.vector_store_idx %arg8[%add3A_2157, %add3A_2261], %select_n3A_2265 : memref<128x512xf32, #tpu.memory_space<vmem>>[vector<16xi32>, vector<16xi32>], vector<16xf32>,
          %add3A_2266 = arith.constant 240 : i32
          %add3A_2267 = vector.broadcast %add3A_2266 : i32 to vector<16xi32>
          %add3A_2268 = arith.addi %iota3A, %add3A_2267 : vector<16xi32>
          %gather3A_2269 = tpu.vector_load_idx %arg8[%add3A_2157, %add3A_2268] : memref<128x512xf32, #tpu.memory_space<vmem>>[vector<16xi32>, vector<16xi32>], vector<16xf32>,
          %jit3A_2270 = arith.constant 5.000000e-01 : f32
          %broadcast_in_dim3A_2271 = vector.broadcast %jit3A_2270 : f32 to vector<16xf32>
          %select_n3A_2272 = arith.select %lt3A_2160, %broadcast_in_dim3A_2271, %gather3A_2269 : vector<16xi1>, vector<16xf32>
          tpu.vector_store_idx %arg8[%add3A_2157, %add3A_2268], %select_n3A_2272 : memref<128x512xf32, #tpu.memory_space<vmem>>[vector<16xi32>, vector<16xi32>], vector<16xf32>,
          %add3A_2273 = arith.constant 256 : i32
          %add3A_2274 = vector.broadcast %add3A_2273 : i32 to vector<16xi32>
          %add3A_2275 = arith.addi %iota3A, %add3A_2274 : vector<16xi32>
          %gather3A_2276 = tpu.vector_load_idx %arg8[%add3A_2157, %add3A_2275] : memref<128x512xf32, #tpu.memory_space<vmem>>[vector<16xi32>, vector<16xi32>], vector<16xf32>,
          %jit3A_2277 = arith.constant 5.000000e-01 : f32
          %broadcast_in_dim3A_2278 = vector.broadcast %jit3A_2277 : f32 to vector<16xf32>
          %select_n3A_2279 = arith.select %lt3A_2160, %broadcast_in_dim3A_2278, %gather3A_2276 : vector<16xi1>, vector<16xf32>
          tpu.vector_store_idx %arg8[%add3A_2157, %add3A_2275], %select_n3A_2279 : memref<128x512xf32, #tpu.memory_space<vmem>>[vector<16xi32>, vector<16xi32>], vector<16xf32>,
          %add3A_2280 = arith.constant 272 : i32
          %add3A_2281 = vector.broadcast %add3A_2280 : i32 to vector<16xi32>
          %add3A_2282 = arith.addi %iota3A, %add3A_2281 : vector<16xi32>
          %gather3A_2283 = tpu.vector_load_idx %arg8[%add3A_2157, %add3A_2282] : memref<128x512xf32, #tpu.memory_space<vmem>>[vector<16xi32>, vector<16xi32>], vector<16xf32>,
          %jit3A_2284 = arith.constant 5.000000e-01 : f32
          %broadcast_in_dim3A_2285 = vector.broadcast %jit3A_2284 : f32 to vector<16xf32>
          %select_n3A_2286 = arith.select %lt3A_2160, %broadcast_in_dim3A_2285, %gather3A_2283 : vector<16xi1>, vector<16xf32>
          tpu.vector_store_idx %arg8[%add3A_2157, %add3A_2282], %select_n3A_2286 : memref<128x512xf32, #tpu.memory_space<vmem>>[vector<16xi32>, vector<16xi32>], vector<16xf32>,
          %add3A_2287 = arith.constant 288 : i32
          %add3A_2288 = vector.broadcast %add3A_2287 : i32 to vector<16xi32>
          %add3A_2289 = arith.addi %iota3A, %add3A_2288 : vector<16xi32>
          %gather3A_2290 = tpu.vector_load_idx %arg8[%add3A_2157, %add3A_2289] : memref<128x512xf32, #tpu.memory_space<vmem>>[vector<16xi32>, vector<16xi32>], vector<16xf32>,
          %jit3A_2291 = arith.constant 5.000000e-01 : f32
          %broadcast_in_dim3A_2292 = vector.broadcast %jit3A_2291 : f32 to vector<16xf32>
          %select_n3A_2293 = arith.select %lt3A_2160, %broadcast_in_dim3A_2292, %gather3A_2290 : vector<16xi1>, vector<16xf32>
          tpu.vector_store_idx %arg8[%add3A_2157, %add3A_2289], %select_n3A_2293 : memref<128x512xf32, #tpu.memory_space<vmem>>[vector<16xi32>, vector<16xi32>], vector<16xf32>,
          %add3A_2294 = arith.constant 304 : i32
          %add3A_2295 = vector.broadcast %add3A_2294 : i32 to vector<16xi32>
          %add3A_2296 = arith.addi %iota3A, %add3A_2295 : vector<16xi32>
          %gather3A_2297 = tpu.vector_load_idx %arg8[%add3A_2157, %add3A_2296] : memref<128x512xf32, #tpu.memory_space<vmem>>[vector<16xi32>, vector<16xi32>], vector<16xf32>,
          %jit3A_2298 = arith.constant 5.000000e-01 : f32
          %broadcast_in_dim3A_2299 = vector.broadcast %jit3A_2298 : f32 to vector<16xf32>
          %select_n3A_2300 = arith.select %lt3A_2160, %broadcast_in_dim3A_2299, %gather3A_2297 : vector<16xi1>, vector<16xf32>
          tpu.vector_store_idx %arg8[%add3A_2157, %add3A_2296], %select_n3A_2300 : memref<128x512xf32, #tpu.memory_space<vmem>>[vector<16xi32>, vector<16xi32>], vector<16xf32>,
          %add3A_2301 = arith.constant 320 : i32
          %add3A_2302 = vector.broadcast %add3A_2301 : i32 to vector<16xi32>
          %add3A_2303 = arith.addi %iota3A, %add3A_2302 : vector<16xi32>
          %gather3A_2304 = tpu.vector_load_idx %arg8[%add3A_2157, %add3A_2303] : memref<128x512xf32, #tpu.memory_space<vmem>>[vector<16xi32>, vector<16xi32>], vector<16xf32>,
          %jit3A_2305 = arith.constant 5.000000e-01 : f32
          %broadcast_in_dim3A_2306 = vector.broadcast %jit3A_2305 : f32 to vector<16xf32>
          %select_n3A_2307 = arith.select %lt3A_2160, %broadcast_in_dim3A_2306, %gather3A_2304 : vector<16xi1>, vector<16xf32>
          tpu.vector_store_idx %arg8[%add3A_2157, %add3A_2303], %select_n3A_2307 : memref<128x512xf32, #tpu.memory_space<vmem>>[vector<16xi32>, vector<16xi32>], vector<16xf32>,
          %add3A_2308 = arith.constant 336 : i32
          %add3A_2309 = vector.broadcast %add3A_2308 : i32 to vector<16xi32>
          %add3A_2310 = arith.addi %iota3A, %add3A_2309 : vector<16xi32>
          %gather3A_2311 = tpu.vector_load_idx %arg8[%add3A_2157, %add3A_2310] : memref<128x512xf32, #tpu.memory_space<vmem>>[vector<16xi32>, vector<16xi32>], vector<16xf32>,
          %jit3A_2312 = arith.constant 5.000000e-01 : f32
          %broadcast_in_dim3A_2313 = vector.broadcast %jit3A_2312 : f32 to vector<16xf32>
          %select_n3A_2314 = arith.select %lt3A_2160, %broadcast_in_dim3A_2313, %gather3A_2311 : vector<16xi1>, vector<16xf32>
          tpu.vector_store_idx %arg8[%add3A_2157, %add3A_2310], %select_n3A_2314 : memref<128x512xf32, #tpu.memory_space<vmem>>[vector<16xi32>, vector<16xi32>], vector<16xf32>,
          %add3A_2315 = arith.constant 352 : i32
          %add3A_2316 = vector.broadcast %add3A_2315 : i32 to vector<16xi32>
          %add3A_2317 = arith.addi %iota3A, %add3A_2316 : vector<16xi32>
          %gather3A_2318 = tpu.vector_load_idx %arg8[%add3A_2157, %add3A_2317] : memref<128x512xf32, #tpu.memory_space<vmem>>[vector<16xi32>, vector<16xi32>], vector<16xf32>,
          %jit3A_2319 = arith.constant 5.000000e-01 : f32
          %broadcast_in_dim3A_2320 = vector.broadcast %jit3A_2319 : f32 to vector<16xf32>
          %select_n3A_2321 = arith.select %lt3A_2160, %broadcast_in_dim3A_2320, %gather3A_2318 : vector<16xi1>, vector<16xf32>
          tpu.vector_store_idx %arg8[%add3A_2157, %add3A_2317], %select_n3A_2321 : memref<128x512xf32, #tpu.memory_space<vmem>>[vector<16xi32>, vector<16xi32>], vector<16xf32>,
          %add3A_2322 = arith.constant 368 : i32
          %add3A_2323 = vector.broadcast %add3A_2322 : i32 to vector<16xi32>
          %add3A_2324 = arith.addi %iota3A, %add3A_2323 : vector<16xi32>
          %gather3A_2325 = tpu.vector_load_idx %arg8[%add3A_2157, %add3A_2324] : memref<128x512xf32, #tpu.memory_space<vmem>>[vector<16xi32>, vector<16xi32>], vector<16xf32>,
          %jit3A_2326 = arith.constant 5.000000e-01 : f32
          %broadcast_in_dim3A_2327 = vector.broadcast %jit3A_2326 : f32 to vector<16xf32>
          %select_n3A_2328 = arith.select %lt3A_2160, %broadcast_in_dim3A_2327, %gather3A_2325 : vector<16xi1>, vector<16xf32>
          tpu.vector_store_idx %arg8[%add3A_2157, %add3A_2324], %select_n3A_2328 : memref<128x512xf32, #tpu.memory_space<vmem>>[vector<16xi32>, vector<16xi32>], vector<16xf32>,
          %add3A_2329 = arith.constant 384 : i32
          %add3A_2330 = vector.broadcast %add3A_2329 : i32 to vector<16xi32>
          %add3A_2331 = arith.addi %iota3A, %add3A_2330 : vector<16xi32>
          %gather3A_2332 = tpu.vector_load_idx %arg8[%add3A_2157, %add3A_2331] : memref<128x512xf32, #tpu.memory_space<vmem>>[vector<16xi32>, vector<16xi32>], vector<16xf32>,
          %jit3A_2333 = arith.constant 5.000000e-01 : f32
          %broadcast_in_dim3A_2334 = vector.broadcast %jit3A_2333 : f32 to vector<16xf32>
          %select_n3A_2335 = arith.select %lt3A_2160, %broadcast_in_dim3A_2334, %gather3A_2332 : vector<16xi1>, vector<16xf32>
          tpu.vector_store_idx %arg8[%add3A_2157, %add3A_2331], %select_n3A_2335 : memref<128x512xf32, #tpu.memory_space<vmem>>[vector<16xi32>, vector<16xi32>], vector<16xf32>,
          %add3A_2336 = arith.constant 400 : i32
          %add3A_2337 = vector.broadcast %add3A_2336 : i32 to vector<16xi32>
          %add3A_2338 = arith.addi %iota3A, %add3A_2337 : vector<16xi32>
          %gather3A_2339 = tpu.vector_load_idx %arg8[%add3A_2157, %add3A_2338] : memref<128x512xf32, #tpu.memory_space<vmem>>[vector<16xi32>, vector<16xi32>], vector<16xf32>,
          %jit3A_2340 = arith.constant 5.000000e-01 : f32
          %broadcast_in_dim3A_2341 = vector.broadcast %jit3A_2340 : f32 to vector<16xf32>
          %select_n3A_2342 = arith.select %lt3A_2160, %broadcast_in_dim3A_2341, %gather3A_2339 : vector<16xi1>, vector<16xf32>
          tpu.vector_store_idx %arg8[%add3A_2157, %add3A_2338], %select_n3A_2342 : memref<128x512xf32, #tpu.memory_space<vmem>>[vector<16xi32>, vector<16xi32>], vector<16xf32>,
          %add3A_2343 = arith.constant 416 : i32
          %add3A_2344 = vector.broadcast %add3A_2343 : i32 to vector<16xi32>
          %add3A_2345 = arith.addi %iota3A, %add3A_2344 : vector<16xi32>
          %gather3A_2346 = tpu.vector_load_idx %arg8[%add3A_2157, %add3A_2345] : memref<128x512xf32, #tpu.memory_space<vmem>>[vector<16xi32>, vector<16xi32>], vector<16xf32>,
          %jit3A_2347 = arith.constant 5.000000e-01 : f32
          %broadcast_in_dim3A_2348 = vector.broadcast %jit3A_2347 : f32 to vector<16xf32>
          %select_n3A_2349 = arith.select %lt3A_2160, %broadcast_in_dim3A_2348, %gather3A_2346 : vector<16xi1>, vector<16xf32>
          tpu.vector_store_idx %arg8[%add3A_2157, %add3A_2345], %select_n3A_2349 : memref<128x512xf32, #tpu.memory_space<vmem>>[vector<16xi32>, vector<16xi32>], vector<16xf32>,
          %add3A_2350 = arith.constant 432 : i32
          %add3A_2351 = vector.broadcast %add3A_2350 : i32 to vector<16xi32>
          %add3A_2352 = arith.addi %iota3A, %add3A_2351 : vector<16xi32>
          %gather3A_2353 = tpu.vector_load_idx %arg8[%add3A_2157, %add3A_2352] : memref<128x512xf32, #tpu.memory_space<vmem>>[vector<16xi32>, vector<16xi32>], vector<16xf32>,
          %jit3A_2354 = arith.constant 5.000000e-01 : f32
          %broadcast_in_dim3A_2355 = vector.broadcast %jit3A_2354 : f32 to vector<16xf32>
          %select_n3A_2356 = arith.select %lt3A_2160, %broadcast_in_dim3A_2355, %gather3A_2353 : vector<16xi1>, vector<16xf32>
          tpu.vector_store_idx %arg8[%add3A_2157, %add3A_2352], %select_n3A_2356 : memref<128x512xf32, #tpu.memory_space<vmem>>[vector<16xi32>, vector<16xi32>], vector<16xf32>,
          %add3A_2357 = arith.constant 448 : i32
          %add3A_2358 = vector.broadcast %add3A_2357 : i32 to vector<16xi32>
          %add3A_2359 = arith.addi %iota3A, %add3A_2358 : vector<16xi32>
          %gather3A_2360 = tpu.vector_load_idx %arg8[%add3A_2157, %add3A_2359] : memref<128x512xf32, #tpu.memory_space<vmem>>[vector<16xi32>, vector<16xi32>], vector<16xf32>,
          %jit3A_2361 = arith.constant 5.000000e-01 : f32
          %broadcast_in_dim3A_2362 = vector.broadcast %jit3A_2361 : f32 to vector<16xf32>
          %select_n3A_2363 = arith.select %lt3A_2160, %broadcast_in_dim3A_2362, %gather3A_2360 : vector<16xi1>, vector<16xf32>
          tpu.vector_store_idx %arg8[%add3A_2157, %add3A_2359], %select_n3A_2363 : memref<128x512xf32, #tpu.memory_space<vmem>>[vector<16xi32>, vector<16xi32>], vector<16xf32>,
          %add3A_2364 = arith.constant 464 : i32
          %add3A_2365 = vector.broadcast %add3A_2364 : i32 to vector<16xi32>
          %add3A_2366 = arith.addi %iota3A, %add3A_2365 : vector<16xi32>
          %gather3A_2367 = tpu.vector_load_idx %arg8[%add3A_2157, %add3A_2366] : memref<128x512xf32, #tpu.memory_space<vmem>>[vector<16xi32>, vector<16xi32>], vector<16xf32>,
          %jit3A_2368 = arith.constant 5.000000e-01 : f32
          %broadcast_in_dim3A_2369 = vector.broadcast %jit3A_2368 : f32 to vector<16xf32>
          %select_n3A_2370 = arith.select %lt3A_2160, %broadcast_in_dim3A_2369, %gather3A_2367 : vector<16xi1>, vector<16xf32>
          tpu.vector_store_idx %arg8[%add3A_2157, %add3A_2366], %select_n3A_2370 : memref<128x512xf32, #tpu.memory_space<vmem>>[vector<16xi32>, vector<16xi32>], vector<16xf32>,
          %add3A_2371 = arith.constant 480 : i32
          %add3A_2372 = vector.broadcast %add3A_2371 : i32 to vector<16xi32>
          %add3A_2373 = arith.addi %iota3A, %add3A_2372 : vector<16xi32>
          %gather3A_2374 = tpu.vector_load_idx %arg8[%add3A_2157, %add3A_2373] : memref<128x512xf32, #tpu.memory_space<vmem>>[vector<16xi32>, vector<16xi32>], vector<16xf32>,
          %jit3A_2375 = arith.constant 5.000000e-01 : f32
          %broadcast_in_dim3A_2376 = vector.broadcast %jit3A_2375 : f32 to vector<16xf32>
          %select_n3A_2377 = arith.select %lt3A_2160, %broadcast_in_dim3A_2376, %gather3A_2374 : vector<16xi1>, vector<16xf32>
          tpu.vector_store_idx %arg8[%add3A_2157, %add3A_2373], %select_n3A_2377 : memref<128x512xf32, #tpu.memory_space<vmem>>[vector<16xi32>, vector<16xi32>], vector<16xf32>,
          %add3A_2378 = arith.constant 496 : i32
          %add3A_2379 = vector.broadcast %add3A_2378 : i32 to vector<16xi32>
          %add3A_2380 = arith.addi %iota3A, %add3A_2379 : vector<16xi32>
          %gather3A_2381 = tpu.vector_load_idx %arg8[%add3A_2157, %add3A_2380] : memref<128x512xf32, #tpu.memory_space<vmem>>[vector<16xi32>, vector<16xi32>], vector<16xf32>,
          %jit3A_2382 = arith.constant 5.000000e-01 : f32
          %broadcast_in_dim3A_2383 = vector.broadcast %jit3A_2382 : f32 to vector<16xf32>
          %select_n3A_2384 = arith.select %lt3A_2160, %broadcast_in_dim3A_2383, %gather3A_2381 : vector<16xi1>, vector<16xf32>
          tpu.vector_store_idx %arg8[%add3A_2157, %add3A_2380], %select_n3A_2384 : memref<128x512xf32, #tpu.memory_space<vmem>>[vector<16xi32>, vector<16xi32>], vector<16xf32>,
        }
        %scan3A_2152 = arith.constant 128 : i32
      } else {
      }
      %lt3A_2139 = arith.constant 20 : i32
      %lt3A_2140 = arith.cmpi slt, %add3A, %lt3A_2139 : i32
      %convert_element_type3A_2141 = arith.extui %lt3A_2140 : i1 to i32
      %cond3A_2142 = arith.constant 0 : i32
      %cond3A_2143 = arith.cmpi ne, %convert_element_type3A_2141, %cond3A_2142 : i32
      scf.if %cond3A_2143 {
        %run_scoped3A = arith.constant 0 : i32
        "tpu.region"() ({
          %run_scoped3A_2148 = tpu.sem_alloc : memref<!tpu.dma_semaphore, #tpu.memory_space<semaphore_mem>>
          %dma_start3A_2149 = arith.constant 0 : i32
          %dma_start3A_2150 = tpu.memref_slice %arg4[%run_scoped3A, %mul3A_2, %dma_start3A_2149] : memref<1x2562x512xf32, #tpu.memory_space<hbm>> -> memref<1x128x512xf32, #tpu.memory_space<hbm>>
          %dma_start3A_2151 = tpu.memref_squeeze %dma_start3A_2150 : memref<1x128x512xf32, #tpu.memory_space<hbm>> -> memref<128x512xf32, #tpu.memory_space<hbm>>
          %dma_start3A_2152 = arith.constant 0 : i32
          %dma_start3A_2153 = tpu.memref_slice %arg4[%run_scoped3A, %mul3A_2, %dma_start3A_2152] : memref<1x2562x512xf32, #tpu.memory_space<hbm>> -> memref<1x128x512xf32, #tpu.memory_space<hbm>>
          %dma_start3A_2154 = tpu.memref_squeeze %dma_start3A_2153 : memref<1x128x512xf32, #tpu.memory_space<hbm>> -> memref<128x512xf32, #tpu.memory_space<hbm>>
          tpu.enqueue_dma source(%arg8 : memref<128x512xf32, #tpu.memory_space<vmem>>) target(%dma_start3A_2154 : memref<128x512xf32, #tpu.memory_space<hbm>>) target_semaphore(%run_scoped3A_2148 : memref<!tpu.dma_semaphore, #tpu.memory_space<semaphore_mem>>)
          %dma_wait3A_2155 = arith.constant 0 : i32
          %dma_wait3A_2156 = tpu.memref_slice %arg4[%run_scoped3A, %mul3A_2, %dma_wait3A_2155] : memref<1x2562x512xf32, #tpu.memory_space<hbm>> -> memref<1x128x512xf32, #tpu.memory_space<hbm>>
          %dma_wait3A_2157 = tpu.memref_squeeze %dma_wait3A_2156 : memref<1x128x512xf32, #tpu.memory_space<hbm>> -> memref<128x512xf32, #tpu.memory_space<hbm>>
          %dma_wait3A_2158 = arith.constant 0 : i32
          %dma_wait3A_2159 = tpu.memref_slice %arg4[%run_scoped3A, %mul3A_2, %dma_wait3A_2158] : memref<1x2562x512xf32, #tpu.memory_space<hbm>> -> memref<1x128x512xf32, #tpu.memory_space<hbm>>
          %dma_wait3A_2160 = tpu.memref_squeeze %dma_wait3A_2159 : memref<1x128x512xf32, #tpu.memory_space<hbm>> -> memref<128x512xf32, #tpu.memory_space<hbm>>
          tpu.wait_dma2 semaphore(%run_scoped3A_2148 : memref<!tpu.dma_semaphore, #tpu.memory_space<semaphore_mem>>) src(%arg8 : memref<128x512xf32, #tpu.memory_space<vmem>>) dst(%dma_wait3A_2160 : memref<128x512xf32, #tpu.memory_space<hbm>>)
          tpu.yield
        }) : () -> ()
      } else {
      }
      %eq3A = arith.constant 20 : i32
      %eq3A_2144 = arith.cmpi eq, %add3A, %eq3A : i32
      %convert_element_type3A_2145 = arith.extui %eq3A_2144 : i1 to i32
      %cond3A_2146 = arith.constant 0 : i32
      %cond3A_2147 = arith.cmpi ne, %convert_element_type3A_2145, %cond3A_2146 : i32
      scf.if %cond3A_2147 {
        %run_scoped3A = arith.constant 0 : i32
        "tpu.region"() ({
          %run_scoped3A_2148 = tpu.sem_alloc : memref<!tpu.dma_semaphore, #tpu.memory_space<semaphore_mem>>
          %dma_start3A_2149 = arith.constant 0 : i32
          %dma_start3A_2150 = arith.constant 0 : i32
          %dma_start3A_2151 = tpu.memref_slice %arg8[%dma_start3A_2149, %dma_start3A_2150] : memref<128x512xf32, #tpu.memory_space<vmem>> -> memref<2x512xf32, #tpu.memory_space<vmem>>
          %dma_start3A_2152 = arith.constant 2560 : i32
          %dma_start3A_2153 = arith.constant 0 : i32
          %dma_start3A_2154 = tpu.memref_slice %arg4[%run_scoped3A, %dma_start3A_2152, %dma_start3A_2153] : memref<1x2562x512xf32, #tpu.memory_space<hbm>> -> memref<1x2x512xf32, #tpu.memory_space<hbm>>
          %dma_start3A_2155 = tpu.memref_squeeze %dma_start3A_2154 : memref<1x2x512xf32, #tpu.memory_space<hbm>> -> memref<2x512xf32, #tpu.memory_space<hbm>>
          %dma_start3A_2156 = arith.constant 2560 : i32
          %dma_start3A_2157 = arith.constant 0 : i32
          %dma_start3A_2158 = tpu.memref_slice %arg4[%run_scoped3A, %dma_start3A_2156, %dma_start3A_2157] : memref<1x2562x512xf32, #tpu.memory_space<hbm>> -> memref<1x2x512xf32, #tpu.memory_space<hbm>>
          %dma_start3A_2159 = tpu.memref_squeeze %dma_start3A_2158 : memref<1x2x512xf32, #tpu.memory_space<hbm>> -> memref<2x512xf32, #tpu.memory_space<hbm>>
          %dma_start3A_2160 = arith.constant 0 : i32
          %dma_start3A_2161 = arith.constant 0 : i32
          %dma_start3A_2162 = tpu.memref_slice %arg8[%dma_start3A_2160, %dma_start3A_2161] : memref<128x512xf32, #tpu.memory_space<vmem>> -> memref<2x512xf32, #tpu.memory_space<vmem>>
          tpu.enqueue_dma source(%dma_start3A_2162 : memref<2x512xf32, #tpu.memory_space<vmem>>) target(%dma_start3A_2159 : memref<2x512xf32, #tpu.memory_space<hbm>>) target_semaphore(%run_scoped3A_2148 : memref<!tpu.dma_semaphore, #tpu.memory_space<semaphore_mem>>)
          %dma_wait3A_2163 = arith.constant 0 : i32
          %dma_wait3A_2164 = arith.constant 0 : i32
          %dma_wait3A_2165 = tpu.memref_slice %arg8[%dma_wait3A_2163, %dma_wait3A_2164] : memref<128x512xf32, #tpu.memory_space<vmem>> -> memref<2x512xf32, #tpu.memory_space<vmem>>
          %dma_wait3A_2166 = arith.constant 2560 : i32
          %dma_wait3A_2167 = arith.constant 0 : i32
          %dma_wait3A_2168 = tpu.memref_slice %arg4[%run_scoped3A, %dma_wait3A_2166, %dma_wait3A_2167] : memref<1x2562x512xf32, #tpu.memory_space<hbm>> -> memref<1x2x512xf32, #tpu.memory_space<hbm>>
          %dma_wait3A_2169 = tpu.memref_squeeze %dma_wait3A_2168 : memref<1x2x512xf32, #tpu.memory_space<hbm>> -> memref<2x512xf32, #tpu.memory_space<hbm>>
          %dma_wait3A_2170 = arith.constant 2560 : i32
          %dma_wait3A_2171 = arith.constant 0 : i32
          %dma_wait3A_2172 = tpu.memref_slice %arg4[%run_scoped3A, %dma_wait3A_2170, %dma_wait3A_2171] : memref<1x2562x512xf32, #tpu.memory_space<hbm>> -> memref<1x2x512xf32, #tpu.memory_space<hbm>>
          %dma_wait3A_2173 = tpu.memref_squeeze %dma_wait3A_2172 : memref<1x2x512xf32, #tpu.memory_space<hbm>> -> memref<2x512xf32, #tpu.memory_space<hbm>>
          %dma_wait3A_2174 = arith.constant 0 : i32
          %dma_wait3A_2175 = arith.constant 0 : i32
          %dma_wait3A_2176 = tpu.memref_slice %arg8[%dma_wait3A_2174, %dma_wait3A_2175] : memref<128x512xf32, #tpu.memory_space<vmem>> -> memref<2x512xf32, #tpu.memory_space<vmem>>
          tpu.wait_dma2 semaphore(%run_scoped3A_2148 : memref<!tpu.dma_semaphore, #tpu.memory_space<semaphore_mem>>) src(%dma_wait3A_2176 : memref<2x512xf32, #tpu.memory_space<vmem>>) dst(%dma_wait3A_2173 : memref<2x512xf32, #tpu.memory_space<hbm>>)
          tpu.yield
        }) : () -> ()
      } else {
      }
    } else {
    }
    return
  }
}

</mosaic_0001>

<sc_bundles>
// kernel: kernel.4.cloned.1.call-start
scs
__scs_entry_jumppad:
0x0: {  	(pc) =	sbr.rel $0x88, $3  }
0x1: {  	(tag) =	ssettag $0x0;
	lr =	simm.s32 $0x1  }
0x2: {  	[smem:$0x3F9F] =	sst lr;
	_ =	strace $0xD0000000  }
0x3: {  	_ = 	snop  }
0x4: {  	_ = 	snop  }
0x5: {  	_ = 	snop  }
0x6: {  	_ = 	snop  }
0x7: {  	_ = 	snop  }
__scs_overlays_trampoline_lowered:
0x8: {  	[smem:$0x3FAE] =	sst s0  }
0x9: {  	[smem:$0x3FAF] =	sst s1  }
0xa: {  	[smem:$0x3FB0] =	sst s2  }
0xb: {  	[smem:$0x3FB1] =	sst s3  }
0xc: {  	[smem:$0x3FB2] =	sst s4  }
0xd: {  	[smem:$0x3FB3] =	sst s5  }
0xe: {  	[smem:$0x3FB4] =	sst s6  }
0xf: {  	[smem:$0x3FB5] =	sst s7  }
0x10: {  	[smem:$0x3FB6] =	sst s8  }
0x11: {  	[smem:$0x3FB7] =	sst s9;
	s0 =	simm.s32 @!p0 $0x0  }
0x12: {  	s1 =	sld [smem:$0x3F9D];
	s0 =	simm.s32 @p0 $0x1  }
0x13: {  	[smem:$0x3FB8] =	sst s0;
	s0 =	simm.s32 @!p1 $0x0  }
0x14: {  	s2 =	sld [smem:$0x3F9C];
	s0 =	simm.s32 @p1 $0x1  }
0x15: {  	[smem:$0x3FB9] =	sst s0;
	s0 =	simm.s32 @!p2 $0x0  }
0x16: {  	s3 =	sld [smem:$0x3FDB];
	s0 =	simm.s32 @p2 $0x1  }
0x17: {  	s4 =	simm.s32 $0x1BF5;
	[smem:$0x3FBB] =	sst s0  }
0x18: {  	s0 =	sld [smem:$0x3F9E];
	_ =	swait.ge [sflag:s4], $0x0  }
0x19: {  	s7 =	sld [smem:$0x3F9F]  }
0x1a: {  	s8 =	sadd.s32 $0xFFFFE003, lr  }
0x1b: {  	s9 =	sadd.s32 $0xFFFFFEF7, lr;
	s5 =	simm.s32 $0xFFFFFFFF;
	p2 =	slt.u32 s8, $0xFFFFF086  }
0x1c: {  	p1 =	slt.u32 s9, $0xF7A;
	s5 =	simm.s32 @!p2 $0x0  }
0x1d: {  	s5 =	simm.s32 @p1 $0x1;
	p0 =	seq.s32 s7, s2  }
0x1e: {  	s7 =	smul.u32 @!p0 $0xF7A, s2;
	p2 =	seq.s32 @!p0 s5, $0x0  }
0x1f: {  	s9 =	smul.u32 $0xF7A, s1;
	s8 =	simm.s32 @!p0 $0x1BF5;
	p2 =	por !p2, p0  }
0x20: {  	[sflag:s8] =	ssyncset.s32 @!p0 $0xFFFFF086;
	s6 =	sadd.s32 @!p0 s3, s7;
	s7 =	simm.s32 @!p0 $0x108  }
0x21: {  	s3 =	sadd.s32 s3, s9;
	s6 =	sadd.s32 @!p0 $0x88, s6;
	s7 =	simm.s32 @p2 $0x1082  }
0x22: {  	[simem:s7], [sflag:s8] =	dma.local @!p0 [hbm:s6], $0xF7A  }
0x23: {  	s9 =	sor.u32 $0xD0000000, s2;
	s6 =	simm.s32 $0x108;
	_ =	swait.ge @!p0 [sflag:s8], $0x0  }
0x24: {  	s3 =	sadd.s32 $0x88, s3;
	s6 =	simm.s32 @!p1 $0x1082;
	[sflag:s4] =	ssyncset.s32 $0xFFFFF086  }
0x25: {  	[simem:s6], [sflag:s4] =	dma.local [hbm:s3], $0xF7A  }
0x26: {  	[smem:$0x3F9F] =	sst s1;
	(tag) =	ssettag s2;
	_ =	strace s9  }
0x27: {  	s1 =	sld [smem:$0x3FAF]  }
0x28: {  	s2 =	sld [smem:$0x3FB0]  }
0x29: {  	s4 =	sld [smem:$0x3FB2]  }
0x2a: {  	p0 =	seq.s32 s5, $0x0;
	s5 =	sld [smem:$0x3FB3]  }
0x2b: {  	s6 =	sld [smem:$0x3FB4]  }
0x2c: {  	s7 =	sld [smem:$0x3FB5]  }
0x2d: {  	s3 =	simm.s32 $0x108;
	s8 =	sld [smem:$0x3FB6]  }
0x2e: {  	s3 =	simm.s32 @!p0 $0x1082;
	s9 =	sld [smem:$0x3FB7]  }
0x2f: {  	lr =	sadd.s32 s0, s3;
	s0 =	sld [smem:$0x3FAE]  }
0x30: {  	s3 =	sld [smem:$0x3FB1]  }
0x31: {  	[smem:$0x3FBA] =	sst s10  }
0x32: {  	s10 =	sld [smem:$0x3FB8];
	_ =	sdelay $0x3  }
0x33: {  	p0 =	seq.s32 s10, $0x1;
	s10 =	sld [smem:$0x3FBA];
	_ =	sdelay $0x3  }
0x34: {  	[smem:$0x3FBA] =	sst s10  }
0x35: {  	s10 =	sld [smem:$0x3FB9];
	_ =	sdelay $0x3  }
0x36: {  	p1 =	seq.s32 s10, $0x1;
	s10 =	sld [smem:$0x3FBA];
	_ =	sdelay $0x3  }
0x37: {  	[smem:$0x3FBA] =	sst s10  }
0x38: {  	s10 =	sld [smem:$0x3FBB]  }
0x39: {  	_ = 	snop;
	(pc) =	sbr.ind lr, $3  }
0x3a: {  	_ = 	snop  }
0x3b: {  	_ = 	snop  }
0x3c: {  	p2 =	seq.s32 s10, $0x1;
	s10 =	sld [smem:$0x3FBA]  }
0x3d: {  	_ =	shalt  }
0x3e: {  	_ =	shalt  }
0x3f: {  	_ =	shalt  }
0x40: {  	_ =	shalt  }
0x41: {  	_ =	shalt  }
0x42: {  	_ =	shalt  }
0x43: {  	_ =	shalt  }
0x44: {  	_ =	shalt  }
0x45: {  	_ =	shalt  }
0x46: {  	_ =	shalt  }
0x47: {  	_ =	shalt  }
0x48: {  	_ =	shalt  }
0x49: {  	_ =	shalt  }
0x4a: {  	_ =	shalt  }
0x4b: {  	_ =	shalt  }
0x4c: {  	_ =	shalt  }
0x4d: {  	_ =	shalt  }
0x4e: {  	_ =	shalt  }
0x4f: {  	_ =	shalt  }
0x50: {  	_ =	shalt  }
0x51: {  	_ =	shalt  }
0x52: {  	_ =	shalt  }
0x53: {  	_ =	shalt  }
0x54: {  	_ =	shalt  }
0x55: {  	_ =	shalt  }
0x56: {  	_ =	shalt  }
0x57: {  	_ =	shalt  }
0x58: {  	_ =	shalt  }
0x59: {  	_ =	shalt  }
0x5a: {  	_ =	shalt  }
0x5b: {  	_ =	shalt  }
0x5c: {  	_ =	shalt  }
0x5d: {  	_ =	shalt  }
0x5e: {  	_ =	shalt  }
0x5f: {  	_ =	shalt  }
0x60: {  	_ =	shalt  }
0x61: {  	_ =	shalt  }
0x62: {  	_ =	shalt  }
0x63: {  	_ =	shalt  }
0x64: {  	_ =	shalt  }
0x65: {  	_ =	shalt  }
0x66: {  	_ =	shalt  }
0x67: {  	_ =	shalt  }
0x68: {  	_ =	shalt  }
0x69: {  	_ =	shalt  }
0x6a: {  	_ =	shalt  }
0x6b: {  	_ =	shalt  }
0x6c: {  	_ =	shalt  }
0x6d: {  	_ =	shalt  }
0x6e: {  	_ =	shalt  }
0x6f: {  	_ =	shalt  }
0x70: {  	_ =	shalt  }
0x71: {  	_ =	shalt  }
0x72: {  	_ =	shalt  }
0x73: {  	_ =	shalt  }
0x74: {  	_ =	shalt  }
0x75: {  	_ =	shalt  }
0x76: {  	_ =	shalt  }
0x77: {  	_ =	shalt  }
0x78: {  	_ =	shalt  }
0x79: {  	_ =	shalt  }
0x7a: {  	_ =	shalt  }
0x7b: {  	_ =	shalt  }
0x7c: {  	_ =	shalt  }
0x7d: {  	_ =	shalt  }
0x7e: {  	_ =	shalt  }
0x7f: {  	_ =	shalt  }
0x80: {  	_ =	shalt  }
0x81: {  	_ =	shalt  }
0x82: {  	_ =	shalt  }
0x83: {  	_ =	shalt  }
0x84: {  	_ =	shalt  }
0x85: {  	_ =	shalt  }
0x86: {  	_ =	shalt  }
0x87: {  	_ =	shalt  }
.Lfunc_end0:
.L_simem_size_0:
called_computation_lowered:
.L_overlay_start_0:
0x88: {  	s2 =	sld [smem:$0x3FD9]  }
0x89: {  	s3 =	sld [smem:$0x3FFE];
	_ =	sdelay $0x1  }
0x8a: {  	s1 =	srdreg.scid  }
0x8b: {  	s0 =	sand.u32 $0x1, s1  }
0x8c: {  	s18 =	sshll.u32 s0, $0xA;
	s2 =	sadd.s32 s3, s2  }
0x8d: {  	s2 =	sadd.s32 s2, s18  }
0x8e: {  	[smem:$0x3FC6] =	sst s2  }
0x8f: {  	_ = 	snop  }
0x90: {  	s2 =	sld [smem:$0x3FC9]  }
0x91: {  	s19 =	sld [smem:$0x3FD0];
	(tm) =	ssettm $0x1  }
0x92: {  	s4 =	sld [smem:$0x3FFB];
	_ =	sdelay $0x3  }
0x93: {  	_ =	strace s4  }
0x94: {  	s4 =	sld [smem:$0x3FFC];
	_ =	sdelay $0x3  }
0x95: {  	_ =	strace s4  }
0x96: {  	s4 =	sld [smem:$0x3FFD];
	_ =	sdelay $0x3  }
0x97: {  	_ =	strace s4  }
0x98: {  	_ =	strace $0x8FFFFFFF  }
0x99: {  	s20 =	sld [smem:$0x3FDB];
	_ =	sdelay $0x1  }
0x9a: {  	s5 =	simm.s32 $_scs_section_size  }
0x9b: {  	s6 =	simm.s32 $_size__tile_overlayer_lowered;
	s7 =	simm.s32 $_tile_overlayer_lowered  }
0x9c: {  	s23 =	simm.s32 $0x1BFF;
	s22 =	sshll.u32 s7, $0x1;
	s4 =	sadd.s32 s5, s20  }
0x9d: {  	s8 =	simm.s32 $0x0;
	s21 =	sshll.u32 s6, $0x1;
	s6 =	sadd.s32 s22, s4  }
0x9e: {  	[timem:s8], [sflag:s23] =	dma.local [hbm:s6], s21  }
0x9f: {  	_ =	swait.ge [sflag:s23], s21  }
0xa0: {  	s5 =	ssub.s32 $0x0, s21;
	[sflag:s23] =	ssyncset.done $0x0  }
0xa1: {  	[sflag:s23] =	ssyncadd.s32 s5;
	_ =	sdelay $0x1  }
0xa2: {  	s24 =	simm.s32 $0x1B8B  }
0xa3: {  	_ =	swait.ge [sflag:s24], $0x1  }
0xa4: {  	[sflag:s24] =	ssyncset.done $0x0  }
0xa5: {  	s25 =	simm.s32 $0x1B8E;
	[sflag:s24] =	ssyncadd.s32 $0xFFFFFFFF  }
0xa6: {  	s26 =	simm.s32 $execute0_lowered;
	[smem:$0x3FD2] =	sst s25  }
0xa7: {  	s5 =	sshll.u32 s26, $0x1;
	_ =	strace $0x80000046;
	[dreg:$0x1] =	wrdreg $0xFFFFFFFF  }
0xa8: {  	s28 =	simm.s32 $_size_execute0_lowered;
	s4 =	sadd.s32 s4, s5;
	[dreg:$0x0] =	wrdreg $0x0  }
0xa9: {  	s5 =	sshll.u32 s28, $0x1;
	[dreg:$0x2] =	wrdreg s4  }
0xaa: {  	[dreg:$0x3] =	wrdreg s5  }
0xab: {  	[dreg:$0x4] =	wrdreg $0xC0  }
0xac: {  	_ =	task [dreg:s8], $0x5FFFF  }
0xad: {  	[dreg:$0x1] =	wrdreg $0xFFFFFFFF  }
0xae: {  	[dreg:$0x0] =	wrdreg $0x60  }
0xaf: {  	[dreg:$0x2] =	wrdreg s2  }
0xb0: {  	[dreg:$0x3] =	wrdreg s19  }
0xb1: {  	[dreg:$0x4] =	wrdreg $0x9  }
0xb2: {  	_ =	task.clear_ibuf [dreg:s8], $0x5FFFF;
	_ =	strace $0x90000046  }
0xb3: {  	s29 =	simm.s32 $0x9;
	_ =	strace $0x80000048  }
0xb4: {  	_ =	swait.ge [sflag:s29], $0x1  }
0xb5: {  	[sflag:s29] =	ssyncadd.s32 $0xFFFFFFFF  }
0xb6: {  	_ =	strace $0x90000048  }
0xb7: {  	_ =	sfence  }
0xb8: {  	s30 =	sld [smem:$0x0];
	_ =	sdelay $0x2  }
0xb9: {  	s31 =	sshll.u32 s1, $0xD;
	s1 =	sshrl.u32 s1, $0x2  }
0xba: {  	s3 =	sand.u32 $0x4000, s31;
	s1 =	sadd.s32 s1, s30  }
0xbb: {  	s0 =	sor.u32 s3, s0;
	s1 =	sshll.u32 s1, $0x11  }
0xbc: {  	s0 =	sor.u32 s1, s0  }
0xbd: {  	s0 =	sadd.s32 $0x8F2B, s0  }
0xbe: {  	[sflag:s0] =	ssyncadd.remote.s32 $0x1  }
0xbf: {  	_ =	sfence.sel $0xFFFF  }
0xc0: {  	[dreg:$0x0] =	wrdreg $0xFFFFFFFF;
	(pc) =	sbr.abs _section_cstart, $3  }
0xc1: {  	[dreg:$0x1] =	wrdreg $0xFFFFFFFF  }
0xc2: {  	_ =	task.clear_ibuf [dreg:s8], $0x2FFFF;
	_ =	strace $0x9FFFFFFF  }
0xc3: {  	(tm) =	ssettm $0x7FFFFFFF  }
tec
execute0_lowered:
.L_overlay_start_1:
0x0: {  	(tag) =	ssettag $0x1  }
0x1: {  	s1 =	srdreg.scid;
	s0 =	stileid.u32  }
0x2: {  	s4 =	sand.u32 $0x1, s1;
	s25 =	sshll.u32 s0, $0x1  }
0x3: {  	s9 =	sor.u32 s4, s25  }
0x4: {  	s2 =	smul.u32 $0x7080, s9  }
0x5: {  	s8 =	rddreg [dreg:$0x0]  }
0x6: {  	s7 =	simm.s32 $0x1;
	s10 =	rddreg [dreg:$0x1];
	s1 =	smulhi.u32 $0x333334, s2  }
0x7: {  	s16 =	simm.s32 $0x0;
	s6 =	smul.u32 $0xE100, s0;
	s11 =	ssub.s32 $0x2, s4  }
0x8: {  	s4 =	smul.u32 $0x7080, s4;
	p0 =	seq.s32 s9, $0x0;
	s3 =	sand.u32 $0x7, s1  }
0x9: {  	s12 =	sshrl.u32 s11, $0x1;
	s9 =	sshll.u32 s9, $0x9;
	p1 =	sne.s32 s3, $0x0  }
0xa: {  	s6 =	sadd.s32 s4, s6;
	s2 =	smulhi.u32 $0xCCCCD, s2;
	p0 =	por !p0, !p1  }
0xb: {  	s11 =	ssub.s32 s11, s12;
	s4 =	simm.s32 $0x1;
	p0 =	por !p0, !p0  }
0xc: {  	s28 =	smulhi.u32 $0xCCCCD, s6;
	s2 =	sshrl.u32 s2, $0x1;
	s7 =	simm.s32 @!p0 $0x0  }
0xd: {  	s9 =	sadd.s32 s10, s9;
	s6 =	smulhi.u32 $0x333334, s6;
	s5 =	ssub.s32 s2, s7  }
0xe: {  	s11 =	smax.u32 s11, $0x1;
	s3 =	simm.s32 $0x0;
	s5 =	sshll.u32 s5, $0x3  }
0xf: {  	s31 =	ssub.s32 $0x2D0, s6;
	[smem:$0x7FF] =	sst s3;
	p0 =	slt.s32 s5, $0x2B0  }
0x10: {  	s10 =	smin.u32 s31, $0x18;
	s2 =	rddreg [dreg:$0x2];
	s5 =	simm.s32 @!p0 $0x2B0  }
0x11: {  	s13 =	sshrl.u32 s5, $0x3;
	s14 =	sadd.s32 $0x2D0, s5;
	s5 =	sadd.s32 $0x5A0, s5  }
0x12: {  	s13 =	smul.u32 $0x500, s13;
	s26 =	sshrl.u32 s14, $0x3;
	s14 =	sshrl.u32 s28, $0x1  }
0x13: {  	s5 =	sshrl.u32 s5, $0x3;
	s29 =	smul.u32 $0x500, s26;
	s30 =	ssub.s32 s14, s7  }
0x14: {  	_ =	strace $0x80000047;
	s15 =	smul.u32 $0x500, s5;
	s12 =	sshll.u32 s30, $0x3  }
0x15: {  	s14 =	simm.s32 $0x14000;
	s5 =	sadd.s32 s8, s13;
	p0 =	slt.s32 s12, $0x2B0  }
0x16: {  	s13 =	simm.s32 $0xA000;
	s7 =	sadd.s32 s8, s29;
	s12 =	simm.s32 @!p0 $0x2B0  }
0x17: {  	v0 =	vimm.s32 $0xFFFFFFFF;
	v1 =	vlaneseq.u32;
	s8 =	sadd.s32 s8, s15;
	s15 =	simm.s32 $0x2;
	s12 =	ssub.s32 s6, s12  }
.LBB2_1:
0x18: {  	s17 =	simm.s32 $0x40;
	s18 =	simm.s32 $0x0  }
.LBB2_2:
0x19: {  	p0 =	sne.s32 s17, $0x3FC0;
	[tilespmem:s18+$0x14000] =	vst v0;
	s18 =	smov.u32 s17;
	s17 =	sadd.s32 $0x40, s17  }
.Ltmp0:
0x1a: {  	(pc) =	sbr.rel @p0 .LBB2_2-.Ltmp0, $2  }
0x1b: {  	_ =	sdelay $0x2  }
0x1c: {  	s18 =	sshra.s32 s18, $0x2  }
0x1d: {  	[tilespmem:s18+$0x14000] =	vst v0;
	s17 =	simm.s32 $0x0  }
0x1e: {  	[tilespmem:s17], [sflag:$0x1] =	stream.linear.gather [hbm4b:s5+s17], $0xA000, $0x38;
	[tilespmem:$0x15000] =	vst v63  }
0x1f: {  	_ =	swait.ge [sflag:s4], $0xA000  }
0x20: {  	[sflag:s4] =	ssyncset.done $0x0  }
0x21: {  	s18 =	smov.u32 s6;
	s19 =	smov.u32 s12;
	[sflag:s4] =	ssyncadd.s32 $0xFFFF6000  }
0x22: {  	[tilespmem:s13], [sflag:$0x1] =	stream.linear.gather [hbm4b:s7+s17], $0xA000, $0x38;
	[tilespmem:$0x15000] =	vst v63  }
.LBB2_4:
0x23: {  	s20 =	sshrl.u32 s19, $0x3  }
0x24: {  	s21 =	sand.u32 $0x7, s18;
	s20 =	smul.u32 $0xA000, s20  }
0x25: {  	s21 =	sshll.u32 s21, $0x9  }
0x26: {  	s20 =	sor.u32 s21, s20  }
0x27: {  	s20 =	sshra.s32 s20, $0x2  }
0x28: {  	s20 =	sor.u32 $0x40, s20  }
0x29: {  	v4 =	vld [tilespmem:s20+$0xFFFFFFC0]  }
0x2a: {  	v5 =	vld [tilespmem:s20+$0xFFFFFFD0]  }
0x2b: {  	v6 =	vld [tilespmem:s20+$0xFFFFFFE0]  }
0x2c: {  	s23 =	sadd.s32 s1, s17;
	v7 =	vld [tilespmem:s20+$0xFFFFFFF0]  }
0x2d: {  	s21 =	smul.u32 $0x500, s23;
	v8 =	vld [tilespmem:s20+$0x0]  }
0x2e: {  	v9 =	vld [tilespmem:s20+$0x10]  }
0x2f: {  	s24 =	simm.s32 $0x0;
	v2 =	vor.u32 s21, v1;
	v10 =	vld [tilespmem:s20+$0x20]  }
0x30: {  	s22 =	simm.s32 $0x10;
	v11 =	vadd.s32 s24, v2  }
0x31: {  	s25 =	simm.s32 $0x20;
	v3 =	vld [tilespmem:s20+$0x30];
	[tilespmem:v4+s14+$0x0] =	vst.idx.msk $0xffff, v11;
	v4 =	vadd.s32 s22, v2  }
0x32: {  	s26 =	simm.s32 $0x30;
	[tilespmem:v5+s14+$0x0] =	vst.idx.msk $0xffff, v4;
	v4 =	vadd.s32 s25, v2  }
0x33: {  	s28 =	simm.s32 $0x40;
	[tilespmem:v6+s14+$0x0] =	vst.idx.msk $0xffff, v4;
	v4 =	vadd.s32 s26, v2  }
0x34: {  	s29 =	simm.s32 $0x50;
	[tilespmem:v7+s14+$0x0] =	vst.idx.msk $0xffff, v4;
	v4 =	vadd.s32 s28, v2  }
0x35: {  	s30 =	simm.s32 $0x60;
	[tilespmem:v8+s14+$0x0] =	vst.idx.msk $0xffff, v4;
	v4 =	vadd.s32 s29, v2  }
0x36: {  	s31 =	simm.s32 $0x70;
	[tilespmem:v9+s14+$0x0] =	vst.idx.msk $0xffff, v4;
	v4 =	vadd.s32 s30, v2  }
0x37: {  	s21 =	simm.s32 $0xF0;
	[tilespmem:v10+s14+$0x0] =	vst.idx.msk $0xffff, v4;
	v4 =	vadd.s32 s31, v2  }
.LBB2_5:
0x38: {  	p0 =	sne.s32 s21, $0x4F0  }
0x39: {  	[tilespmem:v3+s14+$0x0] =	vst.idx.msk $0xffff, v4;
	s20 =	sadd.s32 $0x400, s20;
	s22 =	smov.u32 s21;
	s21 =	sadd.s32 $0x80, s21  }
0x3a: {  	v4 =	vld [tilespmem:s20+$0xFFFFFFC0]  }
0x3b: {  	v5 =	vld [tilespmem:s20+$0xFFFFFFD0]  }
0x3c: {  	v6 =	vld [tilespmem:s20+$0xFFFFFFE0]  }
0x3d: {  	v7 =	vld [tilespmem:s20+$0xFFFFFFF0]  }
0x3e: {  	v8 =	vld [tilespmem:s20+$0x0]  }
0x3f: {  	v9 =	vld [tilespmem:s20+$0x10]  }
0x40: {  	s23 =	sadd.s32 $0xFFFFFF90, s22;
	v10 =	vld [tilespmem:s20+$0x20]  }
0x41: {  	s24 =	sadd.s32 $0xFFFFFFA0, s22;
	v11 =	vadd.s32 s23, v2;
	v3 =	vld [tilespmem:s20+$0x30]  }
0x42: {  	s23 =	sadd.s32 $0xFFFFFFB0, s22;
	[tilespmem:v4+s14+$0x0] =	vst.idx.msk $0xffff, v11;
	v4 =	vadd.s32 s24, v2  }
0x43: {  	s24 =	sadd.s32 $0xFFFFFFC0, s22;
	[tilespmem:v5+s14+$0x0] =	vst.idx.msk $0xffff, v4;
	v4 =	vadd.s32 s23, v2  }
.Ltmp1:
0x44: {  	s23 =	sadd.s32 $0xFFFFFFD0, s22;
	[tilespmem:v6+s14+$0x0] =	vst.idx.msk $0xffff, v4;
	v4 =	vadd.s32 s24, v2;
	(pc) =	sbr.rel @p0 .LBB2_5-.Ltmp1, $4  }
0x45: {  	s24 =	sadd.s32 $0xFFFFFFE0, s22;
	[tilespmem:v7+s14+$0x0] =	vst.idx.msk $0xffff, v4;
	v4 =	vadd.s32 s23, v2  }
0x46: {  	s23 =	sadd.s32 $0xFFFFFFF0, s22;
	[tilespmem:v8+s14+$0x0] =	vst.idx.msk $0xffff, v4;
	v4 =	vadd.s32 s24, v2  }
0x47: {  	[tilespmem:v9+s14+$0x0] =	vst.idx.msk $0xffff, v4;
	v4 =	vadd.s32 s23, v2  }
0x48: {  	[tilespmem:v10+s14+$0x0] =	vst.idx.msk $0xffff, v4;
	v4 =	vadd.s32 s22, v2  }
0x49: {  	s17 =	sadd.s32 $0x1, s17  }
0x4a: {  	p0 =	sne.s32 s17, s10  }
.Ltmp2:
0x4b: {  	_ = 	snop;
	(pc) =	sbr.rel @p0 .LBB2_4-.Ltmp2, $2  }
0x4c: {  	_ =	sdelay $0x2  }
0x4d: {  	[tilespmem:v3+s14+$0x0] =	vst.idx.msk $0xffff, v4;
	s19 =	sadd.s32 $0x1, s19;
	s18 =	sadd.s32 $0x1, s18  }
0x4e: {  	_ =	swait.ge [sflag:s4], $0xA000  }
0x4f: {  	s17 =	simm.s32 $0x0;
	[sflag:s4] =	ssyncset.done $0x0  }
0x50: {  	s18 =	smov.u32 s6;
	s19 =	smov.u32 s12;
	[sflag:s4] =	ssyncadd.s32 $0xFFFF6000  }
0x51: {  	[tilespmem:s17], [sflag:$0x1] =	stream.linear.gather [hbm4b:s8+s17], $0xA000, $0x38;
	[tilespmem:$0x15000] =	vst v63  }
.LBB2_8:
0x52: {  	s20 =	sshrl.u32 s19, $0x3  }
0x53: {  	s21 =	sand.u32 $0x7, s18;
	s20 =	smul.u32 $0xA000, s20  }
0x54: {  	s21 =	sshll.u32 s21, $0x9  }
0x55: {  	s20 =	sor.u32 s21, s20  }
0x56: {  	s20 =	sshra.s32 s20, $0x2  }
0x57: {  	s20 =	sadd.s32 $0xA000, s20  }
0x58: {  	v4 =	vld [tilespmem:s20+$0x0]  }
0x59: {  	v5 =	vld [tilespmem:s20+$0x10]  }
0x5a: {  	s23 =	sadd.s32 s1, s17;
	v6 =	vld [tilespmem:s20+$0x20]  }
0x5b: {  	s21 =	smul.u32 $0x500, s23;
	v7 =	vld [tilespmem:s20+$0x30]  }
0x5c: {  	v8 =	vld [tilespmem:s20+$0x40]  }
0x5d: {  	s21 =	sadd.s32 $0xE1000, s21;
	v9 =	vld [tilespmem:s20+$0x50]  }
0x5e: {  	s24 =	simm.s32 $0x0;
	v2 =	vor.u32 s21, v1;
	v10 =	vld [tilespmem:s20+$0x60]  }
0x5f: {  	s22 =	simm.s32 $0x10;
	v11 =	vadd.s32 s24, v2  }
0x60: {  	s25 =	simm.s32 $0x20;
	v3 =	vld [tilespmem:s20+$0x70];
	[tilespmem:v4+s14+$0x0] =	vst.idx.msk $0xffff, v11;
	v4 =	vadd.s32 s22, v2  }
0x61: {  	s26 =	simm.s32 $0x30;
	[tilespmem:v5+s14+$0x0] =	vst.idx.msk $0xffff, v4;
	v4 =	vadd.s32 s25, v2  }
0x62: {  	s28 =	simm.s32 $0x40;
	[tilespmem:v6+s14+$0x0] =	vst.idx.msk $0xffff, v4;
	v4 =	vadd.s32 s26, v2  }
0x63: {  	s29 =	simm.s32 $0x50;
	[tilespmem:v7+s14+$0x0] =	vst.idx.msk $0xffff, v4;
	v4 =	vadd.s32 s28, v2  }
0x64: {  	s30 =	simm.s32 $0x60;
	[tilespmem:v8+s14+$0x0] =	vst.idx.msk $0xffff, v4;
	v4 =	vadd.s32 s29, v2  }
0x65: {  	s31 =	simm.s32 $0x70;
	[tilespmem:v9+s14+$0x0] =	vst.idx.msk $0xffff, v4;
	v4 =	vadd.s32 s30, v2  }
0x66: {  	s21 =	simm.s32 $0xF0;
	[tilespmem:v10+s14+$0x0] =	vst.idx.msk $0xffff, v4;
	v4 =	vadd.s32 s31, v2  }
.LBB2_9:
0x67: {  	p0 =	sne.s32 s21, $0x4F0  }
0x68: {  	[tilespmem:v3+s14+$0x0] =	vst.idx.msk $0xffff, v4;
	s20 =	sadd.s32 $0x400, s20;
	s22 =	smov.u32 s21;
	s21 =	sadd.s32 $0x80, s21  }
0x69: {  	v4 =	vld [tilespmem:s20+$0x0]  }
0x6a: {  	v5 =	vld [tilespmem:s20+$0x10]  }
0x6b: {  	v6 =	vld [tilespmem:s20+$0x20]  }
0x6c: {  	v7 =	vld [tilespmem:s20+$0x30]  }
0x6d: {  	v8 =	vld [tilespmem:s20+$0x40]  }
0x6e: {  	v9 =	vld [tilespmem:s20+$0x50]  }
0x6f: {  	s23 =	sadd.s32 $0xFFFFFF90, s22;
	v10 =	vld [tilespmem:s20+$0x60]  }
0x70: {  	s24 =	sadd.s32 $0xFFFFFFA0, s22;
	v11 =	vadd.s32 s23, v2;
	v3 =	vld [tilespmem:s20+$0x70]  }
0x71: {  	s23 =	sadd.s32 $0xFFFFFFB0, s22;
	[tilespmem:v4+s14+$0x0] =	vst.idx.msk $0xffff, v11;
	v4 =	vadd.s32 s24, v2  }
0x72: {  	s24 =	sadd.s32 $0xFFFFFFC0, s22;
	[tilespmem:v5+s14+$0x0] =	vst.idx.msk $0xffff, v4;
	v4 =	vadd.s32 s23, v2  }
.Ltmp3:
0x73: {  	s23 =	sadd.s32 $0xFFFFFFD0, s22;
	[tilespmem:v6+s14+$0x0] =	vst.idx.msk $0xffff, v4;
	v4 =	vadd.s32 s24, v2;
	(pc) =	sbr.rel @p0 .LBB2_9-.Ltmp3, $4  }
0x74: {  	s24 =	sadd.s32 $0xFFFFFFE0, s22;
	[tilespmem:v7+s14+$0x0] =	vst.idx.msk $0xffff, v4;
	v4 =	vadd.s32 s23, v2  }
0x75: {  	s23 =	sadd.s32 $0xFFFFFFF0, s22;
	[tilespmem:v8+s14+$0x0] =	vst.idx.msk $0xffff, v4;
	v4 =	vadd.s32 s24, v2  }
0x76: {  	[tilespmem:v9+s14+$0x0] =	vst.idx.msk $0xffff, v4;
	v4 =	vadd.s32 s23, v2  }
0x77: {  	[tilespmem:v10+s14+$0x0] =	vst.idx.msk $0xffff, v4;
	v4 =	vadd.s32 s22, v2  }
0x78: {  	s17 =	sadd.s32 $0x1, s17  }
0x79: {  	p0 =	sne.s32 s17, s10  }
.Ltmp4:
0x7a: {  	_ = 	snop;
	(pc) =	sbr.rel @p0 .LBB2_8-.Ltmp4, $2  }
0x7b: {  	_ =	sdelay $0x2  }
0x7c: {  	[tilespmem:v3+s14+$0x0] =	vst.idx.msk $0xffff, v4;
	s19 =	sadd.s32 $0x1, s19;
	s18 =	sadd.s32 $0x1, s18  }
0x7d: {  	_ =	swait.ge [sflag:s4], $0xA000  }
0x7e: {  	s17 =	simm.s32 $0x0;
	[sflag:s4] =	ssyncset.done $0x0  }
0x7f: {  	s18 =	smov.u32 s6;
	s19 =	smov.u32 s12;
	[sflag:s4] =	ssyncadd.s32 $0xFFFF6000  }
.LBB2_12:
0x80: {  	s20 =	sshrl.u32 s19, $0x3  }
0x81: {  	s21 =	sand.u32 $0x7, s18;
	s20 =	smul.u32 $0xA000, s20  }
0x82: {  	s21 =	sshll.u32 s21, $0x9  }
0x83: {  	s20 =	sor.u32 s21, s20  }
0x84: {  	s20 =	sshra.s32 s20, $0x2  }
0x85: {  	s20 =	sor.u32 $0x40, s20  }
0x86: {  	v4 =	vld [tilespmem:s20+$0xFFFFFFC0]  }
0x87: {  	v5 =	vld [tilespmem:s20+$0xFFFFFFD0]  }
0x88: {  	s23 =	sadd.s32 s1, s17;
	v6 =	vld [tilespmem:s20+$0xFFFFFFE0]  }
0x89: {  	s21 =	smul.u32 $0x500, s23;
	v7 =	vld [tilespmem:s20+$0xFFFFFFF0]  }
0x8a: {  	v8 =	vld [tilespmem:s20+$0x0]  }
0x8b: {  	s21 =	sadd.s32 $0x1C2000, s21;
	v9 =	vld [tilespmem:s20+$0x10]  }
0x8c: {  	s24 =	simm.s32 $0x0;
	v2 =	vor.u32 s21, v1;
	v10 =	vld [tilespmem:s20+$0x20]  }
0x8d: {  	s22 =	simm.s32 $0x10;
	v11 =	vadd.s32 s24, v2  }
0x8e: {  	s25 =	simm.s32 $0x20;
	v3 =	vld [tilespmem:s20+$0x30];
	[tilespmem:v4+s14+$0x0] =	vst.idx.msk $0xffff, v11;
	v4 =	vadd.s32 s22, v2  }
0x8f: {  	s26 =	simm.s32 $0x30;
	[tilespmem:v5+s14+$0x0] =	vst.idx.msk $0xffff, v4;
	v4 =	vadd.s32 s25, v2  }
0x90: {  	s28 =	simm.s32 $0x40;
	[tilespmem:v6+s14+$0x0] =	vst.idx.msk $0xffff, v4;
	v4 =	vadd.s32 s26, v2  }
0x91: {  	s29 =	simm.s32 $0x50;
	[tilespmem:v7+s14+$0x0] =	vst.idx.msk $0xffff, v4;
	v4 =	vadd.s32 s28, v2  }
0x92: {  	s30 =	simm.s32 $0x60;
	[tilespmem:v8+s14+$0x0] =	vst.idx.msk $0xffff, v4;
	v4 =	vadd.s32 s29, v2  }
0x93: {  	s31 =	simm.s32 $0x70;
	[tilespmem:v9+s14+$0x0] =	vst.idx.msk $0xffff, v4;
	v4 =	vadd.s32 s30, v2  }
0x94: {  	s21 =	simm.s32 $0xF0;
	[tilespmem:v10+s14+$0x0] =	vst.idx.msk $0xffff, v4;
	v4 =	vadd.s32 s31, v2  }
.LBB2_13:
0x95: {  	p0 =	sne.s32 s21, $0x4F0  }
0x96: {  	[tilespmem:v3+s14+$0x0] =	vst.idx.msk $0xffff, v4;
	s20 =	sadd.s32 $0x400, s20;
	s22 =	smov.u32 s21;
	s21 =	sadd.s32 $0x80, s21  }
0x97: {  	v4 =	vld [tilespmem:s20+$0xFFFFFFC0]  }
0x98: {  	v5 =	vld [tilespmem:s20+$0xFFFFFFD0]  }
0x99: {  	v6 =	vld [tilespmem:s20+$0xFFFFFFE0]  }
0x9a: {  	v7 =	vld [tilespmem:s20+$0xFFFFFFF0]  }
0x9b: {  	v8 =	vld [tilespmem:s20+$0x0]  }
0x9c: {  	v9 =	vld [tilespmem:s20+$0x10]  }
0x9d: {  	s23 =	sadd.s32 $0xFFFFFF90, s22;
	v10 =	vld [tilespmem:s20+$0x20]  }
0x9e: {  	s24 =	sadd.s32 $0xFFFFFFA0, s22;
	v11 =	vadd.s32 s23, v2;
	v3 =	vld [tilespmem:s20+$0x30]  }
0x9f: {  	s23 =	sadd.s32 $0xFFFFFFB0, s22;
	[tilespmem:v4+s14+$0x0] =	vst.idx.msk $0xffff, v11;
	v4 =	vadd.s32 s24, v2  }
0xa0: {  	s24 =	sadd.s32 $0xFFFFFFC0, s22;
	[tilespmem:v5+s14+$0x0] =	vst.idx.msk $0xffff, v4;
	v4 =	vadd.s32 s23, v2  }
.Ltmp5:
0xa1: {  	s23 =	sadd.s32 $0xFFFFFFD0, s22;
	[tilespmem:v6+s14+$0x0] =	vst.idx.msk $0xffff, v4;
	v4 =	vadd.s32 s24, v2;
	(pc) =	sbr.rel @p0 .LBB2_13-.Ltmp5, $4  }
0xa2: {  	s24 =	sadd.s32 $0xFFFFFFE0, s22;
	[tilespmem:v7+s14+$0x0] =	vst.idx.msk $0xffff, v4;
	v4 =	vadd.s32 s23, v2  }
0xa3: {  	s23 =	sadd.s32 $0xFFFFFFF0, s22;
	[tilespmem:v8+s14+$0x0] =	vst.idx.msk $0xffff, v4;
	v4 =	vadd.s32 s24, v2  }
0xa4: {  	[tilespmem:v9+s14+$0x0] =	vst.idx.msk $0xffff, v4;
	v4 =	vadd.s32 s23, v2  }
0xa5: {  	[tilespmem:v10+s14+$0x0] =	vst.idx.msk $0xffff, v4;
	v4 =	vadd.s32 s22, v2  }
0xa6: {  	s17 =	sadd.s32 $0x1, s17  }
0xa7: {  	p0 =	sne.s32 s17, s10  }
.Ltmp6:
0xa8: {  	_ = 	snop;
	(pc) =	sbr.rel @p0 .LBB2_12-.Ltmp6, $2  }
0xa9: {  	_ =	sdelay $0x2  }
0xaa: {  	[tilespmem:v3+s14+$0x0] =	vst.idx.msk $0xffff, v4;
	s19 =	sadd.s32 $0x1, s19;
	s18 =	sadd.s32 $0x1, s18  }
0xab: {  	s16 =	sadd.s32 $0x1, s16  }
0xac: {  	p0 =	sne.s32 s16, s11  }
.Ltmp7:
0xad: {  	_ = 	snop;
	(pc) =	sbr.rel @p0 .LBB2_1-.Ltmp7, $4  }
0xae: {  	[hbm4b:s9+s3] =	stream.linear.scatter [tilespmem:s14], [sflag:$0x2], $0x1000, $0x38;
	[tilespmem:$0x15000] =	vst v63  }
0xaf: {  	_ =	swait.ge [sflag:s15], $0x1000  }
0xb0: {  	[sflag:s15] =	ssyncset.done $0x0  }
0xb1: {  	[sflag:s15] =	ssyncadd.s32 $0xFFFFF000  }
0xb2: {  	_ =	sfence.sel $0x180000  }
0xb3: {  	[bflag:$0x0] =	sbarrier.arrive $0xFFFF  }
0xb4: {  	p0 =	sne.s32 s0, $0x0;
	_ =	strace $0x90000047  }
0xb5: {  	s0 =	sadd.s32 @!p0 $0x100000, s2;
	[bflag:$0x2] =	sbarrier.arrive $0xFFFF  }
0xb6: {  	[sflag:s0] =	ssyncadd.tile.s32 @!p0 $0x1;
	_ =	shalt  }
.Lfunc_end2:
_tile_overlayer_lowered:
.L_overlay_start_2:
0xb7: {  	(tag) =	ssettag $0x2  }
0xb8: {  	s0 =	rddreg [dreg:$0x0];
	s2 =	stileid.u32  }
0xb9: {  	s1 =	rddreg [dreg:$0x1];
	p0 =	sne.s32 s2, $0x0  }
0xba: {  	s3 =	rddreg [dreg:$0x2];
	[bflag:$0x3] =	sbarrier.arrive $0xFFFF;
	s2 =	simm.s32 @!p0 $0x1C02  }
0xbb: {  	[timem:s3], [sflag:s2] =	dma.local @!p0 [hbm:s0], s1  }
0xbc: {  	s0 =	simm.s32 @!p0 $0x2  }
0xbd: {  	_ =	swait.ge @!p0 [sflag:s0], s1  }
0xbe: {  	s1 =	ssub.s32 @!p0 $0x0, s1;
	[sflag:s0] =	ssyncset.done @!p0 $0x0  }
0xbf: {  	[sflag:s0] =	ssyncadd.s32 @!p0 s1  }
0xc0: {  	[bflag:$0x3] =	sbarrier.arrive $0xFFFF  }
0xc1: {  	_ =	shalt  }

// kernel: kernel.7.cloned.1.call-start
scs
__scs_entry_jumppad:
0x0: {  	(pc) =	sbr.rel $0x88, $3  }
0x1: {  	(tag) =	ssettag $0x0;
	lr =	simm.s32 $0x1  }
0x2: {  	[smem:$0x3F9F] =	sst lr;
	_ =	strace $0xD0000000  }
0x3: {  	_ = 	snop  }
0x4: {  	_ = 	snop  }
0x5: {  	_ = 	snop  }
0x6: {  	_ = 	snop  }
0x7: {  	_ = 	snop  }
__scs_overlays_trampoline_lowered:
0x8: {  	[smem:$0x3FAE] =	sst s0  }
0x9: {  	[smem:$0x3FAF] =	sst s1  }
0xa: {  	[smem:$0x3FB0] =	sst s2  }
0xb: {  	[smem:$0x3FB1] =	sst s3  }
0xc: {  	[smem:$0x3FB2] =	sst s4  }
0xd: {  	[smem:$0x3FB3] =	sst s5  }
0xe: {  	[smem:$0x3FB4] =	sst s6  }
0xf: {  	[smem:$0x3FB5] =	sst s7  }
0x10: {  	[smem:$0x3FB6] =	sst s8  }
0x11: {  	[smem:$0x3FB7] =	sst s9;
	s0 =	simm.s32 @!p0 $0x0  }
0x12: {  	s1 =	sld [smem:$0x3F9D];
	s0 =	simm.s32 @p0 $0x1  }
0x13: {  	[smem:$0x3FB8] =	sst s0;
	s0 =	simm.s32 @!p1 $0x0  }
0x14: {  	s2 =	sld [smem:$0x3F9C];
	s0 =	simm.s32 @p1 $0x1  }
0x15: {  	[smem:$0x3FB9] =	sst s0;
	s0 =	simm.s32 @!p2 $0x0  }
0x16: {  	s3 =	sld [smem:$0x3FDB];
	s0 =	simm.s32 @p2 $0x1  }
0x17: {  	s4 =	simm.s32 $0x1BF5;
	[smem:$0x3FBB] =	sst s0  }
0x18: {  	s0 =	sld [smem:$0x3F9E];
	_ =	swait.ge [sflag:s4], $0x0  }
0x19: {  	s7 =	sld [smem:$0x3F9F]  }
0x1a: {  	s8 =	sadd.s32 $0xFFFFE003, lr  }
0x1b: {  	s9 =	sadd.s32 $0xFFFFFEF7, lr;
	s5 =	simm.s32 $0xFFFFFFFF;
	p2 =	slt.u32 s8, $0xFFFFF086  }
0x1c: {  	p1 =	slt.u32 s9, $0xF7A;
	s5 =	simm.s32 @!p2 $0x0  }
0x1d: {  	s5 =	simm.s32 @p1 $0x1;
	p0 =	seq.s32 s7, s2  }
0x1e: {  	s7 =	smul.u32 @!p0 $0xF7A, s2;
	p2 =	seq.s32 @!p0 s5, $0x0  }
0x1f: {  	s9 =	smul.u32 $0xF7A, s1;
	s8 =	simm.s32 @!p0 $0x1BF5;
	p2 =	por !p2, p0  }
0x20: {  	[sflag:s8] =	ssyncset.s32 @!p0 $0xFFFFF086;
	s6 =	sadd.s32 @!p0 s3, s7;
	s7 =	simm.s32 @!p0 $0x108  }
0x21: {  	s3 =	sadd.s32 s3, s9;
	s6 =	sadd.s32 @!p0 $0x88, s6;
	s7 =	simm.s32 @p2 $0x1082  }
0x22: {  	[simem:s7], [sflag:s8] =	dma.local @!p0 [hbm:s6], $0xF7A  }
0x23: {  	s9 =	sor.u32 $0xD0000000, s2;
	s6 =	simm.s32 $0x108;
	_ =	swait.ge @!p0 [sflag:s8], $0x0  }
0x24: {  	s3 =	sadd.s32 $0x88, s3;
	s6 =	simm.s32 @!p1 $0x1082;
	[sflag:s4] =	ssyncset.s32 $0xFFFFF086  }
0x25: {  	[simem:s6], [sflag:s4] =	dma.local [hbm:s3], $0xF7A  }
0x26: {  	[smem:$0x3F9F] =	sst s1;
	(tag) =	ssettag s2;
	_ =	strace s9  }
0x27: {  	s1 =	sld [smem:$0x3FAF]  }
0x28: {  	s2 =	sld [smem:$0x3FB0]  }
0x29: {  	s4 =	sld [smem:$0x3FB2]  }
0x2a: {  	p0 =	seq.s32 s5, $0x0;
	s5 =	sld [smem:$0x3FB3]  }
0x2b: {  	s6 =	sld [smem:$0x3FB4]  }
0x2c: {  	s7 =	sld [smem:$0x3FB5]  }
0x2d: {  	s3 =	simm.s32 $0x108;
	s8 =	sld [smem:$0x3FB6]  }
0x2e: {  	s3 =	simm.s32 @!p0 $0x1082;
	s9 =	sld [smem:$0x3FB7]  }
0x2f: {  	lr =	sadd.s32 s0, s3;
	s0 =	sld [smem:$0x3FAE]  }
0x30: {  	s3 =	sld [smem:$0x3FB1]  }
0x31: {  	[smem:$0x3FBA] =	sst s10  }
0x32: {  	s10 =	sld [smem:$0x3FB8];
	_ =	sdelay $0x3  }
0x33: {  	p0 =	seq.s32 s10, $0x1;
	s10 =	sld [smem:$0x3FBA];
	_ =	sdelay $0x3  }
0x34: {  	[smem:$0x3FBA] =	sst s10  }
0x35: {  	s10 =	sld [smem:$0x3FB9];
	_ =	sdelay $0x3  }
0x36: {  	p1 =	seq.s32 s10, $0x1;
	s10 =	sld [smem:$0x3FBA];
	_ =	sdelay $0x3  }
0x37: {  	[smem:$0x3FBA] =	sst s10  }
0x38: {  	s10 =	sld [smem:$0x3FBB]  }
0x39: {  	_ = 	snop;
	(pc) =	sbr.ind lr, $3  }
0x3a: {  	_ = 	snop  }
0x3b: {  	_ = 	snop  }
0x3c: {  	p2 =	seq.s32 s10, $0x1;
	s10 =	sld [smem:$0x3FBA]  }
0x3d: {  	_ =	shalt  }
0x3e: {  	_ =	shalt  }
0x3f: {  	_ =	shalt  }
0x40: {  	_ =	shalt  }
0x41: {  	_ =	shalt  }
0x42: {  	_ =	shalt  }
0x43: {  	_ =	shalt  }
0x44: {  	_ =	shalt  }
0x45: {  	_ =	shalt  }
0x46: {  	_ =	shalt  }
0x47: {  	_ =	shalt  }
0x48: {  	_ =	shalt  }
0x49: {  	_ =	shalt  }
0x4a: {  	_ =	shalt  }
0x4b: {  	_ =	shalt  }
0x4c: {  	_ =	shalt  }
0x4d: {  	_ =	shalt  }
0x4e: {  	_ =	shalt  }
0x4f: {  	_ =	shalt  }
0x50: {  	_ =	shalt  }
0x51: {  	_ =	shalt  }
0x52: {  	_ =	shalt  }
0x53: {  	_ =	shalt  }
0x54: {  	_ =	shalt  }
0x55: {  	_ =	shalt  }
0x56: {  	_ =	shalt  }
0x57: {  	_ =	shalt  }
0x58: {  	_ =	shalt  }
0x59: {  	_ =	shalt  }
0x5a: {  	_ =	shalt  }
0x5b: {  	_ =	shalt  }
0x5c: {  	_ =	shalt  }
0x5d: {  	_ =	shalt  }
0x5e: {  	_ =	shalt  }
0x5f: {  	_ =	shalt  }
0x60: {  	_ =	shalt  }
0x61: {  	_ =	shalt  }
0x62: {  	_ =	shalt  }
0x63: {  	_ =	shalt  }
0x64: {  	_ =	shalt  }
0x65: {  	_ =	shalt  }
0x66: {  	_ =	shalt  }
0x67: {  	_ =	shalt  }
0x68: {  	_ =	shalt  }
0x69: {  	_ =	shalt  }
0x6a: {  	_ =	shalt  }
0x6b: {  	_ =	shalt  }
0x6c: {  	_ =	shalt  }
0x6d: {  	_ =	shalt  }
0x6e: {  	_ =	shalt  }
0x6f: {  	_ =	shalt  }
0x70: {  	_ =	shalt  }
0x71: {  	_ =	shalt  }
0x72: {  	_ =	shalt  }
0x73: {  	_ =	shalt  }
0x74: {  	_ =	shalt  }
0x75: {  	_ =	shalt  }
0x76: {  	_ =	shalt  }
0x77: {  	_ =	shalt  }
0x78: {  	_ =	shalt  }
0x79: {  	_ =	shalt  }
0x7a: {  	_ =	shalt  }
0x7b: {  	_ =	shalt  }
0x7c: {  	_ =	shalt  }
0x7d: {  	_ =	shalt  }
0x7e: {  	_ =	shalt  }
0x7f: {  	_ =	shalt  }
0x80: {  	_ =	shalt  }
0x81: {  	_ =	shalt  }
0x82: {  	_ =	shalt  }
0x83: {  	_ =	shalt  }
0x84: {  	_ =	shalt  }
0x85: {  	_ =	shalt  }
0x86: {  	_ =	shalt  }
0x87: {  	_ =	shalt  }
.Lfunc_end0:
.L_simem_size_0:
called_computation.1_lowered:
.L_overlay_start_0:
0x88: {  	s2 =	sld [smem:$0x3FD9]  }
0x89: {  	s3 =	sld [smem:$0x3FFE];
	_ =	sdelay $0x1  }
0x8a: {  	s1 =	srdreg.scid  }
0x8b: {  	s0 =	sand.u32 $0x1, s1  }
0x8c: {  	s17 =	sshll.u32 s0, $0xA;
	s2 =	sadd.s32 s3, s2  }
0x8d: {  	s2 =	sadd.s32 s2, s17  }
0x8e: {  	[smem:$0x3FC6] =	sst s2  }
0x8f: {  	_ = 	snop  }
0x90: {  	s2 =	sld [smem:$0x3FC8]  }
0x91: {  	s18 =	sld [smem:$0x3FD0];
	(tm) =	ssettm $0x1  }
0x92: {  	s4 =	sld [smem:$0x3FFB];
	_ =	sdelay $0x3  }
0x93: {  	_ =	strace s4  }
0x94: {  	s4 =	sld [smem:$0x3FFC];
	_ =	sdelay $0x3  }
0x95: {  	_ =	strace s4  }
0x96: {  	s4 =	sld [smem:$0x3FFD];
	_ =	sdelay $0x3  }
0x97: {  	_ =	strace s4  }
0x98: {  	_ =	strace $0x8FFFFFFF  }
0x99: {  	s19 =	sld [smem:$0x3FDB];
	_ =	sdelay $0x1  }
0x9a: {  	s5 =	simm.s32 $_scs_section_size  }
0x9b: {  	s6 =	simm.s32 $_size__tile_overlayer_lowered;
	s7 =	simm.s32 $_tile_overlayer_lowered  }
0x9c: {  	s22 =	simm.s32 $0x1BFF;
	s21 =	sshll.u32 s7, $0x1;
	s4 =	sadd.s32 s5, s19  }
0x9d: {  	s8 =	simm.s32 $0x0;
	s20 =	sshll.u32 s6, $0x1;
	s6 =	sadd.s32 s21, s4  }
0x9e: {  	[timem:s8], [sflag:s22] =	dma.local [hbm:s6], s20  }
0x9f: {  	_ =	swait.ge [sflag:s22], s20  }
0xa0: {  	s5 =	ssub.s32 $0x0, s20;
	[sflag:s22] =	ssyncset.done $0x0  }
0xa1: {  	[sflag:s22] =	ssyncadd.s32 s5;
	_ =	sdelay $0x1  }
0xa2: {  	s23 =	simm.s32 $0x1B8B  }
0xa3: {  	_ =	swait.ge [sflag:s23], $0x1  }
0xa4: {  	[sflag:s23] =	ssyncset.done $0x0  }
0xa5: {  	s25 =	simm.s32 $0x1B8E;
	s24 =	sld [smem:$0x3FFE];
	[sflag:s23] =	ssyncadd.s32 $0xFFFFFFFF  }
0xa6: {  	s26 =	simm.s32 $execute0_lowered;
	[smem:$0x3FD2] =	sst s25  }
0xa7: {  	s6 =	sshll.u32 s26, $0x1;
	_ =	strace $0x80000049;
	[dreg:$0x1] =	wrdreg $0xFFFFFFFF  }
0xa8: {  	s28 =	simm.s32 $_size_execute0_lowered;
	s4 =	sadd.s32 s4, s6;
	[dreg:$0x0] =	wrdreg $0x0  }
0xa9: {  	s6 =	sshll.u32 s28, $0x1;
	[dreg:$0x2] =	wrdreg s4  }
0xaa: {  	[dreg:$0x3] =	wrdreg s6  }
0xab: {  	[dreg:$0x4] =	wrdreg $0xC0  }
0xac: {  	_ =	task [dreg:s8], $0x5FFFF  }
0xad: {  	[dreg:$0x1] =	wrdreg $0xFFFFFFFF  }
0xae: {  	[dreg:$0x0] =	wrdreg $0x60  }
0xaf: {  	[dreg:$0x2] =	wrdreg s18  }
0xb0: {  	[dreg:$0x3] =	wrdreg s2  }
0xb1: {  	[dreg:$0x4] =	wrdreg s24  }
0xb2: {  	[dreg:$0x5] =	wrdreg $0x9  }
0xb3: {  	_ =	task.clear_ibuf [dreg:s8], $0x6FFFF;
	_ =	strace $0x90000049  }
0xb4: {  	s29 =	simm.s32 $0x9;
	_ =	strace $0x8000004B  }
0xb5: {  	_ =	swait.ge [sflag:s29], $0x1  }
0xb6: {  	[sflag:s29] =	ssyncadd.s32 $0xFFFFFFFF  }
0xb7: {  	_ =	strace $0x9000004B  }
0xb8: {  	_ =	sfence  }
0xb9: {  	s30 =	sld [smem:$0x0];
	_ =	sdelay $0x2  }
0xba: {  	s31 =	sshll.u32 s1, $0xD;
	s1 =	sshrl.u32 s1, $0x2  }
0xbb: {  	s3 =	sand.u32 $0x4000, s31;
	s1 =	sadd.s32 s1, s30  }
0xbc: {  	s0 =	sor.u32 s3, s0;
	s1 =	sshll.u32 s1, $0x11  }
0xbd: {  	s0 =	sor.u32 s1, s0  }
0xbe: {  	s0 =	sadd.s32 $0x8F2B, s0  }
0xbf: {  	[sflag:s0] =	ssyncadd.remote.s32 $0x1  }
0xc0: {  	_ =	sfence.sel $0xFFFF  }
0xc1: {  	[dreg:$0x0] =	wrdreg $0xFFFFFFFF;
	(pc) =	sbr.abs _section_cstart, $3  }
0xc2: {  	[dreg:$0x1] =	wrdreg $0xFFFFFFFF  }
0xc3: {  	_ =	task.clear_ibuf [dreg:s8], $0x2FFFF;
	_ =	strace $0x9FFFFFFF  }
0xc4: {  	(tm) =	ssettm $0x7FFFFFFF  }
0xc5: {  	_ =	shalt  }
tec
execute0_lowered:
.L_overlay_start_1:
0x0: {  	(tag) =	ssettag $0x1  }
0x1: {  	s0 =	srdreg.scid;
	s1 =	stileid.u32  }
0x2: {  	s11 =	sand.u32 $0x1, s0;
	s31 =	sshll.u32 s1, $0x1  }
0x3: {  	s8 =	sor.u32 s11, s31  }
0x4: {  	p0 =	sgt.u32 s8, $0x14  }
.Ltmp0:
0x5: {  	_ = 	snop;
	(pc) =	sbr.rel @p0 .LBB2_7-.Ltmp0, $4  }
0x6: {  	_ = 	snop  }
0x7: {  	s9 =	rddreg [dreg:$0x0];
	s17 =	simm.s32 $0x0  }
0x8: {  	[smem:$0x7FF] =	sst s17  }
0x9: {  	s10 =	rddreg [dreg:$0x2];
	_ =	strace $0x8000004A  }
0xa: {  	s0 =	sshll.u32 s8, $0xD;
	s13 =	rddreg [dreg:$0x1];
	s11 =	ssub.s32 $0x2, s11  }
0xb: {  	s31 =	sshll.u32 s8, $0x4;
	s12 =	sadd.s32 s0, s10;
	s13 =	sadd.s32 $0x100, s13  }
0xc: {  	s14 =	sshrl.u32 s11, $0x1;
	[dreg:$0x4] =	wrdreg s13;
	s12 =	sadd.s32 $0x800, s12  }
0xd: {  	s13 =	sadd.s32 $0x28800, s10;
	s15 =	ssub.s32 s11, s14;
	[dreg:$0x5] =	wrdreg s12  }
0xe: {  	[dreg:$0x6] =	wrdreg s13;
	s12 =	sadd.s32 s9, s31;
	s9 =	smax.u32 s15, $0x1  }
0xf: {  	[dreg:$0x15] =	wrdreg s9  }
0x10: {  	s16 =	sadd.s32 $0x3E00, s12;
	[dreg:$0x7] =	wrdreg s12  }
0x11: {  	s18 =	sadd.s32 $0x3C00, s12;
	[dreg:$0x8] =	wrdreg s16  }
0x12: {  	s19 =	sadd.s32 $0x3A00, s12;
	[dreg:$0x9] =	wrdreg s18  }
0x13: {  	s20 =	sadd.s32 $0x3800, s12;
	[dreg:$0xa] =	wrdreg s19  }
0x14: {  	s21 =	sadd.s32 $0x3600, s12;
	[dreg:$0xb] =	wrdreg s20  }
0x15: {  	s22 =	sadd.s32 $0x3400, s12;
	[dreg:$0xc] =	wrdreg s21  }
0x16: {  	s23 =	sadd.s32 $0x3200, s12;
	[dreg:$0xd] =	wrdreg s22  }
0x17: {  	s24 =	sadd.s32 $0x3000, s12;
	[dreg:$0xe] =	wrdreg s23  }
0x18: {  	s25 =	sadd.s32 $0x2E00, s12;
	[dreg:$0xf] =	wrdreg s24  }
0x19: {  	s26 =	sadd.s32 $0x2C00, s12;
	[dreg:$0x10] =	wrdreg s25  }
0x1a: {  	s28 =	sadd.s32 $0x2A00, s12;
	[dreg:$0x11] =	wrdreg s26  }
0x1b: {  	s30 =	sadd.s32 $0x2800, s12;
	[dreg:$0x12] =	wrdreg s28  }
0x1c: {  	s31 =	sadd.s32 $0x2600, s12;
	[dreg:$0x13] =	wrdreg s30  }
0x1d: {  	s6 =	sshll.u32 s8, $0x7;
	s10 =	sadd.s32 $0x2400, s12;
	[dreg:$0x14] =	wrdreg s31  }
0x1e: {  	v0 =	vlaneseq.u32;
	s2 =	sor.u32 $0x70, s6;
	s11 =	sadd.s32 $0x2200, s12;
	[dreg:$0x16] =	wrdreg s10  }
0x1f: {  	v8 =	vor.u32 s2, v0;
	s13 =	sadd.s32 $0x2000, s12;
	[dreg:$0x17] =	wrdreg s11  }
0x20: {  	v9 =	vimm.s32 $0x0;
	s1 =	sor.u32 $0x60, s6;
	vm0 =	vlt.u32 v8, $0xA02;
	s14 =	sadd.s32 $0x1E00, s12;
	[dreg:$0x18] =	wrdreg s13  }
0x21: {  	v10 =	vimm.s32 $0x0;
	v7 =	vor.u32 s1, v0;
	s15 =	sadd.s32 $0x1C00, s12;
	v9 =	vsel vm0, $0xFFFFFFFF, v9;
	[dreg:$0x19] =	wrdreg s14  }
0x22: {  	vm8 =	vcmask $0xB08;
	s0 =	sor.u32 $0x50, s6;
	vm0 =	vlt.u32 v7, $0xA02;
	[dreg:$0x1a] =	wrdreg s15;
	s16 =	sadd.s32 $0x1A00, s12;
	[tilespmem:$0x1FF80] =	vst v9;
	v9 =	vimm.s32 $0x0  }
0x23: {  	vm9 =	vcmask $0x1310;
	v6 =	vor.u32 s0, v0;
	s18 =	sadd.s32 $0x1800, s12;
	[dreg:$0x1b] =	wrdreg s16;
	v9 =	vsel vm0, $0xFFFFFFFF, v9  }
0x24: {  	vm10 =	vcmask $0x1B18;
	s5 =	sor.u32 $0x40, s6;
	s19 =	sadd.s32 $0x1600, s12;
	[dreg:$0x1c] =	wrdreg s18;
	vm0 =	vlt.u32 v6, $0xA02;
	[tilespmem:$0x1FF90] =	vst v9;
	v9 =	vimm.s32 $0x0  }
0x25: {  	vm14 =	vcmask $0x3330;
	v5 =	vor.u32 s5, v0;
	s20 =	sadd.s32 $0x1400, s12;
	[dreg:$0x1d] =	wrdreg s19;
	v9 =	vsel vm0, $0xFFFFFFFF, v9  }
0x26: {  	vm15 =	vcmask $0x3B38;
	s4 =	sor.u32 $0x30, s6;
	s21 =	sadd.s32 $0x1200, s12;
	[dreg:$0x1e] =	wrdreg s20;
	vm0 =	vlt.u32 v5, $0xA02;
	[tilespmem:$0x1FFA0] =	vst v9;
	v9 =	vimm.s32 $0x0  }
0x27: {  	v11 =	vimm.s32 $0x0;
	s3 =	sor.u32 $0x20, s6;
	v4 =	vor.u32 s4, v0;
	s22 =	sadd.s32 $0x1000, s12;
	[dreg:$0x1f] =	wrdreg s21;
	v9 =	vsel vm0, $0xFFFFFFFF, v9  }
0x28: {  	v3 =	vor.u32 s3, v0;
	s23 =	sadd.s32 $0xE00, s12;
	[smem:$0x7F6] =	sst s22;
	vm0 =	vlt.u32 v4, $0xA02;
	[tilespmem:$0x1FFB0] =	vst v9;
	v9 =	vimm.s32 $0x0  }
0x29: {  	vm1 =	vmmov $0xffff;
	s7 =	sor.u32 $0x10, s6;
	s24 =	sadd.s32 $0xC00, s12;
	[smem:$0x7F7] =	sst s23;
	v9 =	vsel vm0, $0xFFFFFFFF, v9;
	vm0 =	vlt.u32 v3, $0xA02  }
0x2a: {  	v1 =	vor.u32 s6, v0;
	v2 =	vor.u32 s7, v0;
	s25 =	sadd.s32 $0xA00, s12;
	[smem:$0x7F8] =	sst s24;
	v10 =	vsel vm0, $0xFFFFFFFF, v10  }
.Ltmp1:
0x2b: {  	v13 =	vshrl.u32 v0, $0x3;
	s26 =	sadd.s32 $0x800, s12;
	[smem:$0x7F9] =	sst s25;
	vm0 =	vlt.u32 v2, $0xA02;
	[tilespmem:$0x1FFD0] =	vst v10;
	v10 =	vimm.s32 $0x0;
	(pc) =	sbr.rel .LBB2_2-.Ltmp1, $4  }
0x2c: {  	p0 =	seq.s32 s8, $0x14;
	v12 =	vand.u32 $0x7, v0;
	s28 =	sadd.s32 $0x600, s12;
	[smem:$0x7FA] =	sst s26;
	[tilespmem:$0x1FFC0] =	vst v9;
	v9 =	vimm.s32 $0xECA86420;
	v10 =	vsel vm0, $0xFFFFFFFF, v10  }
0x2d: {  	s29 =	simm.s32 $0x0;
	s30 =	sadd.s32 $0x400, s12;
	[smem:$0x7FB] =	sst s28;
	v9 =	vunpack.c.l.s4.s8 v9;
	vm0 =	vlt.u32 v1, $0xA02;
	[tilespmem:$0x1FFE0] =	vst v10;
	v10 =	vimm.s32 $0x0  }
0x2e: {  	v14 =	vor.u32 $0x8, v0;
	v13 =	vmul.u32 $0x8, v13;
	s31 =	sadd.s32 $0x200, s12;
	s14 =	simm.s32 $0x1;
	[smem:$0x7FC] =	sst s30;
	v10 =	vsel vm0, $0xFFFFFFFF, v10  }
0x2f: {  	s15 =	simm.s32 $0x1100;
	[smem:$0x7FD] =	sst s31;
	s16 =	simm.s32 $0x1000;
	v9 =	vunpack.c.0.s8.s32 v9;
	vm0 =	vmmov $0xff;
	[tilespmem:$0x1FFF0] =	vst v10;
	v10 =	vmul.u32 $0x2, v0  }
.LBB2_5:
0x30: {  	_ =	sdelay $0x3  }
0x31: {  	[tilespmem:v47+s15+$0x0] =	vst.idx.msk $0xffff, v50  }
0x32: {  	v47 =	vld.idx.msk [tilespmem:v48+s16+$0x0], $0xffff  }
0x33: {  	v61 =	vld.idx.msk [tilespmem:v49+s15+$0x0], $0xffff;
	_ =	sdelay $0x1  }
0x34: {  	v15 =	vor.u32 v15, v46;
	_ =	sdelay $0x1  }
0x35: {  	vm2 =	vlt.s32 v47, $0x0  }
0x36: {  	v47 =	vsel vm2, $0x3F000000, v61  }
0x37: {  	[tilespmem:v49+s15+$0x0] =	vst.idx.msk $0xffff, v47  }
0x38: {  	v47 =	vld.idx.msk [tilespmem:v15+s15+$0x0], $0xffff;
	_ =	sdelay $0x1  }
0x39: {  	v16 =	vor.u32 v16, v46;
	_ =	sdelay $0x2  }
0x3a: {  	v47 =	vsel vm2, $0x3F000000, v47  }
0x3b: {  	[tilespmem:v15+s15+$0x0] =	vst.idx.msk $0xffff, v47  }
0x3c: {  	v15 =	vld.idx.msk [tilespmem:v16+s15+$0x0], $0xffff;
	_ =	sdelay $0x1  }
0x3d: {  	v17 =	vor.u32 v17, v46;
	_ =	sdelay $0x2  }
0x3e: {  	v15 =	vsel vm2, $0x3F000000, v15  }
0x3f: {  	[tilespmem:v16+s15+$0x0] =	vst.idx.msk $0xffff, v15  }
0x40: {  	v15 =	vld.idx.msk [tilespmem:v17+s15+$0x0], $0xffff;
	_ =	sdelay $0x1  }
0x41: {  	v62 =	vor.u32 v18, v46;
	_ =	sdelay $0x2  }
0x42: {  	v15 =	vsel vm2, $0x3F000000, v15  }
0x43: {  	[tilespmem:v17+s15+$0x0] =	vst.idx.msk $0xffff, v15  }
0x44: {  	v15 =	vld.idx.msk [tilespmem:v62+s15+$0x0], $0xffff;
	_ =	sdelay $0x1  }
0x45: {  	v63 =	vor.u32 v19, v46;
	_ =	sdelay $0x2  }
0x46: {  	v15 =	vsel vm2, $0x3F000000, v15  }
0x47: {  	[tilespmem:v62+s15+$0x0] =	vst.idx.msk $0xffff, v15  }
0x48: {  	v15 =	vld.idx.msk [tilespmem:v63+s15+$0x0], $0xffff;
	_ =	sdelay $0x1  }
0x49: {  	v20 =	vor.u32 v20, v46;
	_ =	sdelay $0x2  }
0x4a: {  	v15 =	vsel vm2, $0x3F000000, v15  }
0x4b: {  	[tilespmem:v63+s15+$0x0] =	vst.idx.msk $0xffff, v15  }
0x4c: {  	v15 =	vld.idx.msk [tilespmem:v20+s15+$0x0], $0xffff;
	_ =	sdelay $0x1  }
0x4d: {  	v21 =	vor.u32 v21, v46;
	_ =	sdelay $0x2  }
0x4e: {  	v15 =	vsel vm2, $0x3F000000, v15  }
0x4f: {  	[tilespmem:v20+s15+$0x0] =	vst.idx.msk $0xffff, v15  }
0x50: {  	v15 =	vld.idx.msk [tilespmem:v21+s15+$0x0], $0xffff;
	_ =	sdelay $0x1  }
0x51: {  	v22 =	vor.u32 v22, v46;
	_ =	sdelay $0x2  }
0x52: {  	v15 =	vsel vm2, $0x3F000000, v15  }
0x53: {  	[tilespmem:v21+s15+$0x0] =	vst.idx.msk $0xffff, v15  }
0x54: {  	v15 =	vld.idx.msk [tilespmem:v22+s15+$0x0], $0xffff;
	_ =	sdelay $0x1  }
0x55: {  	v23 =	vor.u32 v23, v46;
	_ =	sdelay $0x2  }
0x56: {  	v15 =	vsel vm2, $0x3F000000, v15  }
0x57: {  	[tilespmem:v22+s15+$0x0] =	vst.idx.msk $0xffff, v15  }
0x58: {  	v15 =	vld.idx.msk [tilespmem:v23+s15+$0x0], $0xffff;
	_ =	sdelay $0x1  }
0x59: {  	v24 =	vor.u32 v24, v46;
	_ =	sdelay $0x2  }
0x5a: {  	v15 =	vsel vm2, $0x3F000000, v15  }
0x5b: {  	[tilespmem:v23+s15+$0x0] =	vst.idx.msk $0xffff, v15  }
0x5c: {  	v15 =	vld.idx.msk [tilespmem:v24+s15+$0x0], $0xffff;
	_ =	sdelay $0x1  }
0x5d: {  	v25 =	vor.u32 v25, v46;
	_ =	sdelay $0x2  }
0x5e: {  	v15 =	vsel vm2, $0x3F000000, v15  }
0x5f: {  	[tilespmem:v24+s15+$0x0] =	vst.idx.msk $0xffff, v15  }
0x60: {  	v15 =	vld.idx.msk [tilespmem:v25+s15+$0x0], $0xffff;
	_ =	sdelay $0x1  }
0x61: {  	v26 =	vor.u32 v26, v46;
	_ =	sdelay $0x2  }
0x62: {  	v15 =	vsel vm2, $0x3F000000, v15  }
0x63: {  	[tilespmem:v25+s15+$0x0] =	vst.idx.msk $0xffff, v15  }
0x64: {  	v15 =	vld.idx.msk [tilespmem:v26+s15+$0x0], $0xffff;
	_ =	sdelay $0x1  }
0x65: {  	v27 =	vor.u32 v27, v46;
	_ =	sdelay $0x2  }
0x66: {  	v15 =	vsel vm2, $0x3F000000, v15  }
0x67: {  	[tilespmem:v26+s15+$0x0] =	vst.idx.msk $0xffff, v15  }
0x68: {  	v15 =	vld.idx.msk [tilespmem:v27+s15+$0x0], $0xffff;
	_ =	sdelay $0x1  }
0x69: {  	v28 =	vor.u32 v28, v46;
	_ =	sdelay $0x2  }
0x6a: {  	v15 =	vsel vm2, $0x3F000000, v15  }
0x6b: {  	[tilespmem:v27+s15+$0x0] =	vst.idx.msk $0xffff, v15  }
0x6c: {  	v15 =	vld.idx.msk [tilespmem:v28+s15+$0x0], $0xffff;
	_ =	sdelay $0x1  }
0x6d: {  	v47 =	vor.u32 v29, v46;
	_ =	sdelay $0x2  }
0x6e: {  	v15 =	vsel vm2, $0x3F000000, v15  }
0x6f: {  	[tilespmem:v28+s15+$0x0] =	vst.idx.msk $0xffff, v15  }
0x70: {  	v15 =	vld.idx.msk [tilespmem:v47+s15+$0x0], $0xffff;
	_ =	sdelay $0x1  }
0x71: {  	v48 =	vor.u32 v30, v46;
	_ =	sdelay $0x2  }
0x72: {  	v15 =	vsel vm2, $0x3F000000, v15  }
0x73: {  	[tilespmem:v47+s15+$0x0] =	vst.idx.msk $0xffff, v15  }
0x74: {  	v15 =	vld.idx.msk [tilespmem:v48+s15+$0x0], $0xffff;
	_ =	sdelay $0x1  }
0x75: {  	v49 =	vor.u32 v31, v46;
	_ =	sdelay $0x2  }
0x76: {  	v15 =	vsel vm2, $0x3F000000, v15  }
0x77: {  	[tilespmem:v48+s15+$0x0] =	vst.idx.msk $0xffff, v15  }
0x78: {  	v15 =	vld.idx.msk [tilespmem:v49+s15+$0x0], $0xffff;
	_ =	sdelay $0x1  }
0x79: {  	v50 =	vor.u32 v32, v46;
	_ =	sdelay $0x2  }
0x7a: {  	v15 =	vsel vm2, $0x3F000000, v15  }
0x7b: {  	[tilespmem:v49+s15+$0x0] =	vst.idx.msk $0xffff, v15  }
0x7c: {  	v15 =	vld.idx.msk [tilespmem:v50+s15+$0x0], $0xffff;
	_ =	sdelay $0x1  }
0x7d: {  	v51 =	vor.u32 v33, v46;
	_ =	sdelay $0x2  }
0x7e: {  	v15 =	vsel vm2, $0x3F000000, v15  }
0x7f: {  	[tilespmem:v50+s15+$0x0] =	vst.idx.msk $0xffff, v15  }
0x80: {  	v15 =	vld.idx.msk [tilespmem:v51+s15+$0x0], $0xffff;
	_ =	sdelay $0x1  }
0x81: {  	v52 =	vor.u32 v34, v46;
	_ =	sdelay $0x2  }
0x82: {  	v15 =	vsel vm2, $0x3F000000, v15  }
0x83: {  	[tilespmem:v51+s15+$0x0] =	vst.idx.msk $0xffff, v15  }
0x84: {  	v15 =	vld.idx.msk [tilespmem:v52+s15+$0x0], $0xffff;
	_ =	sdelay $0x1  }
0x85: {  	v53 =	vor.u32 v35, v46;
	_ =	sdelay $0x2  }
0x86: {  	v15 =	vsel vm2, $0x3F000000, v15  }
0x87: {  	[tilespmem:v52+s15+$0x0] =	vst.idx.msk $0xffff, v15  }
0x88: {  	v15 =	vld.idx.msk [tilespmem:v53+s15+$0x0], $0xffff;
	_ =	sdelay $0x1  }
0x89: {  	v54 =	vor.u32 v36, v46;
	_ =	sdelay $0x2  }
0x8a: {  	v15 =	vsel vm2, $0x3F000000, v15  }
0x8b: {  	[tilespmem:v53+s15+$0x0] =	vst.idx.msk $0xffff, v15  }
0x8c: {  	v15 =	vld.idx.msk [tilespmem:v54+s15+$0x0], $0xffff;
	_ =	sdelay $0x1  }
0x8d: {  	v55 =	vor.u32 v37, v46;
	_ =	sdelay $0x2  }
0x8e: {  	v15 =	vsel vm2, $0x3F000000, v15  }
0x8f: {  	[tilespmem:v54+s15+$0x0] =	vst.idx.msk $0xffff, v15  }
0x90: {  	v15 =	vld.idx.msk [tilespmem:v55+s15+$0x0], $0xffff;
	_ =	sdelay $0x1  }
0x91: {  	v56 =	vor.u32 v38, v46;
	_ =	sdelay $0x2  }
0x92: {  	v15 =	vsel vm2, $0x3F000000, v15  }
0x93: {  	[tilespmem:v55+s15+$0x0] =	vst.idx.msk $0xffff, v15  }
0x94: {  	v15 =	vld.idx.msk [tilespmem:v56+s15+$0x0], $0xffff;
	_ =	sdelay $0x1  }
0x95: {  	v57 =	vor.u32 v39, v46;
	_ =	sdelay $0x2  }
0x96: {  	v15 =	vsel vm2, $0x3F000000, v15  }
0x97: {  	[tilespmem:v56+s15+$0x0] =	vst.idx.msk $0xffff, v15  }
0x98: {  	v15 =	vld.idx.msk [tilespmem:v57+s15+$0x0], $0xffff;
	_ =	sdelay $0x1  }
0x99: {  	v58 =	vor.u32 v40, v46;
	_ =	sdelay $0x2  }
0x9a: {  	v15 =	vsel vm2, $0x3F000000, v15  }
0x9b: {  	[tilespmem:v57+s15+$0x0] =	vst.idx.msk $0xffff, v15  }
0x9c: {  	v15 =	vld.idx.msk [tilespmem:v58+s15+$0x0], $0xffff;
	_ =	sdelay $0x1  }
0x9d: {  	v59 =	vor.u32 v41, v46;
	_ =	sdelay $0x2  }
0x9e: {  	v15 =	vsel vm2, $0x3F000000, v15  }
0x9f: {  	[tilespmem:v58+s15+$0x0] =	vst.idx.msk $0xffff, v15  }
0xa0: {  	v15 =	vld.idx.msk [tilespmem:v59+s15+$0x0], $0xffff;
	_ =	sdelay $0x1  }
0xa1: {  	v60 =	vor.u32 v42, v46;
	_ =	sdelay $0x2  }
0xa2: {  	v15 =	vsel vm2, $0x3F000000, v15  }
0xa3: {  	[tilespmem:v59+s15+$0x0] =	vst.idx.msk $0xffff, v15  }
0xa4: {  	v15 =	vld.idx.msk [tilespmem:v60+s15+$0x0], $0xffff;
	_ =	sdelay $0x1  }
0xa5: {  	v61 =	vor.u32 v43, v46;
	_ =	sdelay $0x2  }
0xa6: {  	v15 =	vsel vm2, $0x3F000000, v15  }
0xa7: {  	[tilespmem:v60+s15+$0x0] =	vst.idx.msk $0xffff, v15  }
0xa8: {  	v15 =	vld.idx.msk [tilespmem:v61+s15+$0x0], $0xffff;
	_ =	sdelay $0x1  }
0xa9: {  	v62 =	vor.u32 v44, v46;
	_ =	sdelay $0x2  }
0xaa: {  	v15 =	vsel vm2, $0x3F000000, v15  }
0xab: {  	[tilespmem:v61+s15+$0x0] =	vst.idx.msk $0xffff, v15  }
0xac: {  	v15 =	vld.idx.msk [tilespmem:v62+s15+$0x0], $0xffff;
	_ =	sdelay $0x1  }
0xad: {  	v63 =	vor.u32 v45, v46;
	_ =	sdelay $0x2  }
0xae: {  	v15 =	vsel vm2, $0x3F000000, v15  }
0xaf: {  	[tilespmem:v62+s15+$0x0] =	vst.idx.msk $0xffff, v15  }
0xb0: {  	v15 =	vld.idx.msk [tilespmem:v63+s15+$0x0], $0xffff;
	_ =	sdelay $0x4  }
0xb1: {  	v15 =	vsel vm2, $0x3F000000, v15  }
0xb2: {  	[tilespmem:v63+s15+$0x0] =	vst.idx.msk $0xffff, v15  }
.LBB2_6:
0xb3: {  	s0 =	simm.s32 @p0 $0x0;
	s1 =	simm.s32 @p0 $0x1100;
	s3 =	rddreg [dreg:$0x6]  }
0xb4: {  	[hbm4b:s3+s0] =	stream.linear.scatter @p0 [tilespmem:s1], [sflag:$0x2], $0x100, $0x38;
	[tilespmem:$0x11100] =	vst v63  }
0xb5: {  	s2 =	simm.s32 @p0 $0x1500;
	s1 =	sadd.s32 @p0 $0x80, s3  }
0xb6: {  	[hbm4b:s1+s0] =	stream.linear.scatter @p0 [tilespmem:s2], [sflag:$0x2], $0x100, $0x38;
	[tilespmem:$0x11100] =	vst v63  }
0xb7: {  	s1 =	sadd.s32 @p0 $0x100, s3;
	s2 =	simm.s32 @p0 $0x1900  }
0xb8: {  	[hbm4b:s1+s0] =	stream.linear.scatter @p0 [tilespmem:s2], [sflag:$0x2], $0x100, $0x38;
	[tilespmem:$0x11100] =	vst v63  }
0xb9: {  	s1 =	sadd.s32 @p0 $0x180, s3;
	s2 =	simm.s32 @p0 $0x1D00  }
0xba: {  	[hbm4b:s1+s0] =	stream.linear.scatter @p0 [tilespmem:s2], [sflag:$0x2], $0x100, $0x38;
	[tilespmem:$0x11100] =	vst v63  }
0xbb: {  	s0 =	simm.s32 @p0 $0x2  }
0xbc: {  	_ =	swait.ge @p0 [sflag:s0], $0x400  }
0xbd: {  	s1 =	simm.s32 @!p0 $0x1100;
	[sflag:s0] =	ssyncset.done @p0 $0x0  }
0xbe: {  	s2 =	rddreg [dreg:$0x5];
	[sflag:s0] =	ssyncadd.s32 @p0 $0xFFFFFC00;
	s0 =	simm.s32 @!p0 $0x0  }
0xbf: {  	[hbm4b:s2+s0] =	stream.linear.scatter @!p0 [tilespmem:s1], [sflag:$0x2], $0x10000, $0x38;
	[tilespmem:$0x11100] =	vst v63  }
0xc0: {  	s0 =	simm.s32 @!p0 $0x2  }
0xc1: {  	_ =	swait.ge @!p0 [sflag:s0], $0x10000  }
0xc2: {  	s17 =	sadd.s32 $0x1, s17;
	s31 =	rddreg [dreg:$0x15]  }
0xc3: {  	p1 =	sne.s32 s17, s31  }
.Ltmp2:
0xc4: {  	_ = 	snop;
	(pc) =	sbr.rel @!p1 .LBB2_7-.Ltmp2, $3  }
0xc5: {  	_ =	sdelay $0x1  }
0xc6: {  	[sflag:s0] =	ssyncset.done @!p0 $0x0  }
0xc7: {  	[sflag:s0] =	ssyncadd.s32 @!p0 $0xFFFF0000  }
.LBB2_2:
0xc8: {  	s0 =	rddreg [dreg:$0x7]  }
0xc9: {  	s7 =	sld [smem:$0x7FD]  }
0xca: {  	[tilespmem:s29], [sflag:$0x1] =	stream.linear.gather [hbm4b:s0+s29], $0x80, $0x38;
	[tilespmem:$0x11100] =	vst v63  }
0xcb: {  	s1 =	simm.s32 $0x80;
	s8 =	sld [smem:$0x7FC]  }
0xcc: {  	[tilespmem:s1], [sflag:$0x1] =	stream.linear.gather [hbm4b:s7+s29], $0x80, $0x38;
	[tilespmem:$0x11100] =	vst v63  }
0xcd: {  	s9 =	simm.s32 $0x100;
	s10 =	sld [smem:$0x7FB]  }
0xce: {  	[tilespmem:s9], [sflag:$0x1] =	stream.linear.gather [hbm4b:s8+s29], $0x80, $0x38;
	[tilespmem:$0x11100] =	vst v63  }
0xcf: {  	s11 =	simm.s32 $0x180;
	s12 =	sld [smem:$0x7FA]  }
0xd0: {  	[tilespmem:s11], [sflag:$0x1] =	stream.linear.gather [hbm4b:s10+s29], $0x80, $0x38;
	[tilespmem:$0x11100] =	vst v63  }
0xd1: {  	s13 =	simm.s32 $0x200;
	s18 =	sld [smem:$0x7F9]  }
0xd2: {  	[tilespmem:s13], [sflag:$0x1] =	stream.linear.gather [hbm4b:s12+s29], $0x80, $0x38;
	[tilespmem:$0x11100] =	vst v63  }
0xd3: {  	s19 =	simm.s32 $0x280;
	s20 =	sld [smem:$0x7F8]  }
0xd4: {  	[tilespmem:s19], [sflag:$0x1] =	stream.linear.gather [hbm4b:s18+s29], $0x80, $0x38;
	[tilespmem:$0x11100] =	vst v63  }
0xd5: {  	s21 =	simm.s32 $0x300;
	s22 =	sld [smem:$0x7F7]  }
0xd6: {  	[tilespmem:s21], [sflag:$0x1] =	stream.linear.gather [hbm4b:s20+s29], $0x80, $0x38;
	[tilespmem:$0x11100] =	vst v63  }
0xd7: {  	s23 =	simm.s32 $0x380;
	s24 =	sld [smem:$0x7F6]  }
0xd8: {  	[tilespmem:s23], [sflag:$0x1] =	stream.linear.gather [hbm4b:s22+s29], $0x80, $0x38;
	[tilespmem:$0x11100] =	vst v63  }
0xd9: {  	s25 =	simm.s32 $0x400  }
0xda: {  	[tilespmem:s25], [sflag:$0x1] =	stream.linear.gather [hbm4b:s24+s29], $0x80, $0x38;
	[tilespmem:$0x11100] =	vst v63  }
0xdb: {  	s26 =	rddreg [dreg:$0x1f];
	s28 =	simm.s32 $0x480  }
0xdc: {  	[tilespmem:s28], [sflag:$0x1] =	stream.linear.gather [hbm4b:s26+s29], $0x80, $0x38;
	[tilespmem:$0x11100] =	vst v63  }
0xdd: {  	s30 =	rddreg [dreg:$0x1e];
	s31 =	simm.s32 $0x500  }
0xde: {  	[tilespmem:s31], [sflag:$0x1] =	stream.linear.gather [hbm4b:s30+s29], $0x80, $0x38;
	[tilespmem:$0x11100] =	vst v63  }
0xdf: {  	s2 =	rddreg [dreg:$0x1d];
	s3 =	simm.s32 $0x580  }
0xe0: {  	[tilespmem:s3], [sflag:$0x1] =	stream.linear.gather [hbm4b:s2+s29], $0x80, $0x38;
	[tilespmem:$0x11100] =	vst v63  }
0xe1: {  	s4 =	rddreg [dreg:$0x1c];
	s5 =	simm.s32 $0x600  }
0xe2: {  	[tilespmem:s5], [sflag:$0x1] =	stream.linear.gather [hbm4b:s4+s29], $0x80, $0x38;
	[tilespmem:$0x11100] =	vst v63  }
0xe3: {  	s6 =	rddreg [dreg:$0x1b];
	s7 =	simm.s32 $0x680  }
0xe4: {  	[tilespmem:s7], [sflag:$0x1] =	stream.linear.gather [hbm4b:s6+s29], $0x80, $0x38;
	[tilespmem:$0x11100] =	vst v63  }
0xe5: {  	s8 =	rddreg [dreg:$0x1a];
	s9 =	simm.s32 $0x700  }
0xe6: {  	[tilespmem:s9], [sflag:$0x1] =	stream.linear.gather [hbm4b:s8+s29], $0x80, $0x38;
	[tilespmem:$0x11100] =	vst v63  }
0xe7: {  	s10 =	rddreg [dreg:$0x19];
	s11 =	simm.s32 $0x780  }
0xe8: {  	[tilespmem:s11], [sflag:$0x1] =	stream.linear.gather [hbm4b:s10+s29], $0x80, $0x38;
	[tilespmem:$0x11100] =	vst v63  }
0xe9: {  	s12 =	rddreg [dreg:$0x18];
	s13 =	simm.s32 $0x800  }
0xea: {  	[tilespmem:s13], [sflag:$0x1] =	stream.linear.gather [hbm4b:s12+s29], $0x80, $0x38;
	[tilespmem:$0x11100] =	vst v63  }
0xeb: {  	s18 =	rddreg [dreg:$0x17];
	s19 =	simm.s32 $0x880  }
0xec: {  	[tilespmem:s19], [sflag:$0x1] =	stream.linear.gather [hbm4b:s18+s29], $0x80, $0x38;
	[tilespmem:$0x11100] =	vst v63  }
0xed: {  	s20 =	rddreg [dreg:$0x16];
	s21 =	simm.s32 $0x900  }
0xee: {  	[tilespmem:s21], [sflag:$0x1] =	stream.linear.gather [hbm4b:s20+s29], $0x80, $0x38;
	[tilespmem:$0x11100] =	vst v63  }
0xef: {  	s22 =	rddreg [dreg:$0x14];
	s23 =	simm.s32 $0x980  }
0xf0: {  	[tilespmem:s23], [sflag:$0x1] =	stream.linear.gather [hbm4b:s22+s29], $0x80, $0x38;
	[tilespmem:$0x11100] =	vst v63  }
0xf1: {  	s24 =	rddreg [dreg:$0x13];
	s25 =	simm.s32 $0xA00  }
0xf2: {  	[tilespmem:s25], [sflag:$0x1] =	stream.linear.gather [hbm4b:s24+s29], $0x80, $0x38;
	[tilespmem:$0x11100] =	vst v63  }
0xf3: {  	s26 =	rddreg [dreg:$0x12];
	s28 =	simm.s32 $0xA80  }
0xf4: {  	[tilespmem:s28], [sflag:$0x1] =	stream.linear.gather [hbm4b:s26+s29], $0x80, $0x38;
	[tilespmem:$0x11100] =	vst v63  }
0xf5: {  	s30 =	rddreg [dreg:$0x11];
	s31 =	simm.s32 $0xB00  }
0xf6: {  	[tilespmem:s31], [sflag:$0x1] =	stream.linear.gather [hbm4b:s30+s29], $0x80, $0x38;
	[tilespmem:$0x11100] =	vst v63  }
0xf7: {  	s2 =	rddreg [dreg:$0x10];
	s3 =	simm.s32 $0xB80  }
0xf8: {  	[tilespmem:s3], [sflag:$0x1] =	stream.linear.gather [hbm4b:s2+s29], $0x80, $0x38;
	[tilespmem:$0x11100] =	vst v63  }
0xf9: {  	s4 =	rddreg [dreg:$0xf];
	s5 =	simm.s32 $0xC00  }
0xfa: {  	[tilespmem:s5], [sflag:$0x1] =	stream.linear.gather [hbm4b:s4+s29], $0x80, $0x38;
	[tilespmem:$0x11100] =	vst v63  }
0xfb: {  	s6 =	rddreg [dreg:$0xe];
	s7 =	simm.s32 $0xC80  }
0xfc: {  	[tilespmem:s7], [sflag:$0x1] =	stream.linear.gather [hbm4b:s6+s29], $0x80, $0x38;
	[tilespmem:$0x11100] =	vst v63  }
0xfd: {  	s8 =	rddreg [dreg:$0xd];
	s9 =	simm.s32 $0xD00  }
0xfe: {  	[tilespmem:s9], [sflag:$0x1] =	stream.linear.gather [hbm4b:s8+s29], $0x80, $0x38;
	[tilespmem:$0x11100] =	vst v63  }
0xff: {  	s10 =	rddreg [dreg:$0xc];
	s11 =	simm.s32 $0xD80  }
0x100: {  	[tilespmem:s11], [sflag:$0x1] =	stream.linear.gather [hbm4b:s10+s29], $0x80, $0x38;
	[tilespmem:$0x11100] =	vst v63  }
0x101: {  	s12 =	rddreg [dreg:$0xb];
	s13 =	simm.s32 $0xE00  }
0x102: {  	[tilespmem:s13], [sflag:$0x1] =	stream.linear.gather [hbm4b:s12+s29], $0x80, $0x38;
	[tilespmem:$0x11100] =	vst v63  }
0x103: {  	s18 =	rddreg [dreg:$0xa];
	s19 =	simm.s32 $0xE80  }
0x104: {  	[tilespmem:s19], [sflag:$0x1] =	stream.linear.gather [hbm4b:s18+s29], $0x80, $0x38;
	[tilespmem:$0x11100] =	vst v63  }
0x105: {  	s20 =	rddreg [dreg:$0x9];
	s21 =	simm.s32 $0xF00  }
0x106: {  	[tilespmem:s21], [sflag:$0x1] =	stream.linear.gather [hbm4b:s20+s29], $0x80, $0x38;
	[tilespmem:$0x11100] =	vst v63  }
0x107: {  	s22 =	rddreg [dreg:$0x8];
	s23 =	simm.s32 $0xF80  }
0x108: {  	[tilespmem:s23], [sflag:$0x1] =	stream.linear.gather [hbm4b:s22+s29], $0x80, $0x38;
	[tilespmem:$0x11100] =	vst v63  }
0x109: {  	_ =	swait.ge [sflag:s14], $0x80  }
0x10a: {  	[sflag:s14] =	ssyncset.done $0x0  }
0x10b: {  	[sflag:s14] =	ssyncadd.s32 $0xFFFFFF80  }
0x10c: {  	_ =	swait.ge [sflag:s14], $0x80  }
0x10d: {  	[sflag:s14] =	ssyncset.done $0x0  }
0x10e: {  	[sflag:s14] =	ssyncadd.s32 $0xFFFFFF80  }
0x10f: {  	_ =	swait.ge [sflag:s14], $0x80  }
0x110: {  	[sflag:s14] =	ssyncset.done $0x0  }
0x111: {  	[sflag:s14] =	ssyncadd.s32 $0xFFFFFF80  }
0x112: {  	_ =	swait.ge [sflag:s14], $0x80  }
0x113: {  	[sflag:s14] =	ssyncset.done $0x0  }
0x114: {  	[sflag:s14] =	ssyncadd.s32 $0xFFFFFF80  }
0x115: {  	_ =	swait.ge [sflag:s14], $0x80  }
0x116: {  	[sflag:s14] =	ssyncset.done $0x0  }
0x117: {  	[sflag:s14] =	ssyncadd.s32 $0xFFFFFF80  }
0x118: {  	_ =	swait.ge [sflag:s14], $0x80  }
0x119: {  	[sflag:s14] =	ssyncset.done $0x0  }
0x11a: {  	[sflag:s14] =	ssyncadd.s32 $0xFFFFFF80  }
0x11b: {  	_ =	swait.ge [sflag:s14], $0x80  }
0x11c: {  	[sflag:s14] =	ssyncset.done $0x0  }
0x11d: {  	[sflag:s14] =	ssyncadd.s32 $0xFFFFFF80  }
0x11e: {  	_ =	swait.ge [sflag:s14], $0x80  }
0x11f: {  	[sflag:s14] =	ssyncset.done $0x0  }
0x120: {  	[sflag:s14] =	ssyncadd.s32 $0xFFFFFF80  }
0x121: {  	_ =	swait.ge [sflag:s14], $0x80  }
0x122: {  	[sflag:s14] =	ssyncset.done $0x0  }
0x123: {  	[sflag:s14] =	ssyncadd.s32 $0xFFFFFF80  }
0x124: {  	_ =	swait.ge [sflag:s14], $0x80  }
0x125: {  	[sflag:s14] =	ssyncset.done $0x0  }
0x126: {  	[sflag:s14] =	ssyncadd.s32 $0xFFFFFF80  }
0x127: {  	_ =	swait.ge [sflag:s14], $0x80  }
0x128: {  	[sflag:s14] =	ssyncset.done $0x0  }
0x129: {  	[sflag:s14] =	ssyncadd.s32 $0xFFFFFF80  }
0x12a: {  	_ =	swait.ge [sflag:s14], $0x80  }
0x12b: {  	[sflag:s14] =	ssyncset.done $0x0  }
0x12c: {  	[sflag:s14] =	ssyncadd.s32 $0xFFFFFF80  }
0x12d: {  	_ =	swait.ge [sflag:s14], $0x80  }
0x12e: {  	[sflag:s14] =	ssyncset.done $0x0  }
0x12f: {  	[sflag:s14] =	ssyncadd.s32 $0xFFFFFF80  }
0x130: {  	_ =	swait.ge [sflag:s14], $0x80  }
0x131: {  	[sflag:s14] =	ssyncset.done $0x0  }
0x132: {  	[sflag:s14] =	ssyncadd.s32 $0xFFFFFF80  }
0x133: {  	_ =	swait.ge [sflag:s14], $0x80  }
0x134: {  	[sflag:s14] =	ssyncset.done $0x0  }
0x135: {  	[sflag:s14] =	ssyncadd.s32 $0xFFFFFF80  }
0x136: {  	_ =	swait.ge [sflag:s14], $0x80  }
0x137: {  	[sflag:s14] =	ssyncset.done $0x0  }
0x138: {  	[sflag:s14] =	ssyncadd.s32 $0xFFFFFF80  }
0x139: {  	_ =	swait.ge [sflag:s14], $0x80  }
0x13a: {  	[sflag:s14] =	ssyncset.done $0x0  }
0x13b: {  	[sflag:s14] =	ssyncadd.s32 $0xFFFFFF80  }
0x13c: {  	_ =	swait.ge [sflag:s14], $0x80  }
0x13d: {  	[sflag:s14] =	ssyncset.done $0x0  }
0x13e: {  	[sflag:s14] =	ssyncadd.s32 $0xFFFFFF80  }
0x13f: {  	_ =	swait.ge [sflag:s14], $0x80  }
0x140: {  	[sflag:s14] =	ssyncset.done $0x0  }
0x141: {  	[sflag:s14] =	ssyncadd.s32 $0xFFFFFF80  }
0x142: {  	_ =	swait.ge [sflag:s14], $0x80  }
0x143: {  	[sflag:s14] =	ssyncset.done $0x0  }
0x144: {  	[sflag:s14] =	ssyncadd.s32 $0xFFFFFF80  }
0x145: {  	_ =	swait.ge [sflag:s14], $0x80  }
0x146: {  	[sflag:s14] =	ssyncset.done $0x0  }
0x147: {  	[sflag:s14] =	ssyncadd.s32 $0xFFFFFF80  }
0x148: {  	_ =	swait.ge [sflag:s14], $0x80  }
0x149: {  	[sflag:s14] =	ssyncset.done $0x0  }
0x14a: {  	[sflag:s14] =	ssyncadd.s32 $0xFFFFFF80  }
0x14b: {  	_ =	swait.ge [sflag:s14], $0x80  }
0x14c: {  	[sflag:s14] =	ssyncset.done $0x0  }
0x14d: {  	[sflag:s14] =	ssyncadd.s32 $0xFFFFFF80  }
0x14e: {  	_ =	swait.ge [sflag:s14], $0x80  }
0x14f: {  	[sflag:s14] =	ssyncset.done $0x0  }
0x150: {  	[sflag:s14] =	ssyncadd.s32 $0xFFFFFF80  }
0x151: {  	_ =	swait.ge [sflag:s14], $0x80  }
0x152: {  	[sflag:s14] =	ssyncset.done $0x0  }
0x153: {  	[sflag:s14] =	ssyncadd.s32 $0xFFFFFF80  }
0x154: {  	_ =	swait.ge [sflag:s14], $0x80  }
0x155: {  	[sflag:s14] =	ssyncset.done $0x0  }
0x156: {  	[sflag:s14] =	ssyncadd.s32 $0xFFFFFF80  }
0x157: {  	_ =	swait.ge [sflag:s14], $0x80  }
0x158: {  	[sflag:s14] =	ssyncset.done $0x0  }
0x159: {  	[sflag:s14] =	ssyncadd.s32 $0xFFFFFF80  }
0x15a: {  	_ =	swait.ge [sflag:s14], $0x80  }
0x15b: {  	[sflag:s14] =	ssyncset.done $0x0  }
0x15c: {  	[sflag:s14] =	ssyncadd.s32 $0xFFFFFF80  }
0x15d: {  	_ =	swait.ge [sflag:s14], $0x80  }
0x15e: {  	[sflag:s14] =	ssyncset.done $0x0  }
0x15f: {  	[sflag:s14] =	ssyncadd.s32 $0xFFFFFF80  }
0x160: {  	_ =	swait.ge [sflag:s14], $0x80  }
0x161: {  	[sflag:s14] =	ssyncset.done $0x0  }
0x162: {  	[sflag:s14] =	ssyncadd.s32 $0xFFFFFF80  }
0x163: {  	_ =	swait.ge [sflag:s14], $0x80  }
0x164: {  	[sflag:s14] =	ssyncset.done $0x0  }
0x165: {  	[sflag:s14] =	ssyncadd.s32 $0xFFFFFF80  }
0x166: {  	_ =	swait.ge [sflag:s14], $0x80  }
0x167: {  	[sflag:s14] =	ssyncset.done $0x0  }
0x168: {  	[sflag:s14] =	ssyncadd.s32 $0xFFFFFF80  }
0x169: {  	v15 =	vld [tilespmem:$0x0]  }
0x16a: {  	v16 =	vld [tilespmem:$0x80];
	_ =	sdelay $0x1  }
0x16b: {  	v17 =	vld [tilespmem:$0x100];
	_ =	sdelay $0x1  }
0x16c: {  	v18 =	vld [tilespmem:$0x180]  }
0x16d: {  	vm2 =	vgt.s32 v15, v16  }
0x16e: {  	v27 =	vld [tilespmem:$0x200];
	v15 =	vsel vm2, v15, v16  }
0x16f: {  	vm2 =	vgt.s32 v15, v17  }
0x170: {  	v28 =	vld [tilespmem:$0x280];
	v15 =	vsel vm2, v15, v17  }
0x171: {  	vm2 =	vgt.s32 v15, v18  }
0x172: {  	v29 =	vld [tilespmem:$0x300];
	v15 =	vsel vm2, v15, v18  }
0x173: {  	vm2 =	vgt.s32 v15, v27  }
0x174: {  	v30 =	vld [tilespmem:$0x380];
	v15 =	vsel vm2, v15, v27  }
0x175: {  	vm2 =	vgt.s32 v15, v28  }
0x176: {  	v31 =	vld [tilespmem:$0x400];
	v15 =	vsel vm2, v15, v28  }
0x177: {  	vm2 =	vgt.s32 v15, v29  }
0x178: {  	v32 =	vld [tilespmem:$0x480];
	v15 =	vsel vm2, v15, v29  }
0x179: {  	vm2 =	vgt.s32 v15, v30  }
0x17a: {  	v33 =	vld [tilespmem:$0x500];
	v15 =	vsel vm2, v15, v30  }
0x17b: {  	vm2 =	vgt.s32 v15, v31  }
0x17c: {  	v34 =	vld [tilespmem:$0x580];
	v15 =	vsel vm2, v15, v31  }
0x17d: {  	vm2 =	vgt.s32 v15, v32  }
0x17e: {  	v35 =	vld [tilespmem:$0x600];
	v15 =	vsel vm2, v15, v32  }
0x17f: {  	vm2 =	vgt.s32 v15, v33  }
0x180: {  	v36 =	vld [tilespmem:$0x680];
	v15 =	vsel vm2, v15, v33  }
0x181: {  	vm2 =	vgt.s32 v15, v34  }
0x182: {  	v37 =	vld [tilespmem:$0x700];
	v15 =	vsel vm2, v15, v34  }
0x183: {  	vm2 =	vgt.s32 v15, v35  }
0x184: {  	v38 =	vld [tilespmem:$0x780];
	v15 =	vsel vm2, v15, v35  }
0x185: {  	vm2 =	vgt.s32 v15, v36  }
0x186: {  	v39 =	vld [tilespmem:$0x800];
	v15 =	vsel vm2, v15, v36  }
0x187: {  	vm2 =	vgt.s32 v15, v37  }
0x188: {  	v40 =	vld [tilespmem:$0x880];
	v15 =	vsel vm2, v15, v37  }
0x189: {  	vm2 =	vgt.s32 v15, v38  }
0x18a: {  	v41 =	vld [tilespmem:$0x900];
	v15 =	vsel vm2, v15, v38  }
0x18b: {  	vm2 =	vgt.s32 v15, v39  }
0x18c: {  	v42 =	vld [tilespmem:$0x980];
	v15 =	vsel vm2, v15, v39  }
0x18d: {  	vm2 =	vgt.s32 v15, v40  }
0x18e: {  	v43 =	vld [tilespmem:$0xA00];
	v15 =	vsel vm2, v15, v40  }
0x18f: {  	vm2 =	vgt.s32 v15, v41  }
0x190: {  	v44 =	vld [tilespmem:$0xA80];
	v15 =	vsel vm2, v15, v41  }
0x191: {  	vm2 =	vgt.s32 v15, v42  }
0x192: {  	v45 =	vld [tilespmem:$0xB00];
	v15 =	vsel vm2, v15, v42  }
0x193: {  	vm2 =	vgt.s32 v15, v43  }
0x194: {  	v46 =	vld [tilespmem:$0xB80];
	v15 =	vsel vm2, v15, v43  }
0x195: {  	vm2 =	vgt.s32 v15, v44  }
0x196: {  	v47 =	vld [tilespmem:$0xC00];
	v15 =	vsel vm2, v15, v44  }
0x197: {  	vm2 =	vgt.s32 v15, v45  }
0x198: {  	v48 =	vld [tilespmem:$0xC80];
	v15 =	vsel vm2, v15, v45  }
0x199: {  	vm2 =	vgt.s32 v15, v46  }
0x19a: {  	v49 =	vld [tilespmem:$0xD00];
	v15 =	vsel vm2, v15, v46  }
0x19b: {  	vm2 =	vgt.s32 v15, v47  }
0x19c: {  	v50 =	vld [tilespmem:$0xD80];
	v15 =	vsel vm2, v15, v47  }
0x19d: {  	vm2 =	vgt.s32 v15, v48  }
0x19e: {  	v51 =	vld [tilespmem:$0xE00];
	v15 =	vsel vm2, v15, v48  }
0x19f: {  	vm2 =	vgt.s32 v15, v49  }
0x1a0: {  	v52 =	vld [tilespmem:$0xE80];
	v15 =	vsel vm2, v15, v49  }
0x1a1: {  	vm2 =	vgt.s32 v15, v50  }
0x1a2: {  	v53 =	vld [tilespmem:$0xF00];
	v15 =	vsel vm2, v15, v50  }
0x1a3: {  	vm2 =	vgt.s32 v15, v51  }
0x1a4: {  	v54 =	vld [tilespmem:$0xF80];
	v15 =	vsel vm2, v15, v51  }
0x1a5: {  	vm2 =	vgt.s32 v15, v52  }
0x1a6: {  	v15 =	vsel vm2, v15, v52  }
0x1a7: {  	vm2 =	vgt.s32 v15, v53  }
0x1a8: {  	v15 =	vsel vm2, v15, v53  }
0x1a9: {  	vm2 =	vgt.s32 v15, v54  }
0x1aa: {  	v15 =	vsel vm2, v15, v54  }
0x1ab: {  	(v2sf) =	vpush v15, $0xD;
	_ =	sdelay $0x1  }
0x1ac: {  	(v2sf) =	vpush v15, $0xC;
	_ =	sdelay $0x1  }
0x1ad: {  	(v2sf) =	vpush v15, $0xE;
	_ =	sdelay $0x1  }
0x1ae: {  	(v2sf) =	vpush v15, $0xF;
	_ =	sdelay $0x1  }
0x1af: {  	(v2sf) =	vpush v15, $0x9;
	_ =	sdelay $0x1  }
0x1b0: {  	(v2sf) =	vpush v15, $0x8;
	_ =	sdelay $0x1  }
0x1b1: {  	(v2sf) =	vpush v15, $0xA;
	_ =	sdelay $0x1  }
0x1b2: {  	(v2sf) =	vpush v15, $0xB  }
0x1b3: {  	s24 =	spop (v2sf)  }
0x1b4: {  	(v2sf) =	vpush v15, $0x1;
	s25 =	smulhi.u32 $0x91A2B3C5, s24;
	s2 =	sshra.s32 s24, $0x1F  }
0x1b5: {  	s3 =	spop (v2sf);
	s2 =	smul.u32 $0x91A2B3C5, s2  }
0x1b6: {  	(v2sf) =	vpush v15, $0x0;
	s4 =	smulhi.u32 $0x91A2B3C5, s3;
	s5 =	sshra.s32 s3, $0x1F  }
0x1b7: {  	s6 =	spop (v2sf);
	s5 =	smul.u32 $0x91A2B3C5, s5  }
0x1b8: {  	(v2sf) =	vpush v15, $0x2;
	s0 =	ssub.s32 s25, s24;
	s26 =	smulhi.u32 $0x91A2B3C5, s6;
	s7 =	sshra.s32 s6, $0x1F  }
0x1b9: {  	s30 =	spop (v2sf);
	s0 =	sadd.s32 s2, s0;
	s28 =	smul.u32 $0x91A2B3C5, s7  }
0x1ba: {  	(v2sf) =	vpush v15, $0x3;
	s3 =	ssub.s32 s4, s3;
	s31 =	smulhi.u32 $0x91A2B3C5, s30;
	s8 =	sshra.s32 s30, $0x1F  }
0x1bb: {  	s12 =	spop (v2sf);
	s3 =	sadd.s32 s5, s3;
	s11 =	smul.u32 $0x91A2B3C5, s8  }
0x1bc: {  	(v2sf) =	vpush v15, $0x4;
	s1 =	ssub.s32 s26, s6;
	s13 =	smulhi.u32 $0x91A2B3C5, s12;
	s9 =	sshra.s32 s12, $0x1F  }
0x1bd: {  	s10 =	spop (v2sf);
	s1 =	sadd.s32 s28, s1;
	s9 =	smul.u32 $0x91A2B3C5, s9  }
0x1be: {  	(v2sf) =	vpush v15, $0x5;
	s18 =	ssub.s32 s31, s30;
	s19 =	smulhi.u32 $0x91A2B3C5, s10;
	s20 =	sshra.s32 s10, $0x1F  }
0x1bf: {  	s22 =	spop (v2sf);
	s2 =	sadd.s32 s11, s18;
	s21 =	smul.u32 $0x91A2B3C5, s20  }
0x1c0: {  	(v2sf) =	vpush v15, $0x6;
	s6 =	ssub.s32 s13, s12;
	s23 =	smulhi.u32 $0x91A2B3C5, s22;
	s11 =	sshra.s32 s22, $0x1F  }
0x1c1: {  	s25 =	spop (v2sf);
	s6 =	sadd.s32 s9, s6;
	s24 =	smul.u32 $0x91A2B3C5, s11  }
0x1c2: {  	(v2sf) =	vpush v15, $0x7;
	s4 =	ssub.s32 s19, s10;
	s26 =	smulhi.u32 $0x91A2B3C5, s25;
	s12 =	sshra.s32 s25, $0x1F  }
0x1c3: {  	s4 =	sadd.s32 s21, s4;
	s28 =	smul.u32 $0x91A2B3C5, s12;
	s30 =	spop (v2sf)  }
0x1c4: {  	s7 =	ssub.s32 s23, s22;
	s31 =	smulhi.u32 $0x91A2B3C5, s30;
	s13 =	sshra.s32 s30, $0x1F  }
0x1c5: {  	s7 =	sadd.s32 s24, s7;
	s20 =	spop (v2sf);
	s13 =	smul.u32 $0x91A2B3C5, s13  }
0x1c6: {  	s10 =	ssub.s32 s26, s25;
	s21 =	smulhi.u32 $0x91A2B3C5, s20;
	s18 =	sshra.s32 s20, $0x1F  }
0x1c7: {  	s5 =	sadd.s32 s28, s10;
	s23 =	spop (v2sf);
	s22 =	smul.u32 $0x91A2B3C5, s18  }
0x1c8: {  	s8 =	ssub.s32 s31, s30;
	s24 =	smulhi.u32 $0x91A2B3C5, s23;
	s19 =	sshra.s32 s23, $0x1F  }
0x1c9: {  	s26 =	spop (v2sf);
	s8 =	sadd.s32 s13, s8;
	s25 =	smul.u32 $0x91A2B3C5, s19  }
0x1ca: {  	s11 =	ssub.s32 s21, s20;
	s28 =	smulhi.u32 $0x91A2B3C5, s26;
	s20 =	sshra.s32 s26, $0x1F  }
0x1cb: {  	s31 =	spop (v2sf);
	s10 =	sadd.s32 s22, s11;
	s30 =	smul.u32 $0x91A2B3C5, s20  }
0x1cc: {  	s12 =	ssub.s32 s24, s23;
	s22 =	smulhi.u32 $0x91A2B3C5, s31;
	s21 =	sshra.s32 s31, $0x1F  }
0x1cd: {  	s9 =	sadd.s32 s25, s12;
	s23 =	smul.u32 $0x91A2B3C5, s21;
	s21 =	spop (v2sf)  }
0x1ce: {  	vm5 =	vcmask $0x300;
	v55 =	vmov s10;
	s24 =	ssub.s32 s28, s26;
	s25 =	smulhi.u32 $0x91A2B3C5, s21;
	s26 =	sshra.s32 s21, $0x1F  }
0x1cf: {  	v16 =	vnsel vm5, $0x0, v55;
	s10 =	sadd.s32 s30, s24;
	s19 =	spop (v2sf);
	s11 =	smul.u32 $0x91A2B3C5, s26  }
0x1d0: {  	vm6 =	vcmask $0x2320;
	vm7 =	vcmask $0x2B28;
	s28 =	ssub.s32 s22, s31;
	v16 =	vsel vm8, s8, v16;
	s30 =	smulhi.u32 $0x91A2B3C5, s19;
	s31 =	sshra.s32 s19, $0x1F  }
0x1d1: {  	v56 =	vmov s3;
	v57 =	vmov s4;
	s22 =	sadd.s32 s23, s28;
	s24 =	spop (v2sf);
	v16 =	vsel vm9, s9, v16;
	s23 =	smul.u32 $0x91A2B3C5, s31  }
0x1d2: {  	v19 =	vld [tilespmem:$0x10];
	v17 =	vsel vm8, s0, v56;
	v18 =	vsel vm8, s6, v57;
	s25 =	ssub.s32 s25, s21;
	s26 =	smulhi.u32 $0x91A2B3C5, s24;
	s28 =	sshra.s32 s24, $0x1F;
	v16 =	vsel vm10, s10, v16  }
0x1d3: {  	v20 =	vld [tilespmem:$0x90];
	v17 =	vsel vm9, s1, v17;
	v18 =	vsel vm9, s7, v18;
	s0 =	sadd.s32 s11, s25;
	s30 =	ssub.s32 s30, s19;
	s31 =	smul.u32 $0x91A2B3C5, s28;
	v16 =	vsel vm6, s22, v16  }
0x1d4: {  	v17 =	vsel vm10, s2, v17;
	v18 =	vsel vm10, s5, v18;
	s5 =	sadd.s32 s23, s30;
	s6 =	ssub.s32 s26, s24;
	v16 =	vsel vm7, s0, v16  }
0x1d5: {  	v58 =	vld [tilespmem:$0x110];
	v17 =	vcombine.low v18, v17;
	s7 =	sadd.s32 s31, s6;
	v16 =	vsel vm14, s5, v16  }
0x1d6: {  	v16 =	vsel vm15, s7, v16  }
0x1d7: {  	v21 =	vld [tilespmem:$0x190];
	v17 =	vperm.xlane v17, v9;
	v16 =	vperm.xlane v16, v10  }
0x1d8: {  	vm2 =	vgt.s32 v19, v20  }
0x1d9: {  	v60 =	vld [tilespmem:$0x210];
	v59 =	vsel vm2, v19, v20;
	v16 =	vsel vm0, v16, v17  }
0x1da: {  	vm2 =	vgt.s32 v59, v58;
	v16 =	vadd.s32 v15, v16  }
0x1db: {  	v62 =	vld [tilespmem:$0x290];
	v17 =	vsel vm2, v59, v58;
	v61 =	vshrl.u32 v16, $0x1F;
	v16 =	vshra.s32 v16, $0x13  }
0x1dc: {  	vm2 =	vgt.s32 v17, v21;
	v16 =	vadd.s32 v61, v16  }
0x1dd: {  	v63 =	vld [tilespmem:$0x310];
	v17 =	vsel vm2, v17, v21;
	v16 =	vmul.u32 $0xE1000, v16  }
0x1de: {  	vm3 =	vgt.s32 v17, v60  }
0x1df: {  	v22 =	vld [tilespmem:$0x390];
	vm2 =	vlt.s32 v15, $0x0;
	v21 =	vsel vm3, v17, v60;
	v16 =	vsub.s32 v15, v16  }
0x1e0: {  	[tilespmem:$0x1000] =	vst v15;
	vm3 =	vgt.s32 v21, v62;
	v15 =	vsel vm2, v1, v16  }
0x1e1: {  	v23 =	vld [tilespmem:$0x410];
	[tilespmem:$0x1080] =	vst v15;
	v15 =	vsel vm3, v21, v62  }
0x1e2: {  	vm3 =	vgt.s32 v15, v63  }
0x1e3: {  	v24 =	vld [tilespmem:$0x490];
	v15 =	vsel vm3, v15, v63  }
0x1e4: {  	vm3 =	vgt.s32 v15, v22  }
0x1e5: {  	v25 =	vld [tilespmem:$0x510];
	v15 =	vsel vm3, v15, v22  }
0x1e6: {  	vm3 =	vgt.s32 v15, v23  }
0x1e7: {  	v26 =	vld [tilespmem:$0x590];
	v15 =	vsel vm3, v15, v23  }
0x1e8: {  	vm3 =	vgt.s32 v15, v24  }
0x1e9: {  	v27 =	vld [tilespmem:$0x610];
	v15 =	vsel vm3, v15, v24  }
0x1ea: {  	vm3 =	vgt.s32 v15, v25  }
0x1eb: {  	v28 =	vld [tilespmem:$0x690];
	v15 =	vsel vm3, v15, v25  }
0x1ec: {  	vm3 =	vgt.s32 v15, v26  }
0x1ed: {  	v29 =	vld [tilespmem:$0x710];
	v15 =	vsel vm3, v15, v26  }
0x1ee: {  	vm3 =	vgt.s32 v15, v27  }
0x1ef: {  	v30 =	vld [tilespmem:$0x790];
	v15 =	vsel vm3, v15, v27  }
0x1f0: {  	vm3 =	vgt.s32 v15, v28  }
0x1f1: {  	v31 =	vld [tilespmem:$0x810];
	v15 =	vsel vm3, v15, v28  }
0x1f2: {  	v32 =	vld [tilespmem:$0x890];
	vm3 =	vgt.s32 v15, v29  }
0x1f3: {  	v33 =	vld [tilespmem:$0x20];
	v15 =	vsel vm3, v15, v29  }
0x1f4: {  	v34 =	vld [tilespmem:$0xA0];
	vm3 =	vgt.s32 v15, v30  }
0x1f5: {  	v35 =	vld [tilespmem:$0x910];
	v15 =	vsel vm3, v15, v30  }
0x1f6: {  	v36 =	vld [tilespmem:$0x120];
	vm3 =	vgt.s32 v15, v31  }
0x1f7: {  	v22 =	vld [tilespmem:$0x990];
	v15 =	vsel vm3, v15, v31  }
0x1f8: {  	v37 =	vld [tilespmem:$0x1A0];
	vm3 =	vgt.s32 v15, v32  }
0x1f9: {  	vm4 =	vgt.s32 v33, v34;
	v23 =	vld [tilespmem:$0xA10];
	v15 =	vsel vm3, v15, v32  }
0x1fa: {  	v38 =	vld [tilespmem:$0x220];
	v16 =	vsel vm4, v33, v34;
	vm3 =	vgt.s32 v15, v35  }
0x1fb: {  	v39 =	vld [tilespmem:$0xA90];
	vm4 =	vgt.s32 v16, v36;
	v15 =	vsel vm3, v15, v35  }
0x1fc: {  	v40 =	vld [tilespmem:$0x2A0];
	v16 =	vsel vm4, v16, v36;
	vm3 =	vgt.s32 v15, v22  }
0x1fd: {  	v41 =	vld [tilespmem:$0xB10];
	vm4 =	vgt.s32 v16, v37;
	v15 =	vsel vm3, v15, v22  }
0x1fe: {  	v42 =	vld [tilespmem:$0x320];
	v16 =	vsel vm4, v16, v37;
	vm3 =	vgt.s32 v15, v23  }
0x1ff: {  	v43 =	vld [tilespmem:$0xB90];
	vm4 =	vgt.s32 v16, v38;
	v15 =	vsel vm3, v15, v23  }
0x200: {  	v44 =	vld [tilespmem:$0x3A0];
	v16 =	vsel vm4, v16, v38;
	vm3 =	vgt.s32 v15, v39  }
0x201: {  	v45 =	vld [tilespmem:$0xC10];
	vm4 =	vgt.s32 v16, v40;
	v15 =	vsel vm3, v15, v39  }
0x202: {  	v46 =	vld [tilespmem:$0x420];
	v16 =	vsel vm4, v16, v40;
	vm3 =	vgt.s32 v15, v41  }
0x203: {  	v47 =	vld [tilespmem:$0xC90];
	vm4 =	vgt.s32 v16, v42;
	v15 =	vsel vm3, v15, v41  }
0x204: {  	v48 =	vld [tilespmem:$0x4A0];
	v16 =	vsel vm4, v16, v42;
	vm3 =	vgt.s32 v15, v43  }
0x205: {  	v49 =	vld [tilespmem:$0xD10];
	vm4 =	vgt.s32 v16, v44;
	v15 =	vsel vm3, v15, v43  }
0x206: {  	v50 =	vld [tilespmem:$0x520];
	v16 =	vsel vm4, v16, v44;
	vm3 =	vgt.s32 v15, v45  }
0x207: {  	v51 =	vld [tilespmem:$0xD90];
	vm4 =	vgt.s32 v16, v46;
	v15 =	vsel vm3, v15, v45  }
0x208: {  	v52 =	vld [tilespmem:$0x5A0];
	v16 =	vsel vm4, v16, v46;
	vm3 =	vgt.s32 v15, v47  }
0x209: {  	v53 =	vld [tilespmem:$0xE10];
	vm4 =	vgt.s32 v16, v48;
	v15 =	vsel vm3, v15, v47  }
0x20a: {  	v54 =	vld [tilespmem:$0x620];
	v16 =	vsel vm4, v16, v48;
	vm3 =	vgt.s32 v15, v49  }
0x20b: {  	v55 =	vld [tilespmem:$0xE90];
	vm4 =	vgt.s32 v16, v50;
	v15 =	vsel vm3, v15, v49  }
0x20c: {  	v56 =	vld [tilespmem:$0x6A0];
	v16 =	vsel vm4, v16, v50;
	vm3 =	vgt.s32 v15, v51  }
0x20d: {  	v57 =	vld [tilespmem:$0xF10];
	vm4 =	vgt.s32 v16, v52;
	v15 =	vsel vm3, v15, v51  }
0x20e: {  	v58 =	vld [tilespmem:$0x720];
	v16 =	vsel vm4, v16, v52;
	vm3 =	vgt.s32 v15, v53  }
0x20f: {  	v59 =	vld [tilespmem:$0xF90];
	vm4 =	vgt.s32 v16, v54;
	v15 =	vsel vm3, v15, v53  }
0x210: {  	v60 =	vld [tilespmem:$0x7A0];
	v16 =	vsel vm4, v16, v54;
	vm3 =	vgt.s32 v15, v55  }
0x211: {  	vm4 =	vgt.s32 v16, v56;
	v15 =	vsel vm3, v15, v55  }
0x212: {  	v61 =	vld [tilespmem:$0x820];
	v16 =	vsel vm4, v16, v56;
	vm3 =	vgt.s32 v15, v57  }
0x213: {  	v34 =	vld [tilespmem:$0x230];
	vm4 =	vgt.s32 v16, v58;
	v15 =	vsel vm3, v15, v57  }
0x214: {  	v62 =	vld [tilespmem:$0x8A0];
	v16 =	vsel vm4, v16, v58;
	vm3 =	vgt.s32 v15, v59  }
0x215: {  	v36 =	vld [tilespmem:$0x2B0];
	vm4 =	vgt.s32 v16, v60;
	v15 =	vsel vm3, v15, v59  }
0x216: {  	v29 =	vld [tilespmem:$0x920];
	v16 =	vsel vm4, v16, v60;
	(v2sf) =	vpush v15, $0xD  }
0x217: {  	v63 =	vld [tilespmem:$0x30];
	vm3 =	vgt.s32 v16, v61  }
0x218: {  	v31 =	vld [tilespmem:$0x9A0];
	v16 =	vsel vm3, v16, v61;
	(v2sf) =	vpush v15, $0xC  }
0x219: {  	v37 =	vld [tilespmem:$0xB20];
	vm3 =	vgt.s32 v16, v62  }
0x21a: {  	v24 =	vld [tilespmem:$0xA20];
	v16 =	vsel vm3, v16, v62;
	(v2sf) =	vpush v15, $0xE  }
0x21b: {  	v28 =	vld [tilespmem:$0xB0];
	vm3 =	vgt.s32 v16, v29  }
0x21c: {  	v35 =	vld [tilespmem:$0xAA0];
	(v2sf) =	vpush v15, $0xF;
	v16 =	vsel vm3, v16, v29  }
0x21d: {  	v38 =	vld [tilespmem:$0x330];
	vm3 =	vgt.s32 v16, v31  }
0x21e: {  	v30 =	vld [tilespmem:$0x130];
	(v2sf) =	vpush v15, $0x9;
	v16 =	vsel vm3, v16, v31  }
0x21f: {  	v32 =	vld [tilespmem:$0x1B0];
	vm3 =	vgt.s32 v16, v24  }
0x220: {  	v39 =	vld [tilespmem:$0xBA0];
	(v2sf) =	vpush v15, $0x8;
	v16 =	vsel vm3, v16, v24  }
0x221: {  	v40 =	vld [tilespmem:$0x3B0];
	vm4 =	vgt.s32 v63, v28;
	vm3 =	vgt.s32 v16, v35  }
0x222: {  	v33 =	vsel vm4, v63, v28;
	v41 =	vld [tilespmem:$0xC20];
	(v2sf) =	vpush v15, $0xA;
	v16 =	vsel vm3, v16, v35  }
0x223: {  	v42 =	vld [tilespmem:$0x430];
	vm4 =	vgt.s32 v33, v30;
	vm3 =	vgt.s32 v16, v37  }
0x224: {  	v17 =	vsel vm4, v33, v30;
	v43 =	vld [tilespmem:$0xCA0];
	(v2sf) =	vpush v15, $0xB;
	v16 =	vsel vm3, v16, v37  }
0x225: {  	v25 =	vld [tilespmem:$0xA30];
	vm4 =	vgt.s32 v17, v32;
	vm3 =	vgt.s32 v16, v39;
	s8 =	spop (v2sf)  }
0x226: {  	v17 =	vsel vm4, v17, v32;
	v45 =	vld [tilespmem:$0xD20];
	(v2sf) =	vpush v15, $0x1;
	v16 =	vsel vm3, v16, v39;
	s9 =	smulhi.u32 $0x91A2B3C5, s8;
	s10 =	sshra.s32 s8, $0x1F  }
0x227: {  	v44 =	vld [tilespmem:$0x4B0];
	vm4 =	vgt.s32 v17, v34;
	vm3 =	vgt.s32 v16, v41;
	s11 =	spop (v2sf);
	s2 =	smul.u32 $0x91A2B3C5, s10  }
0x228: {  	v17 =	vsel vm4, v17, v34;
	v47 =	vld [tilespmem:$0xDA0];
	(v2sf) =	vpush v15, $0x0;
	v16 =	vsel vm3, v16, v41;
	s12 =	smulhi.u32 $0x91A2B3C5, s11;
	s13 =	sshra.s32 s11, $0x1F  }
0x229: {  	v46 =	vld [tilespmem:$0x530];
	vm4 =	vgt.s32 v17, v36;
	vm3 =	vgt.s32 v16, v43;
	s19 =	spop (v2sf);
	s18 =	smul.u32 $0x91A2B3C5, s13  }
0x22a: {  	v17 =	vsel vm4, v17, v36;
	v49 =	vld [tilespmem:$0xE20];
	(v2sf) =	vpush v15, $0x2;
	s0 =	ssub.s32 s9, s8;
	v16 =	vsel vm3, v16, v43;
	s20 =	smulhi.u32 $0x91A2B3C5, s19;
	s21 =	sshra.s32 s19, $0x1F  }
0x22b: {  	v48 =	vld [tilespmem:$0x5B0];
	vm4 =	vgt.s32 v17, v38;
	s23 =	spop (v2sf);
	s7 =	sadd.s32 s2, s0;
	vm3 =	vgt.s32 v16, v45;
	s22 =	smul.u32 $0x91A2B3C5, s21  }
0x22c: {  	v17 =	vsel vm4, v17, v38;
	v51 =	vld [tilespmem:$0xEA0];
	(v2sf) =	vpush v15, $0x3;
	s1 =	ssub.s32 s12, s11;
	s24 =	smulhi.u32 $0x91A2B3C5, s23;
	s25 =	sshra.s32 s23, $0x1F;
	v16 =	vsel vm3, v16, v45  }
0x22d: {  	v50 =	vld [tilespmem:$0x630];
	vm4 =	vgt.s32 v17, v40;
	s28 =	spop (v2sf);
	s8 =	sadd.s32 s18, s1;
	s26 =	smul.u32 $0x91A2B3C5, s25;
	vm3 =	vgt.s32 v16, v47  }
0x22e: {  	v17 =	vsel vm4, v17, v40;
	v53 =	vld [tilespmem:$0xF20];
	(v2sf) =	vpush v15, $0x4;
	s2 =	ssub.s32 s20, s19;
	s30 =	smulhi.u32 $0x91A2B3C5, s28;
	s31 =	sshra.s32 s28, $0x1F;
	v16 =	vsel vm3, v16, v47  }
0x22f: {  	v52 =	vld [tilespmem:$0x6B0];
	vm4 =	vgt.s32 v17, v42;
	s6 =	spop (v2sf);
	s9 =	sadd.s32 s22, s2;
	s5 =	smul.u32 $0x91A2B3C5, s31;
	vm3 =	vgt.s32 v16, v49  }
0x230: {  	v17 =	vsel vm4, v17, v42;
	v55 =	vld [tilespmem:$0xFA0];
	(v2sf) =	vpush v15, $0x5;
	s1 =	ssub.s32 s24, s23;
	s12 =	smulhi.u32 $0x91A2B3C5, s6;
	s13 =	sshra.s32 s6, $0x1F;
	v16 =	vsel vm3, v16, v49  }
0x231: {  	v54 =	vld [tilespmem:$0x730];
	vm4 =	vgt.s32 v17, v44;
	s19 =	spop (v2sf);
	s10 =	sadd.s32 s26, s1;
	s18 =	smul.u32 $0x91A2B3C5, s13;
	vm3 =	vgt.s32 v16, v51  }
0x232: {  	v56 =	vld [tilespmem:$0x7B0];
	v17 =	vsel vm4, v17, v44;
	s2 =	ssub.s32 s30, s28;
	s20 =	smulhi.u32 $0x91A2B3C5, s19;
	s21 =	sshra.s32 s19, $0x1F;
	v16 =	vsel vm3, v16, v51  }
0x233: {  	v58 =	vld [tilespmem:$0x8B0];
	vm4 =	vgt.s32 v17, v46;
	(v2sf) =	vpush v15, $0x6;
	s23 =	spop (v2sf);
	s11 =	sadd.s32 s5, s2;
	s22 =	smul.u32 $0x91A2B3C5, s21;
	vm3 =	vgt.s32 v16, v53  }
0x234: {  	v60 =	vld [tilespmem:$0xC0];
	v17 =	vsel vm4, v17, v46;
	s1 =	ssub.s32 s12, s6;
	s24 =	smulhi.u32 $0x91A2B3C5, s23;
	s25 =	sshra.s32 s23, $0x1F;
	v16 =	vsel vm3, v16, v53  }
0x235: {  	v63 =	vld [tilespmem:$0x9B0];
	vm4 =	vgt.s32 v17, v48;
	(v2sf) =	vpush v15, $0x7;
	s28 =	spop (v2sf);
	s18 =	sadd.s32 s18, s1;
	s26 =	smul.u32 $0x91A2B3C5, s25;
	vm3 =	vgt.s32 v16, v55  }
0x236: {  	v28 =	vld [tilespmem:$0x1C0];
	v17 =	vsel vm4, v17, v48;
	s2 =	ssub.s32 s20, s19;
	s30 =	smulhi.u32 $0x91A2B3C5, s28;
	s31 =	sshra.s32 s28, $0x1F;
	v16 =	vsel vm3, v16, v55  }
0x237: {  	v30 =	vld [tilespmem:$0x240];
	vm4 =	vgt.s32 v17, v50;
	s13 =	sadd.s32 s22, s2;
	s5 =	smul.u32 $0x91A2B3C5, s31;
	s6 =	spop (v2sf);
	(v2sf) =	vpush v16, $0xD  }
0x238: {  	v33 =	vld [tilespmem:$0xB30];
	v17 =	vsel vm4, v17, v50;
	s1 =	ssub.s32 s24, s23;
	s20 =	smulhi.u32 $0x91A2B3C5, s6;
	s21 =	sshra.s32 s6, $0x1F  }
0x239: {  	v32 =	vld [tilespmem:$0x2C0];
	vm4 =	vgt.s32 v17, v52;
	s12 =	sadd.s32 s26, s1;
	s23 =	spop (v2sf);
	(v2sf) =	vpush v16, $0xC;
	s22 =	smul.u32 $0x91A2B3C5, s21  }
0x23a: {  	v57 =	vld [tilespmem:$0x830];
	v17 =	vsel vm4, v17, v52;
	s2 =	ssub.s32 s30, s28;
	s24 =	smulhi.u32 $0x91A2B3C5, s23;
	s25 =	sshra.s32 s23, $0x1F  }
0x23b: {  	v34 =	vld [tilespmem:$0x340];
	vm4 =	vgt.s32 v17, v54;
	s19 =	sadd.s32 s5, s2;
	s28 =	spop (v2sf);
	(v2sf) =	vpush v16, $0xE;
	s26 =	smul.u32 $0x91A2B3C5, s25  }
0x23c: {  	v36 =	vld [tilespmem:$0x3C0];
	v17 =	vsel vm4, v17, v54;
	s1 =	ssub.s32 s20, s6;
	s30 =	smulhi.u32 $0x91A2B3C5, s28;
	s31 =	sshra.s32 s28, $0x1F  }
0x23d: {  	v59 =	vld [tilespmem:$0x40];
	vm4 =	vgt.s32 v17, v56;
	s6 =	spop (v2sf);
	s21 =	sadd.s32 s22, s1;
	(v2sf) =	vpush v16, $0xF;
	s5 =	smul.u32 $0x91A2B3C5, s31  }
0x23e: {  	v61 =	vld [tilespmem:$0x930];
	v17 =	vsel vm4, v17, v56;
	s2 =	ssub.s32 s24, s23;
	s22 =	smulhi.u32 $0x91A2B3C5, s6;
	s23 =	sshra.s32 s6, $0x1F  }
0x23f: {  	v62 =	vld [tilespmem:$0x140];
	vm3 =	vgt.s32 v17, v57;
	s25 =	spop (v2sf);
	s24 =	smul.u32 $0x91A2B3C5, s23  }
0x240: {  	v31 =	vld [tilespmem:$0xAB0];
	v17 =	vsel vm3, v17, v57;
	s20 =	sadd.s32 s26, s2;
	s1 =	ssub.s32 s30, s28;
	(v2sf) =	vpush v16, $0x9;
	s30 =	smulhi.u32 $0x91A2B3C5, s25  }
0x241: {  	v35 =	vld [tilespmem:$0xBB0];
	vm3 =	vgt.s32 v17, v58;
	s31 =	sshra.s32 s25, $0x1F;
	s26 =	sadd.s32 s5, s1;
	s2 =	ssub.s32 s22, s6;
	(v2sf) =	vpush v16, $0x8  }
0x242: {  	v17 =	vsel vm3, v17, v58;
	s5 =	smul.u32 $0x91A2B3C5, s31;
	v37 =	vld [tilespmem:$0xC30];
	s28 =	sadd.s32 s24, s2;
	s6 =	spop (v2sf)  }
0x243: {  	vm3 =	vgt.s32 v17, v61;
	s1 =	ssub.s32 s30, s25;
	s22 =	smulhi.u32 $0x91A2B3C5, s6;
	s23 =	sshra.s32 s6, $0x1F  }
0x244: {  	v17 =	vsel vm3, v17, v61;
	s30 =	sadd.s32 s5, s1;
	s25 =	spop (v2sf);
	s24 =	smul.u32 $0x91A2B3C5, s23  }
0x245: {  	vm3 =	vgt.s32 v17, v63;
	(v2sf) =	vpush v16, $0xA;
	s5 =	smulhi.u32 $0x91A2B3C5, s25;
	s2 =	ssub.s32 s22, s6;
	s6 =	sshra.s32 s25, $0x1F  }
0x246: {  	v17 =	vsel vm3, v17, v63;
	(v2sf) =	vpush v16, $0xB;
	s31 =	sadd.s32 s24, s2;
	s22 =	smul.u32 $0x91A2B3C5, s6;
	s23 =	spop (v2sf)  }
0x247: {  	vm3 =	vgt.s32 v17, v25;
	s1 =	ssub.s32 s5, s25;
	s24 =	smulhi.u32 $0x91A2B3C5, s23;
	s25 =	sshra.s32 s23, $0x1F  }
0x248: {  	v17 =	vsel vm3, v17, v25;
	s0 =	sadd.s32 s22, s1;
	s6 =	spop (v2sf);
	s5 =	smul.u32 $0x91A2B3C5, s25  }
0x249: {  	vm4 =	vgt.s32 v59, v60;
	(v2sf) =	vpush v16, $0x1;
	vm3 =	vgt.s32 v17, v31;
	[smem:$0x7BF] =	sst s0;
	s22 =	smulhi.u32 $0x91A2B3C5, s6  }
0x24a: {  	v29 =	vsel vm4, v59, v60;
	v17 =	vsel vm3, v17, v31;
	s25 =	spop (v2sf);
	s2 =	ssub.s32 s24, s23;
	s23 =	sshra.s32 s6, $0x1F  }
0x24b: {  	vm4 =	vgt.s32 v29, v62;
	vm3 =	vgt.s32 v17, v33;
	s0 =	sadd.s32 s5, s2;
	s24 =	smul.u32 $0x91A2B3C5, s23;
	s1 =	ssub.s32 s22, s6  }
0x24c: {  	v18 =	vsel vm4, v29, v62;
	v39 =	vld [tilespmem:$0xCB0];
	v17 =	vsel vm3, v17, v33;
	s5 =	smulhi.u32 $0x91A2B3C5, s25;
	s6 =	sshra.s32 s25, $0x1F;
	s23 =	spop (v2sf)  }
0x24d: {  	vm4 =	vgt.s32 v18, v28;
	vm3 =	vgt.s32 v17, v35;
	(v2sf) =	vpush v16, $0x0;
	[smem:$0x7BE] =	sst s0;
	s22 =	smul.u32 $0x91A2B3C5, s6;
	s0 =	sadd.s32 s24, s1  }
0x24e: {  	v18 =	vsel vm4, v18, v28;
	v41 =	vld [tilespmem:$0xD30];
	v17 =	vsel vm3, v17, v35;
	s2 =	ssub.s32 s5, s25;
	s24 =	smulhi.u32 $0x91A2B3C5, s23;
	s25 =	sshra.s32 s23, $0x1F  }
0x24f: {  	vm4 =	vgt.s32 v18, v30;
	vm3 =	vgt.s32 v17, v37;
	(v2sf) =	vpush v16, $0x2;
	s6 =	spop (v2sf);
	s5 =	smul.u32 $0x91A2B3C5, s25  }
0x250: {  	v18 =	vsel vm4, v18, v30;
	v43 =	vld [tilespmem:$0xDB0];
	v17 =	vsel vm3, v17, v37;
	[smem:$0x7BD] =	sst s0;
	s0 =	sadd.s32 s22, s2;
	s22 =	smulhi.u32 $0x91A2B3C5, s6  }
0x251: {  	vm4 =	vgt.s32 v18, v32;
	v38 =	vld [tilespmem:$0x440];
	vm3 =	vgt.s32 v17, v39;
	s25 =	spop (v2sf);
	s1 =	ssub.s32 s24, s23;
	s23 =	sshra.s32 s6, $0x1F  }
0x252: {  	v18 =	vsel vm4, v18, v32;
	v45 =	vld [tilespmem:$0xE30];
	v17 =	vsel vm3, v17, v39;
	(v2sf) =	vpush v16, $0x3;
	[smem:$0x7C0] =	sst s0;
	s24 =	smul.u32 $0x91A2B3C5, s23  }
0x253: {  	vm4 =	vgt.s32 v18, v34;
	v40 =	vld [tilespmem:$0x4C0];
	vm3 =	vgt.s32 v17, v41;
	s0 =	sadd.s32 s5, s1;
	s2 =	ssub.s32 s22, s6;
	s5 =	smulhi.u32 $0x91A2B3C5, s25  }
0x254: {  	v18 =	vsel vm4, v18, v34;
	v47 =	vld [tilespmem:$0xEB0];
	(v2sf) =	vpush v16, $0x4;
	v17 =	vsel vm3, v17, v41;
	s6 =	sshra.s32 s25, $0x1F;
	s23 =	spop (v2sf);
	[smem:$0x7C1] =	sst s0  }
0x255: {  	vm4 =	vgt.s32 v18, v36;
	v42 =	vld [tilespmem:$0x540];
	(v2sf) =	vpush v16, $0x5;
	vm3 =	vgt.s32 v17, v43;
	s22 =	smul.u32 $0x91A2B3C5, s6;
	s6 =	spop (v2sf);
	s0 =	sadd.s32 s24, s2  }
0x256: {  	v18 =	vsel vm4, v18, v36;
	v49 =	vld [tilespmem:$0xF30];
	v17 =	vsel vm3, v17, v43;
	s1 =	ssub.s32 s5, s25;
	s24 =	smulhi.u32 $0x91A2B3C5, s23;
	s25 =	sshra.s32 s23, $0x1F  }
0x257: {  	v44 =	vld [tilespmem:$0x5C0];
	vm4 =	vgt.s32 v18, v38;
	vm3 =	vgt.s32 v17, v45;
	[smem:$0x7C4] =	sst s0;
	s5 =	smul.u32 $0x91A2B3C5, s25  }
0x258: {  	v51 =	vld [tilespmem:$0xFB0];
	v18 =	vsel vm4, v18, v38;
	(v2sf) =	vpush v16, $0x6;
	v17 =	vsel vm3, v17, v45;
	s0 =	sadd.s32 s22, s1;
	s22 =	smulhi.u32 $0x91A2B3C5, s6;
	s25 =	spop (v2sf)  }
0x259: {  	vm4 =	vgt.s32 v18, v40;
	vm3 =	vgt.s32 v17, v47;
	[smem:$0x7C2] =	sst s0;
	s2 =	ssub.s32 s24, s23;
	s23 =	sshra.s32 s6, $0x1F  }
0x25a: {  	v46 =	vld [tilespmem:$0x640];
	v18 =	vsel vm4, v18, v40;
	v17 =	vsel vm3, v17, v47;
	s0 =	sadd.s32 s5, s2;
	s24 =	smul.u32 $0x91A2B3C5, s23;
	s1 =	ssub.s32 s22, s6  }
0x25b: {  	vm4 =	vgt.s32 v18, v42;
	(v2sf) =	vpush v16, $0x7;
	vm3 =	vgt.s32 v17, v49;
	s5 =	smulhi.u32 $0x91A2B3C5, s25;
	s6 =	sshra.s32 s25, $0x1F;
	[smem:$0x7C7] =	sst s0  }
0x25c: {  	v48 =	vld [tilespmem:$0x6C0];
	v18 =	vsel vm4, v18, v42;
	v17 =	vsel vm3, v17, v49;
	s22 =	smul.u32 $0x91A2B3C5, s6;
	s0 =	sadd.s32 s24, s1;
	s23 =	spop (v2sf)  }
0x25d: {  	vm4 =	vgt.s32 v18, v44;
	vm3 =	vgt.s32 v17, v51;
	s2 =	ssub.s32 s5, s25;
	[smem:$0x7CA] =	sst s0;
	s24 =	smulhi.u32 $0x91A2B3C5, s23  }
0x25e: {  	v50 =	vld [tilespmem:$0x740];
	v18 =	vsel vm4, v18, v44;
	v17 =	vsel vm3, v17, v51;
	s25 =	sshra.s32 s23, $0x1F;
	s0 =	sadd.s32 s22, s2;
	s6 =	spop (v2sf)  }
0x25f: {  	vm4 =	vgt.s32 v18, v46;
	(v2sf) =	vpush v17, $0xD;
	[smem:$0x7C5] =	sst s0;
	s5 =	smul.u32 $0x91A2B3C5, s25  }
0x260: {  	v52 =	vld [tilespmem:$0x7C0];
	v18 =	vsel vm4, v18, v46;
	s22 =	smulhi.u32 $0x91A2B3C5, s6;
	s1 =	ssub.s32 s24, s23;
	s23 =	sshra.s32 s6, $0x1F  }
0x261: {  	vm4 =	vgt.s32 v18, v48;
	(v2sf) =	vpush v17, $0xC;
	s25 =	spop (v2sf);
	s24 =	smul.u32 $0x91A2B3C5, s23  }
0x262: {  	v53 =	vld [tilespmem:$0x840];
	v18 =	vsel vm4, v18, v48;
	s0 =	sadd.s32 s5, s1;
	s2 =	ssub.s32 s22, s6;
	s5 =	smulhi.u32 $0x91A2B3C5, s25  }
0x263: {  	vm4 =	vgt.s32 v18, v50;
	(v2sf) =	vpush v17, $0xE;
	s6 =	sshra.s32 s25, $0x1F;
	s23 =	spop (v2sf);
	[smem:$0x7C3] =	sst s0  }
0x264: {  	v54 =	vld [tilespmem:$0x8C0];
	v18 =	vsel vm4, v18, v50;
	s22 =	smul.u32 $0x91A2B3C5, s6;
	s6 =	spop (v2sf);
	s0 =	sadd.s32 s24, s2  }
0x265: {  	vm4 =	vgt.s32 v18, v52;
	(v2sf) =	vpush v17, $0xF;
	s1 =	ssub.s32 s5, s25;
	s24 =	smulhi.u32 $0x91A2B3C5, s23;
	s25 =	sshra.s32 s23, $0x1F  }
0x266: {  	v57 =	vld [tilespmem:$0x940];
	v18 =	vsel vm4, v18, v52;
	[smem:$0x7C6] =	sst s0;
	s5 =	smul.u32 $0x91A2B3C5, s25  }
0x267: {  	vm3 =	vgt.s32 v18, v53;
	s0 =	sadd.s32 s22, s1;
	s22 =	smulhi.u32 $0x91A2B3C5, s6;
	s25 =	spop (v2sf)  }
0x268: {  	v59 =	vld [tilespmem:$0x9C0];
	v18 =	vsel vm3, v18, v53;
	(v2sf) =	vpush v17, $0x9;
	[smem:$0x7C8] =	sst s0;
	s2 =	ssub.s32 s24, s23;
	s23 =	sshra.s32 s6, $0x1F  }
0x269: {  	v55 =	vld [tilespmem:$0x50];
	vm3 =	vgt.s32 v18, v54;
	s0 =	sadd.s32 s5, s2;
	s24 =	smul.u32 $0x91A2B3C5, s23;
	s1 =	ssub.s32 s22, s6  }
0x26a: {  	v26 =	vld [tilespmem:$0xA40];
	v18 =	vsel vm3, v18, v54;
	(v2sf) =	vpush v17, $0x8;
	s5 =	smulhi.u32 $0x91A2B3C5, s25;
	s6 =	sshra.s32 s25, $0x1F;
	s23 =	spop (v2sf)  }
0x26b: {  	v56 =	vld [tilespmem:$0xD0];
	vm3 =	vgt.s32 v18, v57;
	[smem:$0x7C9] =	sst s0;
	s22 =	smul.u32 $0x91A2B3C5, s6;
	s0 =	sadd.s32 s24, s1  }
0x26c: {  	v63 =	vld [tilespmem:$0xAC0];
	v18 =	vsel vm3, v18, v57;
	s2 =	ssub.s32 s5, s25;
	s24 =	smulhi.u32 $0x91A2B3C5, s23;
	s25 =	sshra.s32 s23, $0x1F  }
0x26d: {  	v58 =	vld [tilespmem:$0x150];
	vm3 =	vgt.s32 v18, v59;
	(v2sf) =	vpush v17, $0xA;
	[smem:$0x7CB] =	sst s0;
	s0 =	sadd.s32 s22, s2;
	s5 =	smul.u32 $0x91A2B3C5, s25  }
0x26e: {  	v29 =	vld [tilespmem:$0xB40];
	v18 =	vsel vm3, v18, v59;
	(v2sf) =	vpush v17, $0xB;
	[smem:$0x7CC] =	sst s0;
	s6 =	spop (v2sf)  }
0x26f: {  	v60 =	vld [tilespmem:$0x1D0];
	vm3 =	vgt.s32 v18, v26;
	s1 =	ssub.s32 s24, s23;
	s22 =	smulhi.u32 $0x91A2B3C5, s6;
	s23 =	sshra.s32 s6, $0x1F  }
0x270: {  	v31 =	vld [tilespmem:$0xBC0];
	v18 =	vsel vm3, v18, v26;
	s0 =	sadd.s32 s5, s1;
	s25 =	spop (v2sf);
	s24 =	smul.u32 $0x91A2B3C5, s23  }
0x271: {  	v62 =	vld [tilespmem:$0x250];
	vm4 =	vgt.s32 v55, v56;
	vm3 =	vgt.s32 v18, v63;
	(v2sf) =	vpush v17, $0x1;
	[smem:$0x7CD] =	sst s0;
	s5 =	smulhi.u32 $0x91A2B3C5, s25  }
0x272: {  	v33 =	vld [tilespmem:$0xC40];
	v61 =	vsel vm4, v55, v56;
	v18 =	vsel vm3, v18, v63;
	s23 =	spop (v2sf);
	s2 =	ssub.s32 s22, s6;
	s6 =	sshra.s32 s25, $0x1F  }
0x273: {  	v28 =	vld [tilespmem:$0x2D0];
	vm4 =	vgt.s32 v61, v58;
	vm3 =	vgt.s32 v18, v29;
	s0 =	sadd.s32 s24, s2;
	s22 =	smul.u32 $0x91A2B3C5, s6;
	s1 =	ssub.s32 s5, s25  }
0x274: {  	v35 =	vld [tilespmem:$0xCC0];
	v19 =	vsel vm4, v61, v58;
	v18 =	vsel vm3, v18, v29;
	s24 =	smulhi.u32 $0x91A2B3C5, s23;
	s25 =	sshra.s32 s23, $0x1F;
	s6 =	spop (v2sf)  }
0x275: {  	v30 =	vld [tilespmem:$0x350];
	vm4 =	vgt.s32 v19, v60;
	vm3 =	vgt.s32 v18, v31;
	(v2sf) =	vpush v17, $0x0;
	[smem:$0x7D1] =	sst s0;
	s5 =	smul.u32 $0x91A2B3C5, s25;
	s0 =	sadd.s32 s22, s1  }
0x276: {  	v37 =	vld [tilespmem:$0xD40];
	v19 =	vsel vm4, v19, v60;
	v18 =	vsel vm3, v18, v31;
	s2 =	ssub.s32 s24, s23;
	s22 =	smulhi.u32 $0x91A2B3C5, s6;
	s23 =	sshra.s32 s6, $0x1F  }
0x277: {  	v32 =	vld [tilespmem:$0x3D0];
	vm4 =	vgt.s32 v19, v62;
	vm3 =	vgt.s32 v18, v33;
	s25 =	spop (v2sf);
	s24 =	smul.u32 $0x91A2B3C5, s23  }
0x278: {  	v39 =	vld [tilespmem:$0xDC0];
	v19 =	vsel vm4, v19, v62;
	v18 =	vsel vm3, v18, v33;
	(v2sf) =	vpush v17, $0x2;
	[smem:$0x7CF] =	sst s0;
	s0 =	sadd.s32 s5, s2;
	s5 =	smulhi.u32 $0x91A2B3C5, s25  }
0x279: {  	v34 =	vld [tilespmem:$0x450];
	vm4 =	vgt.s32 v19, v28;
	vm3 =	vgt.s32 v18, v35;
	s23 =	spop (v2sf);
	s1 =	ssub.s32 s22, s6;
	s6 =	sshra.s32 s25, $0x1F  }
0x27a: {  	v41 =	vld [tilespmem:$0xE40];
	v19 =	vsel vm4, v19, v28;
	v18 =	vsel vm3, v18, v35;
	(v2sf) =	vpush v17, $0x3;
	[smem:$0x7D3] =	sst s0;
	s22 =	smul.u32 $0x91A2B3C5, s6  }
0x27b: {  	v36 =	vld [tilespmem:$0x4D0];
	vm4 =	vgt.s32 v19, v30;
	vm3 =	vgt.s32 v18, v37;
	(v2sf) =	vpush v17, $0x4;
	s0 =	sadd.s32 s24, s1;
	s2 =	ssub.s32 s5, s25;
	s24 =	smulhi.u32 $0x91A2B3C5, s23  }
0x27c: {  	v43 =	vld [tilespmem:$0xEC0];
	v19 =	vsel vm4, v19, v30;
	v18 =	vsel vm3, v18, v37;
	s25 =	sshra.s32 s23, $0x1F;
	s6 =	spop (v2sf);
	[smem:$0x7D8] =	sst s0  }
0x27d: {  	v38 =	vld [tilespmem:$0x550];
	vm4 =	vgt.s32 v19, v32;
	vm3 =	vgt.s32 v18, v39;
	s5 =	smul.u32 $0x91A2B3C5, s25;
	s25 =	spop (v2sf);
	s0 =	sadd.s32 s22, s2  }
0x27e: {  	v45 =	vld [tilespmem:$0xF40];
	v19 =	vsel vm4, v19, v32;
	v18 =	vsel vm3, v18, v39;
	s1 =	ssub.s32 s24, s23;
	s22 =	smulhi.u32 $0x91A2B3C5, s6;
	s23 =	sshra.s32 s6, $0x1F  }
0x27f: {  	v40 =	vld [tilespmem:$0x5D0];
	vm4 =	vgt.s32 v19, v34;
	(v2sf) =	vpush v17, $0x5;
	vm3 =	vgt.s32 v18, v41;
	[smem:$0x7D6] =	sst s0;
	s24 =	smul.u32 $0x91A2B3C5, s23  }
0x280: {  	v47 =	vld [tilespmem:$0xFC0];
	v19 =	vsel vm4, v19, v34;
	v18 =	vsel vm3, v18, v41;
	s0 =	sadd.s32 s5, s1;
	s5 =	smulhi.u32 $0x91A2B3C5, s25;
	s23 =	spop (v2sf)  }
0x281: {  	vm4 =	vgt.s32 v19, v36;
	vm3 =	vgt.s32 v18, v43;
	[smem:$0x7D4] =	sst s0;
	s2 =	ssub.s32 s22, s6;
	s6 =	sshra.s32 s25, $0x1F  }
0x282: {  	v42 =	vld [tilespmem:$0x650];
	v19 =	vsel vm4, v19, v36;
	(v2sf) =	vpush v17, $0x6;
	v18 =	vsel vm3, v18, v43;
	s0 =	sadd.s32 s24, s2;
	s22 =	smul.u32 $0x91A2B3C5, s6;
	s1 =	ssub.s32 s5, s25  }
0x283: {  	vm4 =	vgt.s32 v19, v38;
	vm3 =	vgt.s32 v18, v45;
	s24 =	smulhi.u32 $0x91A2B3C5, s23;
	s25 =	sshra.s32 s23, $0x1F;
	[smem:$0x7D9] =	sst s0  }
0x284: {  	v44 =	vld [tilespmem:$0x6D0];
	v19 =	vsel vm4, v19, v38;
	(v2sf) =	vpush v17, $0x7;
	v18 =	vsel vm3, v18, v45;
	s5 =	smul.u32 $0x91A2B3C5, s25;
	s6 =	spop (v2sf);
	s0 =	sadd.s32 s22, s1  }
0x285: {  	vm4 =	vgt.s32 v19, v40;
	vm3 =	vgt.s32 v18, v47;
	s2 =	ssub.s32 s24, s23;
	s22 =	smulhi.u32 $0x91A2B3C5, s6;
	s23 =	sshra.s32 s6, $0x1F  }
0x286: {  	v46 =	vld [tilespmem:$0x750];
	v19 =	vsel vm4, v19, v40;
	v18 =	vsel vm3, v18, v47;
	[smem:$0x7DB] =	sst s0;
	s0 =	sadd.s32 s5, s2;
	s24 =	smul.u32 $0x91A2B3C5, s23  }
0x287: {  	vm4 =	vgt.s32 v19, v42;
	(v2sf) =	vpush v18, $0xD;
	s25 =	spop (v2sf);
	[smem:$0x7D0] =	sst s0  }
0x288: {  	v48 =	vld [tilespmem:$0x7D0];
	v19 =	vsel vm4, v19, v42;
	s1 =	ssub.s32 s22, s6;
	s5 =	smulhi.u32 $0x91A2B3C5, s25;
	s6 =	sshra.s32 s25, $0x1F  }
0x289: {  	vm4 =	vgt.s32 v19, v44;
	(v2sf) =	vpush v18, $0xC;
	s23 =	spop (v2sf);
	s22 =	smul.u32 $0x91A2B3C5, s6  }
0x28a: {  	v49 =	vld [tilespmem:$0x850];
	v19 =	vsel vm4, v19, v44;
	s0 =	sadd.s32 s24, s1;
	s24 =	smulhi.u32 $0x91A2B3C5, s23;
	s6 =	spop (v2sf)  }
0x28b: {  	v50 =	vld [tilespmem:$0x8D0];
	vm4 =	vgt.s32 v19, v46;
	(v2sf) =	vpush v18, $0xE;
	[smem:$0x7CE] =	sst s0;
	s2 =	ssub.s32 s5, s25;
	s25 =	sshra.s32 s23, $0x1F  }
0x28c: {  	v52 =	vld [tilespmem:$0xE0];
	v19 =	vsel vm4, v19, v46;
	s0 =	sadd.s32 s22, s2;
	s5 =	smul.u32 $0x91A2B3C5, s25;
	s1 =	ssub.s32 s24, s23  }
0x28d: {  	v51 =	vld [tilespmem:$0x60];
	vm4 =	vgt.s32 v19, v48;
	(v2sf) =	vpush v18, $0xF;
	s22 =	smulhi.u32 $0x91A2B3C5, s6;
	s23 =	sshra.s32 s6, $0x1F;
	[smem:$0x7D2] =	sst s0  }
0x28e: {  	v53 =	vld [tilespmem:$0x950];
	v19 =	vsel vm4, v19, v48;
	s24 =	smul.u32 $0x91A2B3C5, s23;
	s25 =	spop (v2sf);
	s0 =	sadd.s32 s5, s1  }
0x28f: {  	v55 =	vld [tilespmem:$0x9D0];
	vm3 =	vgt.s32 v19, v49;
	s2 =	ssub.s32 s22, s6;
	s5 =	smulhi.u32 $0x91A2B3C5, s25;
	s6 =	sshra.s32 s25, $0x1F  }
0x290: {  	v54 =	vld [tilespmem:$0x160];
	v19 =	vsel vm3, v19, v49;
	(v2sf) =	vpush v18, $0x9;
	[smem:$0x7D5] =	sst s0;
	s0 =	sadd.s32 s24, s2;
	s22 =	smul.u32 $0x91A2B3C5, s6  }
0x291: {  	v27 =	vld [tilespmem:$0xA50];
	vm3 =	vgt.s32 v19, v50;
	s23 =	spop (v2sf);
	[smem:$0x7D7] =	sst s0  }
0x292: {  	v56 =	vld [tilespmem:$0x1E0];
	v19 =	vsel vm3, v19, v50;
	(v2sf) =	vpush v18, $0x8;
	s1 =	ssub.s32 s5, s25;
	s24 =	smulhi.u32 $0x91A2B3C5, s23;
	s25 =	sshra.s32 s23, $0x1F  }
0x293: {  	v58 =	vld [tilespmem:$0x260];
	vm4 =	vgt.s32 v51, v52;
	vm3 =	vgt.s32 v19, v53;
	s6 =	spop (v2sf);
	s5 =	smul.u32 $0x91A2B3C5, s25  }
0x294: {  	v59 =	vld [tilespmem:$0xAD0];
	v57 =	vsel vm4, v51, v52;
	v19 =	vsel vm3, v19, v53;
	s0 =	sadd.s32 s22, s1;
	s22 =	smulhi.u32 $0x91A2B3C5, s6;
	s2 =	ssub.s32 s24, s23  }
0x295: {  	v61 =	vld [tilespmem:$0xB50];
	vm4 =	vgt.s32 v57, v54;
	vm3 =	vgt.s32 v19, v55;
	(v2sf) =	vpush v18, $0xA;
	[smem:$0x7DA] =	sst s0;
	s23 =	sshra.s32 s6, $0x1F;
	s0 =	sadd.s32 s5, s2  }
0x296: {  	v60 =	vld [tilespmem:$0x2E0];
	v20 =	vsel vm4, v57, v54;
	v19 =	vsel vm3, v19, v55;
	(v2sf) =	vpush v18, $0xB;
	s24 =	smul.u32 $0x91A2B3C5, s23;
	s1 =	ssub.s32 s22, s6;
	s25 =	spop (v2sf)  }
0x297: {  	v62 =	vld [tilespmem:$0x360];
	vm4 =	vgt.s32 v20, v56;
	vm3 =	vgt.s32 v19, v27;
	[smem:$0x7DC] =	sst s0;
	s5 =	smulhi.u32 $0x91A2B3C5, s25;
	s6 =	sshra.s32 s25, $0x1F  }
0x298: {  	v63 =	vld [tilespmem:$0xBD0];
	v20 =	vsel vm4, v20, v56;
	v19 =	vsel vm3, v19, v27;
	s0 =	sadd.s32 s24, s1;
	s23 =	spop (v2sf);
	s22 =	smul.u32 $0x91A2B3C5, s6  }
0x299: {  	v30 =	vld [tilespmem:$0x3E0];
	vm4 =	vgt.s32 v20, v58;
	vm3 =	vgt.s32 v19, v59;
	[smem:$0x7DD] =	sst s0;
	s24 =	smulhi.u32 $0x91A2B3C5, s23  }
0x29a: {  	v31 =	vld [tilespmem:$0xC50];
	v20 =	vsel vm4, v20, v58;
	v19 =	vsel vm3, v19, v59;
	s6 =	spop (v2sf);
	s2 =	ssub.s32 s5, s25;
	s25 =	sshra.s32 s23, $0x1F  }
0x29b: {  	v32 =	vld [tilespmem:$0x460];
	vm4 =	vgt.s32 v20, v60;
	vm3 =	vgt.s32 v19, v61;
	(v2sf) =	vpush v18, $0x1;
	s0 =	sadd.s32 s22, s2;
	s5 =	smul.u32 $0x91A2B3C5, s25;
	s1 =	ssub.s32 s24, s23  }
0x29c: {  	v33 =	vld [tilespmem:$0xCD0];
	v20 =	vsel vm4, v20, v60;
	v19 =	vsel vm3, v19, v61;
	s22 =	smulhi.u32 $0x91A2B3C5, s6;
	s23 =	sshra.s32 s6, $0x1F;
	s25 =	spop (v2sf)  }
0x29d: {  	v34 =	vld [tilespmem:$0x4E0];
	vm4 =	vgt.s32 v20, v62;
	vm3 =	vgt.s32 v19, v63;
	(v2sf) =	vpush v18, $0x0;
	[smem:$0x7E0] =	sst s0;
	s24 =	smul.u32 $0x91A2B3C5, s23;
	s0 =	sadd.s32 s5, s1  }
0x29e: {  	v35 =	vld [tilespmem:$0xD50];
	v20 =	vsel vm4, v20, v62;
	v19 =	vsel vm3, v19, v63;
	s2 =	ssub.s32 s22, s6;
	s5 =	smulhi.u32 $0x91A2B3C5, s25;
	s6 =	sshra.s32 s25, $0x1F  }
0x29f: {  	v36 =	vld [tilespmem:$0x560];
	vm4 =	vgt.s32 v20, v30;
	vm3 =	vgt.s32 v19, v31;
	(v2sf) =	vpush v18, $0x2;
	s23 =	spop (v2sf);
	s22 =	smul.u32 $0x91A2B3C5, s6  }
0x2a0: {  	v37 =	vld [tilespmem:$0xDD0];
	v20 =	vsel vm4, v20, v30;
	v19 =	vsel vm3, v19, v31;
	[smem:$0x7DE] =	sst s0;
	s0 =	sadd.s32 s24, s2;
	s24 =	smulhi.u32 $0x91A2B3C5, s23  }
0x2a1: {  	v38 =	vld [tilespmem:$0x5E0];
	vm4 =	vgt.s32 v20, v32;
	vm3 =	vgt.s32 v19, v33;
	(v2sf) =	vpush v18, $0x3;
	s6 =	spop (v2sf);
	s1 =	ssub.s32 s5, s25;
	s25 =	sshra.s32 s23, $0x1F  }
0x2a2: {  	v39 =	vld [tilespmem:$0xE50];
	v20 =	vsel vm4, v20, v32;
	v19 =	vsel vm3, v19, v33;
	[smem:$0x7E1] =	sst s0;
	s5 =	smul.u32 $0x91A2B3C5, s25  }
0x2a3: {  	v40 =	vld [tilespmem:$0x660];
	vm4 =	vgt.s32 v20, v34;
	vm3 =	vgt.s32 v19, v35;
	s0 =	sadd.s32 s22, s1;
	s2 =	ssub.s32 s24, s23;
	s22 =	smulhi.u32 $0x91A2B3C5, s6  }
0x2a4: {  	v41 =	vld [tilespmem:$0xED0];
	v20 =	vsel vm4, v20, v34;
	v19 =	vsel vm3, v19, v35;
	(v2sf) =	vpush v18, $0x4;
	s23 =	sshra.s32 s6, $0x1F;
	s25 =	spop (v2sf);
	[smem:$0x7E7] =	sst s0  }
0x2a5: {  	v42 =	vld [tilespmem:$0x6E0];
	vm4 =	vgt.s32 v20, v36;
	vm3 =	vgt.s32 v19, v37;
	s24 =	smul.u32 $0x91A2B3C5, s23;
	s23 =	spop (v2sf);
	s0 =	sadd.s32 s5, s2  }
0x2a6: {  	v43 =	vld [tilespmem:$0xF50];
	v20 =	vsel vm4, v20, v36;
	v19 =	vsel vm3, v19, v37;
	(v2sf) =	vpush v18, $0x5;
	s1 =	ssub.s32 s22, s6;
	s5 =	smulhi.u32 $0x91A2B3C5, s25;
	s6 =	sshra.s32 s25, $0x1F  }
0x2a7: {  	v44 =	vld [tilespmem:$0x760];
	vm4 =	vgt.s32 v20, v38;
	vm3 =	vgt.s32 v19, v39;
	[smem:$0x7E5] =	sst s0;
	s22 =	smul.u32 $0x91A2B3C5, s6  }
0x2a8: {  	v45 =	vld [tilespmem:$0xFD0];
	v20 =	vsel vm4, v20, v38;
	v19 =	vsel vm3, v19, v39;
	s0 =	sadd.s32 s24, s1;
	s24 =	smulhi.u32 $0x91A2B3C5, s23;
	s2 =	ssub.s32 s5, s25  }
0x2a9: {  	vm4 =	vgt.s32 v20, v40;
	(v2sf) =	vpush v18, $0x6;
	vm3 =	vgt.s32 v19, v41;
	[smem:$0x7E3] =	sst s0;
	s25 =	sshra.s32 s23, $0x1F;
	s0 =	sadd.s32 s22, s2  }
0x2aa: {  	v46 =	vld [tilespmem:$0x7E0];
	v20 =	vsel vm4, v20, v40;
	(v2sf) =	vpush v18, $0x7;
	v19 =	vsel vm3, v19, v41;
	s5 =	smul.u32 $0x91A2B3C5, s25;
	s1 =	ssub.s32 s24, s23;
	s6 =	spop (v2sf)  }
0x2ab: {  	vm4 =	vgt.s32 v20, v42;
	vm3 =	vgt.s32 v19, v43;
	[smem:$0x7E8] =	sst s0;
	s22 =	smulhi.u32 $0x91A2B3C5, s6;
	s23 =	sshra.s32 s6, $0x1F  }
0x2ac: {  	v47 =	vld [tilespmem:$0x860];
	v20 =	vsel vm4, v20, v42;
	v19 =	vsel vm3, v19, v43;
	s0 =	sadd.s32 s5, s1;
	s25 =	spop (v2sf);
	s24 =	smul.u32 $0x91A2B3C5, s23  }
0x2ad: {  	vm4 =	vgt.s32 v20, v44;
	vm3 =	vgt.s32 v19, v45;
	[smem:$0x7EA] =	sst s0;
	s5 =	smulhi.u32 $0x91A2B3C5, s25  }
0x2ae: {  	v48 =	vld [tilespmem:$0x8E0];
	v20 =	vsel vm4, v20, v44;
	v19 =	vsel vm3, v19, v45;
	s23 =	spop (v2sf);
	s2 =	ssub.s32 s22, s6;
	s6 =	sshra.s32 s25, $0x1F  }
0x2af: {  	v51 =	vld [tilespmem:$0x960];
	vm4 =	vgt.s32 v20, v46;
	(v2sf) =	vpush v19, $0xD;
	s0 =	sadd.s32 s24, s2;
	s22 =	smul.u32 $0x91A2B3C5, s6;
	s1 =	ssub.s32 s5, s25  }
0x2b0: {  	v49 =	vld [tilespmem:$0x70];
	v20 =	vsel vm4, v20, v46;
	s24 =	smulhi.u32 $0x91A2B3C5, s23;
	s25 =	sshra.s32 s23, $0x1F;
	s6 =	spop (v2sf)  }
0x2b1: {  	v50 =	vld [tilespmem:$0xF0];
	vm3 =	vgt.s32 v20, v47;
	(v2sf) =	vpush v19, $0xC;
	[smem:$0x7E2] =	sst s0;
	s5 =	smul.u32 $0x91A2B3C5, s25;
	s0 =	sadd.s32 s22, s1  }
0x2b2: {  	v53 =	vld [tilespmem:$0x9E0];
	v20 =	vsel vm3, v20, v47;
	s2 =	ssub.s32 s24, s23;
	s22 =	smulhi.u32 $0x91A2B3C5, s6;
	s23 =	sshra.s32 s6, $0x1F  }
0x2b3: {  	v28 =	vld [tilespmem:$0xA60];
	vm3 =	vgt.s32 v20, v48;
	s25 =	spop (v2sf);
	s24 =	smul.u32 $0x91A2B3C5, s23  }
0x2b4: {  	v52 =	vld [tilespmem:$0x170];
	v20 =	vsel vm3, v20, v48;
	(v2sf) =	vpush v19, $0xE;
	[smem:$0x7DF] =	sst s0;
	s0 =	sadd.s32 s5, s2;
	s5 =	smulhi.u32 $0x91A2B3C5, s25  }
0x2b5: {  	v54 =	vld [tilespmem:$0x1F0];
	vm3 =	vgt.s32 v20, v51;
	(v2sf) =	vpush v19, $0xF;
	s23 =	spop (v2sf);
	s1 =	ssub.s32 s22, s6;
	s6 =	sshra.s32 s25, $0x1F  }
0x2b6: {  	v57 =	vld [tilespmem:$0xAE0];
	v20 =	vsel vm3, v20, v51;
	[smem:$0x7E4] =	sst s0;
	s22 =	smul.u32 $0x91A2B3C5, s6  }
0x2b7: {  	v56 =	vld [tilespmem:$0x270];
	vm4 =	vgt.s32 v49, v50;
	(v2sf) =	vpush v19, $0x9;
	vm3 =	vgt.s32 v20, v53;
	s0 =	sadd.s32 s24, s1;
	s2 =	ssub.s32 s5, s25;
	s24 =	smulhi.u32 $0x91A2B3C5, s23  }
0x2b8: {  	v59 =	vld [tilespmem:$0xB60];
	v55 =	vsel vm4, v49, v50;
	v20 =	vsel vm3, v20, v53;
	s25 =	sshra.s32 s23, $0x1F;
	s6 =	spop (v2sf);
	[smem:$0x7E6] =	sst s0  }
0x2b9: {  	vm4 =	vgt.s32 v55, v52;
	vm3 =	vgt.s32 v20, v28;
	s5 =	smul.u32 $0x91A2B3C5, s25;
	s25 =	spop (v2sf);
	s0 =	sadd.s32 s22, s2  }
0x2ba: {  	v61 =	vld [tilespmem:$0xBE0];
	v21 =	vsel vm4, v55, v52;
	(v2sf) =	vpush v19, $0x8;
	v20 =	vsel vm3, v20, v28;
	s1 =	ssub.s32 s24, s23;
	s22 =	smulhi.u32 $0x91A2B3C5, s6;
	s23 =	sshra.s32 s6, $0x1F  }
0x2bb: {  	vm4 =	vgt.s32 v21, v54;
	vm3 =	vgt.s32 v20, v57;
	[smem:$0x7E9] =	sst s0;
	s24 =	smul.u32 $0x91A2B3C5, s23  }
0x2bc: {  	v63 =	vld [tilespmem:$0xC60];
	v21 =	vsel vm4, v21, v54;
	(v2sf) =	vpush v19, $0xA;
	v20 =	vsel vm3, v20, v57;
	s0 =	sadd.s32 s5, s1;
	s5 =	smulhi.u32 $0x91A2B3C5, s25;
	s2 =	ssub.s32 s22, s6  }
0x2bd: {  	vm4 =	vgt.s32 v21, v56;
	v53 =	vmov s8;
	vm3 =	vgt.s32 v20, v59;
	[smem:$0x7EB] =	sst s0;
	s6 =	sshra.s32 s25, $0x1F;
	s0 =	sadd.s32 s24, s2  }
0x2be: {  	v21 =	vsel vm4, v21, v56;
	v25 =	vsel vm8, s7, v53;
	v20 =	vsel vm3, v20, v59;
	s22 =	smul.u32 $0x91A2B3C5, s6;
	s1 =	ssub.s32 s5, s25;
	s23 =	spop (v2sf)  }
0x2bf: {  	v58 =	vld [tilespmem:$0x2F0];
	v56 =	vmov s18;
	v55 =	vsel vm9, s9, v25;
	vm3 =	vgt.s32 v20, v61;
	[smem:$0x7EC] =	sst s0;
	s24 =	smulhi.u32 $0x91A2B3C5, s23;
	s25 =	sshra.s32 s23, $0x1F  }
0x2c0: {  	v33 =	vld [tilespmem:$0xCE0];
	v25 =	vsel vm8, s11, v56;
	(v2sf) =	vpush v19, $0xB;
	v20 =	vsel vm3, v20, v61;
	s0 =	sadd.s32 s22, s1;
	s5 =	spop (v2sf);
	s4 =	smul.u32 $0x91A2B3C5, s25  }
0x2c1: {  	v60 =	vld [tilespmem:$0x370];
	v25 =	vsel vm9, s13, v25;
	vm3 =	vgt.s32 v20, v63;
	[smem:$0x7ED] =	sst s0;
	s6 =	smulhi.u32 $0x91A2B3C5, s5;
	s22 =	sshra.s32 s5, $0x1F  }
0x2c2: {  	v35 =	vld [tilespmem:$0xD60];
	(v2sf) =	vpush v19, $0x1;
	v20 =	vsel vm3, v20, v63;
	v63 =	vsel vm10, s12, v25;
	s12 =	sld [smem:$0x7BE];
	s2 =	ssub.s32 s24, s23;
	s23 =	smul.u32 $0x91A2B3C5, s22  }
0x2c3: {  	v62 =	vld [tilespmem:$0x3F0];
	s24 =	spop (v2sf);
	s0 =	sadd.s32 s4, s2;
	s1 =	ssub.s32 s6, s5  }
0x2c4: {  	v37 =	vld [tilespmem:$0xDE0];
	(v2sf) =	vpush v19, $0x0;
	s25 =	smulhi.u32 $0x91A2B3C5, s24;
	s5 =	sshra.s32 s24, $0x1F;
	s22 =	spop (v2sf)  }
0x2c5: {  	v32 =	vld [tilespmem:$0x470];
	vm4 =	vgt.s32 v21, v58;
	vm3 =	vgt.s32 v20, v33;
	[smem:$0x7EF] =	sst s0;
	s6 =	smul.u32 $0x91A2B3C5, s5  }
0x2c6: {  	v39 =	vld [tilespmem:$0xE60];
	v21 =	vsel vm4, v21, v58;
	v20 =	vsel vm3, v20, v33;
	(v2sf) =	vpush v19, $0x2;
	s0 =	sadd.s32 s23, s1;
	s23 =	smulhi.u32 $0x91A2B3C5, s22;
	s1 =	spop (v2sf)  }
0x2c7: {  	v34 =	vld [tilespmem:$0x4F0];
	vm4 =	vgt.s32 v21, v60;
	vm3 =	vgt.s32 v20, v35;
	s2 =	ssub.s32 s25, s24;
	s24 =	sshra.s32 s22, $0x1F;
	s4 =	smulhi.u32 $0x91A2B3C5, s1  }
0x2c8: {  	v41 =	vld [tilespmem:$0xEE0];
	v21 =	vsel vm4, v21, v60;
	(v2sf) =	vpush v19, $0x3;
	v20 =	vsel vm3, v20, v35;
	[smem:$0x7EE] =	sst s0;
	s0 =	sadd.s32 s6, s2;
	s25 =	smul.u32 $0x91A2B3C5, s24  }
0x2c9: {  	v36 =	vld [tilespmem:$0x570];
	vm4 =	vgt.s32 v21, v62;
	vm3 =	vgt.s32 v20, v37;
	s3 =	ssub.s32 s23, s22;
	s22 =	sshra.s32 s1, $0x1F;
	s24 =	spop (v2sf)  }
0x2ca: {  	v43 =	vld [tilespmem:$0xF60];
	v21 =	vsel vm4, v21, v62;
	(v2sf) =	vpush v19, $0x4;
	v20 =	vsel vm3, v20, v37;
	[smem:$0x7F1] =	sst s0;
	s23 =	smul.u32 $0x91A2B3C5, s22;
	s2 =	ssub.s32 s4, s1  }
0x2cb: {  	v38 =	vld [tilespmem:$0x5F0];
	vm4 =	vgt.s32 v21, v32;
	vm3 =	vgt.s32 v20, v39;
	s4 =	spop (v2sf);
	s0 =	sadd.s32 s25, s3;
	s25 =	smulhi.u32 $0x91A2B3C5, s24  }
0x2cc: {  	v45 =	vld [tilespmem:$0xFE0];
	v21 =	vsel vm4, v21, v32;
	(v2sf) =	vpush v19, $0x5;
	s1 =	sshra.s32 s24, $0x1F;
	v20 =	vsel vm3, v20, v39;
	s22 =	smulhi.u32 $0x91A2B3C5, s4;
	[smem:$0x7F3] =	sst s0  }
0x2cd: {  	vm4 =	vgt.s32 v21, v34;
	vm3 =	vgt.s32 v20, v41;
	s0 =	sadd.s32 s23, s2;
	s2 =	smul.u32 $0x91A2B3C5, s1;
	s23 =	sshra.s32 s4, $0x1F  }
0x2ce: {  	v40 =	vld [tilespmem:$0x670];
	v21 =	vsel vm4, v21, v34;
	(v2sf) =	vpush v19, $0x6;
	[smem:$0x7F2] =	sst s0;
	v20 =	vsel vm3, v20, v41;
	s3 =	ssub.s32 s25, s24;
	s24 =	smul.u32 $0x91A2B3C5, s23  }
0x2cf: {  	vm4 =	vgt.s32 v21, v36;
	s25 =	spop (v2sf);
	vm3 =	vgt.s32 v20, v43;
	s0 =	sadd.s32 s2, s3;
	s2 =	ssub.s32 s22, s4  }
0x2d0: {  	v42 =	vld [tilespmem:$0x6F0];
	v21 =	vsel vm4, v21, v36;
	(v2sf) =	vpush v19, $0x7;
	s1 =	smulhi.u32 $0x91A2B3C5, s25;
	s22 =	sshra.s32 s25, $0x1F;
	[smem:$0x7F0] =	sst s0;
	v20 =	vsel vm3, v20, v43  }
0x2d1: {  	vm4 =	vgt.s32 v21, v38;
	s4 =	sadd.s32 s24, s2;
	s23 =	smul.u32 $0x91A2B3C5, s22;
	vm3 =	vgt.s32 v20, v45;
	s24 =	spop (v2sf)  }
0x2d2: {  	v44 =	vld [tilespmem:$0x770];
	v58 =	vmov s21;
	v21 =	vsel vm4, v21, v38;
	s3 =	ssub.s32 s1, s25;
	v20 =	vsel vm3, v20, v45;
	s25 =	smulhi.u32 $0x91A2B3C5, s24;
	s1 =	sshra.s32 s24, $0x1F  }
0x2d3: {  	v27 =	vnsel vm5, $0x0, v58;
	vm4 =	vgt.s32 v21, v40;
	s0 =	sadd.s32 s23, s3;
	(v2sf) =	vpush v20, $0xD;
	s23 =	spop (v2sf);
	s22 =	smul.u32 $0x91A2B3C5, s1  }
0x2d4: {  	v60 =	vsel vm8, s19, v27;
	v21 =	vsel vm4, v21, v40;
	s1 =	sshra.s32 s23, $0x1F;
	s2 =	ssub.s32 s25, s24;
	s24 =	smulhi.u32 $0x91A2B3C5, s23  }
0x2d5: {  	v24 =	vsel vm9, s20, v60;
	vm4 =	vgt.s32 v21, v42;
	(v2sf) =	vpush v20, $0xC;
	s6 =	smul.u32 $0x91A2B3C5, s1;
	s25 =	sadd.s32 s22, s2;
	s22 =	spop (v2sf)  }
0x2d6: {  	v62 =	vsel vm10, s26, v24;
	v21 =	vsel vm4, v21, v42;
	s3 =	ssub.s32 s24, s23;
	s24 =	smulhi.u32 $0x91A2B3C5, s22;
	s1 =	sshra.s32 s22, $0x1F  }
0x2d7: {  	v42 =	vsel vm6, s28, v62;
	vm4 =	vgt.s32 v21, v44;
	s23 =	sadd.s32 s6, s3;
	s6 =	smul.u32 $0x91A2B3C5, s1;
	s3 =	spop (v2sf)  }
0x2d8: {  	v21 =	vsel vm4, v21, v44;
	v44 =	vsel vm7, s30, v42;
	s30 =	sld [smem:$0x7C0];
	(v2sf) =	vpush v20, $0xE;
	s5 =	smulhi.u32 $0x91A2B3C5, s3;
	s8 =	sshra.s32 s3, $0x1F  }
0x2d9: {  	s2 =	ssub.s32 s24, s22;
	s1 =	spop (v2sf);
	s22 =	smul.u32 $0x91A2B3C5, s8  }
0x2da: {  	(v2sf) =	vpush v20, $0xF;
	s24 =	sadd.s32 s6, s2;
	s7 =	smulhi.u32 $0x91A2B3C5, s1;
	s8 =	sshra.s32 s1, $0x1F  }
0x2db: {  	v22 =	vsel vm10, s10, v55;
	s10 =	spop (v2sf);
	s3 =	ssub.s32 s5, s3;
	s9 =	smul.u32 $0x91A2B3C5, s8  }
0x2dc: {  	s18 =	smulhi.u32 $0x91A2B3C5, s10;
	s2 =	ssub.s32 s7, s1;
	s1 =	sshra.s32 s10, $0x1F  }
0x2dd: {  	s22 =	sadd.s32 s22, s3;
	s7 =	spop (v2sf);
	s6 =	smul.u32 $0x91A2B3C5, s1  }
0x2de: {  	v46 =	vld [tilespmem:$0x7F0];
	s21 =	sadd.s32 s9, s2;
	s8 =	smulhi.u32 $0x91A2B3C5, s7;
	s9 =	sshra.s32 s7, $0x1F  }
0x2df: {  	(v2sf) =	vpush v20, $0x9;
	s3 =	ssub.s32 s18, s10;
	s11 =	spop (v2sf);
	s10 =	smul.u32 $0x91A2B3C5, s9  }
0x2e0: {  	v47 =	vld [tilespmem:$0x870];
	[smem:$0x7F4] =	sst s0;
	s13 =	smulhi.u32 $0x91A2B3C5, s11  }
0x2e1: {  	(v2sf) =	vpush v20, $0x8;
	s18 =	sshra.s32 s11, $0x1F;
	s9 =	sld [smem:$0x7BD];
	s20 =	sadd.s32 s6, s3  }
0x2e2: {  	v48 =	vld [tilespmem:$0x8F0];
	s2 =	ssub.s32 s8, s7;
	s26 =	smul.u32 $0x91A2B3C5, s18;
	s28 =	spop (v2sf)  }
0x2e3: {  	vm4 =	vgt.s32 v21, v46;
	s19 =	sadd.s32 s10, s2;
	s1 =	smulhi.u32 $0x91A2B3C5, s28;
	s8 =	sshra.s32 s28, $0x1F  }
0x2e4: {  	v49 =	vld [tilespmem:$0x970];
	v21 =	vsel vm4, v21, v46;
	s3 =	ssub.s32 s13, s11;
	s11 =	spop (v2sf);
	s10 =	smul.u32 $0x91A2B3C5, s8  }
0x2e5: {  	vm3 =	vgt.s32 v21, v47;
	(v2sf) =	vpush v20, $0xA;
	s7 =	sld [smem:$0x7C1];
	s18 =	sadd.s32 s26, s3;
	s13 =	smulhi.u32 $0x91A2B3C5, s11  }
0x2e6: {  	v50 =	vld [tilespmem:$0x9F0];
	v21 =	vsel vm3, v21, v47;
	v45 =	vmov s9;
	s26 =	sshra.s32 s11, $0x1F;
	s2 =	ssub.s32 s1, s28;
	s28 =	sld [smem:$0x7BF]  }
0x2e7: {  	v23 =	vsel vm14, s31, v44;
	vm3 =	vgt.s32 v21, v48;
	v29 =	vsel vm8, s12, v45;
	s31 =	smul.u32 $0x91A2B3C5, s26;
	s1 =	spop (v2sf);
	s12 =	sadd.s32 s10, s2  }
0x2e8: {  	v21 =	vsel vm3, v21, v48;
	s3 =	ssub.s32 s13, s11;
	s8 =	smulhi.u32 $0x91A2B3C5, s1;
	s10 =	sld [smem:$0x7C2]  }
0x2e9: {  	v51 =	vld [tilespmem:$0xA70];
	vm3 =	vgt.s32 v21, v49;
	(v2sf) =	vpush v20, $0xB;
	s9 =	sshra.s32 s1, $0x1F;
	s11 =	sld [smem:$0x7C3];
	s26 =	spop (v2sf)  }
0x2ea: {  	v21 =	vsel vm3, v21, v49;
	s13 =	smul.u32 $0x91A2B3C5, s9;
	s9 =	sld [smem:$0x7C6]  }
0x2eb: {  	vm3 =	vgt.s32 v21, v50;
	v48 =	vsel vm9, s30, v29;
	s30 =	sshra.s32 s26, $0x1F;
	s2 =	ssub.s32 s8, s1;
	s1 =	sld [smem:$0x7C5]  }
0x2ec: {  	v52 =	vld [tilespmem:$0xAF0];
	v47 =	vsel vm15, s28, v23;
	v23 =	vsel vm10, s7, v48;
	s28 =	smulhi.u32 $0x91A2B3C5, s26;
	s7 =	sld [smem:$0x7C9];
	v30 =	vmov s11;
	s11 =	sadd.s32 s31, s3  }
0x2ed: {  	v21 =	vsel vm3, v21, v50;
	(v2sf) =	vpush v20, $0x1;
	v50 =	vmov s10;
	s31 =	sld [smem:$0x7C4];
	s10 =	sadd.s32 s13, s2;
	s2 =	smul.u32 $0x91A2B3C5, s30  }
0x2ee: {  	v54 =	vld [tilespmem:$0xB70];
	vm3 =	vgt.s32 v21, v51;
	s8 =	spop (v2sf);
	s30 =	sld [smem:$0x7C8];
	s3 =	ssub.s32 s28, s26  }
0x2ef: {  	v21 =	vsel vm3, v21, v51;
	s13 =	smulhi.u32 $0x91A2B3C5, s8;
	v51 =	vnsel vm5, $0x0, v30;
	s28 =	sld [smem:$0x7C7];
	s0 =	sadd.s32 s2, s3  }
0x2f0: {  	(v2sf) =	vpush v20, $0x0;
	s26 =	sshra.s32 s8, $0x1F;
	v27 =	vsel vm8, s1, v51;
	s1 =	spop (v2sf);
	[smem:$0x7F5] =	sst s0  }
0x2f1: {  	vm3 =	vgt.s32 v21, v52;
	s2 =	ssub.s32 s13, s8;
	v29 =	vsel vm8, s31, v50;
	s31 =	smul.u32 $0x91A2B3C5, s26;
	s26 =	sld [smem:$0x7CA]  }
0x2f2: {  	v21 =	vsel vm3, v21, v52;
	v27 =	vsel vm9, s9, v27;
	s8 =	smulhi.u32 $0x91A2B3C5, s1;
	s13 =	sshra.s32 s1, $0x1F;
	v29 =	vsel vm9, s28, v29;
	s28 =	sld [smem:$0x7CB]  }
0x2f3: {  	vm3 =	vgt.s32 v21, v54;
	v27 =	vsel vm10, s30, v27;
	s30 =	smul.u32 $0x91A2B3C5, s13;
	s9 =	sadd.s32 s31, s2;
	s31 =	sld [smem:$0x7CC]  }
0x2f4: {  	v57 =	vld [tilespmem:$0xBF0];
	v21 =	vsel vm3, v21, v54;
	v54 =	vsel vm6, s7, v27;
	s2 =	spop (v2sf);
	s3 =	ssub.s32 s8, s1;
	v55 =	vsel vm10, s26, v29;
	s26 =	sld [smem:$0x7CD]  }
0x2f5: {  	s1 =	smulhi.u32 $0x91A2B3C5, s2;
	s13 =	sshra.s32 s2, $0x1F;
	v26 =	vsel vm7, s28, v54;
	s28 =	sld [smem:$0x7CE]  }
0x2f6: {  	s8 =	sadd.s32 s30, s3;
	s30 =	smul.u32 $0x91A2B3C5, s13;
	s13 =	sld [smem:$0x7CF];
	v26 =	vsel vm14, s31, v26  }
0x2f7: {  	s2 =	ssub.s32 s1, s2;
	v26 =	vsel vm15, s26, v26;
	s26 =	sld [smem:$0x7D0]  }
0x2f8: {  	s3 =	spop (v2sf);
	s7 =	sadd.s32 s30, s2;
	s30 =	sld [smem:$0x7D2]  }
0x2f9: {  	v59 =	vld [tilespmem:$0xC70];
	vm3 =	vgt.s32 v21, v57;
	s31 =	smulhi.u32 $0x91A2B3C5, s3;
	s1 =	sshra.s32 s3, $0x1F;
	v56 =	vmov s28;
	s28 =	sld [smem:$0x7D1]  }
0x2fa: {  	v21 =	vsel vm3, v21, v57;
	s0 =	smul.u32 $0x91A2B3C5, s1;
	s1 =	sld [smem:$0x7D3];
	v57 =	vnsel vm5, $0x0, v56  }
0x2fb: {  	v61 =	vld [tilespmem:$0xCF0];
	(v2sf) =	vpush v20, $0x2;
	v58 =	vmov s13;
	v28 =	vsel vm8, s26, v57;
	s26 =	sld [smem:$0x7D4]  }
0x2fc: {  	s2 =	spop (v2sf);
	s3 =	ssub.s32 s31, s3;
	v29 =	vsel vm8, s28, v58;
	s28 =	sld [smem:$0x7D5]  }
0x2fd: {  	v43 =	vld [tilespmem:$0xD70];
	s5 =	smulhi.u32 $0x91A2B3C5, s2;
	s31 =	sshra.s32 s2, $0x1F;
	v28 =	vsel vm9, s30, v28;
	s30 =	sld [smem:$0x7D6]  }
0x2fe: {  	vm3 =	vgt.s32 v21, v59;
	(v2sf) =	vpush v20, $0x3;
	s13 =	sadd.s32 s0, s3;
	s0 =	smul.u32 $0x91A2B3C5, s31;
	s31 =	sld [smem:$0x7D7]  }
0x2ff: {  	v46 =	vld [tilespmem:$0xDF0];
	v21 =	vsel vm3, v21, v59;
	s3 =	spop (v2sf);
	v59 =	vmov s26;
	v28 =	vsel vm10, s28, v28;
	s28 =	sld [smem:$0x7D9]  }
0x300: {  	vm3 =	vgt.s32 v21, v61;
	s2 =	ssub.s32 s5, s2;
	v29 =	vsel vm9, s1, v29;
	s1 =	sshra.s32 s3, $0x1F;
	v30 =	vsel vm8, s30, v59;
	s30 =	sld [smem:$0x7DA]  }
0x301: {  	v49 =	vld [tilespmem:$0xE70];
	v21 =	vsel vm3, v21, v61;
	(v2sf) =	vpush v20, $0x4;
	s5 =	sadd.s32 s0, s2;
	s0 =	smul.u32 $0x91A2B3C5, s1;
	s1 =	sld [smem:$0x7DB]  }
0x302: {  	vm3 =	vgt.s32 v21, v43;
	v28 =	vsel vm6, s31, v28;
	v30 =	vsel vm9, s28, v30;
	s28 =	sld [smem:$0x7DC]  }
0x303: {  	v31 =	vld [tilespmem:$0xEF0];
	v21 =	vsel vm3, v21, v43;
	v28 =	vsel vm7, s30, v28;
	s30 =	sld [smem:$0x7DD]  }
0x304: {  	vm3 =	vgt.s32 v21, v46;
	(v2sf) =	vpush v20, $0x5;
	v30 =	vsel vm10, s1, v30;
	s1 =	sld [smem:$0x7DE]  }
0x305: {  	v21 =	vsel vm3, v21, v46;
	v28 =	vsel vm14, s28, v28;
	s28 =	sld [smem:$0x7DF]  }
0x306: {  	vm3 =	vgt.s32 v21, v49;
	(v2sf) =	vpush v20, $0x6;
	v28 =	vsel vm15, s30, v28;
	s30 =	sld [smem:$0x7E0]  }
0x307: {  	v21 =	vsel vm3, v21, v49;
	v60 =	vmov s1;
	s1 =	sld [smem:$0x7E1]  }
0x308: {  	s6 =	smov.u32 s17;
	vm3 =	vgt.s32 v21, v31;
	s17 =	smulhi.u32 $0x91A2B3C5, s3;
	v32 =	vmov s28;
	s28 =	sld [smem:$0x7E2]  }
0x309: {  	v21 =	vsel vm3, v21, v31;
	v31 =	vsel vm8, s30, v60  }
0x30a: {  	v52 =	vld [tilespmem:$0xF70];
	s2 =	spop (v2sf);
	s3 =	ssub.s32 s17, s3;
	v32 =	vnsel vm5, $0x0, v32;
	v31 =	vsel vm9, s1, v31;
	s1 =	sld [smem:$0x7E3]  }
0x30b: {  	s17 =	smulhi.u32 $0x91A2B3C5, s2;
	s31 =	sshra.s32 s2, $0x1F;
	v32 =	vsel vm8, s28, v32;
	s28 =	sld [smem:$0x7E4]  }
0x30c: {  	v53 =	vld [tilespmem:$0xFF0];
	s26 =	sld [smem:$0x7D8];
	s0 =	sadd.s32 s0, s3;
	s3 =	smul.u32 $0x91A2B3C5, s31  }
0x30d: {  	s2 =	ssub.s32 s17, s2;
	s31 =	spop (v2sf);
	v33 =	vmov s1;
	s1 =	sld [smem:$0x7E5]  }
0x30e: {  	s17 =	smulhi.u32 $0x91A2B3C5, s31;
	s30 =	sshra.s32 s31, $0x1F;
	v32 =	vsel vm9, s28, v32;
	s28 =	sld [smem:$0x7E6]  }
0x30f: {  	vm3 =	vgt.s32 v21, v52;
	s3 =	sadd.s32 s3, s2;
	s2 =	smul.u32 $0x91A2B3C5, s30  }
0x310: {  	v21 =	vsel vm3, v21, v52;
	(v2sf) =	vpush v20, $0x7;
	s17 =	ssub.s32 s17, s31;
	s30 =	spop (v2sf);
	v33 =	vsel vm8, s1, v33;
	s1 =	sld [smem:$0x7E7]  }
0x311: {  	vm3 =	vgt.s32 v21, v53;
	v29 =	vsel vm10, s26, v29;
	s31 =	smulhi.u32 $0x91A2B3C5, s30;
	s26 =	sshra.s32 s30, $0x1F;
	v32 =	vsel vm10, s28, v32;
	s28 =	sld [smem:$0x7E9]  }
0x312: {  	v21 =	vsel vm3, v21, v53;
	s2 =	sadd.s32 s2, s17;
	s17 =	smul.u32 $0x91A2B3C5, s26  }
0x313: {  	(v2sf) =	vpush v21, $0xD;
	s26 =	spop (v2sf);
	v31 =	vsel vm10, s1, v31;
	s1 =	sld [smem:$0x7E8]  }
0x314: {  	s30 =	ssub.s32 s31, s30;
	s31 =	smulhi.u32 $0x91A2B3C5, s26;
	v32 =	vsel vm6, s28, v32;
	s28 =	sshra.s32 s26, $0x1F  }
0x315: {  	v34 =	vmov s23;
	(v2sf) =	vpush v21, $0xC;
	s23 =	sadd.s32 s17, s30;
	s17 =	smul.u32 $0x91A2B3C5, s28;
	s28 =	spop (v2sf)  }
0x316: {  	v34 =	vnsel vm5, $0x0, v34;
	s26 =	ssub.s32 s31, s26;
	v33 =	vsel vm9, s1, v33;
	s1 =	sld [smem:$0x7EA];
	s31 =	sshra.s32 s28, $0x1F  }
0x317: {  	v34 =	vsel vm8, s25, v34;
	s25 =	sadd.s32 s17, s26;
	s17 =	smul.u32 $0x91A2B3C5, s31;
	s31 =	sld [smem:$0x7EE]  }
0x318: {  	(v2sf) =	vpush v21, $0xE  }
0x319: {  	v33 =	vsel vm10, s1, v33;
	s1 =	sld [smem:$0x7EB]  }
0x31a: {  	(v2sf) =	vpush v21, $0xF;
	v35 =	vmov s31;
	s31 =	sld [smem:$0x7EF]  }
0x31b: {  	s30 =	sld [smem:$0x7EC]  }
0x31c: {  	(v2sf) =	vpush v21, $0x9  }
0x31d: {  	(v2sf) =	vpush v21, $0x8;
	v32 =	vsel vm7, s1, v32;
	v35 =	vsel vm8, s31, v35;
	s31 =	sld [smem:$0x7F0]  }
0x31e: {  	(v2sf) =	vpush v21, $0xA;
	s1 =	sld [smem:$0x7ED];
	v32 =	vsel vm14, s30, v32;
	s30 =	smulhi.u32 $0x91A2B3C5, s28  }
0x31f: {  	v22 =	vcombine.low v63, v22;
	s26 =	spop (v2sf)  }
0x320: {  	v34 =	vsel vm9, s24, v34;
	(v2sf) =	vpush v21, $0xB;
	s24 =	ssub.s32 s30, s28;
	s30 =	sshra.s32 s26, $0x1F;
	v36 =	vmov s31;
	s31 =	sld [smem:$0x7F2]  }
0x321: {  	v34 =	vsel vm10, s22, v34;
	(v2sf) =	vpush v21, $0x1;
	v32 =	vsel vm15, s1, v32;
	s1 =	sadd.s32 s17, s24;
	s17 =	smul.u32 $0x91A2B3C5, s30;
	s30 =	sld [smem:$0x7F1]  }
0x322: {  	v22 =	vperm.xlane v22, v9;
	vm4 =	vlt.s32 v16, $0x0;
	v34 =	vsel vm6, s21, v34;
	s22 =	spop (v2sf);
	s28 =	smulhi.u32 $0x91A2B3C5, s26  }
0x323: {  	v34 =	vsel vm7, s20, v34;
	(v2sf) =	vpush v21, $0x0;
	s24 =	smulhi.u32 $0x91A2B3C5, s22;
	v36 =	vsel vm8, s31, v36;
	s31 =	sld [smem:$0x7F3]  }
0x324: {  	v25 =	vperm.xlane v47, v10;
	v37 =	vmov s11;
	s20 =	spop (v2sf);
	s26 =	ssub.s32 s28, s26;
	v35 =	vsel vm9, s30, v35;
	s30 =	sshra.s32 s22, $0x1F  }
0x325: {  	v34 =	vsel vm14, s19, v34;
	v37 =	vsel vm8, s12, v37;
	s28 =	ssub.s32 s24, s22;
	v36 =	vsel vm9, s4, v36;
	s4 =	sadd.s32 s17, s26;
	s26 =	smul.u32 $0x91A2B3C5, s30  }
0x326: {  	v22 =	vsel vm0, v25, v22;
	(v2sf) =	vpush v21, $0x2;
	s24 =	sld [smem:$0x7F4];
	s30 =	smulhi.u32 $0x91A2B3C5, s20;
	v35 =	vsel vm10, s31, v35;
	s31 =	sshra.s32 s20, $0x1F  }
0x327: {  	v34 =	vsel vm15, s18, v34;
	v37 =	vsel vm9, s10, v37;
	v22 =	vadd.s32 v15, v22;
	s11 =	sadd.s32 s26, s28;
	s28 =	spop (v2sf);
	s26 =	smul.u32 $0x91A2B3C5, s31  }
0x328: {  	s12 =	sld [smem:$0x7F5];
	v43 =	vshrl.u32 v22, $0x1F;
	v22 =	vshra.s32 v22, $0x13;
	(v2sf) =	vpush v21, $0x3;
	s31 =	smulhi.u32 $0x91A2B3C5, s28;
	s19 =	sshra.s32 s28, $0x1F  }
0x329: {  	v22 =	vadd.s32 v43, v22;
	v39 =	vmov s8;
	v23 =	vcombine.low v55, v23;
	s30 =	ssub.s32 s30, s20;
	s20 =	spop (v2sf);
	s21 =	smul.u32 $0x91A2B3C5, s19  }
0x32a: {  	v62 =	vsel vm8, s9, v39;
	v38 =	vmov s0;
	s17 =	smov.u32 s6;
	v36 =	vsel vm10, s24, v36;
	s22 =	smulhi.u32 $0x91A2B3C5, s20;
	s24 =	sshra.s32 s20, $0x1F  }
0x32b: {  	v23 =	vperm.xlane v23, v9;
	v61 =	vnsel vm5, $0x0, v38;
	(v2sf) =	vpush v21, $0x4;
	s18 =	spop (v2sf);
	s0 =	sadd.s32 s26, s30;
	s9 =	smul.u32 $0x91A2B3C5, s24  }
0x32c: {  	v26 =	vperm.xlane v26, v10;
	v38 =	vsel vm9, s7, v62;
	v24 =	vsel vm8, s5, v61;
	s26 =	ssub.s32 s31, s28;
	s28 =	spop (v2sf);
	s31 =	smulhi.u32 $0x91A2B3C5, s18  }
0x32d: {  	v38 =	vsel vm10, s13, v38;
	v24 =	vsel vm9, s3, v24;
	(v2sf) =	vpush v21, $0x5;
	s13 =	sshra.s32 s18, $0x1F;
	s10 =	spop (v2sf);
	s19 =	smulhi.u32 $0x91A2B3C5, s28  }
0x32e: {  	v22 =	vmul.u32 $0xE1000, v22;
	v37 =	vsel vm10, s12, v37;
	v24 =	vsel vm10, s2, v24;
	s5 =	ssub.s32 s22, s20;
	s6 =	smul.u32 $0x91A2B3C5, s13;
	s20 =	sshra.s32 s28, $0x1F  }
0x32f: {  	v23 =	vsel vm0, v26, v23;
	v24 =	vsel vm6, s23, v24;
	v63 =	vmov s0;
	s0 =	spop (v2sf);
	s22 =	smul.u32 $0x91A2B3C5, s20  }
0x330: {  	v23 =	vadd.s32 v16, v23;
	v24 =	vsel vm7, s25, v24;
	s23 =	smulhi.u32 $0x91A2B3C5, s10;
	s24 =	sshra.s32 s10, $0x1F;
	s25 =	spop (v2sf);
	(v2sf) =	vpush v21, $0x6  }
0x331: {  	v50 =	vshrl.u32 v23, $0x1F;
	v23 =	vshra.s32 v23, $0x13;
	v24 =	vsel vm14, s1, v24;
	s30 =	sadd.s32 s21, s26;
	s5 =	sadd.s32 s9, s5;
	s1 =	smul.u32 $0x91A2B3C5, s24  }
0x332: {  	vm3 =	vlt.s32 v15, $0x0;
	v23 =	vadd.s32 v50, v23;
	v42 =	vsel vm8, s11, v63;
	s21 =	ssub.s32 s19, s28;
	s28 =	spop (v2sf);
	s9 =	smulhi.u32 $0x91A2B3C5, s25  }
0x333: {  	v23 =	vmul.u32 $0xE1000, v23;
	v25 =	vsel vm9, s30, v42;
	s2 =	ssub.s32 s23, s10;
	s10 =	sshra.s32 s25, $0x1F;
	(v2sf) =	vpush v21, $0x7;
	s30 =	smulhi.u32 $0x91A2B3C5, s28  }
0x334: {  	v22 =	vsub.s32 v15, v22;
	v29 =	vcombine.low v30, v29;
	s3 =	ssub.s32 s31, s18;
	v25 =	vsel vm10, s5, v25;
	s31 =	sshra.s32 s28, $0x1F;
	s5 =	smul.u32 $0x91A2B3C5, s10  }
0x335: {  	v54 =	vperm.xlane v34, v10;
	v22 =	vsel vm3, v2, v22;
	v23 =	vsub.s32 v16, v23;
	s26 =	sadd.s32 s22, s21;
	s11 =	spop (v2sf);
	s7 =	smul.u32 $0x91A2B3C5, s31  }
0x336: {  	v46 =	vperm.xlane v29, v9;
	v28 =	vperm.xlane v28, v10;
	s3 =	sadd.s32 s6, s3;
	v44 =	vmov s26;
	s1 =	sadd.s32 s1, s2;
	s12 =	smulhi.u32 $0x91A2B3C5, s11  }
0x337: {  	[tilespmem:$0x1010] =	vst v15;
	v15 =	vsel vm4, v3, v23;
	v45 =	vcombine.low v33, v31;
	v30 =	vsel vm8, s3, v44;
	s3 =	ssub.s32 s9, s25;
	s18 =	spop (v2sf);
	s9 =	smulhi.u32 $0x91A2B3C5, s0  }
0x338: {  	v55 =	vcombine.low v38, v37;
	v26 =	vsel vm0, v28, v46;
	v24 =	vsel vm15, s4, v24;
	s13 =	sshra.s32 s11, $0x1F;
	s4 =	ssub.s32 s30, s28;
	s20 =	smulhi.u32 $0x91A2B3C5, s18  }
0x339: {  	v26 =	vadd.s32 v17, v26;
	v27 =	vperm.xlane v45, v9;
	v47 =	vperm.xlane v32, v10;
	s21 =	sshra.s32 s18, $0x1F;
	s4 =	sadd.s32 s7, s4;
	s7 =	smul.u32 $0x91A2B3C5, s13  }
0x33a: {  	v57 =	vperm.xlane v55, v9;
	v52 =	vshrl.u32 v26, $0x1F;
	v26 =	vshra.s32 v26, $0x13;
	s3 =	sadd.s32 s5, s3;
	s6 =	smul.u32 $0x91A2B3C5, s21;
	s22 =	spop (v2sf)  }
0x33b: {  	v60 =	vld [tilespmem:$0x1080];
	v26 =	vadd.s32 v52, v26;
	v27 =	vsel vm0, v47, v27;
	s19 =	ssub.s32 s12, s11;
	v48 =	vmov s4;
	s24 =	smulhi.u32 $0x91A2B3C5, s22;
	s25 =	sshra.s32 s22, $0x1F  }
0x33c: {  	v26 =	vmul.u32 $0xE1000, v26;
	v27 =	vadd.s32 v18, v27;
	s23 =	ssub.s32 s20, s18;
	v49 =	vnsel vm5, $0x0, v48;
	s26 =	spop (v2sf);
	s5 =	smul.u32 $0x91A2B3C5, s25  }
0x33d: {  	v56 =	vshrl.u32 v27, $0x1F;
	v27 =	vshra.s32 v27, $0x13;
	v28 =	vsel vm8, s3, v49;
	s3 =	sadd.s32 s7, s19;
	s30 =	smulhi.u32 $0x91A2B3C5, s26;
	s31 =	sshra.s32 s26, $0x1F  }
0x33e: {  	v62 =	vsub.s32 v17, v26;
	v27 =	vadd.s32 v56, v27;
	v28 =	vsel vm9, s3, v28;
	s3 =	sadd.s32 s6, s23;
	s28 =	ssub.s32 s24, s22;
	s8 =	smul.u32 $0x91A2B3C5, s31  }
0x33f: {  	v24 =	vperm.xlane v24, v10;
	v51 =	vcombine.low v36, v35;
	v28 =	vsel vm10, s3, v28;
	s5 =	sadd.s32 s5, s28;
	s4 =	ssub.s32 s30, s26;
	s11 =	spop (v2sf)  }
0x340: {  	v61 =	vmul.u32 $0xE1000, v27;
	v35 =	vshll.u32 v60, $0x2;
	v28 =	vsel vm6, s5, v28;
	s3 =	sadd.s32 s8, s4;
	s12 =	smulhi.u32 $0x91A2B3C5, s11;
	s13 =	sshra.s32 s11, $0x1F  }
0x341: {  	v36 =	vand.u32 $0x7, v60;
	v53 =	vperm.xlane v51, v9;
	s10 =	sshra.s32 s0, $0x1F;
	s0 =	ssub.s32 s9, s0;
	v28 =	vsel vm7, s3, v28;
	s3 =	smul.u32 $0x91A2B3C5, s13  }
0x342: {  	v24 =	vsel vm0, v24, v57;
	v23 =	vand.u32 $0xFFFFFFE0, v35;
	v30 =	vsel vm9, s1, v30;
	s5 =	smul.u32 $0x91A2B3C5, s10;
	s18 =	spop (v2sf);
	s1 =	ssub.s32 s12, s11  }
0x343: {  	[tilespmem:$0x1090] =	vst v22;
	v24 =	vadd.s32 v20, v24;
	v22 =	vor.u32 v36, v23;
	v29 =	vsel vm0, v54, v53;
	s19 =	smulhi.u32 $0x91A2B3C5, s18;
	s20 =	sshra.s32 s18, $0x1F;
	s1 =	sadd.s32 s3, s1  }
0x344: {  	v59 =	vshrl.u32 v24, $0x1F;
	v29 =	vadd.s32 v19, v29;
	s0 =	sadd.s32 s5, s0;
	v28 =	vsel vm14, s1, v28;
	s1 =	smul.u32 $0x91A2B3C5, s20  }
0x345: {  	v58 =	vshrl.u32 v29, $0x1F;
	v29 =	vshra.s32 v29, $0x13;
	v30 =	vsel vm10, s0, v30;
	s0 =	ssub.s32 s19, s18  }
0x346: {  	v24 =	vshra.s32 v24, $0x13;
	v29 =	vadd.s32 v58, v29;
	v25 =	vcombine.low v30, v25;
	s0 =	sadd.s32 s1, s0  }
0x347: {  	[tilespmem:$0x1020] =	vst v16;
	v24 =	vadd.s32 v59, v24;
	v33 =	vmul.u32 $0xE1000, v29;
	v63 =	vsel vm15, s0, v28  }
0x348: {  	[tilespmem:$0x1030] =	vst v17;
	vm5 =	vlt.s32 v17, $0x0;
	v31 =	vperm.xlane v25, v9;
	v32 =	vperm.xlane v63, v10  }
0x349: {  	[tilespmem:$0x10A0] =	vst v15;
	v23 =	vperm.xlane v22, v12;
	v37 =	vmul.u32 $0xE1000, v24;
	v15 =	vsel vm5, v4, v62  }
0x34a: {  	[tilespmem:$0x10B0] =	vst v15;
	v15 =	vsub.s32 v19, v33;
	vm6 =	vlt.s32 v18, $0x0;
	v34 =	vsel vm0, v32, v31  }
0x34b: {  	[tilespmem:$0x1040] =	vst v18;
	vm7 =	vlt.s32 v19, $0x0;
	v28 =	vsub.s32 v18, v61;
	v17 =	vadd.s32 v21, v34  }
0x34c: {  	[tilespmem:$0x1050] =	vst v19;
	v16 =	vsel vm6, v5, v28;
	v38 =	vshrl.u32 v17, $0x1F;
	v17 =	vshra.s32 v17, $0x13  }
0x34d: {  	vm11 =	vlt.s32 v20, $0x0;
	v15 =	vsel vm7, v6, v15;
	[tilespmem:$0x10C0] =	vst v16;
	v16 =	vadd.s32 v38, v17  }
0x34e: {  	v39 =	vadd.s32 v13, v23;
	[tilespmem:$0x10D0] =	vst v15;
	v15 =	vsub.s32 v20, v37;
	v16 =	vmul.u32 $0xE1000, v16  }
0x34f: {  	[tilespmem:$0x1060] =	vst v20;
	v15 =	vsel vm11, v7, v15  }
0x350: {  	vm12 =	vlt.s32 v21, $0x0;
	v40 =	vperm.xlane v22, v14;
	[tilespmem:$0x10E0] =	vst v15;
	v15 =	vsub.s32 v21, v16  }
0x351: {  	[tilespmem:$0x1070] =	vst v21;
	v15 =	vsel vm12, v8, v15  }
0x352: {  	s0 =	rddreg [dreg:$0x1];
	[tilespmem:$0x10F0] =	vst v15;
	v15 =	vadd.s32 v13, v40  }
0x353: {  	[tilespmem:s15], [sflag:$0x1] =	stream.indirect_vreg.gather [hbm4b:s0+s29], $0x80, v39, vm1, $0xb8;
	[tilespmem:$0x11100] =	vst v63  }
0x354: {  	s21 =	simm.s32 $0x1900;
	s1 =	rddreg [dreg:$0x4]  }
0x355: {  	[tilespmem:s21], [sflag:$0x1] =	stream.indirect_vreg.gather [hbm4b:s1+s29], $0x80, v39, vm1, $0xb8;
	[tilespmem:$0x11100] =	vst v63  }
0x356: {  	s22 =	simm.s32 $0x2100  }
0x357: {  	[tilespmem:s22], [sflag:$0x1] =	stream.indirect_vreg.gather [hbm4b:s0+s29], $0x80, v15, vm1, $0xb8;
	[tilespmem:$0x11100] =	vst v63  }
0x358: {  	s23 =	simm.s32 $0x2900  }
0x359: {  	[tilespmem:s23], [sflag:$0x1] =	stream.indirect_vreg.gather [hbm4b:s1+s29], $0x80, v15, vm1, $0xb8;
	[tilespmem:$0x11100] =	vst v63  }
0x35a: {  	v15 =	vld [tilespmem:$0x1090];
	_ =	sdelay $0x4  }
0x35b: {  	v41 =	vshll.u32 v15, $0x2  }
0x35c: {  	v15 =	vand.u32 $0x7, v15;
	v16 =	vand.u32 $0xFFFFFFE0, v41  }
0x35d: {  	v15 =	vor.u32 v15, v16  }
0x35e: {  	v16 =	vperm.xlane v15, v12;
	_ =	sdelay $0x1  }
0x35f: {  	v16 =	vadd.s32 v13, v16;
	_ =	sdelay $0x1  }
0x360: {  	v15 =	vperm.xlane v15, v14;
	_ =	sdelay $0x1  }
0x361: {  	s24 =	simm.s32 $0x3100;
	v15 =	vadd.s32 v13, v15  }
0x362: {  	[tilespmem:s24], [sflag:$0x1] =	stream.indirect_vreg.gather [hbm4b:s0+s29], $0x80, v16, vm1, $0xb8;
	[tilespmem:$0x11100] =	vst v63  }
0x363: {  	s25 =	simm.s32 $0x3900  }
0x364: {  	[tilespmem:s25], [sflag:$0x1] =	stream.indirect_vreg.gather [hbm4b:s1+s29], $0x80, v16, vm1, $0xb8;
	[tilespmem:$0x11100] =	vst v63  }
0x365: {  	s26 =	simm.s32 $0x4100  }
0x366: {  	[tilespmem:s26], [sflag:$0x1] =	stream.indirect_vreg.gather [hbm4b:s0+s29], $0x80, v15, vm1, $0xb8;
	[tilespmem:$0x11100] =	vst v63  }
0x367: {  	s28 =	simm.s32 $0x4900  }
0x368: {  	[tilespmem:s28], [sflag:$0x1] =	stream.indirect_vreg.gather [hbm4b:s1+s29], $0x80, v15, vm1, $0xb8;
	[tilespmem:$0x11100] =	vst v63  }
0x369: {  	v15 =	vld [tilespmem:$0x10A0];
	_ =	sdelay $0x4  }
0x36a: {  	v42 =	vshll.u32 v15, $0x2  }
0x36b: {  	v15 =	vand.u32 $0x7, v15;
	v16 =	vand.u32 $0xFFFFFFE0, v42  }
0x36c: {  	v15 =	vor.u32 v15, v16  }
0x36d: {  	v16 =	vperm.xlane v15, v12;
	_ =	sdelay $0x1  }
0x36e: {  	v16 =	vadd.s32 v13, v16;
	_ =	sdelay $0x1  }
0x36f: {  	v15 =	vperm.xlane v15, v14;
	_ =	sdelay $0x1  }
0x370: {  	s30 =	simm.s32 $0x5100;
	v15 =	vadd.s32 v13, v15  }
0x371: {  	[tilespmem:s30], [sflag:$0x1] =	stream.indirect_vreg.gather [hbm4b:s0+s29], $0x80, v16, vm1, $0xb8;
	[tilespmem:$0x11100] =	vst v63  }
0x372: {  	s31 =	simm.s32 $0x5900  }
0x373: {  	[tilespmem:s31], [sflag:$0x1] =	stream.indirect_vreg.gather [hbm4b:s1+s29], $0x80, v16, vm1, $0xb8;
	[tilespmem:$0x11100] =	vst v63  }
0x374: {  	s3 =	simm.s32 $0x6100  }
0x375: {  	[tilespmem:s3], [sflag:$0x1] =	stream.indirect_vreg.gather [hbm4b:s0+s29], $0x80, v15, vm1, $0xb8;
	[tilespmem:$0x11100] =	vst v63  }
0x376: {  	s4 =	simm.s32 $0x6900  }
0x377: {  	[tilespmem:s4], [sflag:$0x1] =	stream.indirect_vreg.gather [hbm4b:s1+s29], $0x80, v15, vm1, $0xb8;
	[tilespmem:$0x11100] =	vst v63  }
0x378: {  	v15 =	vld [tilespmem:$0x10B0];
	_ =	sdelay $0x4  }
0x379: {  	v43 =	vshll.u32 v15, $0x2  }
0x37a: {  	v15 =	vand.u32 $0x7, v15;
	v16 =	vand.u32 $0xFFFFFFE0, v43  }
0x37b: {  	v15 =	vor.u32 v15, v16  }
0x37c: {  	v16 =	vperm.xlane v15, v12;
	_ =	sdelay $0x1  }
0x37d: {  	v16 =	vadd.s32 v13, v16;
	_ =	sdelay $0x1  }
0x37e: {  	v15 =	vperm.xlane v15, v14;
	_ =	sdelay $0x1  }
0x37f: {  	s5 =	simm.s32 $0x7100;
	v15 =	vadd.s32 v13, v15  }
0x380: {  	[tilespmem:s5], [sflag:$0x1] =	stream.indirect_vreg.gather [hbm4b:s0+s29], $0x80, v16, vm1, $0xb8;
	[tilespmem:$0x11100] =	vst v63  }
0x381: {  	s6 =	simm.s32 $0x7900  }
0x382: {  	[tilespmem:s6], [sflag:$0x1] =	stream.indirect_vreg.gather [hbm4b:s1+s29], $0x80, v16, vm1, $0xb8;
	[tilespmem:$0x11100] =	vst v63  }
0x383: {  	s7 =	simm.s32 $0x8100  }
0x384: {  	[tilespmem:s7], [sflag:$0x1] =	stream.indirect_vreg.gather [hbm4b:s0+s29], $0x80, v15, vm1, $0xb8;
	[tilespmem:$0x11100] =	vst v63  }
0x385: {  	s8 =	simm.s32 $0x8900  }
0x386: {  	[tilespmem:s8], [sflag:$0x1] =	stream.indirect_vreg.gather [hbm4b:s1+s29], $0x80, v15, vm1, $0xb8;
	[tilespmem:$0x11100] =	vst v63  }
0x387: {  	v15 =	vld [tilespmem:$0x10C0];
	_ =	sdelay $0x4  }
0x388: {  	v44 =	vshll.u32 v15, $0x2  }
0x389: {  	v15 =	vand.u32 $0x7, v15;
	v16 =	vand.u32 $0xFFFFFFE0, v44  }
0x38a: {  	v15 =	vor.u32 v15, v16  }
0x38b: {  	v16 =	vperm.xlane v15, v12;
	_ =	sdelay $0x1  }
0x38c: {  	v16 =	vadd.s32 v13, v16;
	_ =	sdelay $0x1  }
0x38d: {  	v15 =	vperm.xlane v15, v14;
	_ =	sdelay $0x1  }
0x38e: {  	s9 =	simm.s32 $0x9100;
	v15 =	vadd.s32 v13, v15  }
0x38f: {  	[tilespmem:s9], [sflag:$0x1] =	stream.indirect_vreg.gather [hbm4b:s0+s29], $0x80, v16, vm1, $0xb8;
	[tilespmem:$0x11100] =	vst v63  }
0x390: {  	s10 =	simm.s32 $0x9900  }
0x391: {  	[tilespmem:s10], [sflag:$0x1] =	stream.indirect_vreg.gather [hbm4b:s1+s29], $0x80, v16, vm1, $0xb8;
	[tilespmem:$0x11100] =	vst v63  }
0x392: {  	s11 =	simm.s32 $0xA100  }
0x393: {  	[tilespmem:s11], [sflag:$0x1] =	stream.indirect_vreg.gather [hbm4b:s0+s29], $0x80, v15, vm1, $0xb8;
	[tilespmem:$0x11100] =	vst v63  }
0x394: {  	s12 =	simm.s32 $0xA900  }
0x395: {  	[tilespmem:s12], [sflag:$0x1] =	stream.indirect_vreg.gather [hbm4b:s1+s29], $0x80, v15, vm1, $0xb8;
	[tilespmem:$0x11100] =	vst v63  }
0x396: {  	v15 =	vld [tilespmem:$0x10D0];
	_ =	sdelay $0x4  }
0x397: {  	v45 =	vshll.u32 v15, $0x2  }
0x398: {  	v15 =	vand.u32 $0x7, v15;
	v16 =	vand.u32 $0xFFFFFFE0, v45  }
0x399: {  	v15 =	vor.u32 v15, v16  }
0x39a: {  	v16 =	vperm.xlane v15, v12;
	_ =	sdelay $0x1  }
0x39b: {  	v16 =	vadd.s32 v13, v16;
	_ =	sdelay $0x1  }
0x39c: {  	v15 =	vperm.xlane v15, v14;
	_ =	sdelay $0x1  }
0x39d: {  	s13 =	simm.s32 $0xB100;
	v15 =	vadd.s32 v13, v15  }
0x39e: {  	[tilespmem:s13], [sflag:$0x1] =	stream.indirect_vreg.gather [hbm4b:s0+s29], $0x80, v16, vm1, $0xb8;
	[tilespmem:$0x11100] =	vst v63  }
0x39f: {  	s18 =	simm.s32 $0xB900  }
0x3a0: {  	[tilespmem:s18], [sflag:$0x1] =	stream.indirect_vreg.gather [hbm4b:s1+s29], $0x80, v16, vm1, $0xb8;
	[tilespmem:$0x11100] =	vst v63  }
0x3a1: {  	s19 =	simm.s32 $0xC100  }
0x3a2: {  	[tilespmem:s19], [sflag:$0x1] =	stream.indirect_vreg.gather [hbm4b:s0+s29], $0x80, v15, vm1, $0xb8;
	[tilespmem:$0x11100] =	vst v63  }
0x3a3: {  	s20 =	simm.s32 $0xC900  }
0x3a4: {  	[tilespmem:s20], [sflag:$0x1] =	stream.indirect_vreg.gather [hbm4b:s1+s29], $0x80, v15, vm1, $0xb8;
	[tilespmem:$0x11100] =	vst v63  }
0x3a5: {  	v15 =	vld [tilespmem:$0x10E0];
	_ =	sdelay $0x4  }
0x3a6: {  	v46 =	vshll.u32 v15, $0x2  }
0x3a7: {  	v15 =	vand.u32 $0x7, v15;
	v16 =	vand.u32 $0xFFFFFFE0, v46  }
0x3a8: {  	v15 =	vor.u32 v15, v16  }
0x3a9: {  	v16 =	vperm.xlane v15, v12;
	_ =	sdelay $0x1  }
0x3aa: {  	v16 =	vadd.s32 v13, v16;
	_ =	sdelay $0x1  }
0x3ab: {  	v15 =	vperm.xlane v15, v14;
	_ =	sdelay $0x1  }
0x3ac: {  	s21 =	simm.s32 $0xD100;
	v15 =	vadd.s32 v13, v15  }
0x3ad: {  	[tilespmem:s21], [sflag:$0x1] =	stream.indirect_vreg.gather [hbm4b:s0+s29], $0x80, v16, vm1, $0xb8;
	[tilespmem:$0x11100] =	vst v63  }
0x3ae: {  	s22 =	simm.s32 $0xD900  }
0x3af: {  	[tilespmem:s22], [sflag:$0x1] =	stream.indirect_vreg.gather [hbm4b:s1+s29], $0x80, v16, vm1, $0xb8;
	[tilespmem:$0x11100] =	vst v63  }
0x3b0: {  	s23 =	simm.s32 $0xE100  }
0x3b1: {  	[tilespmem:s23], [sflag:$0x1] =	stream.indirect_vreg.gather [hbm4b:s0+s29], $0x80, v15, vm1, $0xb8;
	[tilespmem:$0x11100] =	vst v63  }
0x3b2: {  	v48 =	vld [tilespmem:$0x1FFF0];
	s24 =	simm.s32 $0xE900  }
0x3b3: {  	[tilespmem:s24], [sflag:$0x1] =	stream.indirect_vreg.gather [hbm4b:s1+s29], $0x80, v15, vm1, $0xb8;
	[tilespmem:$0x11100] =	vst v63  }
0x3b4: {  	v15 =	vld [tilespmem:$0x10F0]  }
0x3b5: {  	v50 =	vld [tilespmem:$0x1FFE0];
	_ =	sdelay $0x1  }
0x3b6: {  	v52 =	vld [tilespmem:$0x1FFD0];
	vm13 =	vnez.u8 v48  }
0x3b7: {  	vm2 =	vmand vm13, vm2  }
0x3b8: {  	v54 =	vld [tilespmem:$0x1FFC0];
	v49 =	vsel vm2, $0x1, v11;
	v47 =	vshll.u32 v15, $0x2  }
0x3b9: {  	vm2 =	vnez.u8 v50;
	v15 =	vand.u32 $0x7, v15;
	v16 =	vand.u32 $0xFFFFFFE0, v47  }
0x3ba: {  	v56 =	vld [tilespmem:$0x1FFB0];
	vm2 =	vmand vm2, vm3;
	v15 =	vor.u32 v15, v16  }
0x3bb: {  	v51 =	vsel vm2, $0x1, v11;
	vm2 =	vnez.u8 v52;
	v16 =	vperm.xlane v15, v12  }
0x3bc: {  	v58 =	vld [tilespmem:$0x1FFA0];
	vm2 =	vmand vm2, vm4  }
0x3bd: {  	v53 =	vsel vm2, $0x1, v11;
	vm2 =	vnez.u8 v54;
	v16 =	vadd.s32 v13, v16  }
0x3be: {  	v60 =	vld [tilespmem:$0x1FF90];
	vm2 =	vmand vm2, vm5  }
0x3bf: {  	v55 =	vsel vm2, $0x1, v11;
	vm2 =	vnez.u8 v56;
	v15 =	vperm.xlane v15, v14  }
0x3c0: {  	v62 =	vld [tilespmem:$0x1FF80];
	vm2 =	vmand vm2, vm6  }
0x3c1: {  	v57 =	vsel vm2, $0x1, v11;
	vm2 =	vnez.u8 v58;
	s25 =	simm.s32 $0xF100;
	v15 =	vadd.s32 v13, v15  }
0x3c2: {  	vm2 =	vmand vm2, vm7;
	v17 =	vadd.s32 v49, v51;
	[tilespmem:s25], [sflag:$0x1] =	stream.indirect_vreg.gather [hbm4b:s0+s29], $0x80, v16, vm1, $0xb8;
	[tilespmem:$0x11100] =	vst v63  }
0x3c3: {  	v59 =	vsel vm2, $0x1, v11;
	vm2 =	vnez.u8 v60;
	v17 =	vadd.s32 v53, v17;
	s26 =	simm.s32 $0xF900  }
0x3c4: {  	vm2 =	vmand vm2, vm11;
	v17 =	vadd.s32 v55, v17;
	[tilespmem:s26], [sflag:$0x1] =	stream.indirect_vreg.gather [hbm4b:s1+s29], $0x80, v16, vm1, $0xb8;
	[tilespmem:$0x11100] =	vst v63  }
0x3c5: {  	v61 =	vsel vm2, $0x1, v11;
	vm2 =	vnez.u8 v62;
	v17 =	vadd.s32 v57, v17;
	s28 =	simm.s32 $0x10100  }
0x3c6: {  	vm2 =	vmand vm2, vm12;
	v16 =	vadd.s32 v59, v17;
	[tilespmem:s28], [sflag:$0x1] =	stream.indirect_vreg.gather [hbm4b:s0+s29], $0x80, v15, vm1, $0xb8;
	[tilespmem:$0x11100] =	vst v63  }
0x3c7: {  	v63 =	vsel vm2, $0x1, v11;
	s30 =	simm.s32 $0x10900;
	v16 =	vadd.s32 v61, v16  }
0x3c8: {  	v16 =	vadd.s32 v63, v16;
	[tilespmem:s30], [sflag:$0x1] =	stream.indirect_vreg.gather [hbm4b:s1+s29], $0x80, v15, vm1, $0xb8;
	[tilespmem:$0x11100] =	vst v63  }
0x3c9: {  	v15 =	vxor.u32 $0x80000000, v16;
	_ =	swait.ge [sflag:s14], $0x10000  }
0x3ca: {  	(xrf0) =	vmax.scan.msk.u32 $0xffff, v15;
	_ =	sdelay $0x5  }
0x3cb: {  	v15, _, _ =	vpop (xrf0)  }
0x3cc: {  	(v2sf) =	vpush v15, $0xF;
	_ =	sdelay $0xe  }
0x3cd: {  	s31 =	spop (v2sf)  }
0x3ce: {  	p1 =	slt.u32 s31, $0x80000001  }
.Ltmp3:
0x3cf: {  	_ = 	snop;
	(pc) =	sbr.rel @p1 .LBB2_6-.Ltmp3, $3  }
0x3d0: {  	_ =	sdelay $0x1  }
0x3d1: {  	[sflag:s14] =	ssyncset.done $0x0  }
0x3d2: {  	[sflag:s14] =	ssyncadd.s32 $0xFFFF0000  }
0x3d3: {  	v15 =	vmov s29  }
0x3d4: {  	v16 =	vshll.u32 v15, $0x9;
	v17 =	vshll.u32 v15, $0x7  }
0x3d5: {  	v16 =	vand.u32 $0xF000, v16;
	v17 =	vand.u32 $0x380, v17  }
0x3d6: {  	v46 =	vor.u32 v17, v16  }
0x3d7: {  	v16 =	vor.u32 v0, v46;
	_ =	sdelay $0x3  }
0x3d8: {  	v17 =	vld.idx.msk [tilespmem:v15+s16+$0x0], $0xffff  }
0x3d9: {  	v18 =	vld.idx.msk [tilespmem:v16+s15+$0x0], $0xffff  }
0x3da: {  	v15 =	vor.u32 $0x10, v0  }
0x3db: {  	v19 =	vor.u32 v15, v46;
	_ =	sdelay $0x1  }
0x3dc: {  	vm2 =	vlt.s32 v17, $0x0  }
0x3dd: {  	v17 =	vsel vm2, $0x3F000000, v18  }
0x3de: {  	[tilespmem:v16+s15+$0x0] =	vst.idx.msk $0xffff, v17  }
0x3df: {  	v17 =	vld.idx.msk [tilespmem:v19+s15+$0x0], $0xffff  }
0x3e0: {  	v16 =	vor.u32 $0x20, v0  }
0x3e1: {  	v18 =	vor.u32 v16, v46;
	_ =	sdelay $0x2  }
0x3e2: {  	v17 =	vsel vm2, $0x3F000000, v17  }
0x3e3: {  	[tilespmem:v19+s15+$0x0] =	vst.idx.msk $0xffff, v17  }
0x3e4: {  	v19 =	vld.idx.msk [tilespmem:v18+s15+$0x0], $0xffff  }
0x3e5: {  	v17 =	vor.u32 $0x30, v0  }
0x3e6: {  	v20 =	vor.u32 v17, v46;
	_ =	sdelay $0x2  }
0x3e7: {  	v19 =	vsel vm2, $0x3F000000, v19  }
0x3e8: {  	[tilespmem:v18+s15+$0x0] =	vst.idx.msk $0xffff, v19  }
0x3e9: {  	v19 =	vld.idx.msk [tilespmem:v20+s15+$0x0], $0xffff  }
0x3ea: {  	v18 =	vor.u32 $0x40, v0  }
0x3eb: {  	v21 =	vor.u32 v18, v46;
	_ =	sdelay $0x2  }
0x3ec: {  	v19 =	vsel vm2, $0x3F000000, v19  }
0x3ed: {  	[tilespmem:v20+s15+$0x0] =	vst.idx.msk $0xffff, v19  }
0x3ee: {  	v20 =	vld.idx.msk [tilespmem:v21+s15+$0x0], $0xffff  }
0x3ef: {  	v19 =	vor.u32 $0x50, v0  }
0x3f0: {  	v22 =	vor.u32 v19, v46;
	_ =	sdelay $0x2  }
0x3f1: {  	v20 =	vsel vm2, $0x3F000000, v20  }
0x3f2: {  	[tilespmem:v21+s15+$0x0] =	vst.idx.msk $0xffff, v20  }
0x3f3: {  	v21 =	vld.idx.msk [tilespmem:v22+s15+$0x0], $0xffff  }
0x3f4: {  	v20 =	vor.u32 $0x60, v0  }
0x3f5: {  	v23 =	vor.u32 v20, v46;
	_ =	sdelay $0x2  }
0x3f6: {  	v21 =	vsel vm2, $0x3F000000, v21  }
0x3f7: {  	[tilespmem:v22+s15+$0x0] =	vst.idx.msk $0xffff, v21  }
0x3f8: {  	v22 =	vld.idx.msk [tilespmem:v23+s15+$0x0], $0xffff  }
0x3f9: {  	v21 =	vor.u32 $0x70, v0  }
0x3fa: {  	v24 =	vor.u32 v21, v46;
	_ =	sdelay $0x2  }
0x3fb: {  	v22 =	vsel vm2, $0x3F000000, v22  }
0x3fc: {  	[tilespmem:v23+s15+$0x0] =	vst.idx.msk $0xffff, v22  }
0x3fd: {  	v23 =	vld.idx.msk [tilespmem:v24+s15+$0x0], $0xffff  }
0x3fe: {  	v22 =	vor.u32 $0x400, v0  }
0x3ff: {  	v25 =	vor.u32 v22, v46;
	_ =	sdelay $0x2  }
0x400: {  	v23 =	vsel vm2, $0x3F000000, v23  }
0x401: {  	[tilespmem:v24+s15+$0x0] =	vst.idx.msk $0xffff, v23  }
0x402: {  	v24 =	vld.idx.msk [tilespmem:v25+s15+$0x0], $0xffff  }
0x403: {  	v23 =	vor.u32 $0x410, v0  }
0x404: {  	v26 =	vor.u32 v23, v46;
	_ =	sdelay $0x2  }
0x405: {  	v24 =	vsel vm2, $0x3F000000, v24  }
0x406: {  	[tilespmem:v25+s15+$0x0] =	vst.idx.msk $0xffff, v24  }
0x407: {  	v25 =	vld.idx.msk [tilespmem:v26+s15+$0x0], $0xffff  }
0x408: {  	v24 =	vor.u32 $0x420, v0  }
0x409: {  	v27 =	vor.u32 v24, v46;
	_ =	sdelay $0x2  }
0x40a: {  	v25 =	vsel vm2, $0x3F000000, v25  }
0x40b: {  	[tilespmem:v26+s15+$0x0] =	vst.idx.msk $0xffff, v25  }
0x40c: {  	v26 =	vld.idx.msk [tilespmem:v27+s15+$0x0], $0xffff  }
0x40d: {  	v25 =	vor.u32 $0x430, v0  }
0x40e: {  	v28 =	vor.u32 v25, v46;
	_ =	sdelay $0x2  }
0x40f: {  	v26 =	vsel vm2, $0x3F000000, v26  }
0x410: {  	[tilespmem:v27+s15+$0x0] =	vst.idx.msk $0xffff, v26  }
0x411: {  	v27 =	vld.idx.msk [tilespmem:v28+s15+$0x0], $0xffff  }
0x412: {  	v26 =	vor.u32 $0x440, v0  }
0x413: {  	v29 =	vor.u32 v26, v46;
	_ =	sdelay $0x2  }
0x414: {  	v27 =	vsel vm2, $0x3F000000, v27  }
0x415: {  	[tilespmem:v28+s15+$0x0] =	vst.idx.msk $0xffff, v27  }
0x416: {  	v28 =	vld.idx.msk [tilespmem:v29+s15+$0x0], $0xffff  }
0x417: {  	v27 =	vor.u32 $0x450, v0  }
0x418: {  	v30 =	vor.u32 v27, v46;
	_ =	sdelay $0x2  }
0x419: {  	v28 =	vsel vm2, $0x3F000000, v28  }
0x41a: {  	[tilespmem:v29+s15+$0x0] =	vst.idx.msk $0xffff, v28  }
0x41b: {  	v29 =	vld.idx.msk [tilespmem:v30+s15+$0x0], $0xffff  }
0x41c: {  	v28 =	vor.u32 $0x460, v0  }
0x41d: {  	v31 =	vor.u32 v28, v46;
	_ =	sdelay $0x2  }
0x41e: {  	v29 =	vsel vm2, $0x3F000000, v29  }
0x41f: {  	[tilespmem:v30+s15+$0x0] =	vst.idx.msk $0xffff, v29  }
0x420: {  	v30 =	vld.idx.msk [tilespmem:v31+s15+$0x0], $0xffff  }
0x421: {  	v29 =	vor.u32 $0x470, v0  }
0x422: {  	v32 =	vor.u32 v29, v46;
	_ =	sdelay $0x2  }
0x423: {  	v30 =	vsel vm2, $0x3F000000, v30  }
0x424: {  	[tilespmem:v31+s15+$0x0] =	vst.idx.msk $0xffff, v30  }
0x425: {  	v31 =	vld.idx.msk [tilespmem:v32+s15+$0x0], $0xffff  }
0x426: {  	v30 =	vor.u32 $0x800, v0  }
0x427: {  	v33 =	vor.u32 v30, v46;
	_ =	sdelay $0x2  }
0x428: {  	v31 =	vsel vm2, $0x3F000000, v31  }
0x429: {  	[tilespmem:v32+s15+$0x0] =	vst.idx.msk $0xffff, v31  }
0x42a: {  	v32 =	vld.idx.msk [tilespmem:v33+s15+$0x0], $0xffff  }
0x42b: {  	v31 =	vor.u32 $0x810, v0  }
0x42c: {  	v34 =	vor.u32 v31, v46;
	_ =	sdelay $0x2  }
0x42d: {  	v32 =	vsel vm2, $0x3F000000, v32  }
0x42e: {  	[tilespmem:v33+s15+$0x0] =	vst.idx.msk $0xffff, v32  }
0x42f: {  	v33 =	vld.idx.msk [tilespmem:v34+s15+$0x0], $0xffff  }
0x430: {  	v32 =	vor.u32 $0x820, v0  }
0x431: {  	v35 =	vor.u32 v32, v46;
	_ =	sdelay $0x2  }
0x432: {  	v33 =	vsel vm2, $0x3F000000, v33  }
0x433: {  	[tilespmem:v34+s15+$0x0] =	vst.idx.msk $0xffff, v33  }
0x434: {  	v34 =	vld.idx.msk [tilespmem:v35+s15+$0x0], $0xffff  }
0x435: {  	v33 =	vor.u32 $0x830, v0  }
0x436: {  	v36 =	vor.u32 v33, v46;
	_ =	sdelay $0x2  }
0x437: {  	v34 =	vsel vm2, $0x3F000000, v34  }
0x438: {  	[tilespmem:v35+s15+$0x0] =	vst.idx.msk $0xffff, v34  }
0x439: {  	v35 =	vld.idx.msk [tilespmem:v36+s15+$0x0], $0xffff  }
0x43a: {  	v34 =	vor.u32 $0x840, v0  }
0x43b: {  	v37 =	vor.u32 v34, v46;
	_ =	sdelay $0x2  }
0x43c: {  	v35 =	vsel vm2, $0x3F000000, v35  }
0x43d: {  	[tilespmem:v36+s15+$0x0] =	vst.idx.msk $0xffff, v35  }
0x43e: {  	v36 =	vld.idx.msk [tilespmem:v37+s15+$0x0], $0xffff  }
0x43f: {  	v35 =	vor.u32 $0x850, v0  }
0x440: {  	v38 =	vor.u32 v35, v46;
	_ =	sdelay $0x2  }
0x441: {  	v36 =	vsel vm2, $0x3F000000, v36  }
0x442: {  	[tilespmem:v37+s15+$0x0] =	vst.idx.msk $0xffff, v36  }
0x443: {  	v37 =	vld.idx.msk [tilespmem:v38+s15+$0x0], $0xffff  }
0x444: {  	v36 =	vor.u32 $0x860, v0  }
0x445: {  	v39 =	vor.u32 v36, v46;
	_ =	sdelay $0x2  }
0x446: {  	v37 =	vsel vm2, $0x3F000000, v37  }
0x447: {  	[tilespmem:v38+s15+$0x0] =	vst.idx.msk $0xffff, v37  }
0x448: {  	v38 =	vld.idx.msk [tilespmem:v39+s15+$0x0], $0xffff  }
0x449: {  	v37 =	vor.u32 $0x870, v0  }
0x44a: {  	v40 =	vor.u32 v37, v46;
	_ =	sdelay $0x2  }
0x44b: {  	v38 =	vsel vm2, $0x3F000000, v38  }
0x44c: {  	[tilespmem:v39+s15+$0x0] =	vst.idx.msk $0xffff, v38  }
0x44d: {  	v39 =	vld.idx.msk [tilespmem:v40+s15+$0x0], $0xffff  }
0x44e: {  	v38 =	vor.u32 $0xC00, v0  }
0x44f: {  	v41 =	vor.u32 v38, v46;
	_ =	sdelay $0x2  }
0x450: {  	v39 =	vsel vm2, $0x3F000000, v39  }
0x451: {  	[tilespmem:v40+s15+$0x0] =	vst.idx.msk $0xffff, v39  }
0x452: {  	v40 =	vld.idx.msk [tilespmem:v41+s15+$0x0], $0xffff  }
0x453: {  	v39 =	vor.u32 $0xC10, v0  }
0x454: {  	v42 =	vor.u32 v39, v46;
	_ =	sdelay $0x2  }
0x455: {  	v40 =	vsel vm2, $0x3F000000, v40  }
0x456: {  	[tilespmem:v41+s15+$0x0] =	vst.idx.msk $0xffff, v40  }
0x457: {  	v41 =	vld.idx.msk [tilespmem:v42+s15+$0x0], $0xffff  }
0x458: {  	v40 =	vor.u32 $0xC20, v0  }
0x459: {  	v43 =	vor.u32 v40, v46;
	_ =	sdelay $0x2  }
0x45a: {  	v41 =	vsel vm2, $0x3F000000, v41  }
0x45b: {  	[tilespmem:v42+s15+$0x0] =	vst.idx.msk $0xffff, v41  }
0x45c: {  	v42 =	vld.idx.msk [tilespmem:v43+s15+$0x0], $0xffff  }
0x45d: {  	v41 =	vor.u32 $0xC30, v0  }
0x45e: {  	v44 =	vor.u32 v41, v46;
	_ =	sdelay $0x2  }
0x45f: {  	v42 =	vsel vm2, $0x3F000000, v42  }
0x460: {  	[tilespmem:v43+s15+$0x0] =	vst.idx.msk $0xffff, v42  }
0x461: {  	v43 =	vld.idx.msk [tilespmem:v44+s15+$0x0], $0xffff  }
0x462: {  	v42 =	vor.u32 $0xC40, v0  }
0x463: {  	v45 =	vor.u32 v42, v46;
	_ =	sdelay $0x2  }
0x464: {  	v43 =	vsel vm2, $0x3F000000, v43  }
0x465: {  	[tilespmem:v44+s15+$0x0] =	vst.idx.msk $0xffff, v43  }
0x466: {  	v44 =	vld.idx.msk [tilespmem:v45+s15+$0x0], $0xffff  }
0x467: {  	v43 =	vor.u32 $0xC50, v0  }
0x468: {  	v47 =	vor.u32 v43, v46;
	_ =	sdelay $0x2  }
0x469: {  	v44 =	vsel vm2, $0x3F000000, v44  }
0x46a: {  	[tilespmem:v45+s15+$0x0] =	vst.idx.msk $0xffff, v44  }
0x46b: {  	v45 =	vld.idx.msk [tilespmem:v47+s15+$0x0], $0xffff  }
0x46c: {  	v44 =	vor.u32 $0xC60, v0  }
0x46d: {  	v48 =	vor.u32 v44, v46;
	_ =	sdelay $0x2  }
0x46e: {  	v45 =	vsel vm2, $0x3F000000, v45  }
0x46f: {  	[tilespmem:v47+s15+$0x0] =	vst.idx.msk $0xffff, v45  }
0x470: {  	v49 =	vld.idx.msk [tilespmem:v48+s15+$0x0], $0xffff  }
0x471: {  	v45 =	vor.u32 $0xC70, v0  }
0x472: {  	v47 =	vor.u32 v45, v46;
	_ =	sdelay $0x2  }
0x473: {  	s0 =	simm.s32 $0x1;
	v61 =	vsel vm2, $0x3F000000, v49  }
0x474: {  	[tilespmem:v48+s15+$0x0] =	vst.idx.msk $0xffff, v61;
	v48 =	vmov s0  }
0x475: {  	v50 =	vld.idx.msk [tilespmem:v47+s15+$0x0], $0xffff;
	v62 =	vshll.u32 v48, $0x9;
	v63 =	vshll.u32 v48, $0x7  }
0x476: {  	v46 =	vand.u32 $0xF000, v62;
	v49 =	vand.u32 $0x380, v63  }
0x477: {  	v46 =	vor.u32 v49, v46  }
0x478: {  	v49 =	vor.u32 v0, v46;
	_ =	sdelay $0x1  }
0x479: {  	s0 =	simm.s32 $0x2;
	v50 =	vsel vm2, $0x3F000000, v50  }
.LBB2_4:
0x47a: {  	p1 =	sne.s32 s0, $0x7F;
	[tilespmem:v47+s15+$0x0] =	vst.idx.msk $0xffff, v50;
	s1 =	smov.u32 s0;
	s0 =	sadd.s32 $0x1, s0  }
0x47b: {  	v47 =	vld.idx.msk [tilespmem:v48+s16+$0x0], $0xffff  }
0x47c: {  	v48 =	vld.idx.msk [tilespmem:v49+s15+$0x0], $0xffff;
	_ =	sdelay $0x2  }
0x47d: {  	v50 =	vor.u32 v15, v46;
	_ =	sdelay $0x1  }
0x47e: {  	vm2 =	vlt.s32 v47, $0x0  }
0x47f: {  	v47 =	vsel vm2, $0x3F000000, v48  }
0x480: {  	[tilespmem:v49+s15+$0x0] =	vst.idx.msk $0xffff, v47  }
0x481: {  	v47 =	vld.idx.msk [tilespmem:v50+s15+$0x0], $0xffff;
	_ =	sdelay $0x2  }
0x482: {  	v48 =	vor.u32 v16, v46;
	_ =	sdelay $0x2  }
0x483: {  	v47 =	vsel vm2, $0x3F000000, v47  }
0x484: {  	[tilespmem:v50+s15+$0x0] =	vst.idx.msk $0xffff, v47  }
0x485: {  	v47 =	vld.idx.msk [tilespmem:v48+s15+$0x0], $0xffff;
	_ =	sdelay $0x2  }
0x486: {  	v49 =	vor.u32 v17, v46;
	_ =	sdelay $0x2  }
0x487: {  	v47 =	vsel vm2, $0x3F000000, v47  }
0x488: {  	[tilespmem:v48+s15+$0x0] =	vst.idx.msk $0xffff, v47  }
0x489: {  	v47 =	vld.idx.msk [tilespmem:v49+s15+$0x0], $0xffff;
	_ =	sdelay $0x2  }
0x48a: {  	v48 =	vor.u32 v18, v46;
	_ =	sdelay $0x2  }
0x48b: {  	v47 =	vsel vm2, $0x3F000000, v47  }
0x48c: {  	[tilespmem:v49+s15+$0x0] =	vst.idx.msk $0xffff, v47  }
0x48d: {  	v47 =	vld.idx.msk [tilespmem:v48+s15+$0x0], $0xffff;
	_ =	sdelay $0x2  }
0x48e: {  	v49 =	vor.u32 v19, v46;
	_ =	sdelay $0x2  }
0x48f: {  	v47 =	vsel vm2, $0x3F000000, v47  }
0x490: {  	[tilespmem:v48+s15+$0x0] =	vst.idx.msk $0xffff, v47  }
0x491: {  	v47 =	vld.idx.msk [tilespmem:v49+s15+$0x0], $0xffff;
	_ =	sdelay $0x2  }
0x492: {  	v48 =	vor.u32 v20, v46;
	_ =	sdelay $0x2  }
0x493: {  	v47 =	vsel vm2, $0x3F000000, v47  }
0x494: {  	[tilespmem:v49+s15+$0x0] =	vst.idx.msk $0xffff, v47  }
0x495: {  	v47 =	vld.idx.msk [tilespmem:v48+s15+$0x0], $0xffff;
	_ =	sdelay $0x2  }
0x496: {  	v49 =	vor.u32 v21, v46;
	_ =	sdelay $0x2  }
0x497: {  	v47 =	vsel vm2, $0x3F000000, v47  }
0x498: {  	[tilespmem:v48+s15+$0x0] =	vst.idx.msk $0xffff, v47  }
0x499: {  	v47 =	vld.idx.msk [tilespmem:v49+s15+$0x0], $0xffff;
	_ =	sdelay $0x2  }
0x49a: {  	v48 =	vor.u32 v22, v46;
	_ =	sdelay $0x2  }
0x49b: {  	v47 =	vsel vm2, $0x3F000000, v47  }
0x49c: {  	[tilespmem:v49+s15+$0x0] =	vst.idx.msk $0xffff, v47  }
0x49d: {  	v47 =	vld.idx.msk [tilespmem:v48+s15+$0x0], $0xffff;
	_ =	sdelay $0x2  }
0x49e: {  	v49 =	vor.u32 v23, v46;
	_ =	sdelay $0x2  }
0x49f: {  	v47 =	vsel vm2, $0x3F000000, v47  }
0x4a0: {  	[tilespmem:v48+s15+$0x0] =	vst.idx.msk $0xffff, v47  }
0x4a1: {  	v47 =	vld.idx.msk [tilespmem:v49+s15+$0x0], $0xffff;
	_ =	sdelay $0x2  }
0x4a2: {  	v48 =	vor.u32 v24, v46;
	_ =	sdelay $0x2  }
0x4a3: {  	v47 =	vsel vm2, $0x3F000000, v47  }
0x4a4: {  	[tilespmem:v49+s15+$0x0] =	vst.idx.msk $0xffff, v47  }
0x4a5: {  	v47 =	vld.idx.msk [tilespmem:v48+s15+$0x0], $0xffff;
	_ =	sdelay $0x2  }
0x4a6: {  	v49 =	vor.u32 v25, v46;
	_ =	sdelay $0x2  }
0x4a7: {  	v47 =	vsel vm2, $0x3F000000, v47  }
0x4a8: {  	[tilespmem:v48+s15+$0x0] =	vst.idx.msk $0xffff, v47  }
0x4a9: {  	v47 =	vld.idx.msk [tilespmem:v49+s15+$0x0], $0xffff;
	_ =	sdelay $0x2  }
0x4aa: {  	v48 =	vor.u32 v26, v46;
	_ =	sdelay $0x2  }
0x4ab: {  	v47 =	vsel vm2, $0x3F000000, v47  }
0x4ac: {  	[tilespmem:v49+s15+$0x0] =	vst.idx.msk $0xffff, v47  }
0x4ad: {  	v47 =	vld.idx.msk [tilespmem:v48+s15+$0x0], $0xffff;
	_ =	sdelay $0x2  }
0x4ae: {  	v49 =	vor.u32 v27, v46;
	_ =	sdelay $0x2  }
0x4af: {  	v47 =	vsel vm2, $0x3F000000, v47  }
0x4b0: {  	[tilespmem:v48+s15+$0x0] =	vst.idx.msk $0xffff, v47  }
0x4b1: {  	v47 =	vld.idx.msk [tilespmem:v49+s15+$0x0], $0xffff;
	_ =	sdelay $0x2  }
0x4b2: {  	v48 =	vor.u32 v28, v46;
	_ =	sdelay $0x2  }
0x4b3: {  	v47 =	vsel vm2, $0x3F000000, v47  }
0x4b4: {  	[tilespmem:v49+s15+$0x0] =	vst.idx.msk $0xffff, v47  }
0x4b5: {  	v47 =	vld.idx.msk [tilespmem:v48+s15+$0x0], $0xffff;
	_ =	sdelay $0x2  }
0x4b6: {  	v49 =	vor.u32 v29, v46;
	_ =	sdelay $0x2  }
0x4b7: {  	v47 =	vsel vm2, $0x3F000000, v47  }
0x4b8: {  	[tilespmem:v48+s15+$0x0] =	vst.idx.msk $0xffff, v47  }
0x4b9: {  	v47 =	vld.idx.msk [tilespmem:v49+s15+$0x0], $0xffff;
	_ =	sdelay $0x2  }
0x4ba: {  	v48 =	vor.u32 v30, v46;
	_ =	sdelay $0x2  }
0x4bb: {  	v47 =	vsel vm2, $0x3F000000, v47  }
0x4bc: {  	[tilespmem:v49+s15+$0x0] =	vst.idx.msk $0xffff, v47  }
0x4bd: {  	v47 =	vld.idx.msk [tilespmem:v48+s15+$0x0], $0xffff;
	_ =	sdelay $0x2  }
0x4be: {  	v49 =	vor.u32 v31, v46;
	_ =	sdelay $0x2  }
0x4bf: {  	v47 =	vsel vm2, $0x3F000000, v47  }
0x4c0: {  	[tilespmem:v48+s15+$0x0] =	vst.idx.msk $0xffff, v47  }
0x4c1: {  	v47 =	vld.idx.msk [tilespmem:v49+s15+$0x0], $0xffff;
	_ =	sdelay $0x2  }
0x4c2: {  	v48 =	vor.u32 v32, v46;
	_ =	sdelay $0x2  }
0x4c3: {  	v47 =	vsel vm2, $0x3F000000, v47  }
0x4c4: {  	[tilespmem:v49+s15+$0x0] =	vst.idx.msk $0xffff, v47  }
0x4c5: {  	v47 =	vld.idx.msk [tilespmem:v48+s15+$0x0], $0xffff;
	_ =	sdelay $0x2  }
0x4c6: {  	v49 =	vor.u32 v33, v46;
	_ =	sdelay $0x2  }
0x4c7: {  	v47 =	vsel vm2, $0x3F000000, v47  }
0x4c8: {  	[tilespmem:v48+s15+$0x0] =	vst.idx.msk $0xffff, v47  }
0x4c9: {  	v47 =	vld.idx.msk [tilespmem:v49+s15+$0x0], $0xffff;
	_ =	sdelay $0x2  }
0x4ca: {  	v48 =	vor.u32 v34, v46;
	_ =	sdelay $0x2  }
0x4cb: {  	v47 =	vsel vm2, $0x3F000000, v47  }
0x4cc: {  	[tilespmem:v49+s15+$0x0] =	vst.idx.msk $0xffff, v47  }
0x4cd: {  	v47 =	vld.idx.msk [tilespmem:v48+s15+$0x0], $0xffff;
	_ =	sdelay $0x2  }
0x4ce: {  	v49 =	vor.u32 v35, v46;
	_ =	sdelay $0x2  }
0x4cf: {  	v47 =	vsel vm2, $0x3F000000, v47  }
0x4d0: {  	[tilespmem:v48+s15+$0x0] =	vst.idx.msk $0xffff, v47  }
0x4d1: {  	v47 =	vld.idx.msk [tilespmem:v49+s15+$0x0], $0xffff;
	_ =	sdelay $0x2  }
0x4d2: {  	v48 =	vor.u32 v36, v46;
	_ =	sdelay $0x2  }
0x4d3: {  	v47 =	vsel vm2, $0x3F000000, v47  }
0x4d4: {  	[tilespmem:v49+s15+$0x0] =	vst.idx.msk $0xffff, v47  }
0x4d5: {  	v47 =	vld.idx.msk [tilespmem:v48+s15+$0x0], $0xffff;
	_ =	sdelay $0x2  }
0x4d6: {  	v49 =	vor.u32 v37, v46;
	_ =	sdelay $0x2  }
0x4d7: {  	v47 =	vsel vm2, $0x3F000000, v47  }
0x4d8: {  	[tilespmem:v48+s15+$0x0] =	vst.idx.msk $0xffff, v47  }
0x4d9: {  	v47 =	vld.idx.msk [tilespmem:v49+s15+$0x0], $0xffff;
	_ =	sdelay $0x2  }
0x4da: {  	v48 =	vor.u32 v38, v46;
	_ =	sdelay $0x2  }
0x4db: {  	v47 =	vsel vm2, $0x3F000000, v47  }
0x4dc: {  	[tilespmem:v49+s15+$0x0] =	vst.idx.msk $0xffff, v47  }
0x4dd: {  	v47 =	vld.idx.msk [tilespmem:v48+s15+$0x0], $0xffff;
	_ =	sdelay $0x2  }
0x4de: {  	v49 =	vor.u32 v39, v46;
	_ =	sdelay $0x2  }
0x4df: {  	v47 =	vsel vm2, $0x3F000000, v47  }
0x4e0: {  	[tilespmem:v48+s15+$0x0] =	vst.idx.msk $0xffff, v47  }
0x4e1: {  	v47 =	vld.idx.msk [tilespmem:v49+s15+$0x0], $0xffff;
	_ =	sdelay $0x2  }
0x4e2: {  	v48 =	vor.u32 v40, v46;
	_ =	sdelay $0x2  }
0x4e3: {  	v47 =	vsel vm2, $0x3F000000, v47  }
0x4e4: {  	[tilespmem:v49+s15+$0x0] =	vst.idx.msk $0xffff, v47  }
0x4e5: {  	v47 =	vld.idx.msk [tilespmem:v48+s15+$0x0], $0xffff;
	_ =	sdelay $0x2  }
0x4e6: {  	v49 =	vor.u32 v41, v46;
	_ =	sdelay $0x2  }
0x4e7: {  	v47 =	vsel vm2, $0x3F000000, v47  }
0x4e8: {  	[tilespmem:v48+s15+$0x0] =	vst.idx.msk $0xffff, v47  }
0x4e9: {  	v47 =	vld.idx.msk [tilespmem:v49+s15+$0x0], $0xffff;
	_ =	sdelay $0x2  }
0x4ea: {  	v48 =	vor.u32 v42, v46;
	_ =	sdelay $0x2  }
0x4eb: {  	v47 =	vsel vm2, $0x3F000000, v47  }
0x4ec: {  	[tilespmem:v49+s15+$0x0] =	vst.idx.msk $0xffff, v47  }
0x4ed: {  	v47 =	vld.idx.msk [tilespmem:v48+s15+$0x0], $0xffff;
	_ =	sdelay $0x2  }
0x4ee: {  	v49 =	vor.u32 v43, v46;
	_ =	sdelay $0x2  }
0x4ef: {  	v47 =	vsel vm2, $0x3F000000, v47  }
0x4f0: {  	[tilespmem:v48+s15+$0x0] =	vst.idx.msk $0xffff, v47  }
0x4f1: {  	v47 =	vld.idx.msk [tilespmem:v49+s15+$0x0], $0xffff;
	_ =	sdelay $0x2  }
0x4f2: {  	v48 =	vor.u32 v44, v46;
	_ =	sdelay $0x2  }
0x4f3: {  	v47 =	vsel vm2, $0x3F000000, v47  }
0x4f4: {  	[tilespmem:v49+s15+$0x0] =	vst.idx.msk $0xffff, v47  }
0x4f5: {  	v49 =	vld.idx.msk [tilespmem:v48+s15+$0x0], $0xffff;
	_ =	sdelay $0x2  }
0x4f6: {  	v47 =	vor.u32 v45, v46;
	_ =	sdelay $0x2  }
0x4f7: {  	v46 =	vsel vm2, $0x3F000000, v49  }
0x4f8: {  	[tilespmem:v48+s15+$0x0] =	vst.idx.msk $0xffff, v46  }
0x4f9: {  	v48 =	vmov s1;
	v50 =	vld.idx.msk [tilespmem:v47+s15+$0x0], $0xffff  }
0x4fa: {  	v46 =	vshll.u32 v48, $0x9;
	v49 =	vshll.u32 v48, $0x7  }
.Ltmp4:
0x4fb: {  	v46 =	vand.u32 $0xF000, v46;
	v49 =	vand.u32 $0x380, v49;
	(pc) =	sbr.rel @p1 .LBB2_4-.Ltmp4, $3  }
0x4fc: {  	v46 =	vor.u32 v49, v46  }
0x4fd: {  	v49 =	vor.u32 v0, v46;
	_ =	sdelay $0x1  }
0x4fe: {  	v50 =	vsel vm2, $0x3F000000, v50  }
.Ltmp5:
0x4ff: {  	_ = 	snop;
	(pc) =	sbr.rel .LBB2_5-.Ltmp5, $1  }
0x500: {  	_ =	sdelay $0x3  }
.LBB2_7:
0x501: {  	_ =	sfence.sel $0x180000  }
0x502: {  	[bflag:$0x0] =	sbarrier.arrive $0xFFFF  }
0x503: {  	_ =	strace $0x9000004A  }
0x504: {  	s0 =	stileid.u32;
	[bflag:$0x2] =	sbarrier.arrive $0xFFFF  }
0x505: {  	p0 =	sne.s32 s0, $0x0;
	s0 =	rddreg [dreg:$0x3]  }
0x506: {  	s0 =	sadd.s32 @!p0 $0x100000, s0  }
0x507: {  	[sflag:s0] =	ssyncadd.tile.s32 @!p0 $0x1;
	_ =	shalt  }
.Lfunc_end2:
_tile_overlayer_lowered:
.L_overlay_start_2:
0x508: {  	(tag) =	ssettag $0x2  }
0x509: {  	s0 =	rddreg [dreg:$0x0];
	s2 =	stileid.u32  }
0x50a: {  	s1 =	rddreg [dreg:$0x1];
	p0 =	sne.s32 s2, $0x0  }
0x50b: {  	s3 =	rddreg [dreg:$0x2];
	[bflag:$0x3] =	sbarrier.arrive $0xFFFF;
	s2 =	simm.s32 @!p0 $0x1C02  }
0x50c: {  	[timem:s3], [sflag:s2] =	dma.local @!p0 [hbm:s0], s1  }
0x50d: {  	s0 =	simm.s32 @!p0 $0x2  }
0x50e: {  	_ =	swait.ge @!p0 [sflag:s0], s1  }
0x50f: {  	s1 =	ssub.s32 @!p0 $0x0, s1;
	[sflag:s0] =	ssyncset.done @!p0 $0x0  }
0x510: {  	[sflag:s0] =	ssyncadd.s32 @!p0 s1  }
0x511: {  	[bflag:$0x3] =	sbarrier.arrive $0xFFFF  }
0x512: {  	_ =	shalt  }

</sc_bundles>
